<compile_context>
chip_gen: v7x
topology: tpu7x:2x2x1
jax: 0.10.2.dev20260603
libtpu: 0.0.44.dev20260713+nightly
codegen_flags: <defaults>
</compile_context>

<pallas_src>
import functools

import jax
import jax.numpy as jnp
from jax import lax
from jax.experimental import pallas as pl
from jax.experimental.pallas import tpu as pltpu
from jax.experimental.pallas import tpu_sc as plsc

VOCAB = 1000000
EMBED_DIM = 15
EMBED_PAD = 16
BATCH = 16384
FIELDS = 100
N_ROWS = BATCH * FIELDS
PACK = 8
N_PACKED = N_ROWS // PACK

_NC = 2
_NS = 16
_NW = _NC * _NS
_FIRE = 8
_BLK = 128
_CHUNK = _FIRE * _BLK
_PER_W = N_ROWS // _NW
_STEPS = _PER_W // _CHUNK

_PAD_CH = 4000
_PAD_NCH = VOCAB // _PAD_CH
_PAD_ITERS = -(-_PAD_NCH // _NW)
_PAD_UNROLL = 8

_SC_MESH = dict(core_axis_name="c", subcore_axis_name="s")


def _sc_pad(table_flat):
    mesh = plsc.VectorSubcoreMesh(**_SC_MESH)
    in_w = _PAD_CH * EMBED_DIM
    out_w = _PAD_CH * EMBED_PAD

    @functools.partial(
        pl.kernel,
        mesh=mesh,
        out_type=jax.ShapeDtypeStruct((VOCAB * EMBED_PAD,), jnp.float32),
        scratch_types=[
            pltpu.VMEM((in_w,), jnp.float32),
            pltpu.VMEM((out_w,), jnp.float32),
        ],
        compiler_params=pltpu.CompilerParams(
            use_tc_tiling_on_sc=False, needs_layout_passes=False),
    )
    def pad_kernel(src_hbm, out_hbm, buf_in, buf_out):
        wid = lax.axis_index("s") * _NC + lax.axis_index("c")
        lanes = lax.iota(jnp.int32, 16)
        keep = lanes < EMBED_DIM
        zero = jnp.zeros((16,), jnp.float32)

        def step(i, carry):
            ch = wid + i * _NW

            @pl.when(ch < _PAD_NCH)
            def _():
                pltpu.sync_copy(src_hbm.at[pl.ds(ch * in_w, in_w)], buf_in)

                def rows(r, c):
                    for u in range(_PAD_UNROLL):
                        rw = (r * _PAD_UNROLL + u) * EMBED_DIM
                        src_idx = jnp.minimum(rw + lanes, in_w - 1)
                        v = plsc.load_gather(buf_in, [src_idx])
                        v = jnp.where(keep, v, zero)
                        buf_out[pl.ds((r * _PAD_UNROLL + u) * EMBED_PAD, 16)] = v
                    return c

                lax.fori_loop(0, _PAD_CH // _PAD_UNROLL, rows, 0)
                pltpu.sync_copy(buf_out, out_hbm.at[pl.ds(ch * out_w, out_w)])

            return carry

        lax.fori_loop(0, _PAD_ITERS, step, 0)

    return pad_kernel(table_flat)


def _sc_gather(table16, idx2d, nrows):
    mesh = plsc.VectorSubcoreMesh(**_SC_MESH)
    per_w_blk = nrows // _NW // _BLK
    steps = nrows // _NW // _CHUNK
    assert steps * _CHUNK * _NW == nrows, "slice must divide into full chunks"

    @functools.partial(
        pl.kernel,
        mesh=mesh,
        out_type=jax.ShapeDtypeStruct((nrows // _BLK, _BLK, EMBED_PAD), jnp.float32),
        scratch_types=[
            pltpu.VMEM((_FIRE, _BLK), jnp.int32),
            pltpu.VMEM((_FIRE, _BLK, EMBED_PAD), jnp.float32),
            pltpu.SemaphoreType.DMA,
        ],
        compiler_params=pltpu.CompilerParams(use_tc_tiling_on_sc=False),
    )
    def gather_kernel(table_hbm, idx_hbm, out_hbm, idx_v, rows_v, sem):
        wid = lax.axis_index("s") * _NC + lax.axis_index("c")
        base = wid * per_w_blk

        def step(i, carry):
            blk = base + i * _FIRE
            pltpu.sync_copy(idx_hbm.at[pl.ds(blk, _FIRE)], idx_v)
            cps = [
                pltpu.async_copy(table_hbm.at[idx_v.at[b]], rows_v.at[b], sem)
                for b in range(_FIRE)
            ]
            for cp in cps:
                cp.wait()
            pltpu.sync_copy(rows_v, out_hbm.at[pl.ds(blk, _FIRE)])
            return carry

        lax.fori_loop(0, steps, step, 0)

    return gather_kernel(table16, idx2d)


_T = 2048


def _mlp_body(g_ref, w1_ref, b1_ref, w2_ref, b2_ref, w3_ref, b3_ref,
              w4_ref, b4_ref, o_ref):
    bf = jnp.bfloat16
    h = g_ref[...].astype(bf)
    h = jnp.maximum(
        jnp.dot(h, w1_ref[...].astype(bf), preferred_element_type=jnp.float32)
        + b1_ref[...], 0.0).astype(bf)
    h = jnp.maximum(
        jnp.dot(h, w2_ref[...].astype(bf), preferred_element_type=jnp.float32)
        + b2_ref[...], 0.0).astype(bf)
    h = jnp.tanh(
        jnp.dot(h, w3_ref[...].astype(bf), preferred_element_type=jnp.float32)
        + b3_ref[...]).astype(bf)
    h = jnp.dot(h, w4_ref[...].astype(bf), preferred_element_type=jnp.float32) \
        + b4_ref[...]
    o_ref[...] = jnp.maximum(h, 0.0)


def _blockdiag(W, p):
    k, m = W.shape
    eye = jnp.eye(p, dtype=W.dtype)
    return (eye[:, None, :, None] * W[None, :, None, :]).reshape(p * k, p * m)


def _tc_mlp(g2, W1big, b1big, W2big, b2big, W3big, b3big, W4big, b4big):
    full = lambda a: pl.BlockSpec(a.shape, lambda i: (0, 0))
    npk = g2.shape[0]
    return pl.pallas_call(
        _mlp_body,
        grid=(npk // _T,),
        in_specs=[
            pl.BlockSpec((_T, PACK * EMBED_PAD), lambda i: (i, 0)),
            full(W1big), full(b1big),
            full(W2big), full(b2big),
            full(W3big), full(b3big),
            full(W4big), full(b4big),
        ],
        out_specs=pl.BlockSpec((_T, PACK), lambda i: (i, 0)),
        out_shape=jax.ShapeDtypeStruct((npk, PACK), jnp.float32),
        compiler_params=pltpu.CompilerParams(
            dimension_semantics=("parallel",),
        ),
    )(g2, W1big, b1big, W2big, b2big, W3big, b3big, W4big, b4big)


_SLICES = 5


def kernel(x, table, W1, b1, W2, b2, W3, b3, W4, b4):
    idx2d = x.reshape(N_ROWS // _BLK, _BLK)
    table16 = _sc_pad(table.reshape(VOCAB * EMBED_DIM)).reshape(VOCAB, EMBED_PAD)

    W1p = jnp.pad(W1, ((0, EMBED_PAD - EMBED_DIM), (0, 0)))
    W1big = _blockdiag(W1p, PACK)
    b1big = jnp.tile(b1, PACK).reshape(1, -1)
    W2big = _blockdiag(W2, PACK)
    b2big = jnp.tile(b2, PACK).reshape(1, -1)
    W3big = _blockdiag(W3, PACK)
    b3big = jnp.tile(b3, PACK).reshape(1, -1)
    W4big = _blockdiag(W4, PACK)
    b4big = jnp.tile(b4, PACK).reshape(1, -1)

    nsl = N_ROWS // _SLICES
    blk_sl = nsl // _BLK
    outs = []
    for s in range(_SLICES):
        g = _sc_gather(table16, idx2d[s * blk_sl:(s + 1) * blk_sl], nsl)
        g2 = g.reshape(nsl // PACK, PACK * EMBED_PAD)
        outs.append(
            _tc_mlp(g2, W1big, b1big, W2big, b2big, W3big, b3big, W4big, b4big))
    out = jnp.concatenate(outs, axis=0)
    return out.reshape(BATCH, FIELDS, 1)

# --- scband reference (transcript-rebuilt; emitter-appended) ---
"""Pipeline reference for scband-neural-net-63883343561107 (READ-ONLY COPY).

The authoritative reference and input builder live on the scoring server;
editing this copy changes nothing except your own understanding.
"""

import jax, jax.numpy as jnp
import numpy as np

VOCAB = 1000000
EMBED_DIM = 15
H1 = 50
H2 = 100
OUT = 1
BATCH = 16384
FIELDS = 100


def setup_inputs(seed: int = 0) -> dict:
    key = jax.random.key(seed)
    ks = jax.random.split(key, 10)
    x = jax.random.randint(ks[0], (BATCH, FIELDS), 0, VOCAB, dtype=jnp.int32)
    table = jax.random.normal(ks[1], (VOCAB, EMBED_DIM), dtype=jnp.float32) * 0.02
    W1 = jax.random.normal(ks[2], (EMBED_DIM, H1), dtype=jnp.float32) * (1.0 / np.sqrt(EMBED_DIM))
    b1 = jnp.zeros((H1,), dtype=jnp.float32)
    W2 = jax.random.normal(ks[3], (H1, H2), dtype=jnp.float32) * (1.0 / np.sqrt(H1))
    b2 = jnp.zeros((H2,), dtype=jnp.float32)
    W3 = jax.random.normal(ks[4], (H2, H1), dtype=jnp.float32) * (1.0 / np.sqrt(H2))
    b3 = jnp.zeros((H1,), dtype=jnp.float32)
    W4 = jax.random.normal(ks[5], (H1, OUT), dtype=jnp.float32) * (1.0 / np.sqrt(H1))
    b4 = jnp.zeros((OUT,), dtype=jnp.float32)
    return {"x": x, "table": table, "W1": W1, "b1": b1, "W2": W2, "b2": b2, "W3": W3, "b3": b3, "W4": W4, "b4": b4}


def reference(x, table, W1, b1, W2, b2, W3, b3, W4, b4):
    # embedding lookup (gather)
    h = jnp.take(table, x, axis=0)  # [B, F, 15]
    # fc stack (dropout is identity in eval mode)
    h = jax.nn.relu(h @ W1 + b1)
    h = jax.nn.relu(h @ W2 + b2)
    h = jnp.tanh(h @ W3 + b3)
    h = jax.nn.relu(h @ W4 + b4)
    return h

if __name__ == "__main__":
    import jax
    _d = setup_inputs()
    print(jax.jit(kernel)(*tuple(_d.values())))

</pallas_src>

<mosaic_0001>
#map = affine_map<(d0, d1) -> (0)>
module attributes {stable_mosaic.version = 14 : i64} {
  func.func @pad_kernel(%arg0: i32, %arg1: i32, %arg2: memref<15000000xf32, #tpu.memory_space<hbm>>, %arg3: memref<16000000xf32, #tpu.memory_space<hbm>>, %arg4: memref<60000xf32, #tpu.memory_space<vmem>>, %arg5: memref<64000xf32, #tpu.memory_space<vmem>>) attributes {dimension_semantics = [#tpu.dimension_semantics<core_parallel>, #tpu.dimension_semantics<subcore_parallel>], iteration_bounds = array<i64: 2, 16>, scalar_prefetch = 0 : i64, scratch_operands = 2 : i64, tpu.core_type = #tpu.core_type<sc_vector_subcore>, window_params = [{transform_indices = #map}, {transform_indices = #map}]} {
    %mul3A = arith.constant 2 : i32
    %mul3A_0 = arith.muli %arg1, %mul3A : i32
    %add3A = arith.addi %mul3A_0, %arg0 : i32
    %iota3A = tpu.iota {dimensions = array<i32: 0>} : vector<16xi32>
    %lt3A = arith.constant 15 : i32
    %lt3A_1 = vector.broadcast %lt3A : i32 to vector<16xi32>
    %lt3A_2 = arith.cmpi slt, %iota3A, %lt3A_1 : vector<16xi32>
    %broadcast_in_dim3A = arith.constant 0.000000e+00 : f32
    %broadcast_in_dim3A_3 = vector.broadcast %broadcast_in_dim3A : f32 to vector<16xf32>
    %scan3A = arith.constant 0 : i32
    %scan3A_4 = arith.constant 0 : i32
    %scan3A_5 = arith.constant 8 : i32
    %scan3A_6 = arith.addi %scan3A_4, %scan3A_5 : i32
    %scan3A_7 = arith.constant 1 : i32
    scf.for %scan3A_9 = %scan3A_4 to %scan3A_6 step %scan3A_7  : i32 {
      %mul3A_10 = arith.constant 32 : i32
      %mul3A_11 = arith.muli %scan3A_9, %mul3A_10 : i32
      %add3A_12 = arith.addi %add3A, %mul3A_11 : i32
      %lt3A_13 = arith.constant 250 : i32
      %lt3A_14 = arith.cmpi slt, %add3A_12, %lt3A_13 : i32
      %convert_element_type3A = arith.extui %lt3A_14 : i1 to i32
      %cond3A = arith.constant 0 : i32
      %cond3A_15 = arith.cmpi ne, %convert_element_type3A, %cond3A : i32
      scf.if %cond3A_15 {
        %mul3A_16 = arith.constant 60000 : i32
        %mul3A_17 = arith.muli %add3A_12, %mul3A_16 : i32
        "tpu.region"() ({
          %run_scoped3A = tpu.sem_alloc : memref<!tpu.dma_semaphore, #tpu.memory_space<semaphore_mem>>
          %dma_start3A = tpu.memref_slice %arg2[%mul3A_17] : memref<15000000xf32, #tpu.memory_space<hbm>> -> memref<60000xf32, #tpu.memory_space<hbm>>
          %dma_start3A_26 = tpu.memref_slice %arg2[%mul3A_17] : memref<15000000xf32, #tpu.memory_space<hbm>> -> memref<60000xf32, #tpu.memory_space<hbm>>
          tpu.enqueue_dma source(%dma_start3A_26 : memref<60000xf32, #tpu.memory_space<hbm>>) target(%arg4 : memref<60000xf32, #tpu.memory_space<vmem>>) target_semaphore(%run_scoped3A : memref<!tpu.dma_semaphore, #tpu.memory_space<semaphore_mem>>)
          %dma_wait3A = tpu.memref_slice %arg2[%mul3A_17] : memref<15000000xf32, #tpu.memory_space<hbm>> -> memref<60000xf32, #tpu.memory_space<hbm>>
          %dma_wait3A_27 = tpu.memref_slice %arg2[%mul3A_17] : memref<15000000xf32, #tpu.memory_space<hbm>> -> memref<60000xf32, #tpu.memory_space<hbm>>
          tpu.wait_dma2 semaphore(%run_scoped3A : memref<!tpu.dma_semaphore, #tpu.memory_space<semaphore_mem>>) src(%dma_wait3A_27 : memref<60000xf32, #tpu.memory_space<hbm>>) dst(%arg4 : memref<60000xf32, #tpu.memory_space<vmem>>)
          tpu.yield
        }) : () -> ()
        %scan3A_18 = arith.constant 0 : i32
        %scan3A_19 = arith.constant 0 : i32
        %scan3A_20 = arith.constant 500 : i32
        %scan3A_21 = arith.addi %scan3A_19, %scan3A_20 : i32
        %scan3A_22 = arith.constant 1 : i32
        scf.for %scan3A_26 = %scan3A_19 to %scan3A_21 step %scan3A_22  : i32 {
          %mul3A_27 = arith.constant 8 : i32
          %mul3A_28 = arith.muli %scan3A_26, %mul3A_27 : i32
          %add3A_29 = arith.constant 0 : i32
          %add3A_30 = arith.addi %mul3A_28, %add3A_29 : i32
          %mul3A_31 = arith.constant 15 : i32
          %mul3A_32 = arith.muli %add3A_30, %mul3A_31 : i32
          %add3A_33 = vector.broadcast %mul3A_32 : i32 to vector<16xi32>
          %add3A_34 = arith.addi %add3A_33, %iota3A : vector<16xi32>
          %min3A = arith.constant 59999 : i32
          %min3A_35 = vector.broadcast %min3A : i32 to vector<16xi32>
          %min3A_36 = arith.minsi %add3A_34, %min3A_35 : vector<16xi32>
          %gather3A = tpu.vector_load_idx %arg4[%min3A_36] : memref<60000xf32, #tpu.memory_space<vmem>>[vector<16xi32>], vector<16xf32>,
          %select_n3A = arith.select %lt3A_2, %gather3A, %broadcast_in_dim3A_3 : vector<16xi1>, vector<16xf32>
          %mul3A_37 = arith.constant 8 : i32
          %mul3A_38 = arith.muli %scan3A_26, %mul3A_37 : i32
          %add3A_39 = arith.constant 0 : i32
          %add3A_40 = arith.addi %mul3A_38, %add3A_39 : i32
          %mul3A_41 = arith.constant 16 : i32
          %mul3A_42 = arith.muli %add3A_40, %mul3A_41 : i32
          %swap3A = arith.index_cast %mul3A_42 : i32 to index
          %swap3A_43 = tpu.vector_load %arg5[%swap3A] {strides = array<i32>} : memref<64000xf32, #tpu.memory_space<vmem>>, vector<16xf32>,
          tpu.vector_store %arg5[%swap3A], %select_n3A {strides = array<i32>} : memref<64000xf32, #tpu.memory_space<vmem>>, vector<16xf32>,
          %mul3A_44 = arith.constant 8 : i32
          %mul3A_45 = arith.muli %scan3A_26, %mul3A_44 : i32
          %add3A_46 = arith.constant 1 : i32
          %add3A_47 = arith.addi %mul3A_45, %add3A_46 : i32
          %mul3A_48 = arith.constant 15 : i32
          %mul3A_49 = arith.muli %add3A_47, %mul3A_48 : i32
          %add3A_50 = vector.broadcast %mul3A_49 : i32 to vector<16xi32>
          %add3A_51 = arith.addi %add3A_50, %iota3A : vector<16xi32>
          %min3A_52 = arith.constant 59999 : i32
          %min3A_53 = vector.broadcast %min3A_52 : i32 to vector<16xi32>
          %min3A_54 = arith.minsi %add3A_51, %min3A_53 : vector<16xi32>
          %gather3A_55 = tpu.vector_load_idx %arg4[%min3A_54] : memref<60000xf32, #tpu.memory_space<vmem>>[vector<16xi32>], vector<16xf32>,
          %select_n3A_56 = arith.select %lt3A_2, %gather3A_55, %broadcast_in_dim3A_3 : vector<16xi1>, vector<16xf32>
          %mul3A_57 = arith.constant 8 : i32
          %mul3A_58 = arith.muli %scan3A_26, %mul3A_57 : i32
          %add3A_59 = arith.constant 1 : i32
          %add3A_60 = arith.addi %mul3A_58, %add3A_59 : i32
          %mul3A_61 = arith.constant 16 : i32
          %mul3A_62 = arith.muli %add3A_60, %mul3A_61 : i32
          %swap3A_63 = arith.index_cast %mul3A_62 : i32 to index
          %swap3A_64 = tpu.vector_load %arg5[%swap3A_63] {strides = array<i32>} : memref<64000xf32, #tpu.memory_space<vmem>>, vector<16xf32>,
          tpu.vector_store %arg5[%swap3A_63], %select_n3A_56 {strides = array<i32>} : memref<64000xf32, #tpu.memory_space<vmem>>, vector<16xf32>,
          %mul3A_65 = arith.constant 8 : i32
          %mul3A_66 = arith.muli %scan3A_26, %mul3A_65 : i32
          %add3A_67 = arith.constant 2 : i32
          %add3A_68 = arith.addi %mul3A_66, %add3A_67 : i32
          %mul3A_69 = arith.constant 15 : i32
          %mul3A_70 = arith.muli %add3A_68, %mul3A_69 : i32
          %add3A_71 = vector.broadcast %mul3A_70 : i32 to vector<16xi32>
          %add3A_72 = arith.addi %add3A_71, %iota3A : vector<16xi32>
          %min3A_73 = arith.constant 59999 : i32
          %min3A_74 = vector.broadcast %min3A_73 : i32 to vector<16xi32>
          %min3A_75 = arith.minsi %add3A_72, %min3A_74 : vector<16xi32>
          %gather3A_76 = tpu.vector_load_idx %arg4[%min3A_75] : memref<60000xf32, #tpu.memory_space<vmem>>[vector<16xi32>], vector<16xf32>,
          %select_n3A_77 = arith.select %lt3A_2, %gather3A_76, %broadcast_in_dim3A_3 : vector<16xi1>, vector<16xf32>
          %mul3A_78 = arith.constant 8 : i32
          %mul3A_79 = arith.muli %scan3A_26, %mul3A_78 : i32
          %add3A_80 = arith.constant 2 : i32
          %add3A_81 = arith.addi %mul3A_79, %add3A_80 : i32
          %mul3A_82 = arith.constant 16 : i32
          %mul3A_83 = arith.muli %add3A_81, %mul3A_82 : i32
          %swap3A_84 = arith.index_cast %mul3A_83 : i32 to index
          %swap3A_85 = tpu.vector_load %arg5[%swap3A_84] {strides = array<i32>} : memref<64000xf32, #tpu.memory_space<vmem>>, vector<16xf32>,
          tpu.vector_store %arg5[%swap3A_84], %select_n3A_77 {strides = array<i32>} : memref<64000xf32, #tpu.memory_space<vmem>>, vector<16xf32>,
          %mul3A_86 = arith.constant 8 : i32
          %mul3A_87 = arith.muli %scan3A_26, %mul3A_86 : i32
          %add3A_88 = arith.constant 3 : i32
          %add3A_89 = arith.addi %mul3A_87, %add3A_88 : i32
          %mul3A_90 = arith.constant 15 : i32
          %mul3A_91 = arith.muli %add3A_89, %mul3A_90 : i32
          %add3A_92 = vector.broadcast %mul3A_91 : i32 to vector<16xi32>
          %add3A_93 = arith.addi %add3A_92, %iota3A : vector<16xi32>
          %min3A_94 = arith.constant 59999 : i32
          %min3A_95 = vector.broadcast %min3A_94 : i32 to vector<16xi32>
          %min3A_96 = arith.minsi %add3A_93, %min3A_95 : vector<16xi32>
          %gather3A_97 = tpu.vector_load_idx %arg4[%min3A_96] : memref<60000xf32, #tpu.memory_space<vmem>>[vector<16xi32>], vector<16xf32>,
          %select_n3A_98 = arith.select %lt3A_2, %gather3A_97, %broadcast_in_dim3A_3 : vector<16xi1>, vector<16xf32>
          %mul3A_99 = arith.constant 8 : i32
          %mul3A_100 = arith.muli %scan3A_26, %mul3A_99 : i32
          %add3A_101 = arith.constant 3 : i32
          %add3A_102 = arith.addi %mul3A_100, %add3A_101 : i32
          %mul3A_103 = arith.constant 16 : i32
          %mul3A_104 = arith.muli %add3A_102, %mul3A_103 : i32
          %swap3A_105 = arith.index_cast %mul3A_104 : i32 to index
          %swap3A_106 = tpu.vector_load %arg5[%swap3A_105] {strides = array<i32>} : memref<64000xf32, #tpu.memory_space<vmem>>, vector<16xf32>,
          tpu.vector_store %arg5[%swap3A_105], %select_n3A_98 {strides = array<i32>} : memref<64000xf32, #tpu.memory_space<vmem>>, vector<16xf32>,
          %mul3A_107 = arith.constant 8 : i32
          %mul3A_108 = arith.muli %scan3A_26, %mul3A_107 : i32
          %add3A_109 = arith.constant 4 : i32
          %add3A_110 = arith.addi %mul3A_108, %add3A_109 : i32
          %mul3A_111 = arith.constant 15 : i32
          %mul3A_112 = arith.muli %add3A_110, %mul3A_111 : i32
          %add3A_113 = vector.broadcast %mul3A_112 : i32 to vector<16xi32>
          %add3A_114 = arith.addi %add3A_113, %iota3A : vector<16xi32>
          %min3A_115 = arith.constant 59999 : i32
          %min3A_116 = vector.broadcast %min3A_115 : i32 to vector<16xi32>
          %min3A_117 = arith.minsi %add3A_114, %min3A_116 : vector<16xi32>
          %gather3A_118 = tpu.vector_load_idx %arg4[%min3A_117] : memref<60000xf32, #tpu.memory_space<vmem>>[vector<16xi32>], vector<16xf32>,
          %select_n3A_119 = arith.select %lt3A_2, %gather3A_118, %broadcast_in_dim3A_3 : vector<16xi1>, vector<16xf32>
          %mul3A_120 = arith.constant 8 : i32
          %mul3A_121 = arith.muli %scan3A_26, %mul3A_120 : i32
          %add3A_122 = arith.constant 4 : i32
          %add3A_123 = arith.addi %mul3A_121, %add3A_122 : i32
          %mul3A_124 = arith.constant 16 : i32
          %mul3A_125 = arith.muli %add3A_123, %mul3A_124 : i32
          %swap3A_126 = arith.index_cast %mul3A_125 : i32 to index
          %swap3A_127 = tpu.vector_load %arg5[%swap3A_126] {strides = array<i32>} : memref<64000xf32, #tpu.memory_space<vmem>>, vector<16xf32>,
          tpu.vector_store %arg5[%swap3A_126], %select_n3A_119 {strides = array<i32>} : memref<64000xf32, #tpu.memory_space<vmem>>, vector<16xf32>,
          %mul3A_128 = arith.constant 8 : i32
          %mul3A_129 = arith.muli %scan3A_26, %mul3A_128 : i32
          %add3A_130 = arith.constant 5 : i32
          %add3A_131 = arith.addi %mul3A_129, %add3A_130 : i32
          %mul3A_132 = arith.constant 15 : i32
          %mul3A_133 = arith.muli %add3A_131, %mul3A_132 : i32
          %add3A_134 = vector.broadcast %mul3A_133 : i32 to vector<16xi32>
          %add3A_135 = arith.addi %add3A_134, %iota3A : vector<16xi32>
          %min3A_136 = arith.constant 59999 : i32
          %min3A_137 = vector.broadcast %min3A_136 : i32 to vector<16xi32>
          %min3A_138 = arith.minsi %add3A_135, %min3A_137 : vector<16xi32>
          %gather3A_139 = tpu.vector_load_idx %arg4[%min3A_138] : memref<60000xf32, #tpu.memory_space<vmem>>[vector<16xi32>], vector<16xf32>,
          %select_n3A_140 = arith.select %lt3A_2, %gather3A_139, %broadcast_in_dim3A_3 : vector<16xi1>, vector<16xf32>
          %mul3A_141 = arith.constant 8 : i32
          %mul3A_142 = arith.muli %scan3A_26, %mul3A_141 : i32
          %add3A_143 = arith.constant 5 : i32
          %add3A_144 = arith.addi %mul3A_142, %add3A_143 : i32
          %mul3A_145 = arith.constant 16 : i32
          %mul3A_146 = arith.muli %add3A_144, %mul3A_145 : i32
          %swap3A_147 = arith.index_cast %mul3A_146 : i32 to index
          %swap3A_148 = tpu.vector_load %arg5[%swap3A_147] {strides = array<i32>} : memref<64000xf32, #tpu.memory_space<vmem>>, vector<16xf32>,
          tpu.vector_store %arg5[%swap3A_147], %select_n3A_140 {strides = array<i32>} : memref<64000xf32, #tpu.memory_space<vmem>>, vector<16xf32>,
          %mul3A_149 = arith.constant 8 : i32
          %mul3A_150 = arith.muli %scan3A_26, %mul3A_149 : i32
          %add3A_151 = arith.constant 6 : i32
          %add3A_152 = arith.addi %mul3A_150, %add3A_151 : i32
          %mul3A_153 = arith.constant 15 : i32
          %mul3A_154 = arith.muli %add3A_152, %mul3A_153 : i32
          %add3A_155 = vector.broadcast %mul3A_154 : i32 to vector<16xi32>
          %add3A_156 = arith.addi %add3A_155, %iota3A : vector<16xi32>
          %min3A_157 = arith.constant 59999 : i32
          %min3A_158 = vector.broadcast %min3A_157 : i32 to vector<16xi32>
          %min3A_159 = arith.minsi %add3A_156, %min3A_158 : vector<16xi32>
          %gather3A_160 = tpu.vector_load_idx %arg4[%min3A_159] : memref<60000xf32, #tpu.memory_space<vmem>>[vector<16xi32>], vector<16xf32>,
          %select_n3A_161 = arith.select %lt3A_2, %gather3A_160, %broadcast_in_dim3A_3 : vector<16xi1>, vector<16xf32>
          %mul3A_162 = arith.constant 8 : i32
          %mul3A_163 = arith.muli %scan3A_26, %mul3A_162 : i32
          %add3A_164 = arith.constant 6 : i32
          %add3A_165 = arith.addi %mul3A_163, %add3A_164 : i32
          %mul3A_166 = arith.constant 16 : i32
          %mul3A_167 = arith.muli %add3A_165, %mul3A_166 : i32
          %swap3A_168 = arith.index_cast %mul3A_167 : i32 to index
          %swap3A_169 = tpu.vector_load %arg5[%swap3A_168] {strides = array<i32>} : memref<64000xf32, #tpu.memory_space<vmem>>, vector<16xf32>,
          tpu.vector_store %arg5[%swap3A_168], %select_n3A_161 {strides = array<i32>} : memref<64000xf32, #tpu.memory_space<vmem>>, vector<16xf32>,
          %mul3A_170 = arith.constant 8 : i32
          %mul3A_171 = arith.muli %scan3A_26, %mul3A_170 : i32
          %add3A_172 = arith.constant 7 : i32
          %add3A_173 = arith.addi %mul3A_171, %add3A_172 : i32
          %mul3A_174 = arith.constant 15 : i32
          %mul3A_175 = arith.muli %add3A_173, %mul3A_174 : i32
          %add3A_176 = vector.broadcast %mul3A_175 : i32 to vector<16xi32>
          %add3A_177 = arith.addi %add3A_176, %iota3A : vector<16xi32>
          %min3A_178 = arith.constant 59999 : i32
          %min3A_179 = vector.broadcast %min3A_178 : i32 to vector<16xi32>
          %min3A_180 = arith.minsi %add3A_177, %min3A_179 : vector<16xi32>
          %gather3A_181 = tpu.vector_load_idx %arg4[%min3A_180] : memref<60000xf32, #tpu.memory_space<vmem>>[vector<16xi32>], vector<16xf32>,
          %select_n3A_182 = arith.select %lt3A_2, %gather3A_181, %broadcast_in_dim3A_3 : vector<16xi1>, vector<16xf32>
          %mul3A_183 = arith.constant 8 : i32
          %mul3A_184 = arith.muli %scan3A_26, %mul3A_183 : i32
          %add3A_185 = arith.constant 7 : i32
          %add3A_186 = arith.addi %mul3A_184, %add3A_185 : i32
          %mul3A_187 = arith.constant 16 : i32
          %mul3A_188 = arith.muli %add3A_186, %mul3A_187 : i32
          %swap3A_189 = arith.index_cast %mul3A_188 : i32 to index
          %swap3A_190 = tpu.vector_load %arg5[%swap3A_189] {strides = array<i32>} : memref<64000xf32, #tpu.memory_space<vmem>>, vector<16xf32>,
          tpu.vector_store %arg5[%swap3A_189], %select_n3A_182 {strides = array<i32>} : memref<64000xf32, #tpu.memory_space<vmem>>, vector<16xf32>,
        }
        %scan3A_23 = arith.constant 500 : i32
        %mul3A_24 = arith.constant 64000 : i32
        %mul3A_25 = arith.muli %add3A_12, %mul3A_24 : i32
        "tpu.region"() ({
          %run_scoped3A = tpu.sem_alloc : memref<!tpu.dma_semaphore, #tpu.memory_space<semaphore_mem>>
          %dma_start3A = tpu.memref_slice %arg3[%mul3A_25] : memref<16000000xf32, #tpu.memory_space<hbm>> -> memref<64000xf32, #tpu.memory_space<hbm>>
          %dma_start3A_26 = tpu.memref_slice %arg3[%mul3A_25] : memref<16000000xf32, #tpu.memory_space<hbm>> -> memref<64000xf32, #tpu.memory_space<hbm>>
          tpu.enqueue_dma source(%arg5 : memref<64000xf32, #tpu.memory_space<vmem>>) target(%dma_start3A_26 : memref<64000xf32, #tpu.memory_space<hbm>>) target_semaphore(%run_scoped3A : memref<!tpu.dma_semaphore, #tpu.memory_space<semaphore_mem>>)
          %dma_wait3A = tpu.memref_slice %arg3[%mul3A_25] : memref<16000000xf32, #tpu.memory_space<hbm>> -> memref<64000xf32, #tpu.memory_space<hbm>>
          %dma_wait3A_27 = tpu.memref_slice %arg3[%mul3A_25] : memref<16000000xf32, #tpu.memory_space<hbm>> -> memref<64000xf32, #tpu.memory_space<hbm>>
          tpu.wait_dma2 semaphore(%run_scoped3A : memref<!tpu.dma_semaphore, #tpu.memory_space<semaphore_mem>>) src(%arg5 : memref<64000xf32, #tpu.memory_space<vmem>>) dst(%dma_wait3A_27 : memref<64000xf32, #tpu.memory_space<hbm>>)
          tpu.yield
        }) : () -> ()
      } else {
      }
    }
    %scan3A_8 = arith.constant 8 : i32
    return
  }
}

#map = affine_map<(d0, d1) -> (0, 0)>
#map1 = affine_map<(d0, d1) -> (0, 0, 0)>
module attributes {stable_mosaic.version = 14 : i64} {
  func.func @gather_kernel(%arg0: i32, %arg1: i32, %arg2: memref<1000000x16xf32, #tpu.memory_space<hbm>>, %arg3: memref<2560x128xi32, #tpu.memory_space<hbm>>, %arg4: memref<2560x128x16xf32, #tpu.memory_space<hbm>>, %arg5: memref<8x128xi32, #tpu.memory_space<vmem>>, %arg6: memref<8x128x16xf32, #tpu.memory_space<vmem>>, %arg7: memref<!tpu.dma_semaphore, #tpu.memory_space<semaphore_mem>>) attributes {dimension_semantics = [#tpu.dimension_semantics<core_parallel>, #tpu.dimension_semantics<subcore_parallel>], iteration_bounds = array<i64: 2, 16>, scalar_prefetch = 0 : i64, scratch_operands = 3 : i64, tpu.core_type = #tpu.core_type<sc_vector_subcore>, window_params = [{transform_indices = #map}, {transform_indices = #map}, {transform_indices = #map1}]} {
    %mul3A = arith.constant 2 : i32
    %mul3A_0 = arith.muli %arg1, %mul3A : i32
    %add3A = arith.addi %mul3A_0, %arg0 : i32
    %mul3A_1 = arith.constant 80 : i32
    %mul3A_2 = arith.muli %add3A, %mul3A_1 : i32
    %scan3A = arith.constant 0 : i32
    %scan3A_3 = arith.constant 0 : i32
    %scan3A_4 = arith.constant 10 : i32
    %scan3A_5 = arith.addi %scan3A_3, %scan3A_4 : i32
    %scan3A_6 = arith.constant 1 : i32
    scf.for %scan3A_8 = %scan3A_3 to %scan3A_5 step %scan3A_6  : i32 {
      %mul3A_9 = arith.constant 8 : i32
      %mul3A_10 = arith.muli %scan3A_8, %mul3A_9 : i32
      %add3A_11 = arith.addi %mul3A_2, %mul3A_10 : i32
      "tpu.region"() ({
        %run_scoped3A = tpu.sem_alloc : memref<!tpu.dma_semaphore, #tpu.memory_space<semaphore_mem>>
        %dma_start3A_202 = arith.constant 0 : i32
        %dma_start3A_203 = tpu.memref_slice %arg3[%add3A_11, %dma_start3A_202] : memref<2560x128xi32, #tpu.memory_space<hbm>> -> memref<8x128xi32, #tpu.memory_space<hbm>>
        %dma_start3A_204 = arith.constant 0 : i32
        %dma_start3A_205 = tpu.memref_slice %arg3[%add3A_11, %dma_start3A_204] : memref<2560x128xi32, #tpu.memory_space<hbm>> -> memref<8x128xi32, #tpu.memory_space<hbm>>
        tpu.enqueue_dma source(%dma_start3A_205 : memref<8x128xi32, #tpu.memory_space<hbm>>) target(%arg5 : memref<8x128xi32, #tpu.memory_space<vmem>>) target_semaphore(%run_scoped3A : memref<!tpu.dma_semaphore, #tpu.memory_space<semaphore_mem>>)
        %dma_wait3A_206 = arith.constant 0 : i32
        %dma_wait3A_207 = tpu.memref_slice %arg3[%add3A_11, %dma_wait3A_206] : memref<2560x128xi32, #tpu.memory_space<hbm>> -> memref<8x128xi32, #tpu.memory_space<hbm>>
        %dma_wait3A_208 = arith.constant 0 : i32
        %dma_wait3A_209 = tpu.memref_slice %arg3[%add3A_11, %dma_wait3A_208] : memref<2560x128xi32, #tpu.memory_space<hbm>> -> memref<8x128xi32, #tpu.memory_space<hbm>>
        tpu.wait_dma2 semaphore(%run_scoped3A : memref<!tpu.dma_semaphore, #tpu.memory_space<semaphore_mem>>) src(%dma_wait3A_209 : memref<8x128xi32, #tpu.memory_space<hbm>>) dst(%arg5 : memref<8x128xi32, #tpu.memory_space<vmem>>)
        tpu.yield
      }) : () -> ()
      %dma_start3A = arith.constant 0 : i32
      %dma_start3A_12 = arith.constant 0 : i32
      %dma_start3A_13 = arith.constant 0 : i32
      %dma_start3A_14 = arith.constant 0 : i32
      %dma_start3A_15 = tpu.memref_slice %arg6[%dma_start3A_12, %dma_start3A_13, %dma_start3A_14] : memref<8x128x16xf32, #tpu.memory_space<vmem>> -> memref<1x128x16xf32, #tpu.memory_space<vmem>>
      %dma_start3A_16 = tpu.memref_squeeze %dma_start3A_15 : memref<1x128x16xf32, #tpu.memory_space<vmem>> -> memref<128x16xf32, #tpu.memory_space<vmem>>
      %dma_start3A_17 = arith.constant 0 : i32
      %dma_start3A_18 = tpu.memref_slice %arg5[%dma_start3A, %dma_start3A_17] : memref<8x128xi32, #tpu.memory_space<vmem>> -> memref<1x128xi32, #tpu.memory_space<vmem>>
      %dma_start3A_19 = tpu.memref_squeeze %dma_start3A_18 : memref<1x128xi32, #tpu.memory_space<vmem>> -> memref<128xi32, #tpu.memory_space<vmem>>
      %dma_start3A_20 = arith.constant 0 : i32
      %dma_start3A_21 = arith.constant 0 : i32
      %dma_start3A_22 = tpu.memref_slice %arg2[%dma_start3A_20, %dma_start3A_21] : memref<1000000x16xf32, #tpu.memory_space<hbm>> -> memref<1000000x16xf32, #tpu.memory_space<hbm>>
      tpu.enqueue_indirect_dma source(%dma_start3A_22 : memref<1000000x16xf32, #tpu.memory_space<hbm>>) target(%dma_start3A_16 : memref<128x16xf32, #tpu.memory_space<vmem>>) offsets(%dma_start3A_19 : memref<128xi32, #tpu.memory_space<vmem>>) semaphore(%arg7 : memref<!tpu.dma_semaphore, #tpu.memory_space<semaphore_mem>>)
      %dma_start3A_23 = arith.constant 1 : i32
      %dma_start3A_24 = arith.constant 1 : i32
      %dma_start3A_25 = arith.constant 0 : i32
      %dma_start3A_26 = arith.constant 0 : i32
      %dma_start3A_27 = tpu.memref_slice %arg6[%dma_start3A_24, %dma_start3A_25, %dma_start3A_26] : memref<8x128x16xf32, #tpu.memory_space<vmem>> -> memref<1x128x16xf32, #tpu.memory_space<vmem>>
      %dma_start3A_28 = tpu.memref_squeeze %dma_start3A_27 : memref<1x128x16xf32, #tpu.memory_space<vmem>> -> memref<128x16xf32, #tpu.memory_space<vmem>>
      %dma_start3A_29 = arith.constant 0 : i32
      %dma_start3A_30 = tpu.memref_slice %arg5[%dma_start3A_23, %dma_start3A_29] : memref<8x128xi32, #tpu.memory_space<vmem>> -> memref<1x128xi32, #tpu.memory_space<vmem>>
      %dma_start3A_31 = tpu.memref_squeeze %dma_start3A_30 : memref<1x128xi32, #tpu.memory_space<vmem>> -> memref<128xi32, #tpu.memory_space<vmem>>
      %dma_start3A_32 = arith.constant 0 : i32
      %dma_start3A_33 = arith.constant 0 : i32
      %dma_start3A_34 = tpu.memref_slice %arg2[%dma_start3A_32, %dma_start3A_33] : memref<1000000x16xf32, #tpu.memory_space<hbm>> -> memref<1000000x16xf32, #tpu.memory_space<hbm>>
      tpu.enqueue_indirect_dma source(%dma_start3A_34 : memref<1000000x16xf32, #tpu.memory_space<hbm>>) target(%dma_start3A_28 : memref<128x16xf32, #tpu.memory_space<vmem>>) offsets(%dma_start3A_31 : memref<128xi32, #tpu.memory_space<vmem>>) semaphore(%arg7 : memref<!tpu.dma_semaphore, #tpu.memory_space<semaphore_mem>>)
      %dma_start3A_35 = arith.constant 2 : i32
      %dma_start3A_36 = arith.constant 2 : i32
      %dma_start3A_37 = arith.constant 0 : i32
      %dma_start3A_38 = arith.constant 0 : i32
      %dma_start3A_39 = tpu.memref_slice %arg6[%dma_start3A_36, %dma_start3A_37, %dma_start3A_38] : memref<8x128x16xf32, #tpu.memory_space<vmem>> -> memref<1x128x16xf32, #tpu.memory_space<vmem>>
      %dma_start3A_40 = tpu.memref_squeeze %dma_start3A_39 : memref<1x128x16xf32, #tpu.memory_space<vmem>> -> memref<128x16xf32, #tpu.memory_space<vmem>>
      %dma_start3A_41 = arith.constant 0 : i32
      %dma_start3A_42 = tpu.memref_slice %arg5[%dma_start3A_35, %dma_start3A_41] : memref<8x128xi32, #tpu.memory_space<vmem>> -> memref<1x128xi32, #tpu.memory_space<vmem>>
      %dma_start3A_43 = tpu.memref_squeeze %dma_start3A_42 : memref<1x128xi32, #tpu.memory_space<vmem>> -> memref<128xi32, #tpu.memory_space<vmem>>
      %dma_start3A_44 = arith.constant 0 : i32
      %dma_start3A_45 = arith.constant 0 : i32
      %dma_start3A_46 = tpu.memref_slice %arg2[%dma_start3A_44, %dma_start3A_45] : memref<1000000x16xf32, #tpu.memory_space<hbm>> -> memref<1000000x16xf32, #tpu.memory_space<hbm>>
      tpu.enqueue_indirect_dma source(%dma_start3A_46 : memref<1000000x16xf32, #tpu.memory_space<hbm>>) target(%dma_start3A_40 : memref<128x16xf32, #tpu.memory_space<vmem>>) offsets(%dma_start3A_43 : memref<128xi32, #tpu.memory_space<vmem>>) semaphore(%arg7 : memref<!tpu.dma_semaphore, #tpu.memory_space<semaphore_mem>>)
      %dma_start3A_47 = arith.constant 3 : i32
      %dma_start3A_48 = arith.constant 3 : i32
      %dma_start3A_49 = arith.constant 0 : i32
      %dma_start3A_50 = arith.constant 0 : i32
      %dma_start3A_51 = tpu.memref_slice %arg6[%dma_start3A_48, %dma_start3A_49, %dma_start3A_50] : memref<8x128x16xf32, #tpu.memory_space<vmem>> -> memref<1x128x16xf32, #tpu.memory_space<vmem>>
      %dma_start3A_52 = tpu.memref_squeeze %dma_start3A_51 : memref<1x128x16xf32, #tpu.memory_space<vmem>> -> memref<128x16xf32, #tpu.memory_space<vmem>>
      %dma_start3A_53 = arith.constant 0 : i32
      %dma_start3A_54 = tpu.memref_slice %arg5[%dma_start3A_47, %dma_start3A_53] : memref<8x128xi32, #tpu.memory_space<vmem>> -> memref<1x128xi32, #tpu.memory_space<vmem>>
      %dma_start3A_55 = tpu.memref_squeeze %dma_start3A_54 : memref<1x128xi32, #tpu.memory_space<vmem>> -> memref<128xi32, #tpu.memory_space<vmem>>
      %dma_start3A_56 = arith.constant 0 : i32
      %dma_start3A_57 = arith.constant 0 : i32
      %dma_start3A_58 = tpu.memref_slice %arg2[%dma_start3A_56, %dma_start3A_57] : memref<1000000x16xf32, #tpu.memory_space<hbm>> -> memref<1000000x16xf32, #tpu.memory_space<hbm>>
      tpu.enqueue_indirect_dma source(%dma_start3A_58 : memref<1000000x16xf32, #tpu.memory_space<hbm>>) target(%dma_start3A_52 : memref<128x16xf32, #tpu.memory_space<vmem>>) offsets(%dma_start3A_55 : memref<128xi32, #tpu.memory_space<vmem>>) semaphore(%arg7 : memref<!tpu.dma_semaphore, #tpu.memory_space<semaphore_mem>>)
      %dma_start3A_59 = arith.constant 4 : i32
      %dma_start3A_60 = arith.constant 4 : i32
      %dma_start3A_61 = arith.constant 0 : i32
      %dma_start3A_62 = arith.constant 0 : i32
      %dma_start3A_63 = tpu.memref_slice %arg6[%dma_start3A_60, %dma_start3A_61, %dma_start3A_62] : memref<8x128x16xf32, #tpu.memory_space<vmem>> -> memref<1x128x16xf32, #tpu.memory_space<vmem>>
      %dma_start3A_64 = tpu.memref_squeeze %dma_start3A_63 : memref<1x128x16xf32, #tpu.memory_space<vmem>> -> memref<128x16xf32, #tpu.memory_space<vmem>>
      %dma_start3A_65 = arith.constant 0 : i32
      %dma_start3A_66 = tpu.memref_slice %arg5[%dma_start3A_59, %dma_start3A_65] : memref<8x128xi32, #tpu.memory_space<vmem>> -> memref<1x128xi32, #tpu.memory_space<vmem>>
      %dma_start3A_67 = tpu.memref_squeeze %dma_start3A_66 : memref<1x128xi32, #tpu.memory_space<vmem>> -> memref<128xi32, #tpu.memory_space<vmem>>
      %dma_start3A_68 = arith.constant 0 : i32
      %dma_start3A_69 = arith.constant 0 : i32
      %dma_start3A_70 = tpu.memref_slice %arg2[%dma_start3A_68, %dma_start3A_69] : memref<1000000x16xf32, #tpu.memory_space<hbm>> -> memref<1000000x16xf32, #tpu.memory_space<hbm>>
      tpu.enqueue_indirect_dma source(%dma_start3A_70 : memref<1000000x16xf32, #tpu.memory_space<hbm>>) target(%dma_start3A_64 : memref<128x16xf32, #tpu.memory_space<vmem>>) offsets(%dma_start3A_67 : memref<128xi32, #tpu.memory_space<vmem>>) semaphore(%arg7 : memref<!tpu.dma_semaphore, #tpu.memory_space<semaphore_mem>>)
      %dma_start3A_71 = arith.constant 5 : i32
      %dma_start3A_72 = arith.constant 5 : i32
      %dma_start3A_73 = arith.constant 0 : i32
      %dma_start3A_74 = arith.constant 0 : i32
      %dma_start3A_75 = tpu.memref_slice %arg6[%dma_start3A_72, %dma_start3A_73, %dma_start3A_74] : memref<8x128x16xf32, #tpu.memory_space<vmem>> -> memref<1x128x16xf32, #tpu.memory_space<vmem>>
      %dma_start3A_76 = tpu.memref_squeeze %dma_start3A_75 : memref<1x128x16xf32, #tpu.memory_space<vmem>> -> memref<128x16xf32, #tpu.memory_space<vmem>>
      %dma_start3A_77 = arith.constant 0 : i32
      %dma_start3A_78 = tpu.memref_slice %arg5[%dma_start3A_71, %dma_start3A_77] : memref<8x128xi32, #tpu.memory_space<vmem>> -> memref<1x128xi32, #tpu.memory_space<vmem>>
      %dma_start3A_79 = tpu.memref_squeeze %dma_start3A_78 : memref<1x128xi32, #tpu.memory_space<vmem>> -> memref<128xi32, #tpu.memory_space<vmem>>
      %dma_start3A_80 = arith.constant 0 : i32
      %dma_start3A_81 = arith.constant 0 : i32
      %dma_start3A_82 = tpu.memref_slice %arg2[%dma_start3A_80, %dma_start3A_81] : memref<1000000x16xf32, #tpu.memory_space<hbm>> -> memref<1000000x16xf32, #tpu.memory_space<hbm>>
      tpu.enqueue_indirect_dma source(%dma_start3A_82 : memref<1000000x16xf32, #tpu.memory_space<hbm>>) target(%dma_start3A_76 : memref<128x16xf32, #tpu.memory_space<vmem>>) offsets(%dma_start3A_79 : memref<128xi32, #tpu.memory_space<vmem>>) semaphore(%arg7 : memref<!tpu.dma_semaphore, #tpu.memory_space<semaphore_mem>>)
      %dma_start3A_83 = arith.constant 6 : i32
      %dma_start3A_84 = arith.constant 6 : i32
      %dma_start3A_85 = arith.constant 0 : i32
      %dma_start3A_86 = arith.constant 0 : i32
      %dma_start3A_87 = tpu.memref_slice %arg6[%dma_start3A_84, %dma_start3A_85, %dma_start3A_86] : memref<8x128x16xf32, #tpu.memory_space<vmem>> -> memref<1x128x16xf32, #tpu.memory_space<vmem>>
      %dma_start3A_88 = tpu.memref_squeeze %dma_start3A_87 : memref<1x128x16xf32, #tpu.memory_space<vmem>> -> memref<128x16xf32, #tpu.memory_space<vmem>>
      %dma_start3A_89 = arith.constant 0 : i32
      %dma_start3A_90 = tpu.memref_slice %arg5[%dma_start3A_83, %dma_start3A_89] : memref<8x128xi32, #tpu.memory_space<vmem>> -> memref<1x128xi32, #tpu.memory_space<vmem>>
      %dma_start3A_91 = tpu.memref_squeeze %dma_start3A_90 : memref<1x128xi32, #tpu.memory_space<vmem>> -> memref<128xi32, #tpu.memory_space<vmem>>
      %dma_start3A_92 = arith.constant 0 : i32
      %dma_start3A_93 = arith.constant 0 : i32
      %dma_start3A_94 = tpu.memref_slice %arg2[%dma_start3A_92, %dma_start3A_93] : memref<1000000x16xf32, #tpu.memory_space<hbm>> -> memref<1000000x16xf32, #tpu.memory_space<hbm>>
      tpu.enqueue_indirect_dma source(%dma_start3A_94 : memref<1000000x16xf32, #tpu.memory_space<hbm>>) target(%dma_start3A_88 : memref<128x16xf32, #tpu.memory_space<vmem>>) offsets(%dma_start3A_91 : memref<128xi32, #tpu.memory_space<vmem>>) semaphore(%arg7 : memref<!tpu.dma_semaphore, #tpu.memory_space<semaphore_mem>>)
      %dma_start3A_95 = arith.constant 7 : i32
      %dma_start3A_96 = arith.constant 7 : i32
      %dma_start3A_97 = arith.constant 0 : i32
      %dma_start3A_98 = arith.constant 0 : i32
      %dma_start3A_99 = tpu.memref_slice %arg6[%dma_start3A_96, %dma_start3A_97, %dma_start3A_98] : memref<8x128x16xf32, #tpu.memory_space<vmem>> -> memref<1x128x16xf32, #tpu.memory_space<vmem>>
      %dma_start3A_100 = tpu.memref_squeeze %dma_start3A_99 : memref<1x128x16xf32, #tpu.memory_space<vmem>> -> memref<128x16xf32, #tpu.memory_space<vmem>>
      %dma_start3A_101 = arith.constant 0 : i32
      %dma_start3A_102 = tpu.memref_slice %arg5[%dma_start3A_95, %dma_start3A_101] : memref<8x128xi32, #tpu.memory_space<vmem>> -> memref<1x128xi32, #tpu.memory_space<vmem>>
      %dma_start3A_103 = tpu.memref_squeeze %dma_start3A_102 : memref<1x128xi32, #tpu.memory_space<vmem>> -> memref<128xi32, #tpu.memory_space<vmem>>
      %dma_start3A_104 = arith.constant 0 : i32
      %dma_start3A_105 = arith.constant 0 : i32
      %dma_start3A_106 = tpu.memref_slice %arg2[%dma_start3A_104, %dma_start3A_105] : memref<1000000x16xf32, #tpu.memory_space<hbm>> -> memref<1000000x16xf32, #tpu.memory_space<hbm>>
      tpu.enqueue_indirect_dma source(%dma_start3A_106 : memref<1000000x16xf32, #tpu.memory_space<hbm>>) target(%dma_start3A_100 : memref<128x16xf32, #tpu.memory_space<vmem>>) offsets(%dma_start3A_103 : memref<128xi32, #tpu.memory_space<vmem>>) semaphore(%arg7 : memref<!tpu.dma_semaphore, #tpu.memory_space<semaphore_mem>>)
      %dma_wait3A = arith.constant 0 : i32
      %dma_wait3A_107 = arith.constant 0 : i32
      %dma_wait3A_108 = arith.constant 0 : i32
      %dma_wait3A_109 = arith.constant 0 : i32
      %dma_wait3A_110 = tpu.memref_slice %arg6[%dma_wait3A_107, %dma_wait3A_108, %dma_wait3A_109] : memref<8x128x16xf32, #tpu.memory_space<vmem>> -> memref<1x128x16xf32, #tpu.memory_space<vmem>>
      %dma_wait3A_111 = tpu.memref_squeeze %dma_wait3A_110 : memref<1x128x16xf32, #tpu.memory_space<vmem>> -> memref<128x16xf32, #tpu.memory_space<vmem>>
      %dma_wait3A_112 = arith.constant 0 : i32
      %dma_wait3A_113 = tpu.memref_slice %arg5[%dma_wait3A, %dma_wait3A_112] : memref<8x128xi32, #tpu.memory_space<vmem>> -> memref<1x128xi32, #tpu.memory_space<vmem>>
      %dma_wait3A_114 = tpu.memref_squeeze %dma_wait3A_113 : memref<1x128xi32, #tpu.memory_space<vmem>> -> memref<128xi32, #tpu.memory_space<vmem>>
      %dma_wait3A_115 = arith.constant 0 : i32
      %dma_wait3A_116 = arith.constant 0 : i32
      %dma_wait3A_117 = tpu.memref_slice %arg2[%dma_wait3A_115, %dma_wait3A_116] : memref<1000000x16xf32, #tpu.memory_space<hbm>> -> memref<1000000x16xf32, #tpu.memory_space<hbm>>
      tpu.wait_indirect_dma semaphore(%arg7 : memref<!tpu.dma_semaphore, #tpu.memory_space<semaphore_mem>>) src(%dma_wait3A_117 : memref<1000000x16xf32, #tpu.memory_space<hbm>>) dst(%dma_wait3A_111 : memref<128x16xf32, #tpu.memory_space<vmem>>)
      %dma_wait3A_118 = arith.constant 1 : i32
      %dma_wait3A_119 = arith.constant 1 : i32
      %dma_wait3A_120 = arith.constant 0 : i32
      %dma_wait3A_121 = arith.constant 0 : i32
      %dma_wait3A_122 = tpu.memref_slice %arg6[%dma_wait3A_119, %dma_wait3A_120, %dma_wait3A_121] : memref<8x128x16xf32, #tpu.memory_space<vmem>> -> memref<1x128x16xf32, #tpu.memory_space<vmem>>
      %dma_wait3A_123 = tpu.memref_squeeze %dma_wait3A_122 : memref<1x128x16xf32, #tpu.memory_space<vmem>> -> memref<128x16xf32, #tpu.memory_space<vmem>>
      %dma_wait3A_124 = arith.constant 0 : i32
      %dma_wait3A_125 = tpu.memref_slice %arg5[%dma_wait3A_118, %dma_wait3A_124] : memref<8x128xi32, #tpu.memory_space<vmem>> -> memref<1x128xi32, #tpu.memory_space<vmem>>
      %dma_wait3A_126 = tpu.memref_squeeze %dma_wait3A_125 : memref<1x128xi32, #tpu.memory_space<vmem>> -> memref<128xi32, #tpu.memory_space<vmem>>
      %dma_wait3A_127 = arith.constant 0 : i32
      %dma_wait3A_128 = arith.constant 0 : i32
      %dma_wait3A_129 = tpu.memref_slice %arg2[%dma_wait3A_127, %dma_wait3A_128] : memref<1000000x16xf32, #tpu.memory_space<hbm>> -> memref<1000000x16xf32, #tpu.memory_space<hbm>>
      tpu.wait_indirect_dma semaphore(%arg7 : memref<!tpu.dma_semaphore, #tpu.memory_space<semaphore_mem>>) src(%dma_wait3A_129 : memref<1000000x16xf32, #tpu.memory_space<hbm>>) dst(%dma_wait3A_123 : memref<128x16xf32, #tpu.memory_space<vmem>>)
      %dma_wait3A_130 = arith.constant 2 : i32
      %dma_wait3A_131 = arith.constant 2 : i32
      %dma_wait3A_132 = arith.constant 0 : i32
      %dma_wait3A_133 = arith.constant 0 : i32
      %dma_wait3A_134 = tpu.memref_slice %arg6[%dma_wait3A_131, %dma_wait3A_132, %dma_wait3A_133] : memref<8x128x16xf32, #tpu.memory_space<vmem>> -> memref<1x128x16xf32, #tpu.memory_space<vmem>>
      %dma_wait3A_135 = tpu.memref_squeeze %dma_wait3A_134 : memref<1x128x16xf32, #tpu.memory_space<vmem>> -> memref<128x16xf32, #tpu.memory_space<vmem>>
      %dma_wait3A_136 = arith.constant 0 : i32
      %dma_wait3A_137 = tpu.memref_slice %arg5[%dma_wait3A_130, %dma_wait3A_136] : memref<8x128xi32, #tpu.memory_space<vmem>> -> memref<1x128xi32, #tpu.memory_space<vmem>>
      %dma_wait3A_138 = tpu.memref_squeeze %dma_wait3A_137 : memref<1x128xi32, #tpu.memory_space<vmem>> -> memref<128xi32, #tpu.memory_space<vmem>>
      %dma_wait3A_139 = arith.constant 0 : i32
      %dma_wait3A_140 = arith.constant 0 : i32
      %dma_wait3A_141 = tpu.memref_slice %arg2[%dma_wait3A_139, %dma_wait3A_140] : memref<1000000x16xf32, #tpu.memory_space<hbm>> -> memref<1000000x16xf32, #tpu.memory_space<hbm>>
      tpu.wait_indirect_dma semaphore(%arg7 : memref<!tpu.dma_semaphore, #tpu.memory_space<semaphore_mem>>) src(%dma_wait3A_141 : memref<1000000x16xf32, #tpu.memory_space<hbm>>) dst(%dma_wait3A_135 : memref<128x16xf32, #tpu.memory_space<vmem>>)
      %dma_wait3A_142 = arith.constant 3 : i32
      %dma_wait3A_143 = arith.constant 3 : i32
      %dma_wait3A_144 = arith.constant 0 : i32
      %dma_wait3A_145 = arith.constant 0 : i32
      %dma_wait3A_146 = tpu.memref_slice %arg6[%dma_wait3A_143, %dma_wait3A_144, %dma_wait3A_145] : memref<8x128x16xf32, #tpu.memory_space<vmem>> -> memref<1x128x16xf32, #tpu.memory_space<vmem>>
      %dma_wait3A_147 = tpu.memref_squeeze %dma_wait3A_146 : memref<1x128x16xf32, #tpu.memory_space<vmem>> -> memref<128x16xf32, #tpu.memory_space<vmem>>
      %dma_wait3A_148 = arith.constant 0 : i32
      %dma_wait3A_149 = tpu.memref_slice %arg5[%dma_wait3A_142, %dma_wait3A_148] : memref<8x128xi32, #tpu.memory_space<vmem>> -> memref<1x128xi32, #tpu.memory_space<vmem>>
      %dma_wait3A_150 = tpu.memref_squeeze %dma_wait3A_149 : memref<1x128xi32, #tpu.memory_space<vmem>> -> memref<128xi32, #tpu.memory_space<vmem>>
      %dma_wait3A_151 = arith.constant 0 : i32
      %dma_wait3A_152 = arith.constant 0 : i32
      %dma_wait3A_153 = tpu.memref_slice %arg2[%dma_wait3A_151, %dma_wait3A_152] : memref<1000000x16xf32, #tpu.memory_space<hbm>> -> memref<1000000x16xf32, #tpu.memory_space<hbm>>
      tpu.wait_indirect_dma semaphore(%arg7 : memref<!tpu.dma_semaphore, #tpu.memory_space<semaphore_mem>>) src(%dma_wait3A_153 : memref<1000000x16xf32, #tpu.memory_space<hbm>>) dst(%dma_wait3A_147 : memref<128x16xf32, #tpu.memory_space<vmem>>)
      %dma_wait3A_154 = arith.constant 4 : i32
      %dma_wait3A_155 = arith.constant 4 : i32
      %dma_wait3A_156 = arith.constant 0 : i32
      %dma_wait3A_157 = arith.constant 0 : i32
      %dma_wait3A_158 = tpu.memref_slice %arg6[%dma_wait3A_155, %dma_wait3A_156, %dma_wait3A_157] : memref<8x128x16xf32, #tpu.memory_space<vmem>> -> memref<1x128x16xf32, #tpu.memory_space<vmem>>
      %dma_wait3A_159 = tpu.memref_squeeze %dma_wait3A_158 : memref<1x128x16xf32, #tpu.memory_space<vmem>> -> memref<128x16xf32, #tpu.memory_space<vmem>>
      %dma_wait3A_160 = arith.constant 0 : i32
      %dma_wait3A_161 = tpu.memref_slice %arg5[%dma_wait3A_154, %dma_wait3A_160] : memref<8x128xi32, #tpu.memory_space<vmem>> -> memref<1x128xi32, #tpu.memory_space<vmem>>
      %dma_wait3A_162 = tpu.memref_squeeze %dma_wait3A_161 : memref<1x128xi32, #tpu.memory_space<vmem>> -> memref<128xi32, #tpu.memory_space<vmem>>
      %dma_wait3A_163 = arith.constant 0 : i32
      %dma_wait3A_164 = arith.constant 0 : i32
      %dma_wait3A_165 = tpu.memref_slice %arg2[%dma_wait3A_163, %dma_wait3A_164] : memref<1000000x16xf32, #tpu.memory_space<hbm>> -> memref<1000000x16xf32, #tpu.memory_space<hbm>>
      tpu.wait_indirect_dma semaphore(%arg7 : memref<!tpu.dma_semaphore, #tpu.memory_space<semaphore_mem>>) src(%dma_wait3A_165 : memref<1000000x16xf32, #tpu.memory_space<hbm>>) dst(%dma_wait3A_159 : memref<128x16xf32, #tpu.memory_space<vmem>>)
      %dma_wait3A_166 = arith.constant 5 : i32
      %dma_wait3A_167 = arith.constant 5 : i32
      %dma_wait3A_168 = arith.constant 0 : i32
      %dma_wait3A_169 = arith.constant 0 : i32
      %dma_wait3A_170 = tpu.memref_slice %arg6[%dma_wait3A_167, %dma_wait3A_168, %dma_wait3A_169] : memref<8x128x16xf32, #tpu.memory_space<vmem>> -> memref<1x128x16xf32, #tpu.memory_space<vmem>>
      %dma_wait3A_171 = tpu.memref_squeeze %dma_wait3A_170 : memref<1x128x16xf32, #tpu.memory_space<vmem>> -> memref<128x16xf32, #tpu.memory_space<vmem>>
      %dma_wait3A_172 = arith.constant 0 : i32
      %dma_wait3A_173 = tpu.memref_slice %arg5[%dma_wait3A_166, %dma_wait3A_172] : memref<8x128xi32, #tpu.memory_space<vmem>> -> memref<1x128xi32, #tpu.memory_space<vmem>>
      %dma_wait3A_174 = tpu.memref_squeeze %dma_wait3A_173 : memref<1x128xi32, #tpu.memory_space<vmem>> -> memref<128xi32, #tpu.memory_space<vmem>>
      %dma_wait3A_175 = arith.constant 0 : i32
      %dma_wait3A_176 = arith.constant 0 : i32
      %dma_wait3A_177 = tpu.memref_slice %arg2[%dma_wait3A_175, %dma_wait3A_176] : memref<1000000x16xf32, #tpu.memory_space<hbm>> -> memref<1000000x16xf32, #tpu.memory_space<hbm>>
      tpu.wait_indirect_dma semaphore(%arg7 : memref<!tpu.dma_semaphore, #tpu.memory_space<semaphore_mem>>) src(%dma_wait3A_177 : memref<1000000x16xf32, #tpu.memory_space<hbm>>) dst(%dma_wait3A_171 : memref<128x16xf32, #tpu.memory_space<vmem>>)
      %dma_wait3A_178 = arith.constant 6 : i32
      %dma_wait3A_179 = arith.constant 6 : i32
      %dma_wait3A_180 = arith.constant 0 : i32
      %dma_wait3A_181 = arith.constant 0 : i32
      %dma_wait3A_182 = tpu.memref_slice %arg6[%dma_wait3A_179, %dma_wait3A_180, %dma_wait3A_181] : memref<8x128x16xf32, #tpu.memory_space<vmem>> -> memref<1x128x16xf32, #tpu.memory_space<vmem>>
      %dma_wait3A_183 = tpu.memref_squeeze %dma_wait3A_182 : memref<1x128x16xf32, #tpu.memory_space<vmem>> -> memref<128x16xf32, #tpu.memory_space<vmem>>
      %dma_wait3A_184 = arith.constant 0 : i32
      %dma_wait3A_185 = tpu.memref_slice %arg5[%dma_wait3A_178, %dma_wait3A_184] : memref<8x128xi32, #tpu.memory_space<vmem>> -> memref<1x128xi32, #tpu.memory_space<vmem>>
      %dma_wait3A_186 = tpu.memref_squeeze %dma_wait3A_185 : memref<1x128xi32, #tpu.memory_space<vmem>> -> memref<128xi32, #tpu.memory_space<vmem>>
      %dma_wait3A_187 = arith.constant 0 : i32
      %dma_wait3A_188 = arith.constant 0 : i32
      %dma_wait3A_189 = tpu.memref_slice %arg2[%dma_wait3A_187, %dma_wait3A_188] : memref<1000000x16xf32, #tpu.memory_space<hbm>> -> memref<1000000x16xf32, #tpu.memory_space<hbm>>
      tpu.wait_indirect_dma semaphore(%arg7 : memref<!tpu.dma_semaphore, #tpu.memory_space<semaphore_mem>>) src(%dma_wait3A_189 : memref<1000000x16xf32, #tpu.memory_space<hbm>>) dst(%dma_wait3A_183 : memref<128x16xf32, #tpu.memory_space<vmem>>)
      %dma_wait3A_190 = arith.constant 7 : i32
      %dma_wait3A_191 = arith.constant 7 : i32
      %dma_wait3A_192 = arith.constant 0 : i32
      %dma_wait3A_193 = arith.constant 0 : i32
      %dma_wait3A_194 = tpu.memref_slice %arg6[%dma_wait3A_191, %dma_wait3A_192, %dma_wait3A_193] : memref<8x128x16xf32, #tpu.memory_space<vmem>> -> memref<1x128x16xf32, #tpu.memory_space<vmem>>
      %dma_wait3A_195 = tpu.memref_squeeze %dma_wait3A_194 : memref<1x128x16xf32, #tpu.memory_space<vmem>> -> memref<128x16xf32, #tpu.memory_space<vmem>>
      %dma_wait3A_196 = arith.constant 0 : i32
      %dma_wait3A_197 = tpu.memref_slice %arg5[%dma_wait3A_190, %dma_wait3A_196] : memref<8x128xi32, #tpu.memory_space<vmem>> -> memref<1x128xi32, #tpu.memory_space<vmem>>
      %dma_wait3A_198 = tpu.memref_squeeze %dma_wait3A_197 : memref<1x128xi32, #tpu.memory_space<vmem>> -> memref<128xi32, #tpu.memory_space<vmem>>
      %dma_wait3A_199 = arith.constant 0 : i32
      %dma_wait3A_200 = arith.constant 0 : i32
      %dma_wait3A_201 = tpu.memref_slice %arg2[%dma_wait3A_199, %dma_wait3A_200] : memref<1000000x16xf32, #tpu.memory_space<hbm>> -> memref<1000000x16xf32, #tpu.memory_space<hbm>>
      tpu.wait_indirect_dma semaphore(%arg7 : memref<!tpu.dma_semaphore, #tpu.memory_space<semaphore_mem>>) src(%dma_wait3A_201 : memref<1000000x16xf32, #tpu.memory_space<hbm>>) dst(%dma_wait3A_195 : memref<128x16xf32, #tpu.memory_space<vmem>>)
      "tpu.region"() ({
        %run_scoped3A = tpu.sem_alloc : memref<!tpu.dma_semaphore, #tpu.memory_space<semaphore_mem>>
        %dma_start3A_202 = arith.constant 0 : i32
        %dma_start3A_203 = arith.constant 0 : i32
        %dma_start3A_204 = tpu.memref_slice %arg4[%add3A_11, %dma_start3A_202, %dma_start3A_203] : memref<2560x128x16xf32, #tpu.memory_space<hbm>> -> memref<8x128x16xf32, #tpu.memory_space<hbm>>
        %dma_start3A_205 = arith.constant 0 : i32
        %dma_start3A_206 = arith.constant 0 : i32
        %dma_start3A_207 = tpu.memref_slice %arg4[%add3A_11, %dma_start3A_205, %dma_start3A_206] : memref<2560x128x16xf32, #tpu.memory_space<hbm>> -> memref<8x128x16xf32, #tpu.memory_space<hbm>>
        tpu.enqueue_dma source(%arg6 : memref<8x128x16xf32, #tpu.memory_space<vmem>>) target(%dma_start3A_207 : memref<8x128x16xf32, #tpu.memory_space<hbm>>) target_semaphore(%run_scoped3A : memref<!tpu.dma_semaphore, #tpu.memory_space<semaphore_mem>>)
        %dma_wait3A_208 = arith.constant 0 : i32
        %dma_wait3A_209 = arith.constant 0 : i32
        %dma_wait3A_210 = tpu.memref_slice %arg4[%add3A_11, %dma_wait3A_208, %dma_wait3A_209] : memref<2560x128x16xf32, #tpu.memory_space<hbm>> -> memref<8x128x16xf32, #tpu.memory_space<hbm>>
        %dma_wait3A_211 = arith.constant 0 : i32
        %dma_wait3A_212 = arith.constant 0 : i32
        %dma_wait3A_213 = tpu.memref_slice %arg4[%add3A_11, %dma_wait3A_211, %dma_wait3A_212] : memref<2560x128x16xf32, #tpu.memory_space<hbm>> -> memref<8x128x16xf32, #tpu.memory_space<hbm>>
        tpu.wait_dma2 semaphore(%run_scoped3A : memref<!tpu.dma_semaphore, #tpu.memory_space<semaphore_mem>>) src(%arg6 : memref<8x128x16xf32, #tpu.memory_space<vmem>>) dst(%dma_wait3A_213 : memref<8x128x16xf32, #tpu.memory_space<hbm>>)
        tpu.yield
      }) : () -> ()
    }
    %scan3A_7 = arith.constant 10 : i32
    return
  }
}

#map = affine_map<(d0, d1) -> (0, 0)>
#map1 = affine_map<(d0, d1) -> (0, 0, 0)>
module attributes {stable_mosaic.version = 14 : i64} {
  func.func @gather_kernel(%arg0: i32, %arg1: i32, %arg2: memref<1000000x16xf32, #tpu.memory_space<hbm>>, %arg3: memref<2560x128xi32, #tpu.memory_space<hbm>>, %arg4: memref<2560x128x16xf32, #tpu.memory_space<hbm>>, %arg5: memref<8x128xi32, #tpu.memory_space<vmem>>, %arg6: memref<8x128x16xf32, #tpu.memory_space<vmem>>, %arg7: memref<!tpu.dma_semaphore, #tpu.memory_space<semaphore_mem>>) attributes {dimension_semantics = [#tpu.dimension_semantics<core_parallel>, #tpu.dimension_semantics<subcore_parallel>], iteration_bounds = array<i64: 2, 16>, scalar_prefetch = 0 : i64, scratch_operands = 3 : i64, tpu.core_type = #tpu.core_type<sc_vector_subcore>, window_params = [{transform_indices = #map}, {transform_indices = #map}, {transform_indices = #map1}]} {
    %mul3A = arith.constant 2 : i32
    %mul3A_0 = arith.muli %arg1, %mul3A : i32
    %add3A = arith.addi %mul3A_0, %arg0 : i32
    %mul3A_1 = arith.constant 80 : i32
    %mul3A_2 = arith.muli %add3A, %mul3A_1 : i32
    %scan3A = arith.constant 0 : i32
    %scan3A_3 = arith.constant 0 : i32
    %scan3A_4 = arith.constant 10 : i32
    %scan3A_5 = arith.addi %scan3A_3, %scan3A_4 : i32
    %scan3A_6 = arith.constant 1 : i32
    scf.for %scan3A_8 = %scan3A_3 to %scan3A_5 step %scan3A_6  : i32 {
      %mul3A_9 = arith.constant 8 : i32
      %mul3A_10 = arith.muli %scan3A_8, %mul3A_9 : i32
      %add3A_11 = arith.addi %mul3A_2, %mul3A_10 : i32
      "tpu.region"() ({
        %run_scoped3A = tpu.sem_alloc : memref<!tpu.dma_semaphore, #tpu.memory_space<semaphore_mem>>
        %dma_start3A_202 = arith.constant 0 : i32
        %dma_start3A_203 = tpu.memref_slice %arg3[%add3A_11, %dma_start3A_202] : memref<2560x128xi32, #tpu.memory_space<hbm>> -> memref<8x128xi32, #tpu.memory_space<hbm>>
        %dma_start3A_204 = arith.constant 0 : i32
        %dma_start3A_205 = tpu.memref_slice %arg3[%add3A_11, %dma_start3A_204] : memref<2560x128xi32, #tpu.memory_space<hbm>> -> memref<8x128xi32, #tpu.memory_space<hbm>>
        tpu.enqueue_dma source(%dma_start3A_205 : memref<8x128xi32, #tpu.memory_space<hbm>>) target(%arg5 : memref<8x128xi32, #tpu.memory_space<vmem>>) target_semaphore(%run_scoped3A : memref<!tpu.dma_semaphore, #tpu.memory_space<semaphore_mem>>)
        %dma_wait3A_206 = arith.constant 0 : i32
        %dma_wait3A_207 = tpu.memref_slice %arg3[%add3A_11, %dma_wait3A_206] : memref<2560x128xi32, #tpu.memory_space<hbm>> -> memref<8x128xi32, #tpu.memory_space<hbm>>
        %dma_wait3A_208 = arith.constant 0 : i32
        %dma_wait3A_209 = tpu.memref_slice %arg3[%add3A_11, %dma_wait3A_208] : memref<2560x128xi32, #tpu.memory_space<hbm>> -> memref<8x128xi32, #tpu.memory_space<hbm>>
        tpu.wait_dma2 semaphore(%run_scoped3A : memref<!tpu.dma_semaphore, #tpu.memory_space<semaphore_mem>>) src(%dma_wait3A_209 : memref<8x128xi32, #tpu.memory_space<hbm>>) dst(%arg5 : memref<8x128xi32, #tpu.memory_space<vmem>>)
        tpu.yield
      }) : () -> ()
      %dma_start3A = arith.constant 0 : i32
      %dma_start3A_12 = arith.constant 0 : i32
      %dma_start3A_13 = arith.constant 0 : i32
      %dma_start3A_14 = arith.constant 0 : i32
      %dma_start3A_15 = tpu.memref_slice %arg6[%dma_start3A_12, %dma_start3A_13, %dma_start3A_14] : memref<8x128x16xf32, #tpu.memory_space<vmem>> -> memref<1x128x16xf32, #tpu.memory_space<vmem>>
      %dma_start3A_16 = tpu.memref_squeeze %dma_start3A_15 : memref<1x128x16xf32, #tpu.memory_space<vmem>> -> memref<128x16xf32, #tpu.memory_space<vmem>>
      %dma_start3A_17 = arith.constant 0 : i32
      %dma_start3A_18 = tpu.memref_slice %arg5[%dma_start3A, %dma_start3A_17] : memref<8x128xi32, #tpu.memory_space<vmem>> -> memref<1x128xi32, #tpu.memory_space<vmem>>
      %dma_start3A_19 = tpu.memref_squeeze %dma_start3A_18 : memref<1x128xi32, #tpu.memory_space<vmem>> -> memref<128xi32, #tpu.memory_space<vmem>>
      %dma_start3A_20 = arith.constant 0 : i32
      %dma_start3A_21 = arith.constant 0 : i32
      %dma_start3A_22 = tpu.memref_slice %arg2[%dma_start3A_20, %dma_start3A_21] : memref<1000000x16xf32, #tpu.memory_space<hbm>> -> memref<1000000x16xf32, #tpu.memory_space<hbm>>
      tpu.enqueue_indirect_dma source(%dma_start3A_22 : memref<1000000x16xf32, #tpu.memory_space<hbm>>) target(%dma_start3A_16 : memref<128x16xf32, #tpu.memory_space<vmem>>) offsets(%dma_start3A_19 : memref<128xi32, #tpu.memory_space<vmem>>) semaphore(%arg7 : memref<!tpu.dma_semaphore, #tpu.memory_space<semaphore_mem>>)
      %dma_start3A_23 = arith.constant 1 : i32
      %dma_start3A_24 = arith.constant 1 : i32
      %dma_start3A_25 = arith.constant 0 : i32
      %dma_start3A_26 = arith.constant 0 : i32
      %dma_start3A_27 = tpu.memref_slice %arg6[%dma_start3A_24, %dma_start3A_25, %dma_start3A_26] : memref<8x128x16xf32, #tpu.memory_space<vmem>> -> memref<1x128x16xf32, #tpu.memory_space<vmem>>
      %dma_start3A_28 = tpu.memref_squeeze %dma_start3A_27 : memref<1x128x16xf32, #tpu.memory_space<vmem>> -> memref<128x16xf32, #tpu.memory_space<vmem>>
      %dma_start3A_29 = arith.constant 0 : i32
      %dma_start3A_30 = tpu.memref_slice %arg5[%dma_start3A_23, %dma_start3A_29] : memref<8x128xi32, #tpu.memory_space<vmem>> -> memref<1x128xi32, #tpu.memory_space<vmem>>
      %dma_start3A_31 = tpu.memref_squeeze %dma_start3A_30 : memref<1x128xi32, #tpu.memory_space<vmem>> -> memref<128xi32, #tpu.memory_space<vmem>>
      %dma_start3A_32 = arith.constant 0 : i32
      %dma_start3A_33 = arith.constant 0 : i32
      %dma_start3A_34 = tpu.memref_slice %arg2[%dma_start3A_32, %dma_start3A_33] : memref<1000000x16xf32, #tpu.memory_space<hbm>> -> memref<1000000x16xf32, #tpu.memory_space<hbm>>
      tpu.enqueue_indirect_dma source(%dma_start3A_34 : memref<1000000x16xf32, #tpu.memory_space<hbm>>) target(%dma_start3A_28 : memref<128x16xf32, #tpu.memory_space<vmem>>) offsets(%dma_start3A_31 : memref<128xi32, #tpu.memory_space<vmem>>) semaphore(%arg7 : memref<!tpu.dma_semaphore, #tpu.memory_space<semaphore_mem>>)
      %dma_start3A_35 = arith.constant 2 : i32
      %dma_start3A_36 = arith.constant 2 : i32
      %dma_start3A_37 = arith.constant 0 : i32
      %dma_start3A_38 = arith.constant 0 : i32
      %dma_start3A_39 = tpu.memref_slice %arg6[%dma_start3A_36, %dma_start3A_37, %dma_start3A_38] : memref<8x128x16xf32, #tpu.memory_space<vmem>> -> memref<1x128x16xf32, #tpu.memory_space<vmem>>
      %dma_start3A_40 = tpu.memref_squeeze %dma_start3A_39 : memref<1x128x16xf32, #tpu.memory_space<vmem>> -> memref<128x16xf32, #tpu.memory_space<vmem>>
      %dma_start3A_41 = arith.constant 0 : i32
      %dma_start3A_42 = tpu.memref_slice %arg5[%dma_start3A_35, %dma_start3A_41] : memref<8x128xi32, #tpu.memory_space<vmem>> -> memref<1x128xi32, #tpu.memory_space<vmem>>
      %dma_start3A_43 = tpu.memref_squeeze %dma_start3A_42 : memref<1x128xi32, #tpu.memory_space<vmem>> -> memref<128xi32, #tpu.memory_space<vmem>>
      %dma_start3A_44 = arith.constant 0 : i32
      %dma_start3A_45 = arith.constant 0 : i32
      %dma_start3A_46 = tpu.memref_slice %arg2[%dma_start3A_44, %dma_start3A_45] : memref<1000000x16xf32, #tpu.memory_space<hbm>> -> memref<1000000x16xf32, #tpu.memory_space<hbm>>
      tpu.enqueue_indirect_dma source(%dma_start3A_46 : memref<1000000x16xf32, #tpu.memory_space<hbm>>) target(%dma_start3A_40 : memref<128x16xf32, #tpu.memory_space<vmem>>) offsets(%dma_start3A_43 : memref<128xi32, #tpu.memory_space<vmem>>) semaphore(%arg7 : memref<!tpu.dma_semaphore, #tpu.memory_space<semaphore_mem>>)
      %dma_start3A_47 = arith.constant 3 : i32
      %dma_start3A_48 = arith.constant 3 : i32
      %dma_start3A_49 = arith.constant 0 : i32
      %dma_start3A_50 = arith.constant 0 : i32
      %dma_start3A_51 = tpu.memref_slice %arg6[%dma_start3A_48, %dma_start3A_49, %dma_start3A_50] : memref<8x128x16xf32, #tpu.memory_space<vmem>> -> memref<1x128x16xf32, #tpu.memory_space<vmem>>
      %dma_start3A_52 = tpu.memref_squeeze %dma_start3A_51 : memref<1x128x16xf32, #tpu.memory_space<vmem>> -> memref<128x16xf32, #tpu.memory_space<vmem>>
      %dma_start3A_53 = arith.constant 0 : i32
      %dma_start3A_54 = tpu.memref_slice %arg5[%dma_start3A_47, %dma_start3A_53] : memref<8x128xi32, #tpu.memory_space<vmem>> -> memref<1x128xi32, #tpu.memory_space<vmem>>
      %dma_start3A_55 = tpu.memref_squeeze %dma_start3A_54 : memref<1x128xi32, #tpu.memory_space<vmem>> -> memref<128xi32, #tpu.memory_space<vmem>>
      %dma_start3A_56 = arith.constant 0 : i32
      %dma_start3A_57 = arith.constant 0 : i32
      %dma_start3A_58 = tpu.memref_slice %arg2[%dma_start3A_56, %dma_start3A_57] : memref<1000000x16xf32, #tpu.memory_space<hbm>> -> memref<1000000x16xf32, #tpu.memory_space<hbm>>
      tpu.enqueue_indirect_dma source(%dma_start3A_58 : memref<1000000x16xf32, #tpu.memory_space<hbm>>) target(%dma_start3A_52 : memref<128x16xf32, #tpu.memory_space<vmem>>) offsets(%dma_start3A_55 : memref<128xi32, #tpu.memory_space<vmem>>) semaphore(%arg7 : memref<!tpu.dma_semaphore, #tpu.memory_space<semaphore_mem>>)
      %dma_start3A_59 = arith.constant 4 : i32
      %dma_start3A_60 = arith.constant 4 : i32
      %dma_start3A_61 = arith.constant 0 : i32
      %dma_start3A_62 = arith.constant 0 : i32
      %dma_start3A_63 = tpu.memref_slice %arg6[%dma_start3A_60, %dma_start3A_61, %dma_start3A_62] : memref<8x128x16xf32, #tpu.memory_space<vmem>> -> memref<1x128x16xf32, #tpu.memory_space<vmem>>
      %dma_start3A_64 = tpu.memref_squeeze %dma_start3A_63 : memref<1x128x16xf32, #tpu.memory_space<vmem>> -> memref<128x16xf32, #tpu.memory_space<vmem>>
      %dma_start3A_65 = arith.constant 0 : i32
      %dma_start3A_66 = tpu.memref_slice %arg5[%dma_start3A_59, %dma_start3A_65] : memref<8x128xi32, #tpu.memory_space<vmem>> -> memref<1x128xi32, #tpu.memory_space<vmem>>
      %dma_start3A_67 = tpu.memref_squeeze %dma_start3A_66 : memref<1x128xi32, #tpu.memory_space<vmem>> -> memref<128xi32, #tpu.memory_space<vmem>>
      %dma_start3A_68 = arith.constant 0 : i32
      %dma_start3A_69 = arith.constant 0 : i32
      %dma_start3A_70 = tpu.memref_slice %arg2[%dma_start3A_68, %dma_start3A_69] : memref<1000000x16xf32, #tpu.memory_space<hbm>> -> memref<1000000x16xf32, #tpu.memory_space<hbm>>
      tpu.enqueue_indirect_dma source(%dma_start3A_70 : memref<1000000x16xf32, #tpu.memory_space<hbm>>) target(%dma_start3A_64 : memref<128x16xf32, #tpu.memory_space<vmem>>) offsets(%dma_start3A_67 : memref<128xi32, #tpu.memory_space<vmem>>) semaphore(%arg7 : memref<!tpu.dma_semaphore, #tpu.memory_space<semaphore_mem>>)
      %dma_start3A_71 = arith.constant 5 : i32
      %dma_start3A_72 = arith.constant 5 : i32
      %dma_start3A_73 = arith.constant 0 : i32
      %dma_start3A_74 = arith.constant 0 : i32
      %dma_start3A_75 = tpu.memref_slice %arg6[%dma_start3A_72, %dma_start3A_73, %dma_start3A_74] : memref<8x128x16xf32, #tpu.memory_space<vmem>> -> memref<1x128x16xf32, #tpu.memory_space<vmem>>
      %dma_start3A_76 = tpu.memref_squeeze %dma_start3A_75 : memref<1x128x16xf32, #tpu.memory_space<vmem>> -> memref<128x16xf32, #tpu.memory_space<vmem>>
      %dma_start3A_77 = arith.constant 0 : i32
      %dma_start3A_78 = tpu.memref_slice %arg5[%dma_start3A_71, %dma_start3A_77] : memref<8x128xi32, #tpu.memory_space<vmem>> -> memref<1x128xi32, #tpu.memory_space<vmem>>
      %dma_start3A_79 = tpu.memref_squeeze %dma_start3A_78 : memref<1x128xi32, #tpu.memory_space<vmem>> -> memref<128xi32, #tpu.memory_space<vmem>>
      %dma_start3A_80 = arith.constant 0 : i32
      %dma_start3A_81 = arith.constant 0 : i32
      %dma_start3A_82 = tpu.memref_slice %arg2[%dma_start3A_80, %dma_start3A_81] : memref<1000000x16xf32, #tpu.memory_space<hbm>> -> memref<1000000x16xf32, #tpu.memory_space<hbm>>
      tpu.enqueue_indirect_dma source(%dma_start3A_82 : memref<1000000x16xf32, #tpu.memory_space<hbm>>) target(%dma_start3A_76 : memref<128x16xf32, #tpu.memory_space<vmem>>) offsets(%dma_start3A_79 : memref<128xi32, #tpu.memory_space<vmem>>) semaphore(%arg7 : memref<!tpu.dma_semaphore, #tpu.memory_space<semaphore_mem>>)
      %dma_start3A_83 = arith.constant 6 : i32
      %dma_start3A_84 = arith.constant 6 : i32
      %dma_start3A_85 = arith.constant 0 : i32
      %dma_start3A_86 = arith.constant 0 : i32
      %dma_start3A_87 = tpu.memref_slice %arg6[%dma_start3A_84, %dma_start3A_85, %dma_start3A_86] : memref<8x128x16xf32, #tpu.memory_space<vmem>> -> memref<1x128x16xf32, #tpu.memory_space<vmem>>
      %dma_start3A_88 = tpu.memref_squeeze %dma_start3A_87 : memref<1x128x16xf32, #tpu.memory_space<vmem>> -> memref<128x16xf32, #tpu.memory_space<vmem>>
      %dma_start3A_89 = arith.constant 0 : i32
      %dma_start3A_90 = tpu.memref_slice %arg5[%dma_start3A_83, %dma_start3A_89] : memref<8x128xi32, #tpu.memory_space<vmem>> -> memref<1x128xi32, #tpu.memory_space<vmem>>
      %dma_start3A_91 = tpu.memref_squeeze %dma_start3A_90 : memref<1x128xi32, #tpu.memory_space<vmem>> -> memref<128xi32, #tpu.memory_space<vmem>>
      %dma_start3A_92 = arith.constant 0 : i32
      %dma_start3A_93 = arith.constant 0 : i32
      %dma_start3A_94 = tpu.memref_slice %arg2[%dma_start3A_92, %dma_start3A_93] : memref<1000000x16xf32, #tpu.memory_space<hbm>> -> memref<1000000x16xf32, #tpu.memory_space<hbm>>
      tpu.enqueue_indirect_dma source(%dma_start3A_94 : memref<1000000x16xf32, #tpu.memory_space<hbm>>) target(%dma_start3A_88 : memref<128x16xf32, #tpu.memory_space<vmem>>) offsets(%dma_start3A_91 : memref<128xi32, #tpu.memory_space<vmem>>) semaphore(%arg7 : memref<!tpu.dma_semaphore, #tpu.memory_space<semaphore_mem>>)
      %dma_start3A_95 = arith.constant 7 : i32
      %dma_start3A_96 = arith.constant 7 : i32
      %dma_start3A_97 = arith.constant 0 : i32
      %dma_start3A_98 = arith.constant 0 : i32
      %dma_start3A_99 = tpu.memref_slice %arg6[%dma_start3A_96, %dma_start3A_97, %dma_start3A_98] : memref<8x128x16xf32, #tpu.memory_space<vmem>> -> memref<1x128x16xf32, #tpu.memory_space<vmem>>
      %dma_start3A_100 = tpu.memref_squeeze %dma_start3A_99 : memref<1x128x16xf32, #tpu.memory_space<vmem>> -> memref<128x16xf32, #tpu.memory_space<vmem>>
      %dma_start3A_101 = arith.constant 0 : i32
      %dma_start3A_102 = tpu.memref_slice %arg5[%dma_start3A_95, %dma_start3A_101] : memref<8x128xi32, #tpu.memory_space<vmem>> -> memref<1x128xi32, #tpu.memory_space<vmem>>
      %dma_start3A_103 = tpu.memref_squeeze %dma_start3A_102 : memref<1x128xi32, #tpu.memory_space<vmem>> -> memref<128xi32, #tpu.memory_space<vmem>>
      %dma_start3A_104 = arith.constant 0 : i32
      %dma_start3A_105 = arith.constant 0 : i32
      %dma_start3A_106 = tpu.memref_slice %arg2[%dma_start3A_104, %dma_start3A_105] : memref<1000000x16xf32, #tpu.memory_space<hbm>> -> memref<1000000x16xf32, #tpu.memory_space<hbm>>
      tpu.enqueue_indirect_dma source(%dma_start3A_106 : memref<1000000x16xf32, #tpu.memory_space<hbm>>) target(%dma_start3A_100 : memref<128x16xf32, #tpu.memory_space<vmem>>) offsets(%dma_start3A_103 : memref<128xi32, #tpu.memory_space<vmem>>) semaphore(%arg7 : memref<!tpu.dma_semaphore, #tpu.memory_space<semaphore_mem>>)
      %dma_wait3A = arith.constant 0 : i32
      %dma_wait3A_107 = arith.constant 0 : i32
      %dma_wait3A_108 = arith.constant 0 : i32
      %dma_wait3A_109 = arith.constant 0 : i32
      %dma_wait3A_110 = tpu.memref_slice %arg6[%dma_wait3A_107, %dma_wait3A_108, %dma_wait3A_109] : memref<8x128x16xf32, #tpu.memory_space<vmem>> -> memref<1x128x16xf32, #tpu.memory_space<vmem>>
      %dma_wait3A_111 = tpu.memref_squeeze %dma_wait3A_110 : memref<1x128x16xf32, #tpu.memory_space<vmem>> -> memref<128x16xf32, #tpu.memory_space<vmem>>
      %dma_wait3A_112 = arith.constant 0 : i32
      %dma_wait3A_113 = tpu.memref_slice %arg5[%dma_wait3A, %dma_wait3A_112] : memref<8x128xi32, #tpu.memory_space<vmem>> -> memref<1x128xi32, #tpu.memory_space<vmem>>
      %dma_wait3A_114 = tpu.memref_squeeze %dma_wait3A_113 : memref<1x128xi32, #tpu.memory_space<vmem>> -> memref<128xi32, #tpu.memory_space<vmem>>
      %dma_wait3A_115 = arith.constant 0 : i32
      %dma_wait3A_116 = arith.constant 0 : i32
      %dma_wait3A_117 = tpu.memref_slice %arg2[%dma_wait3A_115, %dma_wait3A_116] : memref<1000000x16xf32, #tpu.memory_space<hbm>> -> memref<1000000x16xf32, #tpu.memory_space<hbm>>
      tpu.wait_indirect_dma semaphore(%arg7 : memref<!tpu.dma_semaphore, #tpu.memory_space<semaphore_mem>>) src(%dma_wait3A_117 : memref<1000000x16xf32, #tpu.memory_space<hbm>>) dst(%dma_wait3A_111 : memref<128x16xf32, #tpu.memory_space<vmem>>)
      %dma_wait3A_118 = arith.constant 1 : i32
      %dma_wait3A_119 = arith.constant 1 : i32
      %dma_wait3A_120 = arith.constant 0 : i32
      %dma_wait3A_121 = arith.constant 0 : i32
      %dma_wait3A_122 = tpu.memref_slice %arg6[%dma_wait3A_119, %dma_wait3A_120, %dma_wait3A_121] : memref<8x128x16xf32, #tpu.memory_space<vmem>> -> memref<1x128x16xf32, #tpu.memory_space<vmem>>
      %dma_wait3A_123 = tpu.memref_squeeze %dma_wait3A_122 : memref<1x128x16xf32, #tpu.memory_space<vmem>> -> memref<128x16xf32, #tpu.memory_space<vmem>>
      %dma_wait3A_124 = arith.constant 0 : i32
      %dma_wait3A_125 = tpu.memref_slice %arg5[%dma_wait3A_118, %dma_wait3A_124] : memref<8x128xi32, #tpu.memory_space<vmem>> -> memref<1x128xi32, #tpu.memory_space<vmem>>
      %dma_wait3A_126 = tpu.memref_squeeze %dma_wait3A_125 : memref<1x128xi32, #tpu.memory_space<vmem>> -> memref<128xi32, #tpu.memory_space<vmem>>
      %dma_wait3A_127 = arith.constant 0 : i32
      %dma_wait3A_128 = arith.constant 0 : i32
      %dma_wait3A_129 = tpu.memref_slice %arg2[%dma_wait3A_127, %dma_wait3A_128] : memref<1000000x16xf32, #tpu.memory_space<hbm>> -> memref<1000000x16xf32, #tpu.memory_space<hbm>>
      tpu.wait_indirect_dma semaphore(%arg7 : memref<!tpu.dma_semaphore, #tpu.memory_space<semaphore_mem>>) src(%dma_wait3A_129 : memref<1000000x16xf32, #tpu.memory_space<hbm>>) dst(%dma_wait3A_123 : memref<128x16xf32, #tpu.memory_space<vmem>>)
      %dma_wait3A_130 = arith.constant 2 : i32
      %dma_wait3A_131 = arith.constant 2 : i32
      %dma_wait3A_132 = arith.constant 0 : i32
      %dma_wait3A_133 = arith.constant 0 : i32
      %dma_wait3A_134 = tpu.memref_slice %arg6[%dma_wait3A_131, %dma_wait3A_132, %dma_wait3A_133] : memref<8x128x16xf32, #tpu.memory_space<vmem>> -> memref<1x128x16xf32, #tpu.memory_space<vmem>>
      %dma_wait3A_135 = tpu.memref_squeeze %dma_wait3A_134 : memref<1x128x16xf32, #tpu.memory_space<vmem>> -> memref<128x16xf32, #tpu.memory_space<vmem>>
      %dma_wait3A_136 = arith.constant 0 : i32
      %dma_wait3A_137 = tpu.memref_slice %arg5[%dma_wait3A_130, %dma_wait3A_136] : memref<8x128xi32, #tpu.memory_space<vmem>> -> memref<1x128xi32, #tpu.memory_space<vmem>>
      %dma_wait3A_138 = tpu.memref_squeeze %dma_wait3A_137 : memref<1x128xi32, #tpu.memory_space<vmem>> -> memref<128xi32, #tpu.memory_space<vmem>>
      %dma_wait3A_139 = arith.constant 0 : i32
      %dma_wait3A_140 = arith.constant 0 : i32
      %dma_wait3A_141 = tpu.memref_slice %arg2[%dma_wait3A_139, %dma_wait3A_140] : memref<1000000x16xf32, #tpu.memory_space<hbm>> -> memref<1000000x16xf32, #tpu.memory_space<hbm>>
      tpu.wait_indirect_dma semaphore(%arg7 : memref<!tpu.dma_semaphore, #tpu.memory_space<semaphore_mem>>) src(%dma_wait3A_141 : memref<1000000x16xf32, #tpu.memory_space<hbm>>) dst(%dma_wait3A_135 : memref<128x16xf32, #tpu.memory_space<vmem>>)
      %dma_wait3A_142 = arith.constant 3 : i32
      %dma_wait3A_143 = arith.constant 3 : i32
      %dma_wait3A_144 = arith.constant 0 : i32
      %dma_wait3A_145 = arith.constant 0 : i32
      %dma_wait3A_146 = tpu.memref_slice %arg6[%dma_wait3A_143, %dma_wait3A_144, %dma_wait3A_145] : memref<8x128x16xf32, #tpu.memory_space<vmem>> -> memref<1x128x16xf32, #tpu.memory_space<vmem>>
      %dma_wait3A_147 = tpu.memref_squeeze %dma_wait3A_146 : memref<1x128x16xf32, #tpu.memory_space<vmem>> -> memref<128x16xf32, #tpu.memory_space<vmem>>
      %dma_wait3A_148 = arith.constant 0 : i32
      %dma_wait3A_149 = tpu.memref_slice %arg5[%dma_wait3A_142, %dma_wait3A_148] : memref<8x128xi32, #tpu.memory_space<vmem>> -> memref<1x128xi32, #tpu.memory_space<vmem>>
      %dma_wait3A_150 = tpu.memref_squeeze %dma_wait3A_149 : memref<1x128xi32, #tpu.memory_space<vmem>> -> memref<128xi32, #tpu.memory_space<vmem>>
      %dma_wait3A_151 = arith.constant 0 : i32
      %dma_wait3A_152 = arith.constant 0 : i32
      %dma_wait3A_153 = tpu.memref_slice %arg2[%dma_wait3A_151, %dma_wait3A_152] : memref<1000000x16xf32, #tpu.memory_space<hbm>> -> memref<1000000x16xf32, #tpu.memory_space<hbm>>
      tpu.wait_indirect_dma semaphore(%arg7 : memref<!tpu.dma_semaphore, #tpu.memory_space<semaphore_mem>>) src(%dma_wait3A_153 : memref<1000000x16xf32, #tpu.memory_space<hbm>>) dst(%dma_wait3A_147 : memref<128x16xf32, #tpu.memory_space<vmem>>)
      %dma_wait3A_154 = arith.constant 4 : i32
      %dma_wait3A_155 = arith.constant 4 : i32
      %dma_wait3A_156 = arith.constant 0 : i32
      %dma_wait3A_157 = arith.constant 0 : i32
      %dma_wait3A_158 = tpu.memref_slice %arg6[%dma_wait3A_155, %dma_wait3A_156, %dma_wait3A_157] : memref<8x128x16xf32, #tpu.memory_space<vmem>> -> memref<1x128x16xf32, #tpu.memory_space<vmem>>
      %dma_wait3A_159 = tpu.memref_squeeze %dma_wait3A_158 : memref<1x128x16xf32, #tpu.memory_space<vmem>> -> memref<128x16xf32, #tpu.memory_space<vmem>>
      %dma_wait3A_160 = arith.constant 0 : i32
      %dma_wait3A_161 = tpu.memref_slice %arg5[%dma_wait3A_154, %dma_wait3A_160] : memref<8x128xi32, #tpu.memory_space<vmem>> -> memref<1x128xi32, #tpu.memory_space<vmem>>
      %dma_wait3A_162 = tpu.memref_squeeze %dma_wait3A_161 : memref<1x128xi32, #tpu.memory_space<vmem>> -> memref<128xi32, #tpu.memory_space<vmem>>
      %dma_wait3A_163 = arith.constant 0 : i32
      %dma_wait3A_164 = arith.constant 0 : i32
      %dma_wait3A_165 = tpu.memref_slice %arg2[%dma_wait3A_163, %dma_wait3A_164] : memref<1000000x16xf32, #tpu.memory_space<hbm>> -> memref<1000000x16xf32, #tpu.memory_space<hbm>>
      tpu.wait_indirect_dma semaphore(%arg7 : memref<!tpu.dma_semaphore, #tpu.memory_space<semaphore_mem>>) src(%dma_wait3A_165 : memref<1000000x16xf32, #tpu.memory_space<hbm>>) dst(%dma_wait3A_159 : memref<128x16xf32, #tpu.memory_space<vmem>>)
      %dma_wait3A_166 = arith.constant 5 : i32
      %dma_wait3A_167 = arith.constant 5 : i32
      %dma_wait3A_168 = arith.constant 0 : i32
      %dma_wait3A_169 = arith.constant 0 : i32
      %dma_wait3A_170 = tpu.memref_slice %arg6[%dma_wait3A_167, %dma_wait3A_168, %dma_wait3A_169] : memref<8x128x16xf32, #tpu.memory_space<vmem>> -> memref<1x128x16xf32, #tpu.memory_space<vmem>>
      %dma_wait3A_171 = tpu.memref_squeeze %dma_wait3A_170 : memref<1x128x16xf32, #tpu.memory_space<vmem>> -> memref<128x16xf32, #tpu.memory_space<vmem>>
      %dma_wait3A_172 = arith.constant 0 : i32
      %dma_wait3A_173 = tpu.memref_slice %arg5[%dma_wait3A_166, %dma_wait3A_172] : memref<8x128xi32, #tpu.memory_space<vmem>> -> memref<1x128xi32, #tpu.memory_space<vmem>>
      %dma_wait3A_174 = tpu.memref_squeeze %dma_wait3A_173 : memref<1x128xi32, #tpu.memory_space<vmem>> -> memref<128xi32, #tpu.memory_space<vmem>>
      %dma_wait3A_175 = arith.constant 0 : i32
      %dma_wait3A_176 = arith.constant 0 : i32
      %dma_wait3A_177 = tpu.memref_slice %arg2[%dma_wait3A_175, %dma_wait3A_176] : memref<1000000x16xf32, #tpu.memory_space<hbm>> -> memref<1000000x16xf32, #tpu.memory_space<hbm>>
      tpu.wait_indirect_dma semaphore(%arg7 : memref<!tpu.dma_semaphore, #tpu.memory_space<semaphore_mem>>) src(%dma_wait3A_177 : memref<1000000x16xf32, #tpu.memory_space<hbm>>) dst(%dma_wait3A_171 : memref<128x16xf32, #tpu.memory_space<vmem>>)
      %dma_wait3A_178 = arith.constant 6 : i32
      %dma_wait3A_179 = arith.constant 6 : i32
      %dma_wait3A_180 = arith.constant 0 : i32
      %dma_wait3A_181 = arith.constant 0 : i32
      %dma_wait3A_182 = tpu.memref_slice %arg6[%dma_wait3A_179, %dma_wait3A_180, %dma_wait3A_181] : memref<8x128x16xf32, #tpu.memory_space<vmem>> -> memref<1x128x16xf32, #tpu.memory_space<vmem>>
      %dma_wait3A_183 = tpu.memref_squeeze %dma_wait3A_182 : memref<1x128x16xf32, #tpu.memory_space<vmem>> -> memref<128x16xf32, #tpu.memory_space<vmem>>
      %dma_wait3A_184 = arith.constant 0 : i32
      %dma_wait3A_185 = tpu.memref_slice %arg5[%dma_wait3A_178, %dma_wait3A_184] : memref<8x128xi32, #tpu.memory_space<vmem>> -> memref<1x128xi32, #tpu.memory_space<vmem>>
      %dma_wait3A_186 = tpu.memref_squeeze %dma_wait3A_185 : memref<1x128xi32, #tpu.memory_space<vmem>> -> memref<128xi32, #tpu.memory_space<vmem>>
      %dma_wait3A_187 = arith.constant 0 : i32
      %dma_wait3A_188 = arith.constant 0 : i32
      %dma_wait3A_189 = tpu.memref_slice %arg2[%dma_wait3A_187, %dma_wait3A_188] : memref<1000000x16xf32, #tpu.memory_space<hbm>> -> memref<1000000x16xf32, #tpu.memory_space<hbm>>
      tpu.wait_indirect_dma semaphore(%arg7 : memref<!tpu.dma_semaphore, #tpu.memory_space<semaphore_mem>>) src(%dma_wait3A_189 : memref<1000000x16xf32, #tpu.memory_space<hbm>>) dst(%dma_wait3A_183 : memref<128x16xf32, #tpu.memory_space<vmem>>)
      %dma_wait3A_190 = arith.constant 7 : i32
      %dma_wait3A_191 = arith.constant 7 : i32
      %dma_wait3A_192 = arith.constant 0 : i32
      %dma_wait3A_193 = arith.constant 0 : i32
      %dma_wait3A_194 = tpu.memref_slice %arg6[%dma_wait3A_191, %dma_wait3A_192, %dma_wait3A_193] : memref<8x128x16xf32, #tpu.memory_space<vmem>> -> memref<1x128x16xf32, #tpu.memory_space<vmem>>
      %dma_wait3A_195 = tpu.memref_squeeze %dma_wait3A_194 : memref<1x128x16xf32, #tpu.memory_space<vmem>> -> memref<128x16xf32, #tpu.memory_space<vmem>>
      %dma_wait3A_196 = arith.constant 0 : i32
      %dma_wait3A_197 = tpu.memref_slice %arg5[%dma_wait3A_190, %dma_wait3A_196] : memref<8x128xi32, #tpu.memory_space<vmem>> -> memref<1x128xi32, #tpu.memory_space<vmem>>
      %dma_wait3A_198 = tpu.memref_squeeze %dma_wait3A_197 : memref<1x128xi32, #tpu.memory_space<vmem>> -> memref<128xi32, #tpu.memory_space<vmem>>
      %dma_wait3A_199 = arith.constant 0 : i32
      %dma_wait3A_200 = arith.constant 0 : i32
      %dma_wait3A_201 = tpu.memref_slice %arg2[%dma_wait3A_199, %dma_wait3A_200] : memref<1000000x16xf32, #tpu.memory_space<hbm>> -> memref<1000000x16xf32, #tpu.memory_space<hbm>>
      tpu.wait_indirect_dma semaphore(%arg7 : memref<!tpu.dma_semaphore, #tpu.memory_space<semaphore_mem>>) src(%dma_wait3A_201 : memref<1000000x16xf32, #tpu.memory_space<hbm>>) dst(%dma_wait3A_195 : memref<128x16xf32, #tpu.memory_space<vmem>>)
      "tpu.region"() ({
        %run_scoped3A = tpu.sem_alloc : memref<!tpu.dma_semaphore, #tpu.memory_space<semaphore_mem>>
        %dma_start3A_202 = arith.constant 0 : i32
        %dma_start3A_203 = arith.constant 0 : i32
        %dma_start3A_204 = tpu.memref_slice %arg4[%add3A_11, %dma_start3A_202, %dma_start3A_203] : memref<2560x128x16xf32, #tpu.memory_space<hbm>> -> memref<8x128x16xf32, #tpu.memory_space<hbm>>
        %dma_start3A_205 = arith.constant 0 : i32
        %dma_start3A_206 = arith.constant 0 : i32
        %dma_start3A_207 = tpu.memref_slice %arg4[%add3A_11, %dma_start3A_205, %dma_start3A_206] : memref<2560x128x16xf32, #tpu.memory_space<hbm>> -> memref<8x128x16xf32, #tpu.memory_space<hbm>>
        tpu.enqueue_dma source(%arg6 : memref<8x128x16xf32, #tpu.memory_space<vmem>>) target(%dma_start3A_207 : memref<8x128x16xf32, #tpu.memory_space<hbm>>) target_semaphore(%run_scoped3A : memref<!tpu.dma_semaphore, #tpu.memory_space<semaphore_mem>>)
        %dma_wait3A_208 = arith.constant 0 : i32
        %dma_wait3A_209 = arith.constant 0 : i32
        %dma_wait3A_210 = tpu.memref_slice %arg4[%add3A_11, %dma_wait3A_208, %dma_wait3A_209] : memref<2560x128x16xf32, #tpu.memory_space<hbm>> -> memref<8x128x16xf32, #tpu.memory_space<hbm>>
        %dma_wait3A_211 = arith.constant 0 : i32
        %dma_wait3A_212 = arith.constant 0 : i32
        %dma_wait3A_213 = tpu.memref_slice %arg4[%add3A_11, %dma_wait3A_211, %dma_wait3A_212] : memref<2560x128x16xf32, #tpu.memory_space<hbm>> -> memref<8x128x16xf32, #tpu.memory_space<hbm>>
        tpu.wait_dma2 semaphore(%run_scoped3A : memref<!tpu.dma_semaphore, #tpu.memory_space<semaphore_mem>>) src(%arg6 : memref<8x128x16xf32, #tpu.memory_space<vmem>>) dst(%dma_wait3A_213 : memref<8x128x16xf32, #tpu.memory_space<hbm>>)
        tpu.yield
      }) : () -> ()
    }
    %scan3A_7 = arith.constant 10 : i32
    return
  }
}

#map = affine_map<(d0, d1) -> (0, 0)>
#map1 = affine_map<(d0, d1) -> (0, 0, 0)>
module attributes {stable_mosaic.version = 14 : i64} {
  func.func @gather_kernel(%arg0: i32, %arg1: i32, %arg2: memref<1000000x16xf32, #tpu.memory_space<hbm>>, %arg3: memref<2560x128xi32, #tpu.memory_space<hbm>>, %arg4: memref<2560x128x16xf32, #tpu.memory_space<hbm>>, %arg5: memref<8x128xi32, #tpu.memory_space<vmem>>, %arg6: memref<8x128x16xf32, #tpu.memory_space<vmem>>, %arg7: memref<!tpu.dma_semaphore, #tpu.memory_space<semaphore_mem>>) attributes {dimension_semantics = [#tpu.dimension_semantics<core_parallel>, #tpu.dimension_semantics<subcore_parallel>], iteration_bounds = array<i64: 2, 16>, scalar_prefetch = 0 : i64, scratch_operands = 3 : i64, tpu.core_type = #tpu.core_type<sc_vector_subcore>, window_params = [{transform_indices = #map}, {transform_indices = #map}, {transform_indices = #map1}]} {
    %mul3A = arith.constant 2 : i32
    %mul3A_0 = arith.muli %arg1, %mul3A : i32
    %add3A = arith.addi %mul3A_0, %arg0 : i32
    %mul3A_1 = arith.constant 80 : i32
    %mul3A_2 = arith.muli %add3A, %mul3A_1 : i32
    %scan3A = arith.constant 0 : i32
    %scan3A_3 = arith.constant 0 : i32
    %scan3A_4 = arith.constant 10 : i32
    %scan3A_5 = arith.addi %scan3A_3, %scan3A_4 : i32
    %scan3A_6 = arith.constant 1 : i32
    scf.for %scan3A_8 = %scan3A_3 to %scan3A_5 step %scan3A_6  : i32 {
      %mul3A_9 = arith.constant 8 : i32
      %mul3A_10 = arith.muli %scan3A_8, %mul3A_9 : i32
      %add3A_11 = arith.addi %mul3A_2, %mul3A_10 : i32
      "tpu.region"() ({
        %run_scoped3A = tpu.sem_alloc : memref<!tpu.dma_semaphore, #tpu.memory_space<semaphore_mem>>
        %dma_start3A_202 = arith.constant 0 : i32
        %dma_start3A_203 = tpu.memref_slice %arg3[%add3A_11, %dma_start3A_202] : memref<2560x128xi32, #tpu.memory_space<hbm>> -> memref<8x128xi32, #tpu.memory_space<hbm>>
        %dma_start3A_204 = arith.constant 0 : i32
        %dma_start3A_205 = tpu.memref_slice %arg3[%add3A_11, %dma_start3A_204] : memref<2560x128xi32, #tpu.memory_space<hbm>> -> memref<8x128xi32, #tpu.memory_space<hbm>>
        tpu.enqueue_dma source(%dma_start3A_205 : memref<8x128xi32, #tpu.memory_space<hbm>>) target(%arg5 : memref<8x128xi32, #tpu.memory_space<vmem>>) target_semaphore(%run_scoped3A : memref<!tpu.dma_semaphore, #tpu.memory_space<semaphore_mem>>)
        %dma_wait3A_206 = arith.constant 0 : i32
        %dma_wait3A_207 = tpu.memref_slice %arg3[%add3A_11, %dma_wait3A_206] : memref<2560x128xi32, #tpu.memory_space<hbm>> -> memref<8x128xi32, #tpu.memory_space<hbm>>
        %dma_wait3A_208 = arith.constant 0 : i32
        %dma_wait3A_209 = tpu.memref_slice %arg3[%add3A_11, %dma_wait3A_208] : memref<2560x128xi32, #tpu.memory_space<hbm>> -> memref<8x128xi32, #tpu.memory_space<hbm>>
        tpu.wait_dma2 semaphore(%run_scoped3A : memref<!tpu.dma_semaphore, #tpu.memory_space<semaphore_mem>>) src(%dma_wait3A_209 : memref<8x128xi32, #tpu.memory_space<hbm>>) dst(%arg5 : memref<8x128xi32, #tpu.memory_space<vmem>>)
        tpu.yield
      }) : () -> ()
      %dma_start3A = arith.constant 0 : i32
      %dma_start3A_12 = arith.constant 0 : i32
      %dma_start3A_13 = arith.constant 0 : i32
      %dma_start3A_14 = arith.constant 0 : i32
      %dma_start3A_15 = tpu.memref_slice %arg6[%dma_start3A_12, %dma_start3A_13, %dma_start3A_14] : memref<8x128x16xf32, #tpu.memory_space<vmem>> -> memref<1x128x16xf32, #tpu.memory_space<vmem>>
      %dma_start3A_16 = tpu.memref_squeeze %dma_start3A_15 : memref<1x128x16xf32, #tpu.memory_space<vmem>> -> memref<128x16xf32, #tpu.memory_space<vmem>>
      %dma_start3A_17 = arith.constant 0 : i32
      %dma_start3A_18 = tpu.memref_slice %arg5[%dma_start3A, %dma_start3A_17] : memref<8x128xi32, #tpu.memory_space<vmem>> -> memref<1x128xi32, #tpu.memory_space<vmem>>
      %dma_start3A_19 = tpu.memref_squeeze %dma_start3A_18 : memref<1x128xi32, #tpu.memory_space<vmem>> -> memref<128xi32, #tpu.memory_space<vmem>>
      %dma_start3A_20 = arith.constant 0 : i32
      %dma_start3A_21 = arith.constant 0 : i32
      %dma_start3A_22 = tpu.memref_slice %arg2[%dma_start3A_20, %dma_start3A_21] : memref<1000000x16xf32, #tpu.memory_space<hbm>> -> memref<1000000x16xf32, #tpu.memory_space<hbm>>
      tpu.enqueue_indirect_dma source(%dma_start3A_22 : memref<1000000x16xf32, #tpu.memory_space<hbm>>) target(%dma_start3A_16 : memref<128x16xf32, #tpu.memory_space<vmem>>) offsets(%dma_start3A_19 : memref<128xi32, #tpu.memory_space<vmem>>) semaphore(%arg7 : memref<!tpu.dma_semaphore, #tpu.memory_space<semaphore_mem>>)
      %dma_start3A_23 = arith.constant 1 : i32
      %dma_start3A_24 = arith.constant 1 : i32
      %dma_start3A_25 = arith.constant 0 : i32
      %dma_start3A_26 = arith.constant 0 : i32
      %dma_start3A_27 = tpu.memref_slice %arg6[%dma_start3A_24, %dma_start3A_25, %dma_start3A_26] : memref<8x128x16xf32, #tpu.memory_space<vmem>> -> memref<1x128x16xf32, #tpu.memory_space<vmem>>
      %dma_start3A_28 = tpu.memref_squeeze %dma_start3A_27 : memref<1x128x16xf32, #tpu.memory_space<vmem>> -> memref<128x16xf32, #tpu.memory_space<vmem>>
      %dma_start3A_29 = arith.constant 0 : i32
      %dma_start3A_30 = tpu.memref_slice %arg5[%dma_start3A_23, %dma_start3A_29] : memref<8x128xi32, #tpu.memory_space<vmem>> -> memref<1x128xi32, #tpu.memory_space<vmem>>
      %dma_start3A_31 = tpu.memref_squeeze %dma_start3A_30 : memref<1x128xi32, #tpu.memory_space<vmem>> -> memref<128xi32, #tpu.memory_space<vmem>>
      %dma_start3A_32 = arith.constant 0 : i32
      %dma_start3A_33 = arith.constant 0 : i32
      %dma_start3A_34 = tpu.memref_slice %arg2[%dma_start3A_32, %dma_start3A_33] : memref<1000000x16xf32, #tpu.memory_space<hbm>> -> memref<1000000x16xf32, #tpu.memory_space<hbm>>
      tpu.enqueue_indirect_dma source(%dma_start3A_34 : memref<1000000x16xf32, #tpu.memory_space<hbm>>) target(%dma_start3A_28 : memref<128x16xf32, #tpu.memory_space<vmem>>) offsets(%dma_start3A_31 : memref<128xi32, #tpu.memory_space<vmem>>) semaphore(%arg7 : memref<!tpu.dma_semaphore, #tpu.memory_space<semaphore_mem>>)
      %dma_start3A_35 = arith.constant 2 : i32
      %dma_start3A_36 = arith.constant 2 : i32
      %dma_start3A_37 = arith.constant 0 : i32
      %dma_start3A_38 = arith.constant 0 : i32
      %dma_start3A_39 = tpu.memref_slice %arg6[%dma_start3A_36, %dma_start3A_37, %dma_start3A_38] : memref<8x128x16xf32, #tpu.memory_space<vmem>> -> memref<1x128x16xf32, #tpu.memory_space<vmem>>
      %dma_start3A_40 = tpu.memref_squeeze %dma_start3A_39 : memref<1x128x16xf32, #tpu.memory_space<vmem>> -> memref<128x16xf32, #tpu.memory_space<vmem>>
      %dma_start3A_41 = arith.constant 0 : i32
      %dma_start3A_42 = tpu.memref_slice %arg5[%dma_start3A_35, %dma_start3A_41] : memref<8x128xi32, #tpu.memory_space<vmem>> -> memref<1x128xi32, #tpu.memory_space<vmem>>
      %dma_start3A_43 = tpu.memref_squeeze %dma_start3A_42 : memref<1x128xi32, #tpu.memory_space<vmem>> -> memref<128xi32, #tpu.memory_space<vmem>>
      %dma_start3A_44 = arith.constant 0 : i32
      %dma_start3A_45 = arith.constant 0 : i32
      %dma_start3A_46 = tpu.memref_slice %arg2[%dma_start3A_44, %dma_start3A_45] : memref<1000000x16xf32, #tpu.memory_space<hbm>> -> memref<1000000x16xf32, #tpu.memory_space<hbm>>
      tpu.enqueue_indirect_dma source(%dma_start3A_46 : memref<1000000x16xf32, #tpu.memory_space<hbm>>) target(%dma_start3A_40 : memref<128x16xf32, #tpu.memory_space<vmem>>) offsets(%dma_start3A_43 : memref<128xi32, #tpu.memory_space<vmem>>) semaphore(%arg7 : memref<!tpu.dma_semaphore, #tpu.memory_space<semaphore_mem>>)
      %dma_start3A_47 = arith.constant 3 : i32
      %dma_start3A_48 = arith.constant 3 : i32
      %dma_start3A_49 = arith.constant 0 : i32
      %dma_start3A_50 = arith.constant 0 : i32
      %dma_start3A_51 = tpu.memref_slice %arg6[%dma_start3A_48, %dma_start3A_49, %dma_start3A_50] : memref<8x128x16xf32, #tpu.memory_space<vmem>> -> memref<1x128x16xf32, #tpu.memory_space<vmem>>
      %dma_start3A_52 = tpu.memref_squeeze %dma_start3A_51 : memref<1x128x16xf32, #tpu.memory_space<vmem>> -> memref<128x16xf32, #tpu.memory_space<vmem>>
      %dma_start3A_53 = arith.constant 0 : i32
      %dma_start3A_54 = tpu.memref_slice %arg5[%dma_start3A_47, %dma_start3A_53] : memref<8x128xi32, #tpu.memory_space<vmem>> -> memref<1x128xi32, #tpu.memory_space<vmem>>
      %dma_start3A_55 = tpu.memref_squeeze %dma_start3A_54 : memref<1x128xi32, #tpu.memory_space<vmem>> -> memref<128xi32, #tpu.memory_space<vmem>>
      %dma_start3A_56 = arith.constant 0 : i32
      %dma_start3A_57 = arith.constant 0 : i32
      %dma_start3A_58 = tpu.memref_slice %arg2[%dma_start3A_56, %dma_start3A_57] : memref<1000000x16xf32, #tpu.memory_space<hbm>> -> memref<1000000x16xf32, #tpu.memory_space<hbm>>
      tpu.enqueue_indirect_dma source(%dma_start3A_58 : memref<1000000x16xf32, #tpu.memory_space<hbm>>) target(%dma_start3A_52 : memref<128x16xf32, #tpu.memory_space<vmem>>) offsets(%dma_start3A_55 : memref<128xi32, #tpu.memory_space<vmem>>) semaphore(%arg7 : memref<!tpu.dma_semaphore, #tpu.memory_space<semaphore_mem>>)
      %dma_start3A_59 = arith.constant 4 : i32
      %dma_start3A_60 = arith.constant 4 : i32
      %dma_start3A_61 = arith.constant 0 : i32
      %dma_start3A_62 = arith.constant 0 : i32
      %dma_start3A_63 = tpu.memref_slice %arg6[%dma_start3A_60, %dma_start3A_61, %dma_start3A_62] : memref<8x128x16xf32, #tpu.memory_space<vmem>> -> memref<1x128x16xf32, #tpu.memory_space<vmem>>
      %dma_start3A_64 = tpu.memref_squeeze %dma_start3A_63 : memref<1x128x16xf32, #tpu.memory_space<vmem>> -> memref<128x16xf32, #tpu.memory_space<vmem>>
      %dma_start3A_65 = arith.constant 0 : i32
      %dma_start3A_66 = tpu.memref_slice %arg5[%dma_start3A_59, %dma_start3A_65] : memref<8x128xi32, #tpu.memory_space<vmem>> -> memref<1x128xi32, #tpu.memory_space<vmem>>
      %dma_start3A_67 = tpu.memref_squeeze %dma_start3A_66 : memref<1x128xi32, #tpu.memory_space<vmem>> -> memref<128xi32, #tpu.memory_space<vmem>>
      %dma_start3A_68 = arith.constant 0 : i32
      %dma_start3A_69 = arith.constant 0 : i32
      %dma_start3A_70 = tpu.memref_slice %arg2[%dma_start3A_68, %dma_start3A_69] : memref<1000000x16xf32, #tpu.memory_space<hbm>> -> memref<1000000x16xf32, #tpu.memory_space<hbm>>
      tpu.enqueue_indirect_dma source(%dma_start3A_70 : memref<1000000x16xf32, #tpu.memory_space<hbm>>) target(%dma_start3A_64 : memref<128x16xf32, #tpu.memory_space<vmem>>) offsets(%dma_start3A_67 : memref<128xi32, #tpu.memory_space<vmem>>) semaphore(%arg7 : memref<!tpu.dma_semaphore, #tpu.memory_space<semaphore_mem>>)
      %dma_start3A_71 = arith.constant 5 : i32
      %dma_start3A_72 = arith.constant 5 : i32
      %dma_start3A_73 = arith.constant 0 : i32
      %dma_start3A_74 = arith.constant 0 : i32
      %dma_start3A_75 = tpu.memref_slice %arg6[%dma_start3A_72, %dma_start3A_73, %dma_start3A_74] : memref<8x128x16xf32, #tpu.memory_space<vmem>> -> memref<1x128x16xf32, #tpu.memory_space<vmem>>
      %dma_start3A_76 = tpu.memref_squeeze %dma_start3A_75 : memref<1x128x16xf32, #tpu.memory_space<vmem>> -> memref<128x16xf32, #tpu.memory_space<vmem>>
      %dma_start3A_77 = arith.constant 0 : i32
      %dma_start3A_78 = tpu.memref_slice %arg5[%dma_start3A_71, %dma_start3A_77] : memref<8x128xi32, #tpu.memory_space<vmem>> -> memref<1x128xi32, #tpu.memory_space<vmem>>
      %dma_start3A_79 = tpu.memref_squeeze %dma_start3A_78 : memref<1x128xi32, #tpu.memory_space<vmem>> -> memref<128xi32, #tpu.memory_space<vmem>>
      %dma_start3A_80 = arith.constant 0 : i32
      %dma_start3A_81 = arith.constant 0 : i32
      %dma_start3A_82 = tpu.memref_slice %arg2[%dma_start3A_80, %dma_start3A_81] : memref<1000000x16xf32, #tpu.memory_space<hbm>> -> memref<1000000x16xf32, #tpu.memory_space<hbm>>
      tpu.enqueue_indirect_dma source(%dma_start3A_82 : memref<1000000x16xf32, #tpu.memory_space<hbm>>) target(%dma_start3A_76 : memref<128x16xf32, #tpu.memory_space<vmem>>) offsets(%dma_start3A_79 : memref<128xi32, #tpu.memory_space<vmem>>) semaphore(%arg7 : memref<!tpu.dma_semaphore, #tpu.memory_space<semaphore_mem>>)
      %dma_start3A_83 = arith.constant 6 : i32
      %dma_start3A_84 = arith.constant 6 : i32
      %dma_start3A_85 = arith.constant 0 : i32
      %dma_start3A_86 = arith.constant 0 : i32
      %dma_start3A_87 = tpu.memref_slice %arg6[%dma_start3A_84, %dma_start3A_85, %dma_start3A_86] : memref<8x128x16xf32, #tpu.memory_space<vmem>> -> memref<1x128x16xf32, #tpu.memory_space<vmem>>
      %dma_start3A_88 = tpu.memref_squeeze %dma_start3A_87 : memref<1x128x16xf32, #tpu.memory_space<vmem>> -> memref<128x16xf32, #tpu.memory_space<vmem>>
      %dma_start3A_89 = arith.constant 0 : i32
      %dma_start3A_90 = tpu.memref_slice %arg5[%dma_start3A_83, %dma_start3A_89] : memref<8x128xi32, #tpu.memory_space<vmem>> -> memref<1x128xi32, #tpu.memory_space<vmem>>
      %dma_start3A_91 = tpu.memref_squeeze %dma_start3A_90 : memref<1x128xi32, #tpu.memory_space<vmem>> -> memref<128xi32, #tpu.memory_space<vmem>>
      %dma_start3A_92 = arith.constant 0 : i32
      %dma_start3A_93 = arith.constant 0 : i32
      %dma_start3A_94 = tpu.memref_slice %arg2[%dma_start3A_92, %dma_start3A_93] : memref<1000000x16xf32, #tpu.memory_space<hbm>> -> memref<1000000x16xf32, #tpu.memory_space<hbm>>
      tpu.enqueue_indirect_dma source(%dma_start3A_94 : memref<1000000x16xf32, #tpu.memory_space<hbm>>) target(%dma_start3A_88 : memref<128x16xf32, #tpu.memory_space<vmem>>) offsets(%dma_start3A_91 : memref<128xi32, #tpu.memory_space<vmem>>) semaphore(%arg7 : memref<!tpu.dma_semaphore, #tpu.memory_space<semaphore_mem>>)
      %dma_start3A_95 = arith.constant 7 : i32
      %dma_start3A_96 = arith.constant 7 : i32
      %dma_start3A_97 = arith.constant 0 : i32
      %dma_start3A_98 = arith.constant 0 : i32
      %dma_start3A_99 = tpu.memref_slice %arg6[%dma_start3A_96, %dma_start3A_97, %dma_start3A_98] : memref<8x128x16xf32, #tpu.memory_space<vmem>> -> memref<1x128x16xf32, #tpu.memory_space<vmem>>
      %dma_start3A_100 = tpu.memref_squeeze %dma_start3A_99 : memref<1x128x16xf32, #tpu.memory_space<vmem>> -> memref<128x16xf32, #tpu.memory_space<vmem>>
      %dma_start3A_101 = arith.constant 0 : i32
      %dma_start3A_102 = tpu.memref_slice %arg5[%dma_start3A_95, %dma_start3A_101] : memref<8x128xi32, #tpu.memory_space<vmem>> -> memref<1x128xi32, #tpu.memory_space<vmem>>
      %dma_start3A_103 = tpu.memref_squeeze %dma_start3A_102 : memref<1x128xi32, #tpu.memory_space<vmem>> -> memref<128xi32, #tpu.memory_space<vmem>>
      %dma_start3A_104 = arith.constant 0 : i32
      %dma_start3A_105 = arith.constant 0 : i32
      %dma_start3A_106 = tpu.memref_slice %arg2[%dma_start3A_104, %dma_start3A_105] : memref<1000000x16xf32, #tpu.memory_space<hbm>> -> memref<1000000x16xf32, #tpu.memory_space<hbm>>
      tpu.enqueue_indirect_dma source(%dma_start3A_106 : memref<1000000x16xf32, #tpu.memory_space<hbm>>) target(%dma_start3A_100 : memref<128x16xf32, #tpu.memory_space<vmem>>) offsets(%dma_start3A_103 : memref<128xi32, #tpu.memory_space<vmem>>) semaphore(%arg7 : memref<!tpu.dma_semaphore, #tpu.memory_space<semaphore_mem>>)
      %dma_wait3A = arith.constant 0 : i32
      %dma_wait3A_107 = arith.constant 0 : i32
      %dma_wait3A_108 = arith.constant 0 : i32
      %dma_wait3A_109 = arith.constant 0 : i32
      %dma_wait3A_110 = tpu.memref_slice %arg6[%dma_wait3A_107, %dma_wait3A_108, %dma_wait3A_109] : memref<8x128x16xf32, #tpu.memory_space<vmem>> -> memref<1x128x16xf32, #tpu.memory_space<vmem>>
      %dma_wait3A_111 = tpu.memref_squeeze %dma_wait3A_110 : memref<1x128x16xf32, #tpu.memory_space<vmem>> -> memref<128x16xf32, #tpu.memory_space<vmem>>
      %dma_wait3A_112 = arith.constant 0 : i32
      %dma_wait3A_113 = tpu.memref_slice %arg5[%dma_wait3A, %dma_wait3A_112] : memref<8x128xi32, #tpu.memory_space<vmem>> -> memref<1x128xi32, #tpu.memory_space<vmem>>
      %dma_wait3A_114 = tpu.memref_squeeze %dma_wait3A_113 : memref<1x128xi32, #tpu.memory_space<vmem>> -> memref<128xi32, #tpu.memory_space<vmem>>
      %dma_wait3A_115 = arith.constant 0 : i32
      %dma_wait3A_116 = arith.constant 0 : i32
      %dma_wait3A_117 = tpu.memref_slice %arg2[%dma_wait3A_115, %dma_wait3A_116] : memref<1000000x16xf32, #tpu.memory_space<hbm>> -> memref<1000000x16xf32, #tpu.memory_space<hbm>>
      tpu.wait_indirect_dma semaphore(%arg7 : memref<!tpu.dma_semaphore, #tpu.memory_space<semaphore_mem>>) src(%dma_wait3A_117 : memref<1000000x16xf32, #tpu.memory_space<hbm>>) dst(%dma_wait3A_111 : memref<128x16xf32, #tpu.memory_space<vmem>>)
      %dma_wait3A_118 = arith.constant 1 : i32
      %dma_wait3A_119 = arith.constant 1 : i32
      %dma_wait3A_120 = arith.constant 0 : i32
      %dma_wait3A_121 = arith.constant 0 : i32
      %dma_wait3A_122 = tpu.memref_slice %arg6[%dma_wait3A_119, %dma_wait3A_120, %dma_wait3A_121] : memref<8x128x16xf32, #tpu.memory_space<vmem>> -> memref<1x128x16xf32, #tpu.memory_space<vmem>>
      %dma_wait3A_123 = tpu.memref_squeeze %dma_wait3A_122 : memref<1x128x16xf32, #tpu.memory_space<vmem>> -> memref<128x16xf32, #tpu.memory_space<vmem>>
      %dma_wait3A_124 = arith.constant 0 : i32
      %dma_wait3A_125 = tpu.memref_slice %arg5[%dma_wait3A_118, %dma_wait3A_124] : memref<8x128xi32, #tpu.memory_space<vmem>> -> memref<1x128xi32, #tpu.memory_space<vmem>>
      %dma_wait3A_126 = tpu.memref_squeeze %dma_wait3A_125 : memref<1x128xi32, #tpu.memory_space<vmem>> -> memref<128xi32, #tpu.memory_space<vmem>>
      %dma_wait3A_127 = arith.constant 0 : i32
      %dma_wait3A_128 = arith.constant 0 : i32
      %dma_wait3A_129 = tpu.memref_slice %arg2[%dma_wait3A_127, %dma_wait3A_128] : memref<1000000x16xf32, #tpu.memory_space<hbm>> -> memref<1000000x16xf32, #tpu.memory_space<hbm>>
      tpu.wait_indirect_dma semaphore(%arg7 : memref<!tpu.dma_semaphore, #tpu.memory_space<semaphore_mem>>) src(%dma_wait3A_129 : memref<1000000x16xf32, #tpu.memory_space<hbm>>) dst(%dma_wait3A_123 : memref<128x16xf32, #tpu.memory_space<vmem>>)
      %dma_wait3A_130 = arith.constant 2 : i32
      %dma_wait3A_131 = arith.constant 2 : i32
      %dma_wait3A_132 = arith.constant 0 : i32
      %dma_wait3A_133 = arith.constant 0 : i32
      %dma_wait3A_134 = tpu.memref_slice %arg6[%dma_wait3A_131, %dma_wait3A_132, %dma_wait3A_133] : memref<8x128x16xf32, #tpu.memory_space<vmem>> -> memref<1x128x16xf32, #tpu.memory_space<vmem>>
      %dma_wait3A_135 = tpu.memref_squeeze %dma_wait3A_134 : memref<1x128x16xf32, #tpu.memory_space<vmem>> -> memref<128x16xf32, #tpu.memory_space<vmem>>
      %dma_wait3A_136 = arith.constant 0 : i32
      %dma_wait3A_137 = tpu.memref_slice %arg5[%dma_wait3A_130, %dma_wait3A_136] : memref<8x128xi32, #tpu.memory_space<vmem>> -> memref<1x128xi32, #tpu.memory_space<vmem>>
      %dma_wait3A_138 = tpu.memref_squeeze %dma_wait3A_137 : memref<1x128xi32, #tpu.memory_space<vmem>> -> memref<128xi32, #tpu.memory_space<vmem>>
      %dma_wait3A_139 = arith.constant 0 : i32
      %dma_wait3A_140 = arith.constant 0 : i32
      %dma_wait3A_141 = tpu.memref_slice %arg2[%dma_wait3A_139, %dma_wait3A_140] : memref<1000000x16xf32, #tpu.memory_space<hbm>> -> memref<1000000x16xf32, #tpu.memory_space<hbm>>
      tpu.wait_indirect_dma semaphore(%arg7 : memref<!tpu.dma_semaphore, #tpu.memory_space<semaphore_mem>>) src(%dma_wait3A_141 : memref<1000000x16xf32, #tpu.memory_space<hbm>>) dst(%dma_wait3A_135 : memref<128x16xf32, #tpu.memory_space<vmem>>)
      %dma_wait3A_142 = arith.constant 3 : i32
      %dma_wait3A_143 = arith.constant 3 : i32
      %dma_wait3A_144 = arith.constant 0 : i32
      %dma_wait3A_145 = arith.constant 0 : i32
      %dma_wait3A_146 = tpu.memref_slice %arg6[%dma_wait3A_143, %dma_wait3A_144, %dma_wait3A_145] : memref<8x128x16xf32, #tpu.memory_space<vmem>> -> memref<1x128x16xf32, #tpu.memory_space<vmem>>
      %dma_wait3A_147 = tpu.memref_squeeze %dma_wait3A_146 : memref<1x128x16xf32, #tpu.memory_space<vmem>> -> memref<128x16xf32, #tpu.memory_space<vmem>>
      %dma_wait3A_148 = arith.constant 0 : i32
      %dma_wait3A_149 = tpu.memref_slice %arg5[%dma_wait3A_142, %dma_wait3A_148] : memref<8x128xi32, #tpu.memory_space<vmem>> -> memref<1x128xi32, #tpu.memory_space<vmem>>
      %dma_wait3A_150 = tpu.memref_squeeze %dma_wait3A_149 : memref<1x128xi32, #tpu.memory_space<vmem>> -> memref<128xi32, #tpu.memory_space<vmem>>
      %dma_wait3A_151 = arith.constant 0 : i32
      %dma_wait3A_152 = arith.constant 0 : i32
      %dma_wait3A_153 = tpu.memref_slice %arg2[%dma_wait3A_151, %dma_wait3A_152] : memref<1000000x16xf32, #tpu.memory_space<hbm>> -> memref<1000000x16xf32, #tpu.memory_space<hbm>>
      tpu.wait_indirect_dma semaphore(%arg7 : memref<!tpu.dma_semaphore, #tpu.memory_space<semaphore_mem>>) src(%dma_wait3A_153 : memref<1000000x16xf32, #tpu.memory_space<hbm>>) dst(%dma_wait3A_147 : memref<128x16xf32, #tpu.memory_space<vmem>>)
      %dma_wait3A_154 = arith.constant 4 : i32
      %dma_wait3A_155 = arith.constant 4 : i32
      %dma_wait3A_156 = arith.constant 0 : i32
      %dma_wait3A_157 = arith.constant 0 : i32
      %dma_wait3A_158 = tpu.memref_slice %arg6[%dma_wait3A_155, %dma_wait3A_156, %dma_wait3A_157] : memref<8x128x16xf32, #tpu.memory_space<vmem>> -> memref<1x128x16xf32, #tpu.memory_space<vmem>>
      %dma_wait3A_159 = tpu.memref_squeeze %dma_wait3A_158 : memref<1x128x16xf32, #tpu.memory_space<vmem>> -> memref<128x16xf32, #tpu.memory_space<vmem>>
      %dma_wait3A_160 = arith.constant 0 : i32
      %dma_wait3A_161 = tpu.memref_slice %arg5[%dma_wait3A_154, %dma_wait3A_160] : memref<8x128xi32, #tpu.memory_space<vmem>> -> memref<1x128xi32, #tpu.memory_space<vmem>>
      %dma_wait3A_162 = tpu.memref_squeeze %dma_wait3A_161 : memref<1x128xi32, #tpu.memory_space<vmem>> -> memref<128xi32, #tpu.memory_space<vmem>>
      %dma_wait3A_163 = arith.constant 0 : i32
      %dma_wait3A_164 = arith.constant 0 : i32
      %dma_wait3A_165 = tpu.memref_slice %arg2[%dma_wait3A_163, %dma_wait3A_164] : memref<1000000x16xf32, #tpu.memory_space<hbm>> -> memref<1000000x16xf32, #tpu.memory_space<hbm>>
      tpu.wait_indirect_dma semaphore(%arg7 : memref<!tpu.dma_semaphore, #tpu.memory_space<semaphore_mem>>) src(%dma_wait3A_165 : memref<1000000x16xf32, #tpu.memory_space<hbm>>) dst(%dma_wait3A_159 : memref<128x16xf32, #tpu.memory_space<vmem>>)
      %dma_wait3A_166 = arith.constant 5 : i32
      %dma_wait3A_167 = arith.constant 5 : i32
      %dma_wait3A_168 = arith.constant 0 : i32
      %dma_wait3A_169 = arith.constant 0 : i32
      %dma_wait3A_170 = tpu.memref_slice %arg6[%dma_wait3A_167, %dma_wait3A_168, %dma_wait3A_169] : memref<8x128x16xf32, #tpu.memory_space<vmem>> -> memref<1x128x16xf32, #tpu.memory_space<vmem>>
      %dma_wait3A_171 = tpu.memref_squeeze %dma_wait3A_170 : memref<1x128x16xf32, #tpu.memory_space<vmem>> -> memref<128x16xf32, #tpu.memory_space<vmem>>
      %dma_wait3A_172 = arith.constant 0 : i32
      %dma_wait3A_173 = tpu.memref_slice %arg5[%dma_wait3A_166, %dma_wait3A_172] : memref<8x128xi32, #tpu.memory_space<vmem>> -> memref<1x128xi32, #tpu.memory_space<vmem>>
      %dma_wait3A_174 = tpu.memref_squeeze %dma_wait3A_173 : memref<1x128xi32, #tpu.memory_space<vmem>> -> memref<128xi32, #tpu.memory_space<vmem>>
      %dma_wait3A_175 = arith.constant 0 : i32
      %dma_wait3A_176 = arith.constant 0 : i32
      %dma_wait3A_177 = tpu.memref_slice %arg2[%dma_wait3A_175, %dma_wait3A_176] : memref<1000000x16xf32, #tpu.memory_space<hbm>> -> memref<1000000x16xf32, #tpu.memory_space<hbm>>
      tpu.wait_indirect_dma semaphore(%arg7 : memref<!tpu.dma_semaphore, #tpu.memory_space<semaphore_mem>>) src(%dma_wait3A_177 : memref<1000000x16xf32, #tpu.memory_space<hbm>>) dst(%dma_wait3A_171 : memref<128x16xf32, #tpu.memory_space<vmem>>)
      %dma_wait3A_178 = arith.constant 6 : i32
      %dma_wait3A_179 = arith.constant 6 : i32
      %dma_wait3A_180 = arith.constant 0 : i32
      %dma_wait3A_181 = arith.constant 0 : i32
      %dma_wait3A_182 = tpu.memref_slice %arg6[%dma_wait3A_179, %dma_wait3A_180, %dma_wait3A_181] : memref<8x128x16xf32, #tpu.memory_space<vmem>> -> memref<1x128x16xf32, #tpu.memory_space<vmem>>
      %dma_wait3A_183 = tpu.memref_squeeze %dma_wait3A_182 : memref<1x128x16xf32, #tpu.memory_space<vmem>> -> memref<128x16xf32, #tpu.memory_space<vmem>>
      %dma_wait3A_184 = arith.constant 0 : i32
      %dma_wait3A_185 = tpu.memref_slice %arg5[%dma_wait3A_178, %dma_wait3A_184] : memref<8x128xi32, #tpu.memory_space<vmem>> -> memref<1x128xi32, #tpu.memory_space<vmem>>
      %dma_wait3A_186 = tpu.memref_squeeze %dma_wait3A_185 : memref<1x128xi32, #tpu.memory_space<vmem>> -> memref<128xi32, #tpu.memory_space<vmem>>
      %dma_wait3A_187 = arith.constant 0 : i32
      %dma_wait3A_188 = arith.constant 0 : i32
      %dma_wait3A_189 = tpu.memref_slice %arg2[%dma_wait3A_187, %dma_wait3A_188] : memref<1000000x16xf32, #tpu.memory_space<hbm>> -> memref<1000000x16xf32, #tpu.memory_space<hbm>>
      tpu.wait_indirect_dma semaphore(%arg7 : memref<!tpu.dma_semaphore, #tpu.memory_space<semaphore_mem>>) src(%dma_wait3A_189 : memref<1000000x16xf32, #tpu.memory_space<hbm>>) dst(%dma_wait3A_183 : memref<128x16xf32, #tpu.memory_space<vmem>>)
      %dma_wait3A_190 = arith.constant 7 : i32
      %dma_wait3A_191 = arith.constant 7 : i32
      %dma_wait3A_192 = arith.constant 0 : i32
      %dma_wait3A_193 = arith.constant 0 : i32
      %dma_wait3A_194 = tpu.memref_slice %arg6[%dma_wait3A_191, %dma_wait3A_192, %dma_wait3A_193] : memref<8x128x16xf32, #tpu.memory_space<vmem>> -> memref<1x128x16xf32, #tpu.memory_space<vmem>>
      %dma_wait3A_195 = tpu.memref_squeeze %dma_wait3A_194 : memref<1x128x16xf32, #tpu.memory_space<vmem>> -> memref<128x16xf32, #tpu.memory_space<vmem>>
      %dma_wait3A_196 = arith.constant 0 : i32
      %dma_wait3A_197 = tpu.memref_slice %arg5[%dma_wait3A_190, %dma_wait3A_196] : memref<8x128xi32, #tpu.memory_space<vmem>> -> memref<1x128xi32, #tpu.memory_space<vmem>>
      %dma_wait3A_198 = tpu.memref_squeeze %dma_wait3A_197 : memref<1x128xi32, #tpu.memory_space<vmem>> -> memref<128xi32, #tpu.memory_space<vmem>>
      %dma_wait3A_199 = arith.constant 0 : i32
      %dma_wait3A_200 = arith.constant 0 : i32
      %dma_wait3A_201 = tpu.memref_slice %arg2[%dma_wait3A_199, %dma_wait3A_200] : memref<1000000x16xf32, #tpu.memory_space<hbm>> -> memref<1000000x16xf32, #tpu.memory_space<hbm>>
      tpu.wait_indirect_dma semaphore(%arg7 : memref<!tpu.dma_semaphore, #tpu.memory_space<semaphore_mem>>) src(%dma_wait3A_201 : memref<1000000x16xf32, #tpu.memory_space<hbm>>) dst(%dma_wait3A_195 : memref<128x16xf32, #tpu.memory_space<vmem>>)
      "tpu.region"() ({
        %run_scoped3A = tpu.sem_alloc : memref<!tpu.dma_semaphore, #tpu.memory_space<semaphore_mem>>
        %dma_start3A_202 = arith.constant 0 : i32
        %dma_start3A_203 = arith.constant 0 : i32
        %dma_start3A_204 = tpu.memref_slice %arg4[%add3A_11, %dma_start3A_202, %dma_start3A_203] : memref<2560x128x16xf32, #tpu.memory_space<hbm>> -> memref<8x128x16xf32, #tpu.memory_space<hbm>>
        %dma_start3A_205 = arith.constant 0 : i32
        %dma_start3A_206 = arith.constant 0 : i32
        %dma_start3A_207 = tpu.memref_slice %arg4[%add3A_11, %dma_start3A_205, %dma_start3A_206] : memref<2560x128x16xf32, #tpu.memory_space<hbm>> -> memref<8x128x16xf32, #tpu.memory_space<hbm>>
        tpu.enqueue_dma source(%arg6 : memref<8x128x16xf32, #tpu.memory_space<vmem>>) target(%dma_start3A_207 : memref<8x128x16xf32, #tpu.memory_space<hbm>>) target_semaphore(%run_scoped3A : memref<!tpu.dma_semaphore, #tpu.memory_space<semaphore_mem>>)
        %dma_wait3A_208 = arith.constant 0 : i32
        %dma_wait3A_209 = arith.constant 0 : i32
        %dma_wait3A_210 = tpu.memref_slice %arg4[%add3A_11, %dma_wait3A_208, %dma_wait3A_209] : memref<2560x128x16xf32, #tpu.memory_space<hbm>> -> memref<8x128x16xf32, #tpu.memory_space<hbm>>
        %dma_wait3A_211 = arith.constant 0 : i32
        %dma_wait3A_212 = arith.constant 0 : i32
        %dma_wait3A_213 = tpu.memref_slice %arg4[%add3A_11, %dma_wait3A_211, %dma_wait3A_212] : memref<2560x128x16xf32, #tpu.memory_space<hbm>> -> memref<8x128x16xf32, #tpu.memory_space<hbm>>
        tpu.wait_dma2 semaphore(%run_scoped3A : memref<!tpu.dma_semaphore, #tpu.memory_space<semaphore_mem>>) src(%arg6 : memref<8x128x16xf32, #tpu.memory_space<vmem>>) dst(%dma_wait3A_213 : memref<8x128x16xf32, #tpu.memory_space<hbm>>)
        tpu.yield
      }) : () -> ()
    }
    %scan3A_7 = arith.constant 10 : i32
    return
  }
}

#map = affine_map<(d0, d1) -> (0, 0)>
#map1 = affine_map<(d0, d1) -> (0, 0, 0)>
module attributes {stable_mosaic.version = 14 : i64} {
  func.func @gather_kernel(%arg0: i32, %arg1: i32, %arg2: memref<1000000x16xf32, #tpu.memory_space<hbm>>, %arg3: memref<2560x128xi32, #tpu.memory_space<hbm>>, %arg4: memref<2560x128x16xf32, #tpu.memory_space<hbm>>, %arg5: memref<8x128xi32, #tpu.memory_space<vmem>>, %arg6: memref<8x128x16xf32, #tpu.memory_space<vmem>>, %arg7: memref<!tpu.dma_semaphore, #tpu.memory_space<semaphore_mem>>) attributes {dimension_semantics = [#tpu.dimension_semantics<core_parallel>, #tpu.dimension_semantics<subcore_parallel>], iteration_bounds = array<i64: 2, 16>, scalar_prefetch = 0 : i64, scratch_operands = 3 : i64, tpu.core_type = #tpu.core_type<sc_vector_subcore>, window_params = [{transform_indices = #map}, {transform_indices = #map}, {transform_indices = #map1}]} {
    %mul3A = arith.constant 2 : i32
    %mul3A_0 = arith.muli %arg1, %mul3A : i32
    %add3A = arith.addi %mul3A_0, %arg0 : i32
    %mul3A_1 = arith.constant 80 : i32
    %mul3A_2 = arith.muli %add3A, %mul3A_1 : i32
    %scan3A = arith.constant 0 : i32
    %scan3A_3 = arith.constant 0 : i32
    %scan3A_4 = arith.constant 10 : i32
    %scan3A_5 = arith.addi %scan3A_3, %scan3A_4 : i32
    %scan3A_6 = arith.constant 1 : i32
    scf.for %scan3A_8 = %scan3A_3 to %scan3A_5 step %scan3A_6  : i32 {
      %mul3A_9 = arith.constant 8 : i32
      %mul3A_10 = arith.muli %scan3A_8, %mul3A_9 : i32
      %add3A_11 = arith.addi %mul3A_2, %mul3A_10 : i32
      "tpu.region"() ({
        %run_scoped3A = tpu.sem_alloc : memref<!tpu.dma_semaphore, #tpu.memory_space<semaphore_mem>>
        %dma_start3A_202 = arith.constant 0 : i32
        %dma_start3A_203 = tpu.memref_slice %arg3[%add3A_11, %dma_start3A_202] : memref<2560x128xi32, #tpu.memory_space<hbm>> -> memref<8x128xi32, #tpu.memory_space<hbm>>
        %dma_start3A_204 = arith.constant 0 : i32
        %dma_start3A_205 = tpu.memref_slice %arg3[%add3A_11, %dma_start3A_204] : memref<2560x128xi32, #tpu.memory_space<hbm>> -> memref<8x128xi32, #tpu.memory_space<hbm>>
        tpu.enqueue_dma source(%dma_start3A_205 : memref<8x128xi32, #tpu.memory_space<hbm>>) target(%arg5 : memref<8x128xi32, #tpu.memory_space<vmem>>) target_semaphore(%run_scoped3A : memref<!tpu.dma_semaphore, #tpu.memory_space<semaphore_mem>>)
        %dma_wait3A_206 = arith.constant 0 : i32
        %dma_wait3A_207 = tpu.memref_slice %arg3[%add3A_11, %dma_wait3A_206] : memref<2560x128xi32, #tpu.memory_space<hbm>> -> memref<8x128xi32, #tpu.memory_space<hbm>>
        %dma_wait3A_208 = arith.constant 0 : i32
        %dma_wait3A_209 = tpu.memref_slice %arg3[%add3A_11, %dma_wait3A_208] : memref<2560x128xi32, #tpu.memory_space<hbm>> -> memref<8x128xi32, #tpu.memory_space<hbm>>
        tpu.wait_dma2 semaphore(%run_scoped3A : memref<!tpu.dma_semaphore, #tpu.memory_space<semaphore_mem>>) src(%dma_wait3A_209 : memref<8x128xi32, #tpu.memory_space<hbm>>) dst(%arg5 : memref<8x128xi32, #tpu.memory_space<vmem>>)
        tpu.yield
      }) : () -> ()
      %dma_start3A = arith.constant 0 : i32
      %dma_start3A_12 = arith.constant 0 : i32
      %dma_start3A_13 = arith.constant 0 : i32
      %dma_start3A_14 = arith.constant 0 : i32
      %dma_start3A_15 = tpu.memref_slice %arg6[%dma_start3A_12, %dma_start3A_13, %dma_start3A_14] : memref<8x128x16xf32, #tpu.memory_space<vmem>> -> memref<1x128x16xf32, #tpu.memory_space<vmem>>
      %dma_start3A_16 = tpu.memref_squeeze %dma_start3A_15 : memref<1x128x16xf32, #tpu.memory_space<vmem>> -> memref<128x16xf32, #tpu.memory_space<vmem>>
      %dma_start3A_17 = arith.constant 0 : i32
      %dma_start3A_18 = tpu.memref_slice %arg5[%dma_start3A, %dma_start3A_17] : memref<8x128xi32, #tpu.memory_space<vmem>> -> memref<1x128xi32, #tpu.memory_space<vmem>>
      %dma_start3A_19 = tpu.memref_squeeze %dma_start3A_18 : memref<1x128xi32, #tpu.memory_space<vmem>> -> memref<128xi32, #tpu.memory_space<vmem>>
      %dma_start3A_20 = arith.constant 0 : i32
      %dma_start3A_21 = arith.constant 0 : i32
      %dma_start3A_22 = tpu.memref_slice %arg2[%dma_start3A_20, %dma_start3A_21] : memref<1000000x16xf32, #tpu.memory_space<hbm>> -> memref<1000000x16xf32, #tpu.memory_space<hbm>>
      tpu.enqueue_indirect_dma source(%dma_start3A_22 : memref<1000000x16xf32, #tpu.memory_space<hbm>>) target(%dma_start3A_16 : memref<128x16xf32, #tpu.memory_space<vmem>>) offsets(%dma_start3A_19 : memref<128xi32, #tpu.memory_space<vmem>>) semaphore(%arg7 : memref<!tpu.dma_semaphore, #tpu.memory_space<semaphore_mem>>)
      %dma_start3A_23 = arith.constant 1 : i32
      %dma_start3A_24 = arith.constant 1 : i32
      %dma_start3A_25 = arith.constant 0 : i32
      %dma_start3A_26 = arith.constant 0 : i32
      %dma_start3A_27 = tpu.memref_slice %arg6[%dma_start3A_24, %dma_start3A_25, %dma_start3A_26] : memref<8x128x16xf32, #tpu.memory_space<vmem>> -> memref<1x128x16xf32, #tpu.memory_space<vmem>>
      %dma_start3A_28 = tpu.memref_squeeze %dma_start3A_27 : memref<1x128x16xf32, #tpu.memory_space<vmem>> -> memref<128x16xf32, #tpu.memory_space<vmem>>
      %dma_start3A_29 = arith.constant 0 : i32
      %dma_start3A_30 = tpu.memref_slice %arg5[%dma_start3A_23, %dma_start3A_29] : memref<8x128xi32, #tpu.memory_space<vmem>> -> memref<1x128xi32, #tpu.memory_space<vmem>>
      %dma_start3A_31 = tpu.memref_squeeze %dma_start3A_30 : memref<1x128xi32, #tpu.memory_space<vmem>> -> memref<128xi32, #tpu.memory_space<vmem>>
      %dma_start3A_32 = arith.constant 0 : i32
      %dma_start3A_33 = arith.constant 0 : i32
      %dma_start3A_34 = tpu.memref_slice %arg2[%dma_start3A_32, %dma_start3A_33] : memref<1000000x16xf32, #tpu.memory_space<hbm>> -> memref<1000000x16xf32, #tpu.memory_space<hbm>>
      tpu.enqueue_indirect_dma source(%dma_start3A_34 : memref<1000000x16xf32, #tpu.memory_space<hbm>>) target(%dma_start3A_28 : memref<128x16xf32, #tpu.memory_space<vmem>>) offsets(%dma_start3A_31 : memref<128xi32, #tpu.memory_space<vmem>>) semaphore(%arg7 : memref<!tpu.dma_semaphore, #tpu.memory_space<semaphore_mem>>)
      %dma_start3A_35 = arith.constant 2 : i32
      %dma_start3A_36 = arith.constant 2 : i32
      %dma_start3A_37 = arith.constant 0 : i32
      %dma_start3A_38 = arith.constant 0 : i32
      %dma_start3A_39 = tpu.memref_slice %arg6[%dma_start3A_36, %dma_start3A_37, %dma_start3A_38] : memref<8x128x16xf32, #tpu.memory_space<vmem>> -> memref<1x128x16xf32, #tpu.memory_space<vmem>>
      %dma_start3A_40 = tpu.memref_squeeze %dma_start3A_39 : memref<1x128x16xf32, #tpu.memory_space<vmem>> -> memref<128x16xf32, #tpu.memory_space<vmem>>
      %dma_start3A_41 = arith.constant 0 : i32
      %dma_start3A_42 = tpu.memref_slice %arg5[%dma_start3A_35, %dma_start3A_41] : memref<8x128xi32, #tpu.memory_space<vmem>> -> memref<1x128xi32, #tpu.memory_space<vmem>>
      %dma_start3A_43 = tpu.memref_squeeze %dma_start3A_42 : memref<1x128xi32, #tpu.memory_space<vmem>> -> memref<128xi32, #tpu.memory_space<vmem>>
      %dma_start3A_44 = arith.constant 0 : i32
      %dma_start3A_45 = arith.constant 0 : i32
      %dma_start3A_46 = tpu.memref_slice %arg2[%dma_start3A_44, %dma_start3A_45] : memref<1000000x16xf32, #tpu.memory_space<hbm>> -> memref<1000000x16xf32, #tpu.memory_space<hbm>>
      tpu.enqueue_indirect_dma source(%dma_start3A_46 : memref<1000000x16xf32, #tpu.memory_space<hbm>>) target(%dma_start3A_40 : memref<128x16xf32, #tpu.memory_space<vmem>>) offsets(%dma_start3A_43 : memref<128xi32, #tpu.memory_space<vmem>>) semaphore(%arg7 : memref<!tpu.dma_semaphore, #tpu.memory_space<semaphore_mem>>)
      %dma_start3A_47 = arith.constant 3 : i32
      %dma_start3A_48 = arith.constant 3 : i32
      %dma_start3A_49 = arith.constant 0 : i32
      %dma_start3A_50 = arith.constant 0 : i32
      %dma_start3A_51 = tpu.memref_slice %arg6[%dma_start3A_48, %dma_start3A_49, %dma_start3A_50] : memref<8x128x16xf32, #tpu.memory_space<vmem>> -> memref<1x128x16xf32, #tpu.memory_space<vmem>>
      %dma_start3A_52 = tpu.memref_squeeze %dma_start3A_51 : memref<1x128x16xf32, #tpu.memory_space<vmem>> -> memref<128x16xf32, #tpu.memory_space<vmem>>
      %dma_start3A_53 = arith.constant 0 : i32
      %dma_start3A_54 = tpu.memref_slice %arg5[%dma_start3A_47, %dma_start3A_53] : memref<8x128xi32, #tpu.memory_space<vmem>> -> memref<1x128xi32, #tpu.memory_space<vmem>>
      %dma_start3A_55 = tpu.memref_squeeze %dma_start3A_54 : memref<1x128xi32, #tpu.memory_space<vmem>> -> memref<128xi32, #tpu.memory_space<vmem>>
      %dma_start3A_56 = arith.constant 0 : i32
      %dma_start3A_57 = arith.constant 0 : i32
      %dma_start3A_58 = tpu.memref_slice %arg2[%dma_start3A_56, %dma_start3A_57] : memref<1000000x16xf32, #tpu.memory_space<hbm>> -> memref<1000000x16xf32, #tpu.memory_space<hbm>>
      tpu.enqueue_indirect_dma source(%dma_start3A_58 : memref<1000000x16xf32, #tpu.memory_space<hbm>>) target(%dma_start3A_52 : memref<128x16xf32, #tpu.memory_space<vmem>>) offsets(%dma_start3A_55 : memref<128xi32, #tpu.memory_space<vmem>>) semaphore(%arg7 : memref<!tpu.dma_semaphore, #tpu.memory_space<semaphore_mem>>)
      %dma_start3A_59 = arith.constant 4 : i32
      %dma_start3A_60 = arith.constant 4 : i32
      %dma_start3A_61 = arith.constant 0 : i32
      %dma_start3A_62 = arith.constant 0 : i32
      %dma_start3A_63 = tpu.memref_slice %arg6[%dma_start3A_60, %dma_start3A_61, %dma_start3A_62] : memref<8x128x16xf32, #tpu.memory_space<vmem>> -> memref<1x128x16xf32, #tpu.memory_space<vmem>>
      %dma_start3A_64 = tpu.memref_squeeze %dma_start3A_63 : memref<1x128x16xf32, #tpu.memory_space<vmem>> -> memref<128x16xf32, #tpu.memory_space<vmem>>
      %dma_start3A_65 = arith.constant 0 : i32
      %dma_start3A_66 = tpu.memref_slice %arg5[%dma_start3A_59, %dma_start3A_65] : memref<8x128xi32, #tpu.memory_space<vmem>> -> memref<1x128xi32, #tpu.memory_space<vmem>>
      %dma_start3A_67 = tpu.memref_squeeze %dma_start3A_66 : memref<1x128xi32, #tpu.memory_space<vmem>> -> memref<128xi32, #tpu.memory_space<vmem>>
      %dma_start3A_68 = arith.constant 0 : i32
      %dma_start3A_69 = arith.constant 0 : i32
      %dma_start3A_70 = tpu.memref_slice %arg2[%dma_start3A_68, %dma_start3A_69] : memref<1000000x16xf32, #tpu.memory_space<hbm>> -> memref<1000000x16xf32, #tpu.memory_space<hbm>>
      tpu.enqueue_indirect_dma source(%dma_start3A_70 : memref<1000000x16xf32, #tpu.memory_space<hbm>>) target(%dma_start3A_64 : memref<128x16xf32, #tpu.memory_space<vmem>>) offsets(%dma_start3A_67 : memref<128xi32, #tpu.memory_space<vmem>>) semaphore(%arg7 : memref<!tpu.dma_semaphore, #tpu.memory_space<semaphore_mem>>)
      %dma_start3A_71 = arith.constant 5 : i32
      %dma_start3A_72 = arith.constant 5 : i32
      %dma_start3A_73 = arith.constant 0 : i32
      %dma_start3A_74 = arith.constant 0 : i32
      %dma_start3A_75 = tpu.memref_slice %arg6[%dma_start3A_72, %dma_start3A_73, %dma_start3A_74] : memref<8x128x16xf32, #tpu.memory_space<vmem>> -> memref<1x128x16xf32, #tpu.memory_space<vmem>>
      %dma_start3A_76 = tpu.memref_squeeze %dma_start3A_75 : memref<1x128x16xf32, #tpu.memory_space<vmem>> -> memref<128x16xf32, #tpu.memory_space<vmem>>
      %dma_start3A_77 = arith.constant 0 : i32
      %dma_start3A_78 = tpu.memref_slice %arg5[%dma_start3A_71, %dma_start3A_77] : memref<8x128xi32, #tpu.memory_space<vmem>> -> memref<1x128xi32, #tpu.memory_space<vmem>>
      %dma_start3A_79 = tpu.memref_squeeze %dma_start3A_78 : memref<1x128xi32, #tpu.memory_space<vmem>> -> memref<128xi32, #tpu.memory_space<vmem>>
      %dma_start3A_80 = arith.constant 0 : i32
      %dma_start3A_81 = arith.constant 0 : i32
      %dma_start3A_82 = tpu.memref_slice %arg2[%dma_start3A_80, %dma_start3A_81] : memref<1000000x16xf32, #tpu.memory_space<hbm>> -> memref<1000000x16xf32, #tpu.memory_space<hbm>>
      tpu.enqueue_indirect_dma source(%dma_start3A_82 : memref<1000000x16xf32, #tpu.memory_space<hbm>>) target(%dma_start3A_76 : memref<128x16xf32, #tpu.memory_space<vmem>>) offsets(%dma_start3A_79 : memref<128xi32, #tpu.memory_space<vmem>>) semaphore(%arg7 : memref<!tpu.dma_semaphore, #tpu.memory_space<semaphore_mem>>)
      %dma_start3A_83 = arith.constant 6 : i32
      %dma_start3A_84 = arith.constant 6 : i32
      %dma_start3A_85 = arith.constant 0 : i32
      %dma_start3A_86 = arith.constant 0 : i32
      %dma_start3A_87 = tpu.memref_slice %arg6[%dma_start3A_84, %dma_start3A_85, %dma_start3A_86] : memref<8x128x16xf32, #tpu.memory_space<vmem>> -> memref<1x128x16xf32, #tpu.memory_space<vmem>>
      %dma_start3A_88 = tpu.memref_squeeze %dma_start3A_87 : memref<1x128x16xf32, #tpu.memory_space<vmem>> -> memref<128x16xf32, #tpu.memory_space<vmem>>
      %dma_start3A_89 = arith.constant 0 : i32
      %dma_start3A_90 = tpu.memref_slice %arg5[%dma_start3A_83, %dma_start3A_89] : memref<8x128xi32, #tpu.memory_space<vmem>> -> memref<1x128xi32, #tpu.memory_space<vmem>>
      %dma_start3A_91 = tpu.memref_squeeze %dma_start3A_90 : memref<1x128xi32, #tpu.memory_space<vmem>> -> memref<128xi32, #tpu.memory_space<vmem>>
      %dma_start3A_92 = arith.constant 0 : i32
      %dma_start3A_93 = arith.constant 0 : i32
      %dma_start3A_94 = tpu.memref_slice %arg2[%dma_start3A_92, %dma_start3A_93] : memref<1000000x16xf32, #tpu.memory_space<hbm>> -> memref<1000000x16xf32, #tpu.memory_space<hbm>>
      tpu.enqueue_indirect_dma source(%dma_start3A_94 : memref<1000000x16xf32, #tpu.memory_space<hbm>>) target(%dma_start3A_88 : memref<128x16xf32, #tpu.memory_space<vmem>>) offsets(%dma_start3A_91 : memref<128xi32, #tpu.memory_space<vmem>>) semaphore(%arg7 : memref<!tpu.dma_semaphore, #tpu.memory_space<semaphore_mem>>)
      %dma_start3A_95 = arith.constant 7 : i32
      %dma_start3A_96 = arith.constant 7 : i32
      %dma_start3A_97 = arith.constant 0 : i32
      %dma_start3A_98 = arith.constant 0 : i32
      %dma_start3A_99 = tpu.memref_slice %arg6[%dma_start3A_96, %dma_start3A_97, %dma_start3A_98] : memref<8x128x16xf32, #tpu.memory_space<vmem>> -> memref<1x128x16xf32, #tpu.memory_space<vmem>>
      %dma_start3A_100 = tpu.memref_squeeze %dma_start3A_99 : memref<1x128x16xf32, #tpu.memory_space<vmem>> -> memref<128x16xf32, #tpu.memory_space<vmem>>
      %dma_start3A_101 = arith.constant 0 : i32
      %dma_start3A_102 = tpu.memref_slice %arg5[%dma_start3A_95, %dma_start3A_101] : memref<8x128xi32, #tpu.memory_space<vmem>> -> memref<1x128xi32, #tpu.memory_space<vmem>>
      %dma_start3A_103 = tpu.memref_squeeze %dma_start3A_102 : memref<1x128xi32, #tpu.memory_space<vmem>> -> memref<128xi32, #tpu.memory_space<vmem>>
      %dma_start3A_104 = arith.constant 0 : i32
      %dma_start3A_105 = arith.constant 0 : i32
      %dma_start3A_106 = tpu.memref_slice %arg2[%dma_start3A_104, %dma_start3A_105] : memref<1000000x16xf32, #tpu.memory_space<hbm>> -> memref<1000000x16xf32, #tpu.memory_space<hbm>>
      tpu.enqueue_indirect_dma source(%dma_start3A_106 : memref<1000000x16xf32, #tpu.memory_space<hbm>>) target(%dma_start3A_100 : memref<128x16xf32, #tpu.memory_space<vmem>>) offsets(%dma_start3A_103 : memref<128xi32, #tpu.memory_space<vmem>>) semaphore(%arg7 : memref<!tpu.dma_semaphore, #tpu.memory_space<semaphore_mem>>)
      %dma_wait3A = arith.constant 0 : i32
      %dma_wait3A_107 = arith.constant 0 : i32
      %dma_wait3A_108 = arith.constant 0 : i32
      %dma_wait3A_109 = arith.constant 0 : i32
      %dma_wait3A_110 = tpu.memref_slice %arg6[%dma_wait3A_107, %dma_wait3A_108, %dma_wait3A_109] : memref<8x128x16xf32, #tpu.memory_space<vmem>> -> memref<1x128x16xf32, #tpu.memory_space<vmem>>
      %dma_wait3A_111 = tpu.memref_squeeze %dma_wait3A_110 : memref<1x128x16xf32, #tpu.memory_space<vmem>> -> memref<128x16xf32, #tpu.memory_space<vmem>>
      %dma_wait3A_112 = arith.constant 0 : i32
      %dma_wait3A_113 = tpu.memref_slice %arg5[%dma_wait3A, %dma_wait3A_112] : memref<8x128xi32, #tpu.memory_space<vmem>> -> memref<1x128xi32, #tpu.memory_space<vmem>>
      %dma_wait3A_114 = tpu.memref_squeeze %dma_wait3A_113 : memref<1x128xi32, #tpu.memory_space<vmem>> -> memref<128xi32, #tpu.memory_space<vmem>>
      %dma_wait3A_115 = arith.constant 0 : i32
      %dma_wait3A_116 = arith.constant 0 : i32
      %dma_wait3A_117 = tpu.memref_slice %arg2[%dma_wait3A_115, %dma_wait3A_116] : memref<1000000x16xf32, #tpu.memory_space<hbm>> -> memref<1000000x16xf32, #tpu.memory_space<hbm>>
      tpu.wait_indirect_dma semaphore(%arg7 : memref<!tpu.dma_semaphore, #tpu.memory_space<semaphore_mem>>) src(%dma_wait3A_117 : memref<1000000x16xf32, #tpu.memory_space<hbm>>) dst(%dma_wait3A_111 : memref<128x16xf32, #tpu.memory_space<vmem>>)
      %dma_wait3A_118 = arith.constant 1 : i32
      %dma_wait3A_119 = arith.constant 1 : i32
      %dma_wait3A_120 = arith.constant 0 : i32
      %dma_wait3A_121 = arith.constant 0 : i32
      %dma_wait3A_122 = tpu.memref_slice %arg6[%dma_wait3A_119, %dma_wait3A_120, %dma_wait3A_121] : memref<8x128x16xf32, #tpu.memory_space<vmem>> -> memref<1x128x16xf32, #tpu.memory_space<vmem>>
      %dma_wait3A_123 = tpu.memref_squeeze %dma_wait3A_122 : memref<1x128x16xf32, #tpu.memory_space<vmem>> -> memref<128x16xf32, #tpu.memory_space<vmem>>
      %dma_wait3A_124 = arith.constant 0 : i32
      %dma_wait3A_125 = tpu.memref_slice %arg5[%dma_wait3A_118, %dma_wait3A_124] : memref<8x128xi32, #tpu.memory_space<vmem>> -> memref<1x128xi32, #tpu.memory_space<vmem>>
      %dma_wait3A_126 = tpu.memref_squeeze %dma_wait3A_125 : memref<1x128xi32, #tpu.memory_space<vmem>> -> memref<128xi32, #tpu.memory_space<vmem>>
      %dma_wait3A_127 = arith.constant 0 : i32
      %dma_wait3A_128 = arith.constant 0 : i32
      %dma_wait3A_129 = tpu.memref_slice %arg2[%dma_wait3A_127, %dma_wait3A_128] : memref<1000000x16xf32, #tpu.memory_space<hbm>> -> memref<1000000x16xf32, #tpu.memory_space<hbm>>
      tpu.wait_indirect_dma semaphore(%arg7 : memref<!tpu.dma_semaphore, #tpu.memory_space<semaphore_mem>>) src(%dma_wait3A_129 : memref<1000000x16xf32, #tpu.memory_space<hbm>>) dst(%dma_wait3A_123 : memref<128x16xf32, #tpu.memory_space<vmem>>)
      %dma_wait3A_130 = arith.constant 2 : i32
      %dma_wait3A_131 = arith.constant 2 : i32
      %dma_wait3A_132 = arith.constant 0 : i32
      %dma_wait3A_133 = arith.constant 0 : i32
      %dma_wait3A_134 = tpu.memref_slice %arg6[%dma_wait3A_131, %dma_wait3A_132, %dma_wait3A_133] : memref<8x128x16xf32, #tpu.memory_space<vmem>> -> memref<1x128x16xf32, #tpu.memory_space<vmem>>
      %dma_wait3A_135 = tpu.memref_squeeze %dma_wait3A_134 : memref<1x128x16xf32, #tpu.memory_space<vmem>> -> memref<128x16xf32, #tpu.memory_space<vmem>>
      %dma_wait3A_136 = arith.constant 0 : i32
      %dma_wait3A_137 = tpu.memref_slice %arg5[%dma_wait3A_130, %dma_wait3A_136] : memref<8x128xi32, #tpu.memory_space<vmem>> -> memref<1x128xi32, #tpu.memory_space<vmem>>
      %dma_wait3A_138 = tpu.memref_squeeze %dma_wait3A_137 : memref<1x128xi32, #tpu.memory_space<vmem>> -> memref<128xi32, #tpu.memory_space<vmem>>
      %dma_wait3A_139 = arith.constant 0 : i32
      %dma_wait3A_140 = arith.constant 0 : i32
      %dma_wait3A_141 = tpu.memref_slice %arg2[%dma_wait3A_139, %dma_wait3A_140] : memref<1000000x16xf32, #tpu.memory_space<hbm>> -> memref<1000000x16xf32, #tpu.memory_space<hbm>>
      tpu.wait_indirect_dma semaphore(%arg7 : memref<!tpu.dma_semaphore, #tpu.memory_space<semaphore_mem>>) src(%dma_wait3A_141 : memref<1000000x16xf32, #tpu.memory_space<hbm>>) dst(%dma_wait3A_135 : memref<128x16xf32, #tpu.memory_space<vmem>>)
      %dma_wait3A_142 = arith.constant 3 : i32
      %dma_wait3A_143 = arith.constant 3 : i32
      %dma_wait3A_144 = arith.constant 0 : i32
      %dma_wait3A_145 = arith.constant 0 : i32
      %dma_wait3A_146 = tpu.memref_slice %arg6[%dma_wait3A_143, %dma_wait3A_144, %dma_wait3A_145] : memref<8x128x16xf32, #tpu.memory_space<vmem>> -> memref<1x128x16xf32, #tpu.memory_space<vmem>>
      %dma_wait3A_147 = tpu.memref_squeeze %dma_wait3A_146 : memref<1x128x16xf32, #tpu.memory_space<vmem>> -> memref<128x16xf32, #tpu.memory_space<vmem>>
      %dma_wait3A_148 = arith.constant 0 : i32
      %dma_wait3A_149 = tpu.memref_slice %arg5[%dma_wait3A_142, %dma_wait3A_148] : memref<8x128xi32, #tpu.memory_space<vmem>> -> memref<1x128xi32, #tpu.memory_space<vmem>>
      %dma_wait3A_150 = tpu.memref_squeeze %dma_wait3A_149 : memref<1x128xi32, #tpu.memory_space<vmem>> -> memref<128xi32, #tpu.memory_space<vmem>>
      %dma_wait3A_151 = arith.constant 0 : i32
      %dma_wait3A_152 = arith.constant 0 : i32
      %dma_wait3A_153 = tpu.memref_slice %arg2[%dma_wait3A_151, %dma_wait3A_152] : memref<1000000x16xf32, #tpu.memory_space<hbm>> -> memref<1000000x16xf32, #tpu.memory_space<hbm>>
      tpu.wait_indirect_dma semaphore(%arg7 : memref<!tpu.dma_semaphore, #tpu.memory_space<semaphore_mem>>) src(%dma_wait3A_153 : memref<1000000x16xf32, #tpu.memory_space<hbm>>) dst(%dma_wait3A_147 : memref<128x16xf32, #tpu.memory_space<vmem>>)
      %dma_wait3A_154 = arith.constant 4 : i32
      %dma_wait3A_155 = arith.constant 4 : i32
      %dma_wait3A_156 = arith.constant 0 : i32
      %dma_wait3A_157 = arith.constant 0 : i32
      %dma_wait3A_158 = tpu.memref_slice %arg6[%dma_wait3A_155, %dma_wait3A_156, %dma_wait3A_157] : memref<8x128x16xf32, #tpu.memory_space<vmem>> -> memref<1x128x16xf32, #tpu.memory_space<vmem>>
      %dma_wait3A_159 = tpu.memref_squeeze %dma_wait3A_158 : memref<1x128x16xf32, #tpu.memory_space<vmem>> -> memref<128x16xf32, #tpu.memory_space<vmem>>
      %dma_wait3A_160 = arith.constant 0 : i32
      %dma_wait3A_161 = tpu.memref_slice %arg5[%dma_wait3A_154, %dma_wait3A_160] : memref<8x128xi32, #tpu.memory_space<vmem>> -> memref<1x128xi32, #tpu.memory_space<vmem>>
      %dma_wait3A_162 = tpu.memref_squeeze %dma_wait3A_161 : memref<1x128xi32, #tpu.memory_space<vmem>> -> memref<128xi32, #tpu.memory_space<vmem>>
      %dma_wait3A_163 = arith.constant 0 : i32
      %dma_wait3A_164 = arith.constant 0 : i32
      %dma_wait3A_165 = tpu.memref_slice %arg2[%dma_wait3A_163, %dma_wait3A_164] : memref<1000000x16xf32, #tpu.memory_space<hbm>> -> memref<1000000x16xf32, #tpu.memory_space<hbm>>
      tpu.wait_indirect_dma semaphore(%arg7 : memref<!tpu.dma_semaphore, #tpu.memory_space<semaphore_mem>>) src(%dma_wait3A_165 : memref<1000000x16xf32, #tpu.memory_space<hbm>>) dst(%dma_wait3A_159 : memref<128x16xf32, #tpu.memory_space<vmem>>)
      %dma_wait3A_166 = arith.constant 5 : i32
      %dma_wait3A_167 = arith.constant 5 : i32
      %dma_wait3A_168 = arith.constant 0 : i32
      %dma_wait3A_169 = arith.constant 0 : i32
      %dma_wait3A_170 = tpu.memref_slice %arg6[%dma_wait3A_167, %dma_wait3A_168, %dma_wait3A_169] : memref<8x128x16xf32, #tpu.memory_space<vmem>> -> memref<1x128x16xf32, #tpu.memory_space<vmem>>
      %dma_wait3A_171 = tpu.memref_squeeze %dma_wait3A_170 : memref<1x128x16xf32, #tpu.memory_space<vmem>> -> memref<128x16xf32, #tpu.memory_space<vmem>>
      %dma_wait3A_172 = arith.constant 0 : i32
      %dma_wait3A_173 = tpu.memref_slice %arg5[%dma_wait3A_166, %dma_wait3A_172] : memref<8x128xi32, #tpu.memory_space<vmem>> -> memref<1x128xi32, #tpu.memory_space<vmem>>
      %dma_wait3A_174 = tpu.memref_squeeze %dma_wait3A_173 : memref<1x128xi32, #tpu.memory_space<vmem>> -> memref<128xi32, #tpu.memory_space<vmem>>
      %dma_wait3A_175 = arith.constant 0 : i32
      %dma_wait3A_176 = arith.constant 0 : i32
      %dma_wait3A_177 = tpu.memref_slice %arg2[%dma_wait3A_175, %dma_wait3A_176] : memref<1000000x16xf32, #tpu.memory_space<hbm>> -> memref<1000000x16xf32, #tpu.memory_space<hbm>>
      tpu.wait_indirect_dma semaphore(%arg7 : memref<!tpu.dma_semaphore, #tpu.memory_space<semaphore_mem>>) src(%dma_wait3A_177 : memref<1000000x16xf32, #tpu.memory_space<hbm>>) dst(%dma_wait3A_171 : memref<128x16xf32, #tpu.memory_space<vmem>>)
      %dma_wait3A_178 = arith.constant 6 : i32
      %dma_wait3A_179 = arith.constant 6 : i32
      %dma_wait3A_180 = arith.constant 0 : i32
      %dma_wait3A_181 = arith.constant 0 : i32
      %dma_wait3A_182 = tpu.memref_slice %arg6[%dma_wait3A_179, %dma_wait3A_180, %dma_wait3A_181] : memref<8x128x16xf32, #tpu.memory_space<vmem>> -> memref<1x128x16xf32, #tpu.memory_space<vmem>>
      %dma_wait3A_183 = tpu.memref_squeeze %dma_wait3A_182 : memref<1x128x16xf32, #tpu.memory_space<vmem>> -> memref<128x16xf32, #tpu.memory_space<vmem>>
      %dma_wait3A_184 = arith.constant 0 : i32
      %dma_wait3A_185 = tpu.memref_slice %arg5[%dma_wait3A_178, %dma_wait3A_184] : memref<8x128xi32, #tpu.memory_space<vmem>> -> memref<1x128xi32, #tpu.memory_space<vmem>>
      %dma_wait3A_186 = tpu.memref_squeeze %dma_wait3A_185 : memref<1x128xi32, #tpu.memory_space<vmem>> -> memref<128xi32, #tpu.memory_space<vmem>>
      %dma_wait3A_187 = arith.constant 0 : i32
      %dma_wait3A_188 = arith.constant 0 : i32
      %dma_wait3A_189 = tpu.memref_slice %arg2[%dma_wait3A_187, %dma_wait3A_188] : memref<1000000x16xf32, #tpu.memory_space<hbm>> -> memref<1000000x16xf32, #tpu.memory_space<hbm>>
      tpu.wait_indirect_dma semaphore(%arg7 : memref<!tpu.dma_semaphore, #tpu.memory_space<semaphore_mem>>) src(%dma_wait3A_189 : memref<1000000x16xf32, #tpu.memory_space<hbm>>) dst(%dma_wait3A_183 : memref<128x16xf32, #tpu.memory_space<vmem>>)
      %dma_wait3A_190 = arith.constant 7 : i32
      %dma_wait3A_191 = arith.constant 7 : i32
      %dma_wait3A_192 = arith.constant 0 : i32
      %dma_wait3A_193 = arith.constant 0 : i32
      %dma_wait3A_194 = tpu.memref_slice %arg6[%dma_wait3A_191, %dma_wait3A_192, %dma_wait3A_193] : memref<8x128x16xf32, #tpu.memory_space<vmem>> -> memref<1x128x16xf32, #tpu.memory_space<vmem>>
      %dma_wait3A_195 = tpu.memref_squeeze %dma_wait3A_194 : memref<1x128x16xf32, #tpu.memory_space<vmem>> -> memref<128x16xf32, #tpu.memory_space<vmem>>
      %dma_wait3A_196 = arith.constant 0 : i32
      %dma_wait3A_197 = tpu.memref_slice %arg5[%dma_wait3A_190, %dma_wait3A_196] : memref<8x128xi32, #tpu.memory_space<vmem>> -> memref<1x128xi32, #tpu.memory_space<vmem>>
      %dma_wait3A_198 = tpu.memref_squeeze %dma_wait3A_197 : memref<1x128xi32, #tpu.memory_space<vmem>> -> memref<128xi32, #tpu.memory_space<vmem>>
      %dma_wait3A_199 = arith.constant 0 : i32
      %dma_wait3A_200 = arith.constant 0 : i32
      %dma_wait3A_201 = tpu.memref_slice %arg2[%dma_wait3A_199, %dma_wait3A_200] : memref<1000000x16xf32, #tpu.memory_space<hbm>> -> memref<1000000x16xf32, #tpu.memory_space<hbm>>
      tpu.wait_indirect_dma semaphore(%arg7 : memref<!tpu.dma_semaphore, #tpu.memory_space<semaphore_mem>>) src(%dma_wait3A_201 : memref<1000000x16xf32, #tpu.memory_space<hbm>>) dst(%dma_wait3A_195 : memref<128x16xf32, #tpu.memory_space<vmem>>)
      "tpu.region"() ({
        %run_scoped3A = tpu.sem_alloc : memref<!tpu.dma_semaphore, #tpu.memory_space<semaphore_mem>>
        %dma_start3A_202 = arith.constant 0 : i32
        %dma_start3A_203 = arith.constant 0 : i32
        %dma_start3A_204 = tpu.memref_slice %arg4[%add3A_11, %dma_start3A_202, %dma_start3A_203] : memref<2560x128x16xf32, #tpu.memory_space<hbm>> -> memref<8x128x16xf32, #tpu.memory_space<hbm>>
        %dma_start3A_205 = arith.constant 0 : i32
        %dma_start3A_206 = arith.constant 0 : i32
        %dma_start3A_207 = tpu.memref_slice %arg4[%add3A_11, %dma_start3A_205, %dma_start3A_206] : memref<2560x128x16xf32, #tpu.memory_space<hbm>> -> memref<8x128x16xf32, #tpu.memory_space<hbm>>
        tpu.enqueue_dma source(%arg6 : memref<8x128x16xf32, #tpu.memory_space<vmem>>) target(%dma_start3A_207 : memref<8x128x16xf32, #tpu.memory_space<hbm>>) target_semaphore(%run_scoped3A : memref<!tpu.dma_semaphore, #tpu.memory_space<semaphore_mem>>)
        %dma_wait3A_208 = arith.constant 0 : i32
        %dma_wait3A_209 = arith.constant 0 : i32
        %dma_wait3A_210 = tpu.memref_slice %arg4[%add3A_11, %dma_wait3A_208, %dma_wait3A_209] : memref<2560x128x16xf32, #tpu.memory_space<hbm>> -> memref<8x128x16xf32, #tpu.memory_space<hbm>>
        %dma_wait3A_211 = arith.constant 0 : i32
        %dma_wait3A_212 = arith.constant 0 : i32
        %dma_wait3A_213 = tpu.memref_slice %arg4[%add3A_11, %dma_wait3A_211, %dma_wait3A_212] : memref<2560x128x16xf32, #tpu.memory_space<hbm>> -> memref<8x128x16xf32, #tpu.memory_space<hbm>>
        tpu.wait_dma2 semaphore(%run_scoped3A : memref<!tpu.dma_semaphore, #tpu.memory_space<semaphore_mem>>) src(%arg6 : memref<8x128x16xf32, #tpu.memory_space<vmem>>) dst(%dma_wait3A_213 : memref<8x128x16xf32, #tpu.memory_space<hbm>>)
        tpu.yield
      }) : () -> ()
    }
    %scan3A_7 = arith.constant 10 : i32
    return
  }
}

#map = affine_map<(d0, d1) -> (0, 0)>
#map1 = affine_map<(d0, d1) -> (0, 0, 0)>
module attributes {stable_mosaic.version = 14 : i64} {
  func.func @gather_kernel(%arg0: i32, %arg1: i32, %arg2: memref<1000000x16xf32, #tpu.memory_space<hbm>>, %arg3: memref<2560x128xi32, #tpu.memory_space<hbm>>, %arg4: memref<2560x128x16xf32, #tpu.memory_space<hbm>>, %arg5: memref<8x128xi32, #tpu.memory_space<vmem>>, %arg6: memref<8x128x16xf32, #tpu.memory_space<vmem>>, %arg7: memref<!tpu.dma_semaphore, #tpu.memory_space<semaphore_mem>>) attributes {dimension_semantics = [#tpu.dimension_semantics<core_parallel>, #tpu.dimension_semantics<subcore_parallel>], iteration_bounds = array<i64: 2, 16>, scalar_prefetch = 0 : i64, scratch_operands = 3 : i64, tpu.core_type = #tpu.core_type<sc_vector_subcore>, window_params = [{transform_indices = #map}, {transform_indices = #map}, {transform_indices = #map1}]} {
    %mul3A = arith.constant 2 : i32
    %mul3A_0 = arith.muli %arg1, %mul3A : i32
    %add3A = arith.addi %mul3A_0, %arg0 : i32
    %mul3A_1 = arith.constant 80 : i32
    %mul3A_2 = arith.muli %add3A, %mul3A_1 : i32
    %scan3A = arith.constant 0 : i32
    %scan3A_3 = arith.constant 0 : i32
    %scan3A_4 = arith.constant 10 : i32
    %scan3A_5 = arith.addi %scan3A_3, %scan3A_4 : i32
    %scan3A_6 = arith.constant 1 : i32
    scf.for %scan3A_8 = %scan3A_3 to %scan3A_5 step %scan3A_6  : i32 {
      %mul3A_9 = arith.constant 8 : i32
      %mul3A_10 = arith.muli %scan3A_8, %mul3A_9 : i32
      %add3A_11 = arith.addi %mul3A_2, %mul3A_10 : i32
      "tpu.region"() ({
        %run_scoped3A = tpu.sem_alloc : memref<!tpu.dma_semaphore, #tpu.memory_space<semaphore_mem>>
        %dma_start3A_202 = arith.constant 0 : i32
        %dma_start3A_203 = tpu.memref_slice %arg3[%add3A_11, %dma_start3A_202] : memref<2560x128xi32, #tpu.memory_space<hbm>> -> memref<8x128xi32, #tpu.memory_space<hbm>>
        %dma_start3A_204 = arith.constant 0 : i32
        %dma_start3A_205 = tpu.memref_slice %arg3[%add3A_11, %dma_start3A_204] : memref<2560x128xi32, #tpu.memory_space<hbm>> -> memref<8x128xi32, #tpu.memory_space<hbm>>
        tpu.enqueue_dma source(%dma_start3A_205 : memref<8x128xi32, #tpu.memory_space<hbm>>) target(%arg5 : memref<8x128xi32, #tpu.memory_space<vmem>>) target_semaphore(%run_scoped3A : memref<!tpu.dma_semaphore, #tpu.memory_space<semaphore_mem>>)
        %dma_wait3A_206 = arith.constant 0 : i32
        %dma_wait3A_207 = tpu.memref_slice %arg3[%add3A_11, %dma_wait3A_206] : memref<2560x128xi32, #tpu.memory_space<hbm>> -> memref<8x128xi32, #tpu.memory_space<hbm>>
        %dma_wait3A_208 = arith.constant 0 : i32
        %dma_wait3A_209 = tpu.memref_slice %arg3[%add3A_11, %dma_wait3A_208] : memref<2560x128xi32, #tpu.memory_space<hbm>> -> memref<8x128xi32, #tpu.memory_space<hbm>>
        tpu.wait_dma2 semaphore(%run_scoped3A : memref<!tpu.dma_semaphore, #tpu.memory_space<semaphore_mem>>) src(%dma_wait3A_209 : memref<8x128xi32, #tpu.memory_space<hbm>>) dst(%arg5 : memref<8x128xi32, #tpu.memory_space<vmem>>)
        tpu.yield
      }) : () -> ()
      %dma_start3A = arith.constant 0 : i32
      %dma_start3A_12 = arith.constant 0 : i32
      %dma_start3A_13 = arith.constant 0 : i32
      %dma_start3A_14 = arith.constant 0 : i32
      %dma_start3A_15 = tpu.memref_slice %arg6[%dma_start3A_12, %dma_start3A_13, %dma_start3A_14] : memref<8x128x16xf32, #tpu.memory_space<vmem>> -> memref<1x128x16xf32, #tpu.memory_space<vmem>>
      %dma_start3A_16 = tpu.memref_squeeze %dma_start3A_15 : memref<1x128x16xf32, #tpu.memory_space<vmem>> -> memref<128x16xf32, #tpu.memory_space<vmem>>
      %dma_start3A_17 = arith.constant 0 : i32
      %dma_start3A_18 = tpu.memref_slice %arg5[%dma_start3A, %dma_start3A_17] : memref<8x128xi32, #tpu.memory_space<vmem>> -> memref<1x128xi32, #tpu.memory_space<vmem>>
      %dma_start3A_19 = tpu.memref_squeeze %dma_start3A_18 : memref<1x128xi32, #tpu.memory_space<vmem>> -> memref<128xi32, #tpu.memory_space<vmem>>
      %dma_start3A_20 = arith.constant 0 : i32
      %dma_start3A_21 = arith.constant 0 : i32
      %dma_start3A_22 = tpu.memref_slice %arg2[%dma_start3A_20, %dma_start3A_21] : memref<1000000x16xf32, #tpu.memory_space<hbm>> -> memref<1000000x16xf32, #tpu.memory_space<hbm>>
      tpu.enqueue_indirect_dma source(%dma_start3A_22 : memref<1000000x16xf32, #tpu.memory_space<hbm>>) target(%dma_start3A_16 : memref<128x16xf32, #tpu.memory_space<vmem>>) offsets(%dma_start3A_19 : memref<128xi32, #tpu.memory_space<vmem>>) semaphore(%arg7 : memref<!tpu.dma_semaphore, #tpu.memory_space<semaphore_mem>>)
      %dma_start3A_23 = arith.constant 1 : i32
      %dma_start3A_24 = arith.constant 1 : i32
      %dma_start3A_25 = arith.constant 0 : i32
      %dma_start3A_26 = arith.constant 0 : i32
      %dma_start3A_27 = tpu.memref_slice %arg6[%dma_start3A_24, %dma_start3A_25, %dma_start3A_26] : memref<8x128x16xf32, #tpu.memory_space<vmem>> -> memref<1x128x16xf32, #tpu.memory_space<vmem>>
      %dma_start3A_28 = tpu.memref_squeeze %dma_start3A_27 : memref<1x128x16xf32, #tpu.memory_space<vmem>> -> memref<128x16xf32, #tpu.memory_space<vmem>>
      %dma_start3A_29 = arith.constant 0 : i32
      %dma_start3A_30 = tpu.memref_slice %arg5[%dma_start3A_23, %dma_start3A_29] : memref<8x128xi32, #tpu.memory_space<vmem>> -> memref<1x128xi32, #tpu.memory_space<vmem>>
      %dma_start3A_31 = tpu.memref_squeeze %dma_start3A_30 : memref<1x128xi32, #tpu.memory_space<vmem>> -> memref<128xi32, #tpu.memory_space<vmem>>
      %dma_start3A_32 = arith.constant 0 : i32
      %dma_start3A_33 = arith.constant 0 : i32
      %dma_start3A_34 = tpu.memref_slice %arg2[%dma_start3A_32, %dma_start3A_33] : memref<1000000x16xf32, #tpu.memory_space<hbm>> -> memref<1000000x16xf32, #tpu.memory_space<hbm>>
      tpu.enqueue_indirect_dma source(%dma_start3A_34 : memref<1000000x16xf32, #tpu.memory_space<hbm>>) target(%dma_start3A_28 : memref<128x16xf32, #tpu.memory_space<vmem>>) offsets(%dma_start3A_31 : memref<128xi32, #tpu.memory_space<vmem>>) semaphore(%arg7 : memref<!tpu.dma_semaphore, #tpu.memory_space<semaphore_mem>>)
      %dma_start3A_35 = arith.constant 2 : i32
      %dma_start3A_36 = arith.constant 2 : i32
      %dma_start3A_37 = arith.constant 0 : i32
      %dma_start3A_38 = arith.constant 0 : i32
      %dma_start3A_39 = tpu.memref_slice %arg6[%dma_start3A_36, %dma_start3A_37, %dma_start3A_38] : memref<8x128x16xf32, #tpu.memory_space<vmem>> -> memref<1x128x16xf32, #tpu.memory_space<vmem>>
      %dma_start3A_40 = tpu.memref_squeeze %dma_start3A_39 : memref<1x128x16xf32, #tpu.memory_space<vmem>> -> memref<128x16xf32, #tpu.memory_space<vmem>>
      %dma_start3A_41 = arith.constant 0 : i32
      %dma_start3A_42 = tpu.memref_slice %arg5[%dma_start3A_35, %dma_start3A_41] : memref<8x128xi32, #tpu.memory_space<vmem>> -> memref<1x128xi32, #tpu.memory_space<vmem>>
      %dma_start3A_43 = tpu.memref_squeeze %dma_start3A_42 : memref<1x128xi32, #tpu.memory_space<vmem>> -> memref<128xi32, #tpu.memory_space<vmem>>
      %dma_start3A_44 = arith.constant 0 : i32
      %dma_start3A_45 = arith.constant 0 : i32
      %dma_start3A_46 = tpu.memref_slice %arg2[%dma_start3A_44, %dma_start3A_45] : memref<1000000x16xf32, #tpu.memory_space<hbm>> -> memref<1000000x16xf32, #tpu.memory_space<hbm>>
      tpu.enqueue_indirect_dma source(%dma_start3A_46 : memref<1000000x16xf32, #tpu.memory_space<hbm>>) target(%dma_start3A_40 : memref<128x16xf32, #tpu.memory_space<vmem>>) offsets(%dma_start3A_43 : memref<128xi32, #tpu.memory_space<vmem>>) semaphore(%arg7 : memref<!tpu.dma_semaphore, #tpu.memory_space<semaphore_mem>>)
      %dma_start3A_47 = arith.constant 3 : i32
      %dma_start3A_48 = arith.constant 3 : i32
      %dma_start3A_49 = arith.constant 0 : i32
      %dma_start3A_50 = arith.constant 0 : i32
      %dma_start3A_51 = tpu.memref_slice %arg6[%dma_start3A_48, %dma_start3A_49, %dma_start3A_50] : memref<8x128x16xf32, #tpu.memory_space<vmem>> -> memref<1x128x16xf32, #tpu.memory_space<vmem>>
      %dma_start3A_52 = tpu.memref_squeeze %dma_start3A_51 : memref<1x128x16xf32, #tpu.memory_space<vmem>> -> memref<128x16xf32, #tpu.memory_space<vmem>>
      %dma_start3A_53 = arith.constant 0 : i32
      %dma_start3A_54 = tpu.memref_slice %arg5[%dma_start3A_47, %dma_start3A_53] : memref<8x128xi32, #tpu.memory_space<vmem>> -> memref<1x128xi32, #tpu.memory_space<vmem>>
      %dma_start3A_55 = tpu.memref_squeeze %dma_start3A_54 : memref<1x128xi32, #tpu.memory_space<vmem>> -> memref<128xi32, #tpu.memory_space<vmem>>
      %dma_start3A_56 = arith.constant 0 : i32
      %dma_start3A_57 = arith.constant 0 : i32
      %dma_start3A_58 = tpu.memref_slice %arg2[%dma_start3A_56, %dma_start3A_57] : memref<1000000x16xf32, #tpu.memory_space<hbm>> -> memref<1000000x16xf32, #tpu.memory_space<hbm>>
      tpu.enqueue_indirect_dma source(%dma_start3A_58 : memref<1000000x16xf32, #tpu.memory_space<hbm>>) target(%dma_start3A_52 : memref<128x16xf32, #tpu.memory_space<vmem>>) offsets(%dma_start3A_55 : memref<128xi32, #tpu.memory_space<vmem>>) semaphore(%arg7 : memref<!tpu.dma_semaphore, #tpu.memory_space<semaphore_mem>>)
      %dma_start3A_59 = arith.constant 4 : i32
      %dma_start3A_60 = arith.constant 4 : i32
      %dma_start3A_61 = arith.constant 0 : i32
      %dma_start3A_62 = arith.constant 0 : i32
      %dma_start3A_63 = tpu.memref_slice %arg6[%dma_start3A_60, %dma_start3A_61, %dma_start3A_62] : memref<8x128x16xf32, #tpu.memory_space<vmem>> -> memref<1x128x16xf32, #tpu.memory_space<vmem>>
      %dma_start3A_64 = tpu.memref_squeeze %dma_start3A_63 : memref<1x128x16xf32, #tpu.memory_space<vmem>> -> memref<128x16xf32, #tpu.memory_space<vmem>>
      %dma_start3A_65 = arith.constant 0 : i32
      %dma_start3A_66 = tpu.memref_slice %arg5[%dma_start3A_59, %dma_start3A_65] : memref<8x128xi32, #tpu.memory_space<vmem>> -> memref<1x128xi32, #tpu.memory_space<vmem>>
      %dma_start3A_67 = tpu.memref_squeeze %dma_start3A_66 : memref<1x128xi32, #tpu.memory_space<vmem>> -> memref<128xi32, #tpu.memory_space<vmem>>
      %dma_start3A_68 = arith.constant 0 : i32
      %dma_start3A_69 = arith.constant 0 : i32
      %dma_start3A_70 = tpu.memref_slice %arg2[%dma_start3A_68, %dma_start3A_69] : memref<1000000x16xf32, #tpu.memory_space<hbm>> -> memref<1000000x16xf32, #tpu.memory_space<hbm>>
      tpu.enqueue_indirect_dma source(%dma_start3A_70 : memref<1000000x16xf32, #tpu.memory_space<hbm>>) target(%dma_start3A_64 : memref<128x16xf32, #tpu.memory_space<vmem>>) offsets(%dma_start3A_67 : memref<128xi32, #tpu.memory_space<vmem>>) semaphore(%arg7 : memref<!tpu.dma_semaphore, #tpu.memory_space<semaphore_mem>>)
      %dma_start3A_71 = arith.constant 5 : i32
      %dma_start3A_72 = arith.constant 5 : i32
      %dma_start3A_73 = arith.constant 0 : i32
      %dma_start3A_74 = arith.constant 0 : i32
      %dma_start3A_75 = tpu.memref_slice %arg6[%dma_start3A_72, %dma_start3A_73, %dma_start3A_74] : memref<8x128x16xf32, #tpu.memory_space<vmem>> -> memref<1x128x16xf32, #tpu.memory_space<vmem>>
      %dma_start3A_76 = tpu.memref_squeeze %dma_start3A_75 : memref<1x128x16xf32, #tpu.memory_space<vmem>> -> memref<128x16xf32, #tpu.memory_space<vmem>>
      %dma_start3A_77 = arith.constant 0 : i32
      %dma_start3A_78 = tpu.memref_slice %arg5[%dma_start3A_71, %dma_start3A_77] : memref<8x128xi32, #tpu.memory_space<vmem>> -> memref<1x128xi32, #tpu.memory_space<vmem>>
      %dma_start3A_79 = tpu.memref_squeeze %dma_start3A_78 : memref<1x128xi32, #tpu.memory_space<vmem>> -> memref<128xi32, #tpu.memory_space<vmem>>
      %dma_start3A_80 = arith.constant 0 : i32
      %dma_start3A_81 = arith.constant 0 : i32
      %dma_start3A_82 = tpu.memref_slice %arg2[%dma_start3A_80, %dma_start3A_81] : memref<1000000x16xf32, #tpu.memory_space<hbm>> -> memref<1000000x16xf32, #tpu.memory_space<hbm>>
      tpu.enqueue_indirect_dma source(%dma_start3A_82 : memref<1000000x16xf32, #tpu.memory_space<hbm>>) target(%dma_start3A_76 : memref<128x16xf32, #tpu.memory_space<vmem>>) offsets(%dma_start3A_79 : memref<128xi32, #tpu.memory_space<vmem>>) semaphore(%arg7 : memref<!tpu.dma_semaphore, #tpu.memory_space<semaphore_mem>>)
      %dma_start3A_83 = arith.constant 6 : i32
      %dma_start3A_84 = arith.constant 6 : i32
      %dma_start3A_85 = arith.constant 0 : i32
      %dma_start3A_86 = arith.constant 0 : i32
      %dma_start3A_87 = tpu.memref_slice %arg6[%dma_start3A_84, %dma_start3A_85, %dma_start3A_86] : memref<8x128x16xf32, #tpu.memory_space<vmem>> -> memref<1x128x16xf32, #tpu.memory_space<vmem>>
      %dma_start3A_88 = tpu.memref_squeeze %dma_start3A_87 : memref<1x128x16xf32, #tpu.memory_space<vmem>> -> memref<128x16xf32, #tpu.memory_space<vmem>>
      %dma_start3A_89 = arith.constant 0 : i32
      %dma_start3A_90 = tpu.memref_slice %arg5[%dma_start3A_83, %dma_start3A_89] : memref<8x128xi32, #tpu.memory_space<vmem>> -> memref<1x128xi32, #tpu.memory_space<vmem>>
      %dma_start3A_91 = tpu.memref_squeeze %dma_start3A_90 : memref<1x128xi32, #tpu.memory_space<vmem>> -> memref<128xi32, #tpu.memory_space<vmem>>
      %dma_start3A_92 = arith.constant 0 : i32
      %dma_start3A_93 = arith.constant 0 : i32
      %dma_start3A_94 = tpu.memref_slice %arg2[%dma_start3A_92, %dma_start3A_93] : memref<1000000x16xf32, #tpu.memory_space<hbm>> -> memref<1000000x16xf32, #tpu.memory_space<hbm>>
      tpu.enqueue_indirect_dma source(%dma_start3A_94 : memref<1000000x16xf32, #tpu.memory_space<hbm>>) target(%dma_start3A_88 : memref<128x16xf32, #tpu.memory_space<vmem>>) offsets(%dma_start3A_91 : memref<128xi32, #tpu.memory_space<vmem>>) semaphore(%arg7 : memref<!tpu.dma_semaphore, #tpu.memory_space<semaphore_mem>>)
      %dma_start3A_95 = arith.constant 7 : i32
      %dma_start3A_96 = arith.constant 7 : i32
      %dma_start3A_97 = arith.constant 0 : i32
      %dma_start3A_98 = arith.constant 0 : i32
      %dma_start3A_99 = tpu.memref_slice %arg6[%dma_start3A_96, %dma_start3A_97, %dma_start3A_98] : memref<8x128x16xf32, #tpu.memory_space<vmem>> -> memref<1x128x16xf32, #tpu.memory_space<vmem>>
      %dma_start3A_100 = tpu.memref_squeeze %dma_start3A_99 : memref<1x128x16xf32, #tpu.memory_space<vmem>> -> memref<128x16xf32, #tpu.memory_space<vmem>>
      %dma_start3A_101 = arith.constant 0 : i32
      %dma_start3A_102 = tpu.memref_slice %arg5[%dma_start3A_95, %dma_start3A_101] : memref<8x128xi32, #tpu.memory_space<vmem>> -> memref<1x128xi32, #tpu.memory_space<vmem>>
      %dma_start3A_103 = tpu.memref_squeeze %dma_start3A_102 : memref<1x128xi32, #tpu.memory_space<vmem>> -> memref<128xi32, #tpu.memory_space<vmem>>
      %dma_start3A_104 = arith.constant 0 : i32
      %dma_start3A_105 = arith.constant 0 : i32
      %dma_start3A_106 = tpu.memref_slice %arg2[%dma_start3A_104, %dma_start3A_105] : memref<1000000x16xf32, #tpu.memory_space<hbm>> -> memref<1000000x16xf32, #tpu.memory_space<hbm>>
      tpu.enqueue_indirect_dma source(%dma_start3A_106 : memref<1000000x16xf32, #tpu.memory_space<hbm>>) target(%dma_start3A_100 : memref<128x16xf32, #tpu.memory_space<vmem>>) offsets(%dma_start3A_103 : memref<128xi32, #tpu.memory_space<vmem>>) semaphore(%arg7 : memref<!tpu.dma_semaphore, #tpu.memory_space<semaphore_mem>>)
      %dma_wait3A = arith.constant 0 : i32
      %dma_wait3A_107 = arith.constant 0 : i32
      %dma_wait3A_108 = arith.constant 0 : i32
      %dma_wait3A_109 = arith.constant 0 : i32
      %dma_wait3A_110 = tpu.memref_slice %arg6[%dma_wait3A_107, %dma_wait3A_108, %dma_wait3A_109] : memref<8x128x16xf32, #tpu.memory_space<vmem>> -> memref<1x128x16xf32, #tpu.memory_space<vmem>>
      %dma_wait3A_111 = tpu.memref_squeeze %dma_wait3A_110 : memref<1x128x16xf32, #tpu.memory_space<vmem>> -> memref<128x16xf32, #tpu.memory_space<vmem>>
      %dma_wait3A_112 = arith.constant 0 : i32
      %dma_wait3A_113 = tpu.memref_slice %arg5[%dma_wait3A, %dma_wait3A_112] : memref<8x128xi32, #tpu.memory_space<vmem>> -> memref<1x128xi32, #tpu.memory_space<vmem>>
      %dma_wait3A_114 = tpu.memref_squeeze %dma_wait3A_113 : memref<1x128xi32, #tpu.memory_space<vmem>> -> memref<128xi32, #tpu.memory_space<vmem>>
      %dma_wait3A_115 = arith.constant 0 : i32
      %dma_wait3A_116 = arith.constant 0 : i32
      %dma_wait3A_117 = tpu.memref_slice %arg2[%dma_wait3A_115, %dma_wait3A_116] : memref<1000000x16xf32, #tpu.memory_space<hbm>> -> memref<1000000x16xf32, #tpu.memory_space<hbm>>
      tpu.wait_indirect_dma semaphore(%arg7 : memref<!tpu.dma_semaphore, #tpu.memory_space<semaphore_mem>>) src(%dma_wait3A_117 : memref<1000000x16xf32, #tpu.memory_space<hbm>>) dst(%dma_wait3A_111 : memref<128x16xf32, #tpu.memory_space<vmem>>)
      %dma_wait3A_118 = arith.constant 1 : i32
      %dma_wait3A_119 = arith.constant 1 : i32
      %dma_wait3A_120 = arith.constant 0 : i32
      %dma_wait3A_121 = arith.constant 0 : i32
      %dma_wait3A_122 = tpu.memref_slice %arg6[%dma_wait3A_119, %dma_wait3A_120, %dma_wait3A_121] : memref<8x128x16xf32, #tpu.memory_space<vmem>> -> memref<1x128x16xf32, #tpu.memory_space<vmem>>
      %dma_wait3A_123 = tpu.memref_squeeze %dma_wait3A_122 : memref<1x128x16xf32, #tpu.memory_space<vmem>> -> memref<128x16xf32, #tpu.memory_space<vmem>>
      %dma_wait3A_124 = arith.constant 0 : i32
      %dma_wait3A_125 = tpu.memref_slice %arg5[%dma_wait3A_118, %dma_wait3A_124] : memref<8x128xi32, #tpu.memory_space<vmem>> -> memref<1x128xi32, #tpu.memory_space<vmem>>
      %dma_wait3A_126 = tpu.memref_squeeze %dma_wait3A_125 : memref<1x128xi32, #tpu.memory_space<vmem>> -> memref<128xi32, #tpu.memory_space<vmem>>
      %dma_wait3A_127 = arith.constant 0 : i32
      %dma_wait3A_128 = arith.constant 0 : i32
      %dma_wait3A_129 = tpu.memref_slice %arg2[%dma_wait3A_127, %dma_wait3A_128] : memref<1000000x16xf32, #tpu.memory_space<hbm>> -> memref<1000000x16xf32, #tpu.memory_space<hbm>>
      tpu.wait_indirect_dma semaphore(%arg7 : memref<!tpu.dma_semaphore, #tpu.memory_space<semaphore_mem>>) src(%dma_wait3A_129 : memref<1000000x16xf32, #tpu.memory_space<hbm>>) dst(%dma_wait3A_123 : memref<128x16xf32, #tpu.memory_space<vmem>>)
      %dma_wait3A_130 = arith.constant 2 : i32
      %dma_wait3A_131 = arith.constant 2 : i32
      %dma_wait3A_132 = arith.constant 0 : i32
      %dma_wait3A_133 = arith.constant 0 : i32
      %dma_wait3A_134 = tpu.memref_slice %arg6[%dma_wait3A_131, %dma_wait3A_132, %dma_wait3A_133] : memref<8x128x16xf32, #tpu.memory_space<vmem>> -> memref<1x128x16xf32, #tpu.memory_space<vmem>>
      %dma_wait3A_135 = tpu.memref_squeeze %dma_wait3A_134 : memref<1x128x16xf32, #tpu.memory_space<vmem>> -> memref<128x16xf32, #tpu.memory_space<vmem>>
      %dma_wait3A_136 = arith.constant 0 : i32
      %dma_wait3A_137 = tpu.memref_slice %arg5[%dma_wait3A_130, %dma_wait3A_136] : memref<8x128xi32, #tpu.memory_space<vmem>> -> memref<1x128xi32, #tpu.memory_space<vmem>>
      %dma_wait3A_138 = tpu.memref_squeeze %dma_wait3A_137 : memref<1x128xi32, #tpu.memory_space<vmem>> -> memref<128xi32, #tpu.memory_space<vmem>>
      %dma_wait3A_139 = arith.constant 0 : i32
      %dma_wait3A_140 = arith.constant 0 : i32
      %dma_wait3A_141 = tpu.memref_slice %arg2[%dma_wait3A_139, %dma_wait3A_140] : memref<1000000x16xf32, #tpu.memory_space<hbm>> -> memref<1000000x16xf32, #tpu.memory_space<hbm>>
      tpu.wait_indirect_dma semaphore(%arg7 : memref<!tpu.dma_semaphore, #tpu.memory_space<semaphore_mem>>) src(%dma_wait3A_141 : memref<1000000x16xf32, #tpu.memory_space<hbm>>) dst(%dma_wait3A_135 : memref<128x16xf32, #tpu.memory_space<vmem>>)
      %dma_wait3A_142 = arith.constant 3 : i32
      %dma_wait3A_143 = arith.constant 3 : i32
      %dma_wait3A_144 = arith.constant 0 : i32
      %dma_wait3A_145 = arith.constant 0 : i32
      %dma_wait3A_146 = tpu.memref_slice %arg6[%dma_wait3A_143, %dma_wait3A_144, %dma_wait3A_145] : memref<8x128x16xf32, #tpu.memory_space<vmem>> -> memref<1x128x16xf32, #tpu.memory_space<vmem>>
      %dma_wait3A_147 = tpu.memref_squeeze %dma_wait3A_146 : memref<1x128x16xf32, #tpu.memory_space<vmem>> -> memref<128x16xf32, #tpu.memory_space<vmem>>
      %dma_wait3A_148 = arith.constant 0 : i32
      %dma_wait3A_149 = tpu.memref_slice %arg5[%dma_wait3A_142, %dma_wait3A_148] : memref<8x128xi32, #tpu.memory_space<vmem>> -> memref<1x128xi32, #tpu.memory_space<vmem>>
      %dma_wait3A_150 = tpu.memref_squeeze %dma_wait3A_149 : memref<1x128xi32, #tpu.memory_space<vmem>> -> memref<128xi32, #tpu.memory_space<vmem>>
      %dma_wait3A_151 = arith.constant 0 : i32
      %dma_wait3A_152 = arith.constant 0 : i32
      %dma_wait3A_153 = tpu.memref_slice %arg2[%dma_wait3A_151, %dma_wait3A_152] : memref<1000000x16xf32, #tpu.memory_space<hbm>> -> memref<1000000x16xf32, #tpu.memory_space<hbm>>
      tpu.wait_indirect_dma semaphore(%arg7 : memref<!tpu.dma_semaphore, #tpu.memory_space<semaphore_mem>>) src(%dma_wait3A_153 : memref<1000000x16xf32, #tpu.memory_space<hbm>>) dst(%dma_wait3A_147 : memref<128x16xf32, #tpu.memory_space<vmem>>)
      %dma_wait3A_154 = arith.constant 4 : i32
      %dma_wait3A_155 = arith.constant 4 : i32
      %dma_wait3A_156 = arith.constant 0 : i32
      %dma_wait3A_157 = arith.constant 0 : i32
      %dma_wait3A_158 = tpu.memref_slice %arg6[%dma_wait3A_155, %dma_wait3A_156, %dma_wait3A_157] : memref<8x128x16xf32, #tpu.memory_space<vmem>> -> memref<1x128x16xf32, #tpu.memory_space<vmem>>
      %dma_wait3A_159 = tpu.memref_squeeze %dma_wait3A_158 : memref<1x128x16xf32, #tpu.memory_space<vmem>> -> memref<128x16xf32, #tpu.memory_space<vmem>>
      %dma_wait3A_160 = arith.constant 0 : i32
      %dma_wait3A_161 = tpu.memref_slice %arg5[%dma_wait3A_154, %dma_wait3A_160] : memref<8x128xi32, #tpu.memory_space<vmem>> -> memref<1x128xi32, #tpu.memory_space<vmem>>
      %dma_wait3A_162 = tpu.memref_squeeze %dma_wait3A_161 : memref<1x128xi32, #tpu.memory_space<vmem>> -> memref<128xi32, #tpu.memory_space<vmem>>
      %dma_wait3A_163 = arith.constant 0 : i32
      %dma_wait3A_164 = arith.constant 0 : i32
      %dma_wait3A_165 = tpu.memref_slice %arg2[%dma_wait3A_163, %dma_wait3A_164] : memref<1000000x16xf32, #tpu.memory_space<hbm>> -> memref<1000000x16xf32, #tpu.memory_space<hbm>>
      tpu.wait_indirect_dma semaphore(%arg7 : memref<!tpu.dma_semaphore, #tpu.memory_space<semaphore_mem>>) src(%dma_wait3A_165 : memref<1000000x16xf32, #tpu.memory_space<hbm>>) dst(%dma_wait3A_159 : memref<128x16xf32, #tpu.memory_space<vmem>>)
      %dma_wait3A_166 = arith.constant 5 : i32
      %dma_wait3A_167 = arith.constant 5 : i32
      %dma_wait3A_168 = arith.constant 0 : i32
      %dma_wait3A_169 = arith.constant 0 : i32
      %dma_wait3A_170 = tpu.memref_slice %arg6[%dma_wait3A_167, %dma_wait3A_168, %dma_wait3A_169] : memref<8x128x16xf32, #tpu.memory_space<vmem>> -> memref<1x128x16xf32, #tpu.memory_space<vmem>>
      %dma_wait3A_171 = tpu.memref_squeeze %dma_wait3A_170 : memref<1x128x16xf32, #tpu.memory_space<vmem>> -> memref<128x16xf32, #tpu.memory_space<vmem>>
      %dma_wait3A_172 = arith.constant 0 : i32
      %dma_wait3A_173 = tpu.memref_slice %arg5[%dma_wait3A_166, %dma_wait3A_172] : memref<8x128xi32, #tpu.memory_space<vmem>> -> memref<1x128xi32, #tpu.memory_space<vmem>>
      %dma_wait3A_174 = tpu.memref_squeeze %dma_wait3A_173 : memref<1x128xi32, #tpu.memory_space<vmem>> -> memref<128xi32, #tpu.memory_space<vmem>>
      %dma_wait3A_175 = arith.constant 0 : i32
      %dma_wait3A_176 = arith.constant 0 : i32
      %dma_wait3A_177 = tpu.memref_slice %arg2[%dma_wait3A_175, %dma_wait3A_176] : memref<1000000x16xf32, #tpu.memory_space<hbm>> -> memref<1000000x16xf32, #tpu.memory_space<hbm>>
      tpu.wait_indirect_dma semaphore(%arg7 : memref<!tpu.dma_semaphore, #tpu.memory_space<semaphore_mem>>) src(%dma_wait3A_177 : memref<1000000x16xf32, #tpu.memory_space<hbm>>) dst(%dma_wait3A_171 : memref<128x16xf32, #tpu.memory_space<vmem>>)
      %dma_wait3A_178 = arith.constant 6 : i32
      %dma_wait3A_179 = arith.constant 6 : i32
      %dma_wait3A_180 = arith.constant 0 : i32
      %dma_wait3A_181 = arith.constant 0 : i32
      %dma_wait3A_182 = tpu.memref_slice %arg6[%dma_wait3A_179, %dma_wait3A_180, %dma_wait3A_181] : memref<8x128x16xf32, #tpu.memory_space<vmem>> -> memref<1x128x16xf32, #tpu.memory_space<vmem>>
      %dma_wait3A_183 = tpu.memref_squeeze %dma_wait3A_182 : memref<1x128x16xf32, #tpu.memory_space<vmem>> -> memref<128x16xf32, #tpu.memory_space<vmem>>
      %dma_wait3A_184 = arith.constant 0 : i32
      %dma_wait3A_185 = tpu.memref_slice %arg5[%dma_wait3A_178, %dma_wait3A_184] : memref<8x128xi32, #tpu.memory_space<vmem>> -> memref<1x128xi32, #tpu.memory_space<vmem>>
      %dma_wait3A_186 = tpu.memref_squeeze %dma_wait3A_185 : memref<1x128xi32, #tpu.memory_space<vmem>> -> memref<128xi32, #tpu.memory_space<vmem>>
      %dma_wait3A_187 = arith.constant 0 : i32
      %dma_wait3A_188 = arith.constant 0 : i32
      %dma_wait3A_189 = tpu.memref_slice %arg2[%dma_wait3A_187, %dma_wait3A_188] : memref<1000000x16xf32, #tpu.memory_space<hbm>> -> memref<1000000x16xf32, #tpu.memory_space<hbm>>
      tpu.wait_indirect_dma semaphore(%arg7 : memref<!tpu.dma_semaphore, #tpu.memory_space<semaphore_mem>>) src(%dma_wait3A_189 : memref<1000000x16xf32, #tpu.memory_space<hbm>>) dst(%dma_wait3A_183 : memref<128x16xf32, #tpu.memory_space<vmem>>)
      %dma_wait3A_190 = arith.constant 7 : i32
      %dma_wait3A_191 = arith.constant 7 : i32
      %dma_wait3A_192 = arith.constant 0 : i32
      %dma_wait3A_193 = arith.constant 0 : i32
      %dma_wait3A_194 = tpu.memref_slice %arg6[%dma_wait3A_191, %dma_wait3A_192, %dma_wait3A_193] : memref<8x128x16xf32, #tpu.memory_space<vmem>> -> memref<1x128x16xf32, #tpu.memory_space<vmem>>
      %dma_wait3A_195 = tpu.memref_squeeze %dma_wait3A_194 : memref<1x128x16xf32, #tpu.memory_space<vmem>> -> memref<128x16xf32, #tpu.memory_space<vmem>>
      %dma_wait3A_196 = arith.constant 0 : i32
      %dma_wait3A_197 = tpu.memref_slice %arg5[%dma_wait3A_190, %dma_wait3A_196] : memref<8x128xi32, #tpu.memory_space<vmem>> -> memref<1x128xi32, #tpu.memory_space<vmem>>
      %dma_wait3A_198 = tpu.memref_squeeze %dma_wait3A_197 : memref<1x128xi32, #tpu.memory_space<vmem>> -> memref<128xi32, #tpu.memory_space<vmem>>
      %dma_wait3A_199 = arith.constant 0 : i32
      %dma_wait3A_200 = arith.constant 0 : i32
      %dma_wait3A_201 = tpu.memref_slice %arg2[%dma_wait3A_199, %dma_wait3A_200] : memref<1000000x16xf32, #tpu.memory_space<hbm>> -> memref<1000000x16xf32, #tpu.memory_space<hbm>>
      tpu.wait_indirect_dma semaphore(%arg7 : memref<!tpu.dma_semaphore, #tpu.memory_space<semaphore_mem>>) src(%dma_wait3A_201 : memref<1000000x16xf32, #tpu.memory_space<hbm>>) dst(%dma_wait3A_195 : memref<128x16xf32, #tpu.memory_space<vmem>>)
      "tpu.region"() ({
        %run_scoped3A = tpu.sem_alloc : memref<!tpu.dma_semaphore, #tpu.memory_space<semaphore_mem>>
        %dma_start3A_202 = arith.constant 0 : i32
        %dma_start3A_203 = arith.constant 0 : i32
        %dma_start3A_204 = tpu.memref_slice %arg4[%add3A_11, %dma_start3A_202, %dma_start3A_203] : memref<2560x128x16xf32, #tpu.memory_space<hbm>> -> memref<8x128x16xf32, #tpu.memory_space<hbm>>
        %dma_start3A_205 = arith.constant 0 : i32
        %dma_start3A_206 = arith.constant 0 : i32
        %dma_start3A_207 = tpu.memref_slice %arg4[%add3A_11, %dma_start3A_205, %dma_start3A_206] : memref<2560x128x16xf32, #tpu.memory_space<hbm>> -> memref<8x128x16xf32, #tpu.memory_space<hbm>>
        tpu.enqueue_dma source(%arg6 : memref<8x128x16xf32, #tpu.memory_space<vmem>>) target(%dma_start3A_207 : memref<8x128x16xf32, #tpu.memory_space<hbm>>) target_semaphore(%run_scoped3A : memref<!tpu.dma_semaphore, #tpu.memory_space<semaphore_mem>>)
        %dma_wait3A_208 = arith.constant 0 : i32
        %dma_wait3A_209 = arith.constant 0 : i32
        %dma_wait3A_210 = tpu.memref_slice %arg4[%add3A_11, %dma_wait3A_208, %dma_wait3A_209] : memref<2560x128x16xf32, #tpu.memory_space<hbm>> -> memref<8x128x16xf32, #tpu.memory_space<hbm>>
        %dma_wait3A_211 = arith.constant 0 : i32
        %dma_wait3A_212 = arith.constant 0 : i32
        %dma_wait3A_213 = tpu.memref_slice %arg4[%add3A_11, %dma_wait3A_211, %dma_wait3A_212] : memref<2560x128x16xf32, #tpu.memory_space<hbm>> -> memref<8x128x16xf32, #tpu.memory_space<hbm>>
        tpu.wait_dma2 semaphore(%run_scoped3A : memref<!tpu.dma_semaphore, #tpu.memory_space<semaphore_mem>>) src(%arg6 : memref<8x128x16xf32, #tpu.memory_space<vmem>>) dst(%dma_wait3A_213 : memref<8x128x16xf32, #tpu.memory_space<hbm>>)
        tpu.yield
      }) : () -> ()
    }
    %scan3A_7 = arith.constant 10 : i32
    return
  }
}

module attributes {stable_mosaic.version = 14 : i64} {
  func.func @_mlp_body(%arg0: i32, %arg1: memref<2048x128xf32, #tpu.memory_space<vmem>>, %arg2: memref<128x400xf32, #tpu.memory_space<vmem>>, %arg3: memref<1x400xf32, #tpu.memory_space<vmem>>, %arg4: memref<400x800xf32, #tpu.memory_space<vmem>>, %arg5: memref<1x800xf32, #tpu.memory_space<vmem>>, %arg6: memref<800x400xf32, #tpu.memory_space<vmem>>, %arg7: memref<1x400xf32, #tpu.memory_space<vmem>>, %arg8: memref<400x8xf32, #tpu.memory_space<vmem>>, %arg9: memref<1x8xf32, #tpu.memory_space<vmem>>, %arg10: memref<2048x8xf32, #tpu.memory_space<vmem>>) attributes {dimension_semantics = [#tpu.dimension_semantics<parallel>], iteration_bounds = array<i64: 20>, scalar_prefetch = 0 : i64, scratch_operands = 0 : i64, tpu.core_type = #tpu.core_type<tc>, window_params = [{transform_indices = @transform_0, window_bounds = array<i64: 2048, 128>}, {pipeline_mode = #tpu.pipeline_mode<synchronous>, transform_indices = @transform_1, window_bounds = array<i64: 128, 400>}, {pipeline_mode = #tpu.pipeline_mode<synchronous>, transform_indices = @transform_2, window_bounds = array<i64: 1, 400>}, {pipeline_mode = #tpu.pipeline_mode<synchronous>, transform_indices = @transform_3, window_bounds = array<i64: 400, 800>}, {pipeline_mode = #tpu.pipeline_mode<synchronous>, transform_indices = @transform_4, window_bounds = array<i64: 1, 800>}, {pipeline_mode = #tpu.pipeline_mode<synchronous>, transform_indices = @transform_5, window_bounds = array<i64: 800, 400>}, {pipeline_mode = #tpu.pipeline_mode<synchronous>, transform_indices = @transform_6, window_bounds = array<i64: 1, 400>}, {pipeline_mode = #tpu.pipeline_mode<synchronous>, transform_indices = @transform_7, window_bounds = array<i64: 400, 8>}, {pipeline_mode = #tpu.pipeline_mode<synchronous>, transform_indices = @transform_8, window_bounds = array<i64: 1, 8>}, {transform_indices = @transform_9, window_bounds = array<i64: 2048, 8>}]} {
    %get3A = arith.constant 0 : index
    %get3A_0 = arith.constant 0 : index
    %get3A_1 = vector.load %arg1[%get3A, %get3A_0] : memref<2048x128xf32, #tpu.memory_space<vmem>>, vector<2048x128xf32>
    %convert_element_type3A = arith.truncf %get3A_1 : vector<2048x128xf32> to vector<2048x128xbf16>
    %get3A_2 = arith.constant 0 : index
    %get3A_3 = arith.constant 0 : index
    %get3A_4 = vector.load %arg2[%get3A_2, %get3A_3] : memref<128x400xf32, #tpu.memory_space<vmem>>, vector<128x400xf32>
    %convert_element_type3A_5 = arith.truncf %get3A_4 : vector<128x400xf32> to vector<128x400xbf16>
    %dot_general3A = arith.constant dense<0.000000e+00> : vector<2048x400xf32>
    %dot_general3A_6 = tpu.matmul %convert_element_type3A, %convert_element_type3A_5, %dot_general3A {dimension_numbers = #tpu.dot_dimension_numbers<[1], [0], [0], [1], [0, 0, 1, 1], [], []>, transpose_lhs_hint = false} : vector<2048x128xbf16>, vector<128x400xbf16>, vector<2048x400xf32> -> vector<2048x400xf32>
    %get3A_7 = arith.constant 0 : index
    %get3A_8 = arith.constant 0 : index
    %get3A_9 = vector.load %arg3[%get3A_7, %get3A_8] : memref<1x400xf32, #tpu.memory_space<vmem>>, vector<1x400xf32>
    %add3A = vector.broadcast %get3A_9 : vector<1x400xf32> to vector<2048x400xf32>
    %add3A_10 = arith.addf %dot_general3A_6, %add3A : vector<2048x400xf32>
    %max3A = arith.constant 0.000000e+00 : f32
    %max3A_11 = vector.broadcast %max3A : f32 to vector<2048x400xf32>
    %max3A_12 = arith.maximumf %add3A_10, %max3A_11 : vector<2048x400xf32>
    %convert_element_type3A_13 = arith.truncf %max3A_12 : vector<2048x400xf32> to vector<2048x400xbf16>
    %get3A_14 = arith.constant 0 : index
    %get3A_15 = arith.constant 0 : index
    %get3A_16 = vector.load %arg4[%get3A_14, %get3A_15] : memref<400x800xf32, #tpu.memory_space<vmem>>, vector<400x800xf32>
    %convert_element_type3A_17 = arith.truncf %get3A_16 : vector<400x800xf32> to vector<400x800xbf16>
    %dot_general3A_18 = arith.constant dense<0.000000e+00> : vector<2048x800xf32>
    %dot_general3A_19 = tpu.matmul %convert_element_type3A_13, %convert_element_type3A_17, %dot_general3A_18 {dimension_numbers = #tpu.dot_dimension_numbers<[1], [0], [0], [1], [0, 0, 1, 1], [], []>, transpose_lhs_hint = false} : vector<2048x400xbf16>, vector<400x800xbf16>, vector<2048x800xf32> -> vector<2048x800xf32>
    %get3A_20 = arith.constant 0 : index
    %get3A_21 = arith.constant 0 : index
    %get3A_22 = vector.load %arg5[%get3A_20, %get3A_21] : memref<1x800xf32, #tpu.memory_space<vmem>>, vector<1x800xf32>
    %add3A_23 = vector.broadcast %get3A_22 : vector<1x800xf32> to vector<2048x800xf32>
    %add3A_24 = arith.addf %dot_general3A_19, %add3A_23 : vector<2048x800xf32>
    %max3A_25 = arith.constant 0.000000e+00 : f32
    %max3A_26 = vector.broadcast %max3A_25 : f32 to vector<2048x800xf32>
    %max3A_27 = arith.maximumf %add3A_24, %max3A_26 : vector<2048x800xf32>
    %convert_element_type3A_28 = arith.truncf %max3A_27 : vector<2048x800xf32> to vector<2048x800xbf16>
    %get3A_29 = arith.constant 0 : index
    %get3A_30 = arith.constant 0 : index
    %get3A_31 = vector.load %arg6[%get3A_29, %get3A_30] : memref<800x400xf32, #tpu.memory_space<vmem>>, vector<800x400xf32>
    %convert_element_type3A_32 = arith.truncf %get3A_31 : vector<800x400xf32> to vector<800x400xbf16>
    %dot_general3A_33 = arith.constant dense<0.000000e+00> : vector<2048x400xf32>
    %dot_general3A_34 = tpu.matmul %convert_element_type3A_28, %convert_element_type3A_32, %dot_general3A_33 {dimension_numbers = #tpu.dot_dimension_numbers<[1], [0], [0], [1], [0, 0, 1, 1], [], []>, transpose_lhs_hint = false} : vector<2048x800xbf16>, vector<800x400xbf16>, vector<2048x400xf32> -> vector<2048x400xf32>
    %get3A_35 = arith.constant 0 : index
    %get3A_36 = arith.constant 0 : index
    %get3A_37 = vector.load %arg7[%get3A_35, %get3A_36] : memref<1x400xf32, #tpu.memory_space<vmem>>, vector<1x400xf32>
    %add3A_38 = vector.broadcast %get3A_37 : vector<1x400xf32> to vector<2048x400xf32>
    %add3A_39 = arith.addf %dot_general3A_34, %add3A_38 : vector<2048x400xf32>
    %tanh3A = math.tanh %add3A_39 : vector<2048x400xf32>
    %convert_element_type3A_40 = arith.truncf %tanh3A : vector<2048x400xf32> to vector<2048x400xbf16>
    %get3A_41 = arith.constant 0 : index
    %get3A_42 = arith.constant 0 : index
    %get3A_43 = vector.load %arg8[%get3A_41, %get3A_42] : memref<400x8xf32, #tpu.memory_space<vmem>>, vector<400x8xf32>
    %convert_element_type3A_44 = arith.truncf %get3A_43 : vector<400x8xf32> to vector<400x8xbf16>
    %dot_general3A_45 = arith.constant dense<0.000000e+00> : vector<2048x8xf32>
    %dot_general3A_46 = tpu.matmul %convert_element_type3A_40, %convert_element_type3A_44, %dot_general3A_45 {dimension_numbers = #tpu.dot_dimension_numbers<[1], [0], [0], [1], [0, 0, 1, 1], [], []>, transpose_lhs_hint = false} : vector<2048x400xbf16>, vector<400x8xbf16>, vector<2048x8xf32> -> vector<2048x8xf32>
    %get3A_47 = arith.constant 0 : index
    %get3A_48 = arith.constant 0 : index
    %get3A_49 = vector.load %arg9[%get3A_47, %get3A_48] : memref<1x8xf32, #tpu.memory_space<vmem>>, vector<1x8xf32>
    %add3A_50 = vector.broadcast %get3A_49 : vector<1x8xf32> to vector<2048x8xf32>
    %add3A_51 = arith.addf %dot_general3A_46, %add3A_50 : vector<2048x8xf32>
    %max3A_52 = arith.constant 0.000000e+00 : f32
    %max3A_53 = vector.broadcast %max3A_52 : f32 to vector<2048x8xf32>
    %max3A_54 = arith.maximumf %add3A_51, %max3A_53 : vector<2048x8xf32>
    %swap3A = arith.constant 0 : index
    %swap3A_55 = arith.constant 0 : index
    %swap3A_56 = vector.load %arg10[%swap3A, %swap3A_55] : memref<2048x8xf32, #tpu.memory_space<vmem>>, vector<2048x8xf32>
    tpu.vector_store %arg10[%swap3A, %swap3A_55], %max3A_54 {strides = array<i32>} : memref<2048x8xf32, #tpu.memory_space<vmem>>, vector<2048x8xf32>,
    return
  }
  func.func @transform_0(%arg0: i32) -> (i32, i32) {
    %c0_i32 = arith.constant 0 : i32
    %c0_i32_0 = arith.constant 0 : i32
    return %arg0, %c0_i32 : i32, i32
  }
  func.func @transform_1(%arg0: i32) -> (i32, i32) {
    %c0_i32 = arith.constant 0 : i32
    %c0_i32_0 = arith.constant 0 : i32
    %c0_i32_1 = arith.constant 0 : i32
    return %c0_i32, %c0_i32_0 : i32, i32
  }
  func.func @transform_2(%arg0: i32) -> (i32, i32) {
    %c0_i32 = arith.constant 0 : i32
    %c0_i32_0 = arith.constant 0 : i32
    %c0_i32_1 = arith.constant 0 : i32
    return %c0_i32, %c0_i32_0 : i32, i32
  }
  func.func @transform_3(%arg0: i32) -> (i32, i32) {
    %c0_i32 = arith.constant 0 : i32
    %c0_i32_0 = arith.constant 0 : i32
    %c0_i32_1 = arith.constant 0 : i32
    return %c0_i32, %c0_i32_0 : i32, i32
  }
  func.func @transform_4(%arg0: i32) -> (i32, i32) {
    %c0_i32 = arith.constant 0 : i32
    %c0_i32_0 = arith.constant 0 : i32
    %c0_i32_1 = arith.constant 0 : i32
    return %c0_i32, %c0_i32_0 : i32, i32
  }
  func.func @transform_5(%arg0: i32) -> (i32, i32) {
    %c0_i32 = arith.constant 0 : i32
    %c0_i32_0 = arith.constant 0 : i32
    %c0_i32_1 = arith.constant 0 : i32
    return %c0_i32, %c0_i32_0 : i32, i32
  }
  func.func @transform_6(%arg0: i32) -> (i32, i32) {
    %c0_i32 = arith.constant 0 : i32
    %c0_i32_0 = arith.constant 0 : i32
    %c0_i32_1 = arith.constant 0 : i32
    return %c0_i32, %c0_i32_0 : i32, i32
  }
  func.func @transform_7(%arg0: i32) -> (i32, i32) {
    %c0_i32 = arith.constant 0 : i32
    %c0_i32_0 = arith.constant 0 : i32
    %c0_i32_1 = arith.constant 0 : i32
    return %c0_i32, %c0_i32_0 : i32, i32
  }
  func.func @transform_8(%arg0: i32) -> (i32, i32) {
    %c0_i32 = arith.constant 0 : i32
    %c0_i32_0 = arith.constant 0 : i32
    %c0_i32_1 = arith.constant 0 : i32
    return %c0_i32, %c0_i32_0 : i32, i32
  }
  func.func @transform_9(%arg0: i32) -> (i32, i32) {
    %c0_i32 = arith.constant 0 : i32
    %c0_i32_0 = arith.constant 0 : i32
    return %arg0, %c0_i32 : i32, i32
  }
}

</mosaic_0001>

<sc_bundles>
// kernel: kernel.13.cloned.1.call-start
scs
__scs_entry_jumppad:
0x0: {  	(pc) =	sbr.rel $0x88, $3  }
0x1: {  	(tag) =	ssettag $0x0;
	lr =	simm.s32 $0x1  }
0x2: {  	[smem:$0x3F97] =	sst lr;
	_ =	strace $0xD0000000  }
0x3: {  	_ = 	snop  }
0x4: {  	_ = 	snop  }
0x5: {  	_ = 	snop  }
0x6: {  	_ = 	snop  }
0x7: {  	_ = 	snop  }
__scs_overlays_trampoline_lowered:
0x8: {  	[smem:$0x3FA6] =	sst s0  }
0x9: {  	[smem:$0x3FA7] =	sst s1  }
0xa: {  	[smem:$0x3FA8] =	sst s2  }
0xb: {  	[smem:$0x3FA9] =	sst s3  }
0xc: {  	[smem:$0x3FAA] =	sst s4  }
0xd: {  	[smem:$0x3FAB] =	sst s5  }
0xe: {  	[smem:$0x3FAC] =	sst s6  }
0xf: {  	[smem:$0x3FAD] =	sst s7  }
0x10: {  	[smem:$0x3FAE] =	sst s8  }
0x11: {  	[smem:$0x3FAF] =	sst s9;
	s0 =	simm.s32 @!p0 $0x0  }
0x12: {  	s1 =	sld [smem:$0x3F95];
	s0 =	simm.s32 @p0 $0x1  }
0x13: {  	[smem:$0x3FB0] =	sst s0;
	s0 =	simm.s32 @!p1 $0x0  }
0x14: {  	s2 =	sld [smem:$0x3F94];
	s0 =	simm.s32 @p1 $0x1  }
0x15: {  	[smem:$0x3FB1] =	sst s0;
	s0 =	simm.s32 @!p2 $0x0  }
0x16: {  	s3 =	sld [smem:$0x3FDB];
	s0 =	simm.s32 @p2 $0x1  }
0x17: {  	s4 =	simm.s32 $0x1BF5;
	[smem:$0x3FB3] =	sst s0  }
0x18: {  	s0 =	sld [smem:$0x3F96];
	_ =	swait.ge [sflag:s4], $0x0  }
0x19: {  	s7 =	sld [smem:$0x3F97]  }
0x1a: {  	s8 =	sadd.s32 $0xFFFFE003, lr  }
0x1b: {  	s9 =	sadd.s32 $0xFFFFFEF7, lr;
	s5 =	simm.s32 $0xFFFFFFFF;
	p2 =	slt.u32 s8, $0xFFFFF086  }
0x1c: {  	p1 =	slt.u32 s9, $0xF7A;
	s5 =	simm.s32 @!p2 $0x0  }
0x1d: {  	s5 =	simm.s32 @p1 $0x1;
	p0 =	seq.s32 s7, s2  }
0x1e: {  	s7 =	smul.u32 @!p0 $0xF7A, s2;
	p2 =	seq.s32 @!p0 s5, $0x0  }
0x1f: {  	s9 =	smul.u32 $0xF7A, s1;
	s8 =	simm.s32 @!p0 $0x1BF5;
	p2 =	por !p2, p0  }
0x20: {  	[sflag:s8] =	ssyncset.s32 @!p0 $0xFFFFF086;
	s6 =	sadd.s32 @!p0 s3, s7;
	s7 =	simm.s32 @!p0 $0x108  }
0x21: {  	s3 =	sadd.s32 s3, s9;
	s6 =	sadd.s32 @!p0 $0x88, s6;
	s7 =	simm.s32 @p2 $0x1082  }
0x22: {  	[simem:s7], [sflag:s8] =	dma.local @!p0 [hbm:s6], $0xF7A  }
0x23: {  	s9 =	sor.u32 $0xD0000000, s2;
	s6 =	simm.s32 $0x108;
	_ =	swait.ge @!p0 [sflag:s8], $0x0  }
0x24: {  	s3 =	sadd.s32 $0x88, s3;
	s6 =	simm.s32 @!p1 $0x1082;
	[sflag:s4] =	ssyncset.s32 $0xFFFFF086  }
0x25: {  	[simem:s6], [sflag:s4] =	dma.local [hbm:s3], $0xF7A  }
0x26: {  	[smem:$0x3F97] =	sst s1;
	(tag) =	ssettag s2;
	_ =	strace s9  }
0x27: {  	s1 =	sld [smem:$0x3FA7]  }
0x28: {  	s2 =	sld [smem:$0x3FA8]  }
0x29: {  	s4 =	sld [smem:$0x3FAA]  }
0x2a: {  	p0 =	seq.s32 s5, $0x0;
	s5 =	sld [smem:$0x3FAB]  }
0x2b: {  	s6 =	sld [smem:$0x3FAC]  }
0x2c: {  	s7 =	sld [smem:$0x3FAD]  }
0x2d: {  	s3 =	simm.s32 $0x108;
	s8 =	sld [smem:$0x3FAE]  }
0x2e: {  	s3 =	simm.s32 @!p0 $0x1082;
	s9 =	sld [smem:$0x3FAF]  }
0x2f: {  	lr =	sadd.s32 s0, s3;
	s0 =	sld [smem:$0x3FA6]  }
0x30: {  	s3 =	sld [smem:$0x3FA9]  }
0x31: {  	[smem:$0x3FB2] =	sst s10  }
0x32: {  	s10 =	sld [smem:$0x3FB0];
	_ =	sdelay $0x3  }
0x33: {  	p0 =	seq.s32 s10, $0x1;
	s10 =	sld [smem:$0x3FB2];
	_ =	sdelay $0x3  }
0x34: {  	[smem:$0x3FB2] =	sst s10  }
0x35: {  	s10 =	sld [smem:$0x3FB1];
	_ =	sdelay $0x3  }
0x36: {  	p1 =	seq.s32 s10, $0x1;
	s10 =	sld [smem:$0x3FB2];
	_ =	sdelay $0x3  }
0x37: {  	[smem:$0x3FB2] =	sst s10  }
0x38: {  	s10 =	sld [smem:$0x3FB3]  }
0x39: {  	_ = 	snop;
	(pc) =	sbr.ind lr, $3  }
0x3a: {  	_ = 	snop  }
0x3b: {  	_ = 	snop  }
0x3c: {  	p2 =	seq.s32 s10, $0x1;
	s10 =	sld [smem:$0x3FB2]  }
0x3d: {  	_ =	shalt  }
0x3e: {  	_ =	shalt  }
0x3f: {  	_ =	shalt  }
0x40: {  	_ =	shalt  }
0x41: {  	_ =	shalt  }
0x42: {  	_ =	shalt  }
0x43: {  	_ =	shalt  }
0x44: {  	_ =	shalt  }
0x45: {  	_ =	shalt  }
0x46: {  	_ =	shalt  }
0x47: {  	_ =	shalt  }
0x48: {  	_ =	shalt  }
0x49: {  	_ =	shalt  }
0x4a: {  	_ =	shalt  }
0x4b: {  	_ =	shalt  }
0x4c: {  	_ =	shalt  }
0x4d: {  	_ =	shalt  }
0x4e: {  	_ =	shalt  }
0x4f: {  	_ =	shalt  }
0x50: {  	_ =	shalt  }
0x51: {  	_ =	shalt  }
0x52: {  	_ =	shalt  }
0x53: {  	_ =	shalt  }
0x54: {  	_ =	shalt  }
0x55: {  	_ =	shalt  }
0x56: {  	_ =	shalt  }
0x57: {  	_ =	shalt  }
0x58: {  	_ =	shalt  }
0x59: {  	_ =	shalt  }
0x5a: {  	_ =	shalt  }
0x5b: {  	_ =	shalt  }
0x5c: {  	_ =	shalt  }
0x5d: {  	_ =	shalt  }
0x5e: {  	_ =	shalt  }
0x5f: {  	_ =	shalt  }
0x60: {  	_ =	shalt  }
0x61: {  	_ =	shalt  }
0x62: {  	_ =	shalt  }
0x63: {  	_ =	shalt  }
0x64: {  	_ =	shalt  }
0x65: {  	_ =	shalt  }
0x66: {  	_ =	shalt  }
0x67: {  	_ =	shalt  }
0x68: {  	_ =	shalt  }
0x69: {  	_ =	shalt  }
0x6a: {  	_ =	shalt  }
0x6b: {  	_ =	shalt  }
0x6c: {  	_ =	shalt  }
0x6d: {  	_ =	shalt  }
0x6e: {  	_ =	shalt  }
0x6f: {  	_ =	shalt  }
0x70: {  	_ =	shalt  }
0x71: {  	_ =	shalt  }
0x72: {  	_ =	shalt  }
0x73: {  	_ =	shalt  }
0x74: {  	_ =	shalt  }
0x75: {  	_ =	shalt  }
0x76: {  	_ =	shalt  }
0x77: {  	_ =	shalt  }
0x78: {  	_ =	shalt  }
0x79: {  	_ =	shalt  }
0x7a: {  	_ =	shalt  }
0x7b: {  	_ =	shalt  }
0x7c: {  	_ =	shalt  }
0x7d: {  	_ =	shalt  }
0x7e: {  	_ =	shalt  }
0x7f: {  	_ =	shalt  }
0x80: {  	_ =	shalt  }
0x81: {  	_ =	shalt  }
0x82: {  	_ =	shalt  }
0x83: {  	_ =	shalt  }
0x84: {  	_ =	shalt  }
0x85: {  	_ =	shalt  }
0x86: {  	_ =	shalt  }
0x87: {  	_ =	shalt  }
.Lfunc_end0:
.L_simem_size_0:
called_computation_lowered:
.L_overlay_start_0:
0x88: {  	s2 =	sld [smem:$0x3FD9]  }
0x89: {  	s3 =	sld [smem:$0x3FFE];
	_ =	sdelay $0x1  }
0x8a: {  	s1 =	srdreg.scid  }
0x8b: {  	s0 =	sand.u32 $0x1, s1  }
0x8c: {  	s16 =	sshll.u32 s0, $0xA;
	s2 =	sadd.s32 s3, s2  }
0x8d: {  	s2 =	sadd.s32 s2, s16  }
0x8e: {  	[smem:$0x3FBE] =	sst s2  }
0x8f: {  	_ = 	snop  }
0x90: {  	(tm) =	ssettm $0x1  }
0x91: {  	s17 =	sld [smem:$0x3FFB];
	_ =	sdelay $0x3  }
0x92: {  	_ =	strace s17  }
0x93: {  	s2 =	sld [smem:$0x3FFC];
	_ =	sdelay $0x3  }
0x94: {  	_ =	strace s2  }
0x95: {  	s2 =	sld [smem:$0x3FFD];
	_ =	sdelay $0x3  }
0x96: {  	_ =	strace s2  }
0x97: {  	_ =	strace $0x8FFFFFFF  }
0x98: {  	s18 =	sld [smem:$0x3FDB];
	_ =	sdelay $0x1  }
0x99: {  	s19 =	simm.s32 $_scs_section_size  }
0x9a: {  	s4 =	simm.s32 $_size__tile_overlayer_lowered;
	s5 =	simm.s32 $_tile_overlayer_lowered  }
0x9b: {  	s22 =	simm.s32 $0x1BFF;
	s21 =	sshll.u32 s5, $0x1;
	s2 =	sadd.s32 s19, s18  }
0x9c: {  	s6 =	simm.s32 $0x0;
	s20 =	sshll.u32 s4, $0x1;
	s4 =	sadd.s32 s21, s2  }
0x9d: {  	[timem:s6], [sflag:s22] =	dma.local [hbm:s4], s20  }
0x9e: {  	_ =	swait.ge [sflag:s22], s20  }
0x9f: {  	s3 =	ssub.s32 $0x0, s20;
	[sflag:s22] =	ssyncset.done $0x0  }
0xa0: {  	[sflag:s22] =	ssyncadd.s32 s3;
	_ =	sdelay $0x1  }
0xa1: {  	s23 =	simm.s32 $0x1B8B  }
0xa2: {  	_ =	swait.ge [sflag:s23], $0x1  }
0xa3: {  	[sflag:s23] =	ssyncset.done $0x0  }
0xa4: {  	s25 =	simm.s32 $0x1B8E;
	s24 =	sld [smem:$0x3FFE];
	[sflag:s23] =	ssyncadd.s32 $0xFFFFFFFF  }
0xa5: {  	s26 =	simm.s32 $execute0_lowered;
	[smem:$0x3FD2] =	sst s25  }
0xa6: {  	s4 =	sshll.u32 s26, $0x1;
	_ =	strace $0x80000046;
	[dreg:$0x1] =	wrdreg $0xFFFFFFFF  }
0xa7: {  	s28 =	simm.s32 $_size_execute0_lowered;
	s2 =	sadd.s32 s2, s4;
	[dreg:$0x0] =	wrdreg $0x0  }
0xa8: {  	s4 =	sshll.u32 s28, $0x1;
	[dreg:$0x2] =	wrdreg s2  }
0xa9: {  	[dreg:$0x3] =	wrdreg s4  }
0xaa: {  	[dreg:$0x4] =	wrdreg $0xC0  }
0xab: {  	_ =	task [dreg:s6], $0x5FFFF  }
0xac: {  	[dreg:$0x1] =	wrdreg $0xFFFFFFFF  }
0xad: {  	[dreg:$0x0] =	wrdreg $0x60  }
0xae: {  	[dreg:$0x2] =	wrdreg s24  }
0xaf: {  	[dreg:$0x3] =	wrdreg $0x9  }
0xb0: {  	_ =	task.clear_ibuf [dreg:s6], $0x4FFFF;
	_ =	strace $0x90000046  }
0xb1: {  	s29 =	simm.s32 $0x9;
	_ =	strace $0x80000048  }
0xb2: {  	_ =	swait.ge [sflag:s29], $0x1  }
0xb3: {  	[sflag:s29] =	ssyncadd.s32 $0xFFFFFFFF  }
0xb4: {  	_ =	strace $0x90000048  }
0xb5: {  	_ =	sfence  }
0xb6: {  	s30 =	sld [smem:$0x0];
	_ =	sdelay $0x2  }
0xb7: {  	s31 =	sshll.u32 s1, $0xD;
	s1 =	sshrl.u32 s1, $0x2  }
0xb8: {  	s3 =	sand.u32 $0x4000, s31;
	s1 =	sadd.s32 s1, s30  }
0xb9: {  	s0 =	sor.u32 s3, s0;
	s1 =	sshll.u32 s1, $0x11  }
0xba: {  	s0 =	sor.u32 s1, s0  }
0xbb: {  	s0 =	sadd.s32 $0x8F2B, s0  }
0xbc: {  	[sflag:s0] =	ssyncadd.remote.s32 $0x1  }
0xbd: {  	_ =	sfence.sel $0xFFFF  }
0xbe: {  	[dreg:$0x0] =	wrdreg $0xFFFFFFFF;
	(pc) =	sbr.abs _section_cstart, $3  }
0xbf: {  	[dreg:$0x1] =	wrdreg $0xFFFFFFFF  }
0xc0: {  	_ =	task.clear_ibuf [dreg:s6], $0x2FFFF;
	_ =	strace $0x9FFFFFFF  }
0xc1: {  	(tm) =	ssettm $0x7FFFFFFF  }
tec
execute0_lowered:
.L_overlay_start_1:
0x0: {  	(tag) =	ssettag $0x1  }
0x1: {  	s3 =	rddreg [dreg:$0x0];
	s2 =	srdreg.scid  }
0x2: {  	s0 =	rddreg [dreg:$0x1];
	s1 =	simm.s32 $0x0;
	s8 =	simm.s32 $0x2  }
.Ltmp0:
0x3: {  	s9 =	simm.s32 $0xEA60;
	s2 =	sand.u32 $0x1, s2;
	(pc) =	sbr.rel .LBB2_1-.Ltmp0, $4  }
0x4: {  	s10 =	simm.s32 $0x1;
	s11 =	simm.s32 $0x0;
	s6 =	ssub.s32 $0x2, s2  }
0x5: {  	[smem:$0x7FF] =	sst s1;
	s4 =	sadd.s32 $0xF48A00, s3;
	s7 =	sshrl.u32 s6, $0x1  }
0x6: {  	s5 =	sadd.s32 $0x6600, s3;
	s3 =	stileid.u32;
	s7 =	ssub.s32 s6, s7  }
0x7: {  	v0 =	vlaneseq.u32;
	_ =	strace $0x80000047;
	s6 =	sshll.u32 s3, $0x1;
	s7 =	smax.u32 s7, $0x1  }
.LBB2_7:
0x8: {  	s11 =	sadd.s32 $0x1, s11  }
0x9: {  	p0 =	sne.s32 s11, s7  }
.Ltmp1:
0xa: {  	_ = 	snop;
	(pc) =	sbr.rel @!p0 .LBB2_8-.Ltmp1, $1  }
0xb: {  	_ =	sdelay $0x3  }
.LBB2_1:
.Ltmp2:
0xc: {  	(pc) =	sbr.rel .LBB2_2-.Ltmp2, $2  }
0xd: {  	_ =	sdelay $0x2  }
0xe: {  	s12 =	simm.s32 $0x0  }
.LBB2_6:
0xf: {  	s12 =	sadd.s32 $0x1, s12  }
0x10: {  	p0 =	sne.s32 s12, $0x8  }
.Ltmp3:
0x11: {  	_ = 	snop;
	(pc) =	sbr.rel @!p0 .LBB2_7-.Ltmp3, $1  }
0x12: {  	_ =	sdelay $0x3  }
.LBB2_2:
0x13: {  	s13 =	sshll.u32 s12, $0x5  }
0x14: {  	s13 =	sor.u32 s6, s13  }
0x15: {  	p0 =	sgt.u32 s13, $0xF9  }
.Ltmp4:
0x16: {  	_ = 	snop;
	(pc) =	sbr.rel @p0 .LBB2_6-.Ltmp4, $1  }
0x17: {  	_ =	sdelay $0x3  }
0x18: {  	s13 =	sor.u32 s2, s13;
	s14 =	simm.s32 $0x0  }
0x19: {  	s15 =	smul.u32 $0x1D4C, s13;
	v1 =	vadd.s32 s14, v0  }
0x1a: {  	vm0 =	vlt.s32 v1, $0xEA5F  }
0x1b: {  	s23 =	sadd.s32 s4, s15;
	v1 =	vnsel vm0, $0xEA5F, v1  }
0x1c: {  	[tilespmem:s1], [sflag:$0x2] =	stream.linear.gather [hbm4b:s23+s1], $0xEA60, $0x38;
	[tilespmem:$0x1E460] =	vst v63  }
0x1d: {  	_ =	swait.ge [sflag:s8], $0xEA60  }
0x1e: {  	[sflag:s8] =	ssyncset.done $0x0  }
0x1f: {  	s24 =	simm.s32 $0xF;
	[sflag:s8] =	ssyncadd.s32 $0xFFFF15A0  }
0x20: {  	v2 =	vadd.s32 s24, v0;
	v1 =	vld.idx.msk [tilespmem:v1+s1+$0x0], $0xffff  }
0x21: {  	vm0 =	vlt.s32 v2, $0xEA5F  }
0x22: {  	v2 =	vnsel vm0, $0xEA5F, v2;
	_ =	sdelay $0x1  }
0x23: {  	vm0 =	veq.s32 v0, $0xF  }
0x24: {  	s14 =	simm.s32 $0xEAA0;
	v1 =	vsel vm0, $0x0, v1  }
0x25: {  	s25 =	simm.s32 $0x1E;
	[tilespmem:s14+$0xFFFFFFC0] =	vst v1  }
0x26: {  	v1 =	vld.idx.msk [tilespmem:v2+s1+$0x0], $0xffff;
	v2 =	vadd.s32 s25, v0  }
0x27: {  	vm1 =	vlt.s32 v2, $0xEA5F  }
0x28: {  	v2 =	vnsel vm1, $0xEA5F, v2;
	_ =	sdelay $0x2  }
0x29: {  	v1 =	vsel vm0, $0x0, v1  }
0x2a: {  	s26 =	simm.s32 $0x2D;
	[tilespmem:s14+$0xFFFFFFD0] =	vst v1  }
0x2b: {  	v1 =	vld.idx.msk [tilespmem:v2+s1+$0x0], $0xffff;
	v2 =	vadd.s32 s26, v0  }
0x2c: {  	vm1 =	vlt.s32 v2, $0xEA5F  }
0x2d: {  	v2 =	vnsel vm1, $0xEA5F, v2;
	_ =	sdelay $0x2  }
0x2e: {  	v1 =	vsel vm0, $0x0, v1  }
0x2f: {  	s28 =	simm.s32 $0x3C;
	[tilespmem:s14+$0xFFFFFFE0] =	vst v1  }
0x30: {  	v1 =	vld.idx.msk [tilespmem:v2+s1+$0x0], $0xffff;
	v2 =	vadd.s32 s28, v0  }
0x31: {  	vm1 =	vlt.s32 v2, $0xEA5F  }
0x32: {  	v2 =	vnsel vm1, $0xEA5F, v2;
	_ =	sdelay $0x2  }
0x33: {  	v1 =	vsel vm0, $0x0, v1  }
0x34: {  	s29 =	simm.s32 $0x4B;
	[tilespmem:s14+$0xFFFFFFF0] =	vst v1  }
0x35: {  	v1 =	vld.idx.msk [tilespmem:v2+s1+$0x0], $0xffff;
	v2 =	vadd.s32 s29, v0  }
0x36: {  	vm1 =	vlt.s32 v2, $0xEA5F  }
0x37: {  	v2 =	vnsel vm1, $0xEA5F, v2;
	_ =	sdelay $0x2  }
0x38: {  	v1 =	vsel vm0, $0x0, v1  }
0x39: {  	s30 =	simm.s32 $0x5A;
	[tilespmem:s14+$0x0] =	vst v1  }
0x3a: {  	v1 =	vld.idx.msk [tilespmem:v2+s1+$0x0], $0xffff;
	v2 =	vadd.s32 s30, v0  }
0x3b: {  	vm1 =	vlt.s32 v2, $0xEA5F  }
0x3c: {  	v2 =	vnsel vm1, $0xEA5F, v2;
	_ =	sdelay $0x2  }
0x3d: {  	v1 =	vsel vm0, $0x0, v1  }
0x3e: {  	s31 =	simm.s32 $0x69;
	[tilespmem:s14+$0x10] =	vst v1  }
0x3f: {  	v1 =	vld.idx.msk [tilespmem:v2+s1+$0x0], $0xffff;
	v2 =	vadd.s32 s31, v0  }
0x40: {  	vm1 =	vlt.s32 v2, $0xEA5F  }
0x41: {  	v2 =	vnsel vm1, $0xEA5F, v2;
	_ =	sdelay $0x2  }
0x42: {  	v1 =	vsel vm0, $0x0, v1  }
0x43: {  	[tilespmem:s14+$0x20] =	vst v1  }
0x44: {  	s17 =	simm.s32 $0x78;
	s16 =	simm.s32 $0x159;
	s15 =	simm.s32 $0xE1;
	v1 =	vld.idx.msk [tilespmem:v2+s1+$0x0], $0xffff  }
.LBB2_4:
0x45: {  	p0 =	sne.s32 s16, $0xEA51;
	v2 =	vadd.s32 s17, v0  }
0x46: {  	vm1 =	vlt.s32 v2, $0xEA5F  }
0x47: {  	v2 =	vnsel vm1, $0xEA5F, v2;
	_ =	sdelay $0x2  }
0x48: {  	v1 =	vsel vm0, $0x0, v1  }
0x49: {  	[tilespmem:s14+$0x30] =	vst v1  }
0x4a: {  	s17 =	sadd.s32 $0xFFFFFFA6, s15;
	v1 =	vld.idx.msk [tilespmem:v2+s1+$0x0], $0xffff  }
0x4b: {  	v2 =	vadd.s32 s17, v0  }
0x4c: {  	vm1 =	vlt.s32 v2, $0xEA5F  }
0x4d: {  	v2 =	vnsel vm1, $0xEA5F, v2;
	_ =	sdelay $0x2  }
0x4e: {  	s14 =	sadd.s32 $0x80, s14;
	v1 =	vsel vm0, $0x0, v1  }
0x4f: {  	[tilespmem:s14+$0xFFFFFFC0] =	vst v1  }
0x50: {  	s17 =	sadd.s32 $0xFFFFFFB5, s15;
	v1 =	vld.idx.msk [tilespmem:v2+s1+$0x0], $0xffff  }
0x51: {  	v2 =	vadd.s32 s17, v0  }
0x52: {  	vm1 =	vlt.s32 v2, $0xEA5F  }
0x53: {  	v2 =	vnsel vm1, $0xEA5F, v2;
	_ =	sdelay $0x2  }
0x54: {  	v1 =	vsel vm0, $0x0, v1  }
0x55: {  	[tilespmem:s14+$0xFFFFFFD0] =	vst v1  }
0x56: {  	s17 =	sadd.s32 $0xFFFFFFC4, s15;
	v1 =	vld.idx.msk [tilespmem:v2+s1+$0x0], $0xffff  }
0x57: {  	v2 =	vadd.s32 s17, v0  }
0x58: {  	vm1 =	vlt.s32 v2, $0xEA5F  }
0x59: {  	v2 =	vnsel vm1, $0xEA5F, v2;
	_ =	sdelay $0x2  }
0x5a: {  	v1 =	vsel vm0, $0x0, v1  }
0x5b: {  	[tilespmem:s14+$0xFFFFFFE0] =	vst v1  }
0x5c: {  	s17 =	sadd.s32 $0xFFFFFFD3, s15;
	v1 =	vld.idx.msk [tilespmem:v2+s1+$0x0], $0xffff  }
0x5d: {  	v2 =	vadd.s32 s17, v0  }
0x5e: {  	vm1 =	vlt.s32 v2, $0xEA5F  }
0x5f: {  	v2 =	vnsel vm1, $0xEA5F, v2;
	_ =	sdelay $0x2  }
0x60: {  	v1 =	vsel vm0, $0x0, v1  }
0x61: {  	[tilespmem:s14+$0xFFFFFFF0] =	vst v1  }
0x62: {  	s17 =	sadd.s32 $0xFFFFFFE2, s15;
	v1 =	vld.idx.msk [tilespmem:v2+s1+$0x0], $0xffff  }
0x63: {  	v2 =	vadd.s32 s17, v0  }
0x64: {  	vm1 =	vlt.s32 v2, $0xEA5F  }
0x65: {  	v2 =	vnsel vm1, $0xEA5F, v2;
	_ =	sdelay $0x2  }
0x66: {  	v1 =	vsel vm0, $0x0, v1  }
0x67: {  	[tilespmem:s14+$0x0] =	vst v1  }
0x68: {  	s17 =	sadd.s32 $0xFFFFFFF1, s15;
	v1 =	vld.idx.msk [tilespmem:v2+s1+$0x0], $0xffff  }
0x69: {  	v2 =	vadd.s32 s17, v0  }
0x6a: {  	vm1 =	vlt.s32 v2, $0xEA5F  }
0x6b: {  	v2 =	vnsel vm1, $0xEA5F, v2;
	_ =	sdelay $0x2  }
0x6c: {  	v1 =	vsel vm0, $0x0, v1  }
0x6d: {  	[tilespmem:s14+$0x10] =	vst v1  }
0x6e: {  	v1 =	vld.idx.msk [tilespmem:v2+s1+$0x0], $0xffff  }
0x6f: {  	v2 =	vadd.s32 s15, v0;
	s15 =	smov.u32 s16  }
0x70: {  	vm1 =	vlt.s32 v2, $0xEA5F  }
0x71: {  	v2 =	vnsel vm1, $0xEA5F, v2  }
.Ltmp5:
0x72: {  	(pc) =	sbr.rel @p0 .LBB2_4-.Ltmp5, $4  }
0x73: {  	_ = 	snop  }
0x74: {  	v1 =	vsel vm0, $0x0, v1  }
0x75: {  	[tilespmem:s14+$0x20] =	vst v1  }
0x76: {  	s16 =	sadd.s32 $0x78, s16;
	s17 =	sadd.s32 $0xFFFFFF97, s15;
	v1 =	vld.idx.msk [tilespmem:v2+s1+$0x0], $0xffff  }
0x77: {  	v2 =	vadd.s32 s17, v0  }
0x78: {  	vm1 =	vlt.s32 v2, $0xEA5F  }
0x79: {  	v2 =	vnsel vm1, $0xEA5F, v2;
	_ =	sdelay $0x2  }
0x7a: {  	v1 =	vsel vm0, $0x0, v1  }
0x7b: {  	s16 =	sadd.s32 $0xFFFFFFA6, s15;
	[tilespmem:s14+$0x30] =	vst v1  }
0x7c: {  	v1 =	vld.idx.msk [tilespmem:v2+s1+$0x0], $0xffff;
	v2 =	vadd.s32 s16, v0  }
0x7d: {  	vm8 =	vlt.s32 v2, $0xEA5F  }
0x7e: {  	v2 =	vnsel vm8, $0xEA5F, v2;
	_ =	sdelay $0x1  }
0x7f: {  	vm9 =	veq.s32 v0, $0xF  }
0x80: {  	s25 =	sadd.s32 $0x80, s14;
	v1 =	vsel vm9, $0x0, v1  }
0x81: {  	s26 =	sadd.s32 $0xFFFFFFB5, s15;
	[tilespmem:s25+$0xFFFFFFC0] =	vst v1  }
0x82: {  	v1 =	vld.idx.msk [tilespmem:v2+s1+$0x0], $0xffff;
	v2 =	vadd.s32 s26, v0  }
0x83: {  	vm10 =	vlt.s32 v2, $0xEA5F  }
0x84: {  	v2 =	vnsel vm10, $0xEA5F, v2;
	_ =	sdelay $0x2  }
0x85: {  	v1 =	vsel vm9, $0x0, v1  }
0x86: {  	s28 =	sadd.s32 $0xFFFFFFC4, s15;
	[tilespmem:s25+$0xFFFFFFD0] =	vst v1  }
0x87: {  	v1 =	vld.idx.msk [tilespmem:v2+s1+$0x0], $0xffff;
	v2 =	vadd.s32 s28, v0  }
0x88: {  	vm11 =	vlt.s32 v2, $0xEA5F  }
0x89: {  	v2 =	vnsel vm11, $0xEA5F, v2;
	_ =	sdelay $0x2  }
0x8a: {  	v1 =	vsel vm9, $0x0, v1  }
0x8b: {  	s29 =	sadd.s32 $0xFFFFFFD3, s15;
	[tilespmem:s25+$0xFFFFFFE0] =	vst v1  }
0x8c: {  	v1 =	vld.idx.msk [tilespmem:v2+s1+$0x0], $0xffff;
	v2 =	vadd.s32 s29, v0  }
0x8d: {  	vm12 =	vlt.s32 v2, $0xEA5F  }
0x8e: {  	v2 =	vnsel vm12, $0xEA5F, v2;
	_ =	sdelay $0x2  }
0x8f: {  	v1 =	vsel vm9, $0x0, v1  }
0x90: {  	s30 =	sadd.s32 $0xFFFFFFE2, s15;
	[tilespmem:s25+$0xFFFFFFF0] =	vst v1  }
0x91: {  	v1 =	vld.idx.msk [tilespmem:v2+s1+$0x0], $0xffff;
	v2 =	vadd.s32 s30, v0  }
0x92: {  	vm13 =	vlt.s32 v2, $0xEA5F  }
0x93: {  	v2 =	vnsel vm13, $0xEA5F, v2;
	_ =	sdelay $0x2  }
0x94: {  	v1 =	vsel vm9, $0x0, v1  }
0x95: {  	s31 =	sadd.s32 $0xFFFFFFF1, s15;
	[tilespmem:s25+$0x0] =	vst v1  }
0x96: {  	v1 =	vld.idx.msk [tilespmem:v2+s1+$0x0], $0xffff;
	v2 =	vadd.s32 s31, v0  }
0x97: {  	vm14 =	vlt.s32 v2, $0xEA5F  }
0x98: {  	v2 =	vnsel vm14, $0xEA5F, v2;
	_ =	sdelay $0x2  }
0x99: {  	v1 =	vsel vm9, $0x0, v1  }
0x9a: {  	[tilespmem:s25+$0x10] =	vst v1  }
0x9b: {  	v1 =	vld.idx.msk [tilespmem:v2+s1+$0x0], $0xffff;
	v2 =	vadd.s32 s15, v0  }
0x9c: {  	vm15 =	vlt.s32 v2, $0xEA5F  }
0x9d: {  	v2 =	vnsel vm15, $0xEA5F, v2;
	_ =	sdelay $0x2  }
0x9e: {  	v1 =	vsel vm9, $0x0, v1  }
0x9f: {  	[tilespmem:s25+$0x20] =	vst v1  }
0xa0: {  	v1 =	vld.idx.msk [tilespmem:v2+s1+$0x0], $0xffff;
	_ =	sdelay $0x3  }
0xa1: {  	s13 =	smul.u32 $0x1F40, s13  }
0xa2: {  	v1 =	vsel vm9, $0x0, v1  }
.Ltmp6:
0xa3: {  	s13 =	sadd.s32 s5, s13;
	[tilespmem:s25+$0x30] =	vst v1;
	(pc) =	sbr.rel .LBB2_6-.Ltmp6, $4  }
0xa4: {  	[hbm4b:s13+s1] =	stream.linear.scatter [tilespmem:s9], [sflag:$0x1], $0xFA00, $0x38;
	[tilespmem:$0x1E460] =	vst v63  }
0xa5: {  	_ =	swait.ge [sflag:s10], $0xFA00  }
0xa6: {  	[sflag:s10] =	ssyncset.done $0x0  }
0xa7: {  	[sflag:s10] =	ssyncadd.s32 $0xFFFF0600  }
.LBB2_8:
0xa8: {  	_ =	sfence.sel $0x180000  }
0xa9: {  	[bflag:$0x0] =	sbarrier.arrive $0xFFFF  }
0xaa: {  	p0 =	sne.s32 s3, $0x0;
	_ =	strace $0x90000047  }
0xab: {  	s0 =	sadd.s32 @!p0 $0x100000, s0;
	[bflag:$0x2] =	sbarrier.arrive $0xFFFF  }
0xac: {  	[sflag:s0] =	ssyncadd.tile.s32 @!p0 $0x1;
	_ =	shalt  }
.Lfunc_end2:
_tile_overlayer_lowered:
.L_overlay_start_2:
0xad: {  	(tag) =	ssettag $0x2  }
0xae: {  	s0 =	rddreg [dreg:$0x0];
	s2 =	stileid.u32  }
0xaf: {  	s1 =	rddreg [dreg:$0x1];
	p0 =	sne.s32 s2, $0x0  }
0xb0: {  	s3 =	rddreg [dreg:$0x2];
	[bflag:$0x3] =	sbarrier.arrive $0xFFFF;
	s2 =	simm.s32 @!p0 $0x1C01  }
0xb1: {  	[timem:s3], [sflag:s2] =	dma.local @!p0 [hbm:s0], s1  }
0xb2: {  	s0 =	simm.s32 @!p0 $0x1  }
0xb3: {  	_ =	swait.ge @!p0 [sflag:s0], s1  }
0xb4: {  	s1 =	ssub.s32 @!p0 $0x0, s1;
	[sflag:s0] =	ssyncset.done @!p0 $0x0  }
0xb5: {  	[sflag:s0] =	ssyncadd.s32 @!p0 s1  }
0xb6: {  	[bflag:$0x3] =	sbarrier.arrive $0xFFFF  }
0xb7: {  	_ =	shalt  }

// kernel: kernel.16.cloned.1.call-start
scs
__scs_entry_jumppad:
0x0: {  	(pc) =	sbr.rel $0x88, $3  }
0x1: {  	(tag) =	ssettag $0x0;
	lr =	simm.s32 $0x1  }
0x2: {  	[smem:$0x3F97] =	sst lr;
	_ =	strace $0xD0000000  }
0x3: {  	_ = 	snop  }
0x4: {  	_ = 	snop  }
0x5: {  	_ = 	snop  }
0x6: {  	_ = 	snop  }
0x7: {  	_ = 	snop  }
__scs_overlays_trampoline_lowered:
0x8: {  	[smem:$0x3FA6] =	sst s0  }
0x9: {  	[smem:$0x3FA7] =	sst s1  }
0xa: {  	[smem:$0x3FA8] =	sst s2  }
0xb: {  	[smem:$0x3FA9] =	sst s3  }
0xc: {  	[smem:$0x3FAA] =	sst s4  }
0xd: {  	[smem:$0x3FAB] =	sst s5  }
0xe: {  	[smem:$0x3FAC] =	sst s6  }
0xf: {  	[smem:$0x3FAD] =	sst s7  }
0x10: {  	[smem:$0x3FAE] =	sst s8  }
0x11: {  	[smem:$0x3FAF] =	sst s9;
	s0 =	simm.s32 @!p0 $0x0  }
0x12: {  	s1 =	sld [smem:$0x3F95];
	s0 =	simm.s32 @p0 $0x1  }
0x13: {  	[smem:$0x3FB0] =	sst s0;
	s0 =	simm.s32 @!p1 $0x0  }
0x14: {  	s2 =	sld [smem:$0x3F94];
	s0 =	simm.s32 @p1 $0x1  }
0x15: {  	[smem:$0x3FB1] =	sst s0;
	s0 =	simm.s32 @!p2 $0x0  }
0x16: {  	s3 =	sld [smem:$0x3FDB];
	s0 =	simm.s32 @p2 $0x1  }
0x17: {  	s4 =	simm.s32 $0x1BF5;
	[smem:$0x3FB3] =	sst s0  }
0x18: {  	s0 =	sld [smem:$0x3F96];
	_ =	swait.ge [sflag:s4], $0x0  }
0x19: {  	s7 =	sld [smem:$0x3F97]  }
0x1a: {  	s8 =	sadd.s32 $0xFFFFE003, lr  }
0x1b: {  	s9 =	sadd.s32 $0xFFFFFEF7, lr;
	s5 =	simm.s32 $0xFFFFFFFF;
	p2 =	slt.u32 s8, $0xFFFFF086  }
0x1c: {  	p1 =	slt.u32 s9, $0xF7A;
	s5 =	simm.s32 @!p2 $0x0  }
0x1d: {  	s5 =	simm.s32 @p1 $0x1;
	p0 =	seq.s32 s7, s2  }
0x1e: {  	s7 =	smul.u32 @!p0 $0xF7A, s2;
	p2 =	seq.s32 @!p0 s5, $0x0  }
0x1f: {  	s9 =	smul.u32 $0xF7A, s1;
	s8 =	simm.s32 @!p0 $0x1BF5;
	p2 =	por !p2, p0  }
0x20: {  	[sflag:s8] =	ssyncset.s32 @!p0 $0xFFFFF086;
	s6 =	sadd.s32 @!p0 s3, s7;
	s7 =	simm.s32 @!p0 $0x108  }
0x21: {  	s3 =	sadd.s32 s3, s9;
	s6 =	sadd.s32 @!p0 $0x88, s6;
	s7 =	simm.s32 @p2 $0x1082  }
0x22: {  	[simem:s7], [sflag:s8] =	dma.local @!p0 [hbm:s6], $0xF7A  }
0x23: {  	s9 =	sor.u32 $0xD0000000, s2;
	s6 =	simm.s32 $0x108;
	_ =	swait.ge @!p0 [sflag:s8], $0x0  }
0x24: {  	s3 =	sadd.s32 $0x88, s3;
	s6 =	simm.s32 @!p1 $0x1082;
	[sflag:s4] =	ssyncset.s32 $0xFFFFF086  }
0x25: {  	[simem:s6], [sflag:s4] =	dma.local [hbm:s3], $0xF7A  }
0x26: {  	[smem:$0x3F97] =	sst s1;
	(tag) =	ssettag s2;
	_ =	strace s9  }
0x27: {  	s1 =	sld [smem:$0x3FA7]  }
0x28: {  	s2 =	sld [smem:$0x3FA8]  }
0x29: {  	s4 =	sld [smem:$0x3FAA]  }
0x2a: {  	p0 =	seq.s32 s5, $0x0;
	s5 =	sld [smem:$0x3FAB]  }
0x2b: {  	s6 =	sld [smem:$0x3FAC]  }
0x2c: {  	s7 =	sld [smem:$0x3FAD]  }
0x2d: {  	s3 =	simm.s32 $0x108;
	s8 =	sld [smem:$0x3FAE]  }
0x2e: {  	s3 =	simm.s32 @!p0 $0x1082;
	s9 =	sld [smem:$0x3FAF]  }
0x2f: {  	lr =	sadd.s32 s0, s3;
	s0 =	sld [smem:$0x3FA6]  }
0x30: {  	s3 =	sld [smem:$0x3FA9]  }
0x31: {  	[smem:$0x3FB2] =	sst s10  }
0x32: {  	s10 =	sld [smem:$0x3FB0];
	_ =	sdelay $0x3  }
0x33: {  	p0 =	seq.s32 s10, $0x1;
	s10 =	sld [smem:$0x3FB2];
	_ =	sdelay $0x3  }
0x34: {  	[smem:$0x3FB2] =	sst s10  }
0x35: {  	s10 =	sld [smem:$0x3FB1];
	_ =	sdelay $0x3  }
0x36: {  	p1 =	seq.s32 s10, $0x1;
	s10 =	sld [smem:$0x3FB2];
	_ =	sdelay $0x3  }
0x37: {  	[smem:$0x3FB2] =	sst s10  }
0x38: {  	s10 =	sld [smem:$0x3FB3]  }
0x39: {  	_ = 	snop;
	(pc) =	sbr.ind lr, $3  }
0x3a: {  	_ = 	snop  }
0x3b: {  	_ = 	snop  }
0x3c: {  	p2 =	seq.s32 s10, $0x1;
	s10 =	sld [smem:$0x3FB2]  }
0x3d: {  	_ =	shalt  }
0x3e: {  	_ =	shalt  }
0x3f: {  	_ =	shalt  }
0x40: {  	_ =	shalt  }
0x41: {  	_ =	shalt  }
0x42: {  	_ =	shalt  }
0x43: {  	_ =	shalt  }
0x44: {  	_ =	shalt  }
0x45: {  	_ =	shalt  }
0x46: {  	_ =	shalt  }
0x47: {  	_ =	shalt  }
0x48: {  	_ =	shalt  }
0x49: {  	_ =	shalt  }
0x4a: {  	_ =	shalt  }
0x4b: {  	_ =	shalt  }
0x4c: {  	_ =	shalt  }
0x4d: {  	_ =	shalt  }
0x4e: {  	_ =	shalt  }
0x4f: {  	_ =	shalt  }
0x50: {  	_ =	shalt  }
0x51: {  	_ =	shalt  }
0x52: {  	_ =	shalt  }
0x53: {  	_ =	shalt  }
0x54: {  	_ =	shalt  }
0x55: {  	_ =	shalt  }
0x56: {  	_ =	shalt  }
0x57: {  	_ =	shalt  }
0x58: {  	_ =	shalt  }
0x59: {  	_ =	shalt  }
0x5a: {  	_ =	shalt  }
0x5b: {  	_ =	shalt  }
0x5c: {  	_ =	shalt  }
0x5d: {  	_ =	shalt  }
0x5e: {  	_ =	shalt  }
0x5f: {  	_ =	shalt  }
0x60: {  	_ =	shalt  }
0x61: {  	_ =	shalt  }
0x62: {  	_ =	shalt  }
0x63: {  	_ =	shalt  }
0x64: {  	_ =	shalt  }
0x65: {  	_ =	shalt  }
0x66: {  	_ =	shalt  }
0x67: {  	_ =	shalt  }
0x68: {  	_ =	shalt  }
0x69: {  	_ =	shalt  }
0x6a: {  	_ =	shalt  }
0x6b: {  	_ =	shalt  }
0x6c: {  	_ =	shalt  }
0x6d: {  	_ =	shalt  }
0x6e: {  	_ =	shalt  }
0x6f: {  	_ =	shalt  }
0x70: {  	_ =	shalt  }
0x71: {  	_ =	shalt  }
0x72: {  	_ =	shalt  }
0x73: {  	_ =	shalt  }
0x74: {  	_ =	shalt  }
0x75: {  	_ =	shalt  }
0x76: {  	_ =	shalt  }
0x77: {  	_ =	shalt  }
0x78: {  	_ =	shalt  }
0x79: {  	_ =	shalt  }
0x7a: {  	_ =	shalt  }
0x7b: {  	_ =	shalt  }
0x7c: {  	_ =	shalt  }
0x7d: {  	_ =	shalt  }
0x7e: {  	_ =	shalt  }
0x7f: {  	_ =	shalt  }
0x80: {  	_ =	shalt  }
0x81: {  	_ =	shalt  }
0x82: {  	_ =	shalt  }
0x83: {  	_ =	shalt  }
0x84: {  	_ =	shalt  }
0x85: {  	_ =	shalt  }
0x86: {  	_ =	shalt  }
0x87: {  	_ =	shalt  }
.Lfunc_end0:
.L_simem_size_0:
called_computation.1_lowered:
.L_overlay_start_0:
0x88: {  	s2 =	sld [smem:$0x3FD9]  }
0x89: {  	s3 =	sld [smem:$0x3FFE];
	_ =	sdelay $0x1  }
0x8a: {  	s1 =	srdreg.scid  }
0x8b: {  	s0 =	sand.u32 $0x1, s1  }
0x8c: {  	s16 =	sshll.u32 s0, $0xA;
	s2 =	sadd.s32 s3, s2  }
0x8d: {  	s2 =	sadd.s32 s2, s16  }
0x8e: {  	[smem:$0x3FBE] =	sst s2  }
0x8f: {  	_ = 	snop  }
0x90: {  	(tm) =	ssettm $0x1  }
0x91: {  	s17 =	sld [smem:$0x3FFB];
	_ =	sdelay $0x3  }
0x92: {  	_ =	strace s17  }
0x93: {  	s2 =	sld [smem:$0x3FFC];
	_ =	sdelay $0x3  }
0x94: {  	_ =	strace s2  }
0x95: {  	s2 =	sld [smem:$0x3FFD];
	_ =	sdelay $0x3  }
0x96: {  	_ =	strace s2  }
0x97: {  	_ =	strace $0x8FFFFFFF  }
0x98: {  	s18 =	sld [smem:$0x3FDB];
	_ =	sdelay $0x1  }
0x99: {  	s19 =	simm.s32 $_scs_section_size  }
0x9a: {  	s4 =	simm.s32 $_size__tile_overlayer_lowered;
	s5 =	simm.s32 $_tile_overlayer_lowered  }
0x9b: {  	s22 =	simm.s32 $0x1BFF;
	s21 =	sshll.u32 s5, $0x1;
	s2 =	sadd.s32 s19, s18  }
0x9c: {  	s6 =	simm.s32 $0x0;
	s20 =	sshll.u32 s4, $0x1;
	s4 =	sadd.s32 s21, s2  }
0x9d: {  	[timem:s6], [sflag:s22] =	dma.local [hbm:s4], s20  }
0x9e: {  	_ =	swait.ge [sflag:s22], s20  }
0x9f: {  	s3 =	ssub.s32 $0x0, s20;
	[sflag:s22] =	ssyncset.done $0x0  }
0xa0: {  	[sflag:s22] =	ssyncadd.s32 s3;
	_ =	sdelay $0x1  }
0xa1: {  	s23 =	simm.s32 $0x1B8B  }
0xa2: {  	_ =	swait.ge [sflag:s23], $0x1  }
0xa3: {  	[sflag:s23] =	ssyncset.done $0x0  }
0xa4: {  	s25 =	simm.s32 $0x1B8E;
	s24 =	sld [smem:$0x3FFE];
	[sflag:s23] =	ssyncadd.s32 $0xFFFFFFFF  }
0xa5: {  	s26 =	simm.s32 $execute0_lowered;
	[smem:$0x3FD2] =	sst s25  }
0xa6: {  	s4 =	sshll.u32 s26, $0x1;
	_ =	strace $0x80000049;
	[dreg:$0x1] =	wrdreg $0xFFFFFFFF  }
0xa7: {  	s28 =	simm.s32 $_size_execute0_lowered;
	s2 =	sadd.s32 s2, s4;
	[dreg:$0x0] =	wrdreg $0x0  }
0xa8: {  	s4 =	sshll.u32 s28, $0x1;
	[dreg:$0x2] =	wrdreg s2  }
0xa9: {  	[dreg:$0x3] =	wrdreg s4  }
0xaa: {  	[dreg:$0x4] =	wrdreg $0xC0  }
0xab: {  	_ =	task [dreg:s6], $0x5FFFF  }
0xac: {  	[dreg:$0x1] =	wrdreg $0xFFFFFFFF  }
0xad: {  	[dreg:$0x0] =	wrdreg $0x60  }
0xae: {  	[dreg:$0x2] =	wrdreg s24  }
0xaf: {  	[dreg:$0x3] =	wrdreg $0x9  }
0xb0: {  	_ =	task.clear_ibuf [dreg:s6], $0x4FFFF;
	_ =	strace $0x90000049  }
0xb1: {  	s29 =	simm.s32 $0x9;
	_ =	strace $0x8000004B  }
0xb2: {  	_ =	swait.ge [sflag:s29], $0x1  }
0xb3: {  	[sflag:s29] =	ssyncadd.s32 $0xFFFFFFFF  }
0xb4: {  	_ =	strace $0x9000004B  }
0xb5: {  	_ =	sfence  }
0xb6: {  	s30 =	sld [smem:$0x0];
	_ =	sdelay $0x2  }
0xb7: {  	s31 =	sshll.u32 s1, $0xD;
	s1 =	sshrl.u32 s1, $0x2  }
0xb8: {  	s3 =	sand.u32 $0x4000, s31;
	s1 =	sadd.s32 s1, s30  }
0xb9: {  	s0 =	sor.u32 s3, s0;
	s1 =	sshll.u32 s1, $0x11  }
0xba: {  	s0 =	sor.u32 s1, s0  }
0xbb: {  	s0 =	sadd.s32 $0x8F2B, s0  }
0xbc: {  	[sflag:s0] =	ssyncadd.remote.s32 $0x1  }
0xbd: {  	_ =	sfence.sel $0xFFFF  }
0xbe: {  	[dreg:$0x0] =	wrdreg $0xFFFFFFFF;
	(pc) =	sbr.abs _section_cstart, $3  }
0xbf: {  	[dreg:$0x1] =	wrdreg $0xFFFFFFFF  }
0xc0: {  	_ =	task.clear_ibuf [dreg:s6], $0x2FFFF;
	_ =	strace $0x9FFFFFFF  }
0xc1: {  	(tm) =	ssettm $0x7FFFFFFF  }
tec
execute0_lowered:
.L_overlay_start_1:
0x0: {  	(tag) =	ssettag $0x1  }
0x1: {  	s4 =	rddreg [dreg:$0x0]  }
0x2: {  	s0 =	rddreg [dreg:$0x1]  }
0x3: {  	s1 =	stileid.u32;
	s2 =	simm.s32 $0x0;
	s3 =	srdreg.scid  }
0x4: {  	s10 =	simm.s32 $0xC00;
	s11 =	simm.s32 $0x100;
	s12 =	simm.s32 $0x1400  }
0x5: {  	s13 =	simm.s32 $0x180;
	s14 =	simm.s32 $0x1C00;
	s15 =	simm.s32 $0x200  }
0x6: {  	s16 =	simm.s32 $0x2400;
	s17 =	simm.s32 $0x280;
	s18 =	simm.s32 $0x2C00  }
0x7: {  	s19 =	simm.s32 $0x300;
	s20 =	simm.s32 $0x3400;
	s21 =	simm.s32 $0x380  }
0x8: {  	s22 =	simm.s32 $0x3C00;
	s23 =	simm.s32 $0x1;
	s5 =	smul.u32 $0xA00, s1  }
0x9: {  	s24 =	simm.s32 $0x0;
	s6 =	smul.u32 $0xA000, s1;
	s7 =	sand.u32 $0x1, s3  }
0xa: {  	[smem:$0x7FF] =	sst s2;
	s3 =	sadd.s32 $0x6600, s4;
	s8 =	smul.u32 $0x5000, s7  }
0xb: {  	_ =	strace $0x8000004A;
	s9 =	ssub.s32 $0x2, s7;
	s7 =	smul.u32 $0x500, s7  }
0xc: {  	s5 =	sadd.s32 s5, s4;
	s4 =	sadd.s32 s6, s4;
	s31 =	sshrl.u32 s9, $0x1  }
0xd: {  	s6 =	ssub.s32 s9, s31;
	s8 =	sadd.s32 s8, s4;
	s7 =	sadd.s32 s7, s5  }
0xe: {  	s9 =	simm.s32 $0x400;
	s4 =	smax.u32 s6, $0x1;
	s5 =	sadd.s32 $0x216C00, s8  }
0xf: {  	s6 =	sadd.s32 $0x1EEC00, s7;
	s7 =	simm.s32 $0x2;
	s8 =	simm.s32 $0x80  }
.LBB2_1:
0x10: {  	s25 =	sadd.s32 $0x0, s6  }
0x11: {  	[tilespmem:s2], [sflag:$0x2] =	stream.linear.gather [hbm4b:s25+s2], $0x400, $0x38;
	[tilespmem:$0x4400] =	vst v63  }
0x12: {  	_ =	swait.ge [sflag:s7], $0x400  }
0x13: {  	[sflag:s7] =	ssyncset.done $0x0  }
0x14: {  	[sflag:s7] =	ssyncadd.s32 $0xFFFFFC00  }
0x15: {  	[tilespmem:s9], [sflag:$0x1] =	stream.indirect.gather [hbm4b:s3+s8], $0x10, s2, s8, $0xb8;
	[tilespmem:$0x4400] =	vst v63  }
0x16: {  	_ = 	snop  }
0x17: {  	[tilespmem:s10], [sflag:$0x1] =	stream.indirect.gather [hbm4b:s3+s8], $0x10, s8, s8, $0xb8;
	[tilespmem:$0x4400] =	vst v63  }
0x18: {  	_ = 	snop  }
0x19: {  	[tilespmem:s12], [sflag:$0x1] =	stream.indirect.gather [hbm4b:s3+s8], $0x10, s11, s8, $0xb8;
	[tilespmem:$0x4400] =	vst v63  }
0x1a: {  	_ = 	snop  }
0x1b: {  	[tilespmem:s14], [sflag:$0x1] =	stream.indirect.gather [hbm4b:s3+s8], $0x10, s13, s8, $0xb8;
	[tilespmem:$0x4400] =	vst v63  }
0x1c: {  	_ = 	snop  }
0x1d: {  	[tilespmem:s16], [sflag:$0x1] =	stream.indirect.gather [hbm4b:s3+s8], $0x10, s15, s8, $0xb8;
	[tilespmem:$0x4400] =	vst v63  }
0x1e: {  	_ = 	snop  }
0x1f: {  	[tilespmem:s18], [sflag:$0x1] =	stream.indirect.gather [hbm4b:s3+s8], $0x10, s17, s8, $0xb8;
	[tilespmem:$0x4400] =	vst v63  }
0x20: {  	_ = 	snop  }
0x21: {  	[tilespmem:s20], [sflag:$0x1] =	stream.indirect.gather [hbm4b:s3+s8], $0x10, s19, s8, $0xb8;
	[tilespmem:$0x4400] =	vst v63  }
0x22: {  	_ = 	snop  }
0x23: {  	[tilespmem:s22], [sflag:$0x1] =	stream.indirect.gather [hbm4b:s3+s8], $0x10, s21, s8, $0xb8;
	[tilespmem:$0x4400] =	vst v63  }
0x24: {  	_ =	swait.ge [sflag:s23], $0x800  }
0x25: {  	[sflag:s23] =	ssyncset.done $0x0  }
0x26: {  	[sflag:s23] =	ssyncadd.s32 $0xFFFFF800  }
0x27: {  	_ =	swait.ge [sflag:s23], $0x800  }
0x28: {  	[sflag:s23] =	ssyncset.done $0x0  }
0x29: {  	[sflag:s23] =	ssyncadd.s32 $0xFFFFF800  }
0x2a: {  	_ =	swait.ge [sflag:s23], $0x800  }
0x2b: {  	[sflag:s23] =	ssyncset.done $0x0  }
0x2c: {  	[sflag:s23] =	ssyncadd.s32 $0xFFFFF800  }
0x2d: {  	_ =	swait.ge [sflag:s23], $0x800  }
0x2e: {  	[sflag:s23] =	ssyncset.done $0x0  }
0x2f: {  	[sflag:s23] =	ssyncadd.s32 $0xFFFFF800  }
0x30: {  	_ =	swait.ge [sflag:s23], $0x800  }
0x31: {  	[sflag:s23] =	ssyncset.done $0x0  }
0x32: {  	[sflag:s23] =	ssyncadd.s32 $0xFFFFF800  }
0x33: {  	_ =	swait.ge [sflag:s23], $0x800  }
0x34: {  	[sflag:s23] =	ssyncset.done $0x0  }
0x35: {  	[sflag:s23] =	ssyncadd.s32 $0xFFFFF800  }
0x36: {  	_ =	swait.ge [sflag:s23], $0x800  }
0x37: {  	[sflag:s23] =	ssyncset.done $0x0  }
0x38: {  	[sflag:s23] =	ssyncadd.s32 $0xFFFFF800  }
0x39: {  	_ =	swait.ge [sflag:s23], $0x800  }
0x3a: {  	[sflag:s23] =	ssyncset.done $0x0  }
0x3b: {  	[sflag:s23] =	ssyncadd.s32 $0xFFFFF800  }
0x3c: {  	[hbm4b:s5+s2] =	stream.linear.scatter [tilespmem:s9], [sflag:$0x2], $0x4000, $0x38;
	[tilespmem:$0x4400] =	vst v63  }
0x3d: {  	s26 =	simm.s32 $0x80;
	_ =	swait.ge [sflag:s7], $0x4000  }
0x3e: {  	s29 =	simm.s32 $0x100;
	s25 =	sadd.s32 $0x800, s5;
	[sflag:s7] =	ssyncset.done $0x0  }
.LBB2_2:
0x3f: {  	s30 =	sadd.s32 s26, s6  }
0x40: {  	[sflag:s7] =	ssyncadd.s32 $0xFFFFC000;
	s26 =	smov.u32 s29;
	s28 =	sadd.s32 $0x80, s29  }
0x41: {  	[tilespmem:s2], [sflag:$0x2] =	stream.linear.gather [hbm4b:s30+s2], $0x400, $0x38;
	[tilespmem:$0x4400] =	vst v63  }
0x42: {  	p0 =	sne.s32 s29, $0x480;
	_ =	swait.ge [sflag:s7], $0x400  }
0x43: {  	[sflag:s7] =	ssyncset.done $0x0  }
0x44: {  	[sflag:s7] =	ssyncadd.s32 $0xFFFFFC00  }
0x45: {  	[tilespmem:s9], [sflag:$0x1] =	stream.indirect.gather [hbm4b:s3+s8], $0x10, s2, s8, $0xb8;
	[tilespmem:$0x4400] =	vst v63  }
0x46: {  	_ = 	snop  }
0x47: {  	[tilespmem:s10], [sflag:$0x1] =	stream.indirect.gather [hbm4b:s3+s8], $0x10, s8, s8, $0xb8;
	[tilespmem:$0x4400] =	vst v63  }
0x48: {  	_ = 	snop  }
0x49: {  	[tilespmem:s12], [sflag:$0x1] =	stream.indirect.gather [hbm4b:s3+s8], $0x10, s11, s8, $0xb8;
	[tilespmem:$0x4400] =	vst v63  }
0x4a: {  	_ = 	snop  }
0x4b: {  	[tilespmem:s14], [sflag:$0x1] =	stream.indirect.gather [hbm4b:s3+s8], $0x10, s13, s8, $0xb8;
	[tilespmem:$0x4400] =	vst v63  }
0x4c: {  	_ = 	snop  }
0x4d: {  	[tilespmem:s16], [sflag:$0x1] =	stream.indirect.gather [hbm4b:s3+s8], $0x10, s15, s8, $0xb8;
	[tilespmem:$0x4400] =	vst v63  }
0x4e: {  	_ = 	snop  }
0x4f: {  	[tilespmem:s18], [sflag:$0x1] =	stream.indirect.gather [hbm4b:s3+s8], $0x10, s17, s8, $0xb8;
	[tilespmem:$0x4400] =	vst v63  }
0x50: {  	_ = 	snop  }
0x51: {  	[tilespmem:s20], [sflag:$0x1] =	stream.indirect.gather [hbm4b:s3+s8], $0x10, s19, s8, $0xb8;
	[tilespmem:$0x4400] =	vst v63  }
0x52: {  	_ = 	snop  }
0x53: {  	[tilespmem:s22], [sflag:$0x1] =	stream.indirect.gather [hbm4b:s3+s8], $0x10, s21, s8, $0xb8;
	[tilespmem:$0x4400] =	vst v63  }
0x54: {  	_ =	swait.ge [sflag:s23], $0x800  }
0x55: {  	[sflag:s23] =	ssyncset.done $0x0  }
0x56: {  	[sflag:s23] =	ssyncadd.s32 $0xFFFFF800  }
0x57: {  	_ =	swait.ge [sflag:s23], $0x800  }
0x58: {  	[sflag:s23] =	ssyncset.done $0x0  }
0x59: {  	[sflag:s23] =	ssyncadd.s32 $0xFFFFF800  }
0x5a: {  	_ =	swait.ge [sflag:s23], $0x800  }
0x5b: {  	[sflag:s23] =	ssyncset.done $0x0  }
0x5c: {  	[sflag:s23] =	ssyncadd.s32 $0xFFFFF800  }
0x5d: {  	_ =	swait.ge [sflag:s23], $0x800  }
0x5e: {  	[sflag:s23] =	ssyncset.done $0x0  }
0x5f: {  	[sflag:s23] =	ssyncadd.s32 $0xFFFFF800  }
0x60: {  	_ =	swait.ge [sflag:s23], $0x800  }
0x61: {  	[sflag:s23] =	ssyncset.done $0x0  }
0x62: {  	[sflag:s23] =	ssyncadd.s32 $0xFFFFF800  }
0x63: {  	_ =	swait.ge [sflag:s23], $0x800  }
0x64: {  	[sflag:s23] =	ssyncset.done $0x0  }
0x65: {  	[sflag:s23] =	ssyncadd.s32 $0xFFFFF800  }
0x66: {  	_ =	swait.ge [sflag:s23], $0x800  }
0x67: {  	[sflag:s23] =	ssyncset.done $0x0  }
0x68: {  	[sflag:s23] =	ssyncadd.s32 $0xFFFFF800  }
0x69: {  	_ =	swait.ge [sflag:s23], $0x800  }
.Ltmp0:
0x6a: {  	[sflag:s23] =	ssyncset.done $0x0;
	(pc) =	sbr.rel @p0 .LBB2_2-.Ltmp0, $4  }
0x6b: {  	[sflag:s23] =	ssyncadd.s32 $0xFFFFF800  }
0x6c: {  	[hbm4b:s25+s2] =	stream.linear.scatter [tilespmem:s9], [sflag:$0x2], $0x4000, $0x38;
	[tilespmem:$0x4400] =	vst v63  }
0x6d: {  	_ =	swait.ge [sflag:s7], $0x4000  }
0x6e: {  	s29 =	smov.u32 s28;
	s25 =	sadd.s32 $0x800, s25;
	[sflag:s7] =	ssyncset.done $0x0  }
0x6f: {  	s26 =	sadd.s32 s26, s6;
	[sflag:s7] =	ssyncadd.s32 $0xFFFFC000  }
0x70: {  	[tilespmem:s2], [sflag:$0x2] =	stream.linear.gather [hbm4b:s26+s2], $0x400, $0x38;
	[tilespmem:$0x4400] =	vst v63  }
0x71: {  	_ =	swait.ge [sflag:s7], $0x400  }
0x72: {  	[sflag:s7] =	ssyncset.done $0x0  }
0x73: {  	[sflag:s7] =	ssyncadd.s32 $0xFFFFFC00  }
0x74: {  	[tilespmem:s9], [sflag:$0x1] =	stream.indirect.gather [hbm4b:s3+s8], $0x10, s2, s8, $0xb8;
	[tilespmem:$0x4400] =	vst v63  }
0x75: {  	_ = 	snop  }
0x76: {  	[tilespmem:s10], [sflag:$0x1] =	stream.indirect.gather [hbm4b:s3+s8], $0x10, s8, s8, $0xb8;
	[tilespmem:$0x4400] =	vst v63  }
0x77: {  	_ = 	snop  }
0x78: {  	[tilespmem:s12], [sflag:$0x1] =	stream.indirect.gather [hbm4b:s3+s8], $0x10, s11, s8, $0xb8;
	[tilespmem:$0x4400] =	vst v63  }
0x79: {  	_ = 	snop  }
0x7a: {  	[tilespmem:s14], [sflag:$0x1] =	stream.indirect.gather [hbm4b:s3+s8], $0x10, s13, s8, $0xb8;
	[tilespmem:$0x4400] =	vst v63  }
0x7b: {  	_ = 	snop  }
0x7c: {  	[tilespmem:s16], [sflag:$0x1] =	stream.indirect.gather [hbm4b:s3+s8], $0x10, s15, s8, $0xb8;
	[tilespmem:$0x4400] =	vst v63  }
0x7d: {  	_ = 	snop  }
0x7e: {  	[tilespmem:s18], [sflag:$0x1] =	stream.indirect.gather [hbm4b:s3+s8], $0x10, s17, s8, $0xb8;
	[tilespmem:$0x4400] =	vst v63  }
0x7f: {  	_ = 	snop  }
0x80: {  	[tilespmem:s20], [sflag:$0x1] =	stream.indirect.gather [hbm4b:s3+s8], $0x10, s19, s8, $0xb8;
	[tilespmem:$0x4400] =	vst v63  }
0x81: {  	_ = 	snop  }
0x82: {  	[tilespmem:s22], [sflag:$0x1] =	stream.indirect.gather [hbm4b:s3+s8], $0x10, s21, s8, $0xb8;
	[tilespmem:$0x4400] =	vst v63  }
0x83: {  	_ =	swait.ge [sflag:s23], $0x800  }
0x84: {  	[sflag:s23] =	ssyncset.done $0x0  }
0x85: {  	[sflag:s23] =	ssyncadd.s32 $0xFFFFF800  }
0x86: {  	_ =	swait.ge [sflag:s23], $0x800  }
0x87: {  	[sflag:s23] =	ssyncset.done $0x0  }
0x88: {  	[sflag:s23] =	ssyncadd.s32 $0xFFFFF800  }
0x89: {  	_ =	swait.ge [sflag:s23], $0x800  }
0x8a: {  	[sflag:s23] =	ssyncset.done $0x0  }
0x8b: {  	[sflag:s23] =	ssyncadd.s32 $0xFFFFF800  }
0x8c: {  	_ =	swait.ge [sflag:s23], $0x800  }
0x8d: {  	[sflag:s23] =	ssyncset.done $0x0  }
0x8e: {  	[sflag:s23] =	ssyncadd.s32 $0xFFFFF800  }
0x8f: {  	_ =	swait.ge [sflag:s23], $0x800  }
0x90: {  	[sflag:s23] =	ssyncset.done $0x0  }
0x91: {  	[sflag:s23] =	ssyncadd.s32 $0xFFFFF800  }
0x92: {  	_ =	swait.ge [sflag:s23], $0x800  }
0x93: {  	[sflag:s23] =	ssyncset.done $0x0  }
0x94: {  	[sflag:s23] =	ssyncadd.s32 $0xFFFFF800  }
0x95: {  	_ =	swait.ge [sflag:s23], $0x800  }
0x96: {  	[sflag:s23] =	ssyncset.done $0x0  }
0x97: {  	[sflag:s23] =	ssyncadd.s32 $0xFFFFF800  }
0x98: {  	s24 =	sadd.s32 $0x1, s24;
	_ =	swait.ge [sflag:s23], $0x800  }
0x99: {  	p0 =	sne.s32 s24, s4;
	[sflag:s23] =	ssyncset.done $0x0  }
.Ltmp1:
0x9a: {  	[sflag:s23] =	ssyncadd.s32 $0xFFFFF800;
	(pc) =	sbr.rel @p0 .LBB2_1-.Ltmp1, $4  }
0x9b: {  	[hbm4b:s25+s2] =	stream.linear.scatter [tilespmem:s9], [sflag:$0x2], $0x4000, $0x38;
	[tilespmem:$0x4400] =	vst v63  }
0x9c: {  	_ =	swait.ge [sflag:s7], $0x4000  }
0x9d: {  	[sflag:s7] =	ssyncset.done $0x0  }
0x9e: {  	[sflag:s7] =	ssyncadd.s32 $0xFFFFC000  }
0x9f: {  	_ =	sfence.sel $0x180000  }
0xa0: {  	[bflag:$0x0] =	sbarrier.arrive $0xFFFF  }
0xa1: {  	p0 =	sne.s32 s1, $0x0;
	_ =	strace $0x9000004A  }
0xa2: {  	s0 =	sadd.s32 @!p0 $0x100000, s0;
	[bflag:$0x2] =	sbarrier.arrive $0xFFFF  }
0xa3: {  	[sflag:s0] =	ssyncadd.tile.s32 @!p0 $0x1;
	_ =	shalt  }
.Lfunc_end2:
_tile_overlayer_lowered:
.L_overlay_start_2:
0xa4: {  	(tag) =	ssettag $0x2  }
0xa5: {  	s0 =	rddreg [dreg:$0x0];
	s2 =	stileid.u32  }
0xa6: {  	s1 =	rddreg [dreg:$0x1];
	p0 =	sne.s32 s2, $0x0  }
0xa7: {  	s3 =	rddreg [dreg:$0x2];
	[bflag:$0x3] =	sbarrier.arrive $0xFFFF;
	s2 =	simm.s32 @!p0 $0x1C02  }
0xa8: {  	[timem:s3], [sflag:s2] =	dma.local @!p0 [hbm:s0], s1  }
0xa9: {  	s0 =	simm.s32 @!p0 $0x2  }
0xaa: {  	_ =	swait.ge @!p0 [sflag:s0], s1  }
0xab: {  	s1 =	ssub.s32 @!p0 $0x0, s1;
	[sflag:s0] =	ssyncset.done @!p0 $0x0  }
0xac: {  	[sflag:s0] =	ssyncadd.s32 @!p0 s1  }
0xad: {  	[bflag:$0x3] =	sbarrier.arrive $0xFFFF  }
0xae: {  	_ =	shalt  }

// kernel: kernel.19.cloned.1.call-start
scs
__scs_entry_jumppad:
0x0: {  	(pc) =	sbr.rel $0x88, $3  }
0x1: {  	(tag) =	ssettag $0x0;
	lr =	simm.s32 $0x1  }
0x2: {  	[smem:$0x3F97] =	sst lr;
	_ =	strace $0xD0000000  }
0x3: {  	_ = 	snop  }
0x4: {  	_ = 	snop  }
0x5: {  	_ = 	snop  }
0x6: {  	_ = 	snop  }
0x7: {  	_ = 	snop  }
__scs_overlays_trampoline_lowered:
0x8: {  	[smem:$0x3FA6] =	sst s0  }
0x9: {  	[smem:$0x3FA7] =	sst s1  }
0xa: {  	[smem:$0x3FA8] =	sst s2  }
0xb: {  	[smem:$0x3FA9] =	sst s3  }
0xc: {  	[smem:$0x3FAA] =	sst s4  }
0xd: {  	[smem:$0x3FAB] =	sst s5  }
0xe: {  	[smem:$0x3FAC] =	sst s6  }
0xf: {  	[smem:$0x3FAD] =	sst s7  }
0x10: {  	[smem:$0x3FAE] =	sst s8  }
0x11: {  	[smem:$0x3FAF] =	sst s9;
	s0 =	simm.s32 @!p0 $0x0  }
0x12: {  	s1 =	sld [smem:$0x3F95];
	s0 =	simm.s32 @p0 $0x1  }
0x13: {  	[smem:$0x3FB0] =	sst s0;
	s0 =	simm.s32 @!p1 $0x0  }
0x14: {  	s2 =	sld [smem:$0x3F94];
	s0 =	simm.s32 @p1 $0x1  }
0x15: {  	[smem:$0x3FB1] =	sst s0;
	s0 =	simm.s32 @!p2 $0x0  }
0x16: {  	s3 =	sld [smem:$0x3FDB];
	s0 =	simm.s32 @p2 $0x1  }
0x17: {  	s4 =	simm.s32 $0x1BF5;
	[smem:$0x3FB3] =	sst s0  }
0x18: {  	s0 =	sld [smem:$0x3F96];
	_ =	swait.ge [sflag:s4], $0x0  }
0x19: {  	s7 =	sld [smem:$0x3F97]  }
0x1a: {  	s8 =	sadd.s32 $0xFFFFE003, lr  }
0x1b: {  	s9 =	sadd.s32 $0xFFFFFEF7, lr;
	s5 =	simm.s32 $0xFFFFFFFF;
	p2 =	slt.u32 s8, $0xFFFFF086  }
0x1c: {  	p1 =	slt.u32 s9, $0xF7A;
	s5 =	simm.s32 @!p2 $0x0  }
0x1d: {  	s5 =	simm.s32 @p1 $0x1;
	p0 =	seq.s32 s7, s2  }
0x1e: {  	s7 =	smul.u32 @!p0 $0xF7A, s2;
	p2 =	seq.s32 @!p0 s5, $0x0  }
0x1f: {  	s9 =	smul.u32 $0xF7A, s1;
	s8 =	simm.s32 @!p0 $0x1BF5;
	p2 =	por !p2, p0  }
0x20: {  	[sflag:s8] =	ssyncset.s32 @!p0 $0xFFFFF086;
	s6 =	sadd.s32 @!p0 s3, s7;
	s7 =	simm.s32 @!p0 $0x108  }
0x21: {  	s3 =	sadd.s32 s3, s9;
	s6 =	sadd.s32 @!p0 $0x88, s6;
	s7 =	simm.s32 @p2 $0x1082  }
0x22: {  	[simem:s7], [sflag:s8] =	dma.local @!p0 [hbm:s6], $0xF7A  }
0x23: {  	s9 =	sor.u32 $0xD0000000, s2;
	s6 =	simm.s32 $0x108;
	_ =	swait.ge @!p0 [sflag:s8], $0x0  }
0x24: {  	s3 =	sadd.s32 $0x88, s3;
	s6 =	simm.s32 @!p1 $0x1082;
	[sflag:s4] =	ssyncset.s32 $0xFFFFF086  }
0x25: {  	[simem:s6], [sflag:s4] =	dma.local [hbm:s3], $0xF7A  }
0x26: {  	[smem:$0x3F97] =	sst s1;
	(tag) =	ssettag s2;
	_ =	strace s9  }
0x27: {  	s1 =	sld [smem:$0x3FA7]  }
0x28: {  	s2 =	sld [smem:$0x3FA8]  }
0x29: {  	s4 =	sld [smem:$0x3FAA]  }
0x2a: {  	p0 =	seq.s32 s5, $0x0;
	s5 =	sld [smem:$0x3FAB]  }
0x2b: {  	s6 =	sld [smem:$0x3FAC]  }
0x2c: {  	s7 =	sld [smem:$0x3FAD]  }
0x2d: {  	s3 =	simm.s32 $0x108;
	s8 =	sld [smem:$0x3FAE]  }
0x2e: {  	s3 =	simm.s32 @!p0 $0x1082;
	s9 =	sld [smem:$0x3FAF]  }
0x2f: {  	lr =	sadd.s32 s0, s3;
	s0 =	sld [smem:$0x3FA6]  }
0x30: {  	s3 =	sld [smem:$0x3FA9]  }
0x31: {  	[smem:$0x3FB2] =	sst s10  }
0x32: {  	s10 =	sld [smem:$0x3FB0];
	_ =	sdelay $0x3  }
0x33: {  	p0 =	seq.s32 s10, $0x1;
	s10 =	sld [smem:$0x3FB2];
	_ =	sdelay $0x3  }
0x34: {  	[smem:$0x3FB2] =	sst s10  }
0x35: {  	s10 =	sld [smem:$0x3FB1];
	_ =	sdelay $0x3  }
0x36: {  	p1 =	seq.s32 s10, $0x1;
	s10 =	sld [smem:$0x3FB2];
	_ =	sdelay $0x3  }
0x37: {  	[smem:$0x3FB2] =	sst s10  }
0x38: {  	s10 =	sld [smem:$0x3FB3]  }
0x39: {  	_ = 	snop;
	(pc) =	sbr.ind lr, $3  }
0x3a: {  	_ = 	snop  }
0x3b: {  	_ = 	snop  }
0x3c: {  	p2 =	seq.s32 s10, $0x1;
	s10 =	sld [smem:$0x3FB2]  }
0x3d: {  	_ =	shalt  }
0x3e: {  	_ =	shalt  }
0x3f: {  	_ =	shalt  }
0x40: {  	_ =	shalt  }
0x41: {  	_ =	shalt  }
0x42: {  	_ =	shalt  }
0x43: {  	_ =	shalt  }
0x44: {  	_ =	shalt  }
0x45: {  	_ =	shalt  }
0x46: {  	_ =	shalt  }
0x47: {  	_ =	shalt  }
0x48: {  	_ =	shalt  }
0x49: {  	_ =	shalt  }
0x4a: {  	_ =	shalt  }
0x4b: {  	_ =	shalt  }
0x4c: {  	_ =	shalt  }
0x4d: {  	_ =	shalt  }
0x4e: {  	_ =	shalt  }
0x4f: {  	_ =	shalt  }
0x50: {  	_ =	shalt  }
0x51: {  	_ =	shalt  }
0x52: {  	_ =	shalt  }
0x53: {  	_ =	shalt  }
0x54: {  	_ =	shalt  }
0x55: {  	_ =	shalt  }
0x56: {  	_ =	shalt  }
0x57: {  	_ =	shalt  }
0x58: {  	_ =	shalt  }
0x59: {  	_ =	shalt  }
0x5a: {  	_ =	shalt  }
0x5b: {  	_ =	shalt  }
0x5c: {  	_ =	shalt  }
0x5d: {  	_ =	shalt  }
0x5e: {  	_ =	shalt  }
0x5f: {  	_ =	shalt  }
0x60: {  	_ =	shalt  }
0x61: {  	_ =	shalt  }
0x62: {  	_ =	shalt  }
0x63: {  	_ =	shalt  }
0x64: {  	_ =	shalt  }
0x65: {  	_ =	shalt  }
0x66: {  	_ =	shalt  }
0x67: {  	_ =	shalt  }
0x68: {  	_ =	shalt  }
0x69: {  	_ =	shalt  }
0x6a: {  	_ =	shalt  }
0x6b: {  	_ =	shalt  }
0x6c: {  	_ =	shalt  }
0x6d: {  	_ =	shalt  }
0x6e: {  	_ =	shalt  }
0x6f: {  	_ =	shalt  }
0x70: {  	_ =	shalt  }
0x71: {  	_ =	shalt  }
0x72: {  	_ =	shalt  }
0x73: {  	_ =	shalt  }
0x74: {  	_ =	shalt  }
0x75: {  	_ =	shalt  }
0x76: {  	_ =	shalt  }
0x77: {  	_ =	shalt  }
0x78: {  	_ =	shalt  }
0x79: {  	_ =	shalt  }
0x7a: {  	_ =	shalt  }
0x7b: {  	_ =	shalt  }
0x7c: {  	_ =	shalt  }
0x7d: {  	_ =	shalt  }
0x7e: {  	_ =	shalt  }
0x7f: {  	_ =	shalt  }
0x80: {  	_ =	shalt  }
0x81: {  	_ =	shalt  }
0x82: {  	_ =	shalt  }
0x83: {  	_ =	shalt  }
0x84: {  	_ =	shalt  }
0x85: {  	_ =	shalt  }
0x86: {  	_ =	shalt  }
0x87: {  	_ =	shalt  }
.Lfunc_end0:
.L_simem_size_0:
called_computation.2_lowered:
.L_overlay_start_0:
0x88: {  	s2 =	sld [smem:$0x3FD9]  }
0x89: {  	s3 =	sld [smem:$0x3FFE];
	_ =	sdelay $0x1  }
0x8a: {  	s1 =	srdreg.scid  }
0x8b: {  	s0 =	sand.u32 $0x1, s1  }
0x8c: {  	s17 =	sshll.u32 s0, $0xA;
	s2 =	sadd.s32 s3, s2  }
0x8d: {  	s2 =	sadd.s32 s2, s17  }
0x8e: {  	[smem:$0x3FBE] =	sst s2  }
0x8f: {  	_ = 	snop  }
0x90: {  	(tm) =	ssettm $0x1  }
0x91: {  	s18 =	sld [smem:$0x3FFB];
	_ =	sdelay $0x3  }
0x92: {  	_ =	strace s18  }
0x93: {  	s2 =	sld [smem:$0x3FFC];
	_ =	sdelay $0x3  }
0x94: {  	_ =	strace s2  }
0x95: {  	s2 =	sld [smem:$0x3FFD];
	_ =	sdelay $0x3  }
0x96: {  	_ =	strace s2  }
0x97: {  	_ =	strace $0x8FFFFFFF  }
0x98: {  	s19 =	sld [smem:$0x3FDB];
	_ =	sdelay $0x1  }
0x99: {  	s20 =	simm.s32 $_scs_section_size  }
0x9a: {  	s4 =	simm.s32 $_size__tile_overlayer_lowered;
	s5 =	simm.s32 $_tile_overlayer_lowered  }
0x9b: {  	s6 =	simm.s32 $0x1BFF;
	s21 =	sshll.u32 s5, $0x1;
	s3 =	sadd.s32 s20, s19  }
0x9c: {  	s22 =	simm.s32 $0x0;
	s4 =	sshll.u32 s4, $0x1;
	s5 =	sadd.s32 s21, s3  }
0x9d: {  	[timem:s22], [sflag:s6] =	dma.local [hbm:s5], s4  }
0x9e: {  	_ =	swait.ge [sflag:s6], s4  }
0x9f: {  	s4 =	ssub.s32 $0x0, s4;
	[sflag:s6] =	ssyncset.done $0x0  }
0xa0: {  	[sflag:s6] =	ssyncadd.s32 s4;
	_ =	sdelay $0x1  }
0xa1: {  	s23 =	simm.s32 $0x1B8B  }
0xa2: {  	_ =	swait.ge [sflag:s23], $0x1  }
0xa3: {  	[sflag:s23] =	ssyncset.done $0x0  }
0xa4: {  	[sflag:s23] =	ssyncadd.s32 $0xFFFFFFFF  }
0xa5: {  	s4 =	sld [smem:$0x0]  }
0xa6: {  	s5 =	sand.u32 $0xFFFFFFFE, s1  }
0xa7: {  	p0 =	sne.s32 s1, s5  }
0xa8: {  	s5 =	sshll.u32 @p0 s5, $0xE  }
0xa9: {  	s5 =	sadd.s32 @p0 $0x11B8D, s5;
	s6 =	sshll.u32 @p0 s4, $0x11  }
0xaa: {  	s5 =	sor.u32 @p0 s6, s5  }
0xab: {  	[sflag:s5] =	ssyncadd.remote.s32 @p0 $0x1;
	_ =	sdelay $0x1  }
0xac: {  	s5 =	simm.s32 @p0 $0x1B8D  }
0xad: {  	_ =	swait.eq @p0 [sflag:s5], $0x1  }
0xae: {  	[sflag:s5] =	ssyncadd.s32 @p0 $0xFFFFFFFF  }
0xaf: {  	s6 =	sshll.u32 @!p0 s1, $0xE  }
0xb0: {  	s6 =	sor.u32 @!p0 $0x4000, s6;
	s5 =	simm.s32 @!p0 $0x1B8D  }
0xb1: {  	s4 =	sshll.u32 @!p0 s4, $0x11;
	s6 =	sadd.s32 @!p0 $0x11B8D, s6;
	_ =	swait.eq @!p0 [sflag:s5], $0x1  }
0xb2: {  	s4 =	sor.u32 @!p0 s4, s6;
	[sflag:s5] =	ssyncadd.s32 @!p0 $0xFFFFFFFF  }
0xb3: {  	s25 =	simm.s32 $0x1B8E;
	s24 =	sld [smem:$0x3FFE];
	[sflag:s4] =	ssyncadd.remote.s32 @!p0 $0x1  }
0xb4: {  	s26 =	simm.s32 $execute0_lowered;
	[smem:$0x3FD2] =	sst s25  }
0xb5: {  	s5 =	sshll.u32 s26, $0x1;
	_ =	strace $0x8000004C;
	[dreg:$0x1] =	wrdreg $0xFFFFFFFF  }
0xb6: {  	s28 =	simm.s32 $_size_execute0_lowered;
	s3 =	sadd.s32 s3, s5;
	[dreg:$0x0] =	wrdreg $0x0  }
0xb7: {  	s5 =	sshll.u32 s28, $0x1;
	[dreg:$0x2] =	wrdreg s3  }
0xb8: {  	[dreg:$0x3] =	wrdreg s5  }
0xb9: {  	[dreg:$0x4] =	wrdreg $0xC0  }
0xba: {  	_ =	task [dreg:s22], $0x5FFFF  }
0xbb: {  	[dreg:$0x1] =	wrdreg $0xFFFFFFFF  }
0xbc: {  	[dreg:$0x0] =	wrdreg $0x60  }
0xbd: {  	[dreg:$0x2] =	wrdreg s24  }
0xbe: {  	[dreg:$0x3] =	wrdreg $0xA  }
0xbf: {  	_ =	task.clear_ibuf [dreg:s22], $0x4FFFF;
	_ =	strace $0x9000004C  }
0xc0: {  	s29 =	simm.s32 $0xA;
	_ =	strace $0x8000004E  }
0xc1: {  	_ =	swait.ge [sflag:s29], $0x1  }
0xc2: {  	[sflag:s29] =	ssyncadd.s32 $0xFFFFFFFF  }
0xc3: {  	_ =	strace $0x9000004E  }
0xc4: {  	_ =	sfence  }
0xc5: {  	s30 =	sld [smem:$0x0];
	_ =	sdelay $0x2  }
0xc6: {  	s31 =	sshll.u32 s1, $0xD;
	s1 =	sshrl.u32 s1, $0x2  }
0xc7: {  	s4 =	sand.u32 $0x4000, s31;
	s1 =	sadd.s32 s1, s30  }
0xc8: {  	s0 =	sor.u32 s4, s0;
	s1 =	sshll.u32 s1, $0x11  }
0xc9: {  	s0 =	sor.u32 s1, s0  }
0xca: {  	s0 =	sadd.s32 $0x8F2B, s0  }
0xcb: {  	[sflag:s0] =	ssyncadd.remote.s32 $0x1  }
0xcc: {  	_ =	sfence.sel $0xFFFF  }
0xcd: {  	[dreg:$0x0] =	wrdreg $0xFFFFFFFF;
	(pc) =	sbr.abs _section_cstart, $3  }
0xce: {  	[dreg:$0x1] =	wrdreg $0xFFFFFFFF  }
0xcf: {  	_ =	task.clear_ibuf [dreg:s22], $0x2FFFF;
	_ =	strace $0x9FFFFFFF  }
0xd0: {  	(tm) =	ssettm $0x7FFFFFFF  }
0xd1: {  	_ =	shalt  }
tec
execute0_lowered:
.L_overlay_start_1:
0x0: {  	(tag) =	ssettag $0x1  }
0x1: {  	s4 =	rddreg [dreg:$0x0]  }
0x2: {  	s0 =	rddreg [dreg:$0x1]  }
0x3: {  	s1 =	stileid.u32;
	s2 =	simm.s32 $0x0;
	s3 =	srdreg.scid  }
0x4: {  	s10 =	simm.s32 $0xC00;
	s11 =	simm.s32 $0x100;
	s12 =	simm.s32 $0x1400  }
0x5: {  	s13 =	simm.s32 $0x180;
	s14 =	simm.s32 $0x1C00;
	s15 =	simm.s32 $0x200  }
0x6: {  	s16 =	simm.s32 $0x2400;
	s17 =	simm.s32 $0x280;
	s18 =	simm.s32 $0x2C00  }
0x7: {  	s19 =	simm.s32 $0x300;
	s20 =	simm.s32 $0x3400;
	s21 =	simm.s32 $0x380  }
0x8: {  	s22 =	simm.s32 $0x3C00;
	s23 =	simm.s32 $0x1;
	s5 =	smul.u32 $0xA00, s1  }
0x9: {  	s24 =	simm.s32 $0x0;
	s6 =	smul.u32 $0xA000, s1;
	s7 =	sand.u32 $0x1, s3  }
0xa: {  	[smem:$0x7FF] =	sst s2;
	s3 =	sadd.s32 $0x6600, s4;
	s8 =	smul.u32 $0x5000, s7  }
0xb: {  	_ =	strace $0x8000004D;
	s9 =	ssub.s32 $0x2, s7;
	s7 =	smul.u32 $0x500, s7  }
0xc: {  	s5 =	sadd.s32 s5, s4;
	s4 =	sadd.s32 s6, s4;
	s31 =	sshrl.u32 s9, $0x1  }
0xd: {  	s6 =	ssub.s32 s9, s31;
	s8 =	sadd.s32 s8, s4;
	s7 =	sadd.s32 s7, s5  }
0xe: {  	s9 =	simm.s32 $0x400;
	s4 =	smax.u32 s6, $0x1;
	s5 =	sadd.s32 $0x2B6C00, s8  }
0xf: {  	s6 =	sadd.s32 $0x1F8C00, s7;
	s7 =	simm.s32 $0x2;
	s8 =	simm.s32 $0x80  }
.LBB2_1:
0x10: {  	s25 =	sadd.s32 $0x0, s6  }
0x11: {  	[tilespmem:s2], [sflag:$0x2] =	stream.linear.gather [hbm4b:s25+s2], $0x400, $0x38;
	[tilespmem:$0x4400] =	vst v63  }
0x12: {  	_ =	swait.ge [sflag:s7], $0x400  }
0x13: {  	[sflag:s7] =	ssyncset.done $0x0  }
0x14: {  	[sflag:s7] =	ssyncadd.s32 $0xFFFFFC00  }
0x15: {  	[tilespmem:s9], [sflag:$0x1] =	stream.indirect.gather [hbm4b:s3+s8], $0x10, s2, s8, $0xb8;
	[tilespmem:$0x4400] =	vst v63  }
0x16: {  	_ = 	snop  }
0x17: {  	[tilespmem:s10], [sflag:$0x1] =	stream.indirect.gather [hbm4b:s3+s8], $0x10, s8, s8, $0xb8;
	[tilespmem:$0x4400] =	vst v63  }
0x18: {  	_ = 	snop  }
0x19: {  	[tilespmem:s12], [sflag:$0x1] =	stream.indirect.gather [hbm4b:s3+s8], $0x10, s11, s8, $0xb8;
	[tilespmem:$0x4400] =	vst v63  }
0x1a: {  	_ = 	snop  }
0x1b: {  	[tilespmem:s14], [sflag:$0x1] =	stream.indirect.gather [hbm4b:s3+s8], $0x10, s13, s8, $0xb8;
	[tilespmem:$0x4400] =	vst v63  }
0x1c: {  	_ = 	snop  }
0x1d: {  	[tilespmem:s16], [sflag:$0x1] =	stream.indirect.gather [hbm4b:s3+s8], $0x10, s15, s8, $0xb8;
	[tilespmem:$0x4400] =	vst v63  }
0x1e: {  	_ = 	snop  }
0x1f: {  	[tilespmem:s18], [sflag:$0x1] =	stream.indirect.gather [hbm4b:s3+s8], $0x10, s17, s8, $0xb8;
	[tilespmem:$0x4400] =	vst v63  }
0x20: {  	_ = 	snop  }
0x21: {  	[tilespmem:s20], [sflag:$0x1] =	stream.indirect.gather [hbm4b:s3+s8], $0x10, s19, s8, $0xb8;
	[tilespmem:$0x4400] =	vst v63  }
0x22: {  	_ = 	snop  }
0x23: {  	[tilespmem:s22], [sflag:$0x1] =	stream.indirect.gather [hbm4b:s3+s8], $0x10, s21, s8, $0xb8;
	[tilespmem:$0x4400] =	vst v63  }
0x24: {  	_ =	swait.ge [sflag:s23], $0x800  }
0x25: {  	[sflag:s23] =	ssyncset.done $0x0  }
0x26: {  	[sflag:s23] =	ssyncadd.s32 $0xFFFFF800  }
0x27: {  	_ =	swait.ge [sflag:s23], $0x800  }
0x28: {  	[sflag:s23] =	ssyncset.done $0x0  }
0x29: {  	[sflag:s23] =	ssyncadd.s32 $0xFFFFF800  }
0x2a: {  	_ =	swait.ge [sflag:s23], $0x800  }
0x2b: {  	[sflag:s23] =	ssyncset.done $0x0  }
0x2c: {  	[sflag:s23] =	ssyncadd.s32 $0xFFFFF800  }
0x2d: {  	_ =	swait.ge [sflag:s23], $0x800  }
0x2e: {  	[sflag:s23] =	ssyncset.done $0x0  }
0x2f: {  	[sflag:s23] =	ssyncadd.s32 $0xFFFFF800  }
0x30: {  	_ =	swait.ge [sflag:s23], $0x800  }
0x31: {  	[sflag:s23] =	ssyncset.done $0x0  }
0x32: {  	[sflag:s23] =	ssyncadd.s32 $0xFFFFF800  }
0x33: {  	_ =	swait.ge [sflag:s23], $0x800  }
0x34: {  	[sflag:s23] =	ssyncset.done $0x0  }
0x35: {  	[sflag:s23] =	ssyncadd.s32 $0xFFFFF800  }
0x36: {  	_ =	swait.ge [sflag:s23], $0x800  }
0x37: {  	[sflag:s23] =	ssyncset.done $0x0  }
0x38: {  	[sflag:s23] =	ssyncadd.s32 $0xFFFFF800  }
0x39: {  	_ =	swait.ge [sflag:s23], $0x800  }
0x3a: {  	[sflag:s23] =	ssyncset.done $0x0  }
0x3b: {  	[sflag:s23] =	ssyncadd.s32 $0xFFFFF800  }
0x3c: {  	[hbm4b:s5+s2] =	stream.linear.scatter [tilespmem:s9], [sflag:$0x2], $0x4000, $0x38;
	[tilespmem:$0x4400] =	vst v63  }
0x3d: {  	s26 =	simm.s32 $0x80;
	_ =	swait.ge [sflag:s7], $0x4000  }
0x3e: {  	s29 =	simm.s32 $0x100;
	s25 =	sadd.s32 $0x800, s5;
	[sflag:s7] =	ssyncset.done $0x0  }
.LBB2_2:
0x3f: {  	s30 =	sadd.s32 s26, s6  }
0x40: {  	[sflag:s7] =	ssyncadd.s32 $0xFFFFC000;
	s26 =	smov.u32 s29;
	s28 =	sadd.s32 $0x80, s29  }
0x41: {  	[tilespmem:s2], [sflag:$0x2] =	stream.linear.gather [hbm4b:s30+s2], $0x400, $0x38;
	[tilespmem:$0x4400] =	vst v63  }
0x42: {  	p0 =	sne.s32 s29, $0x480;
	_ =	swait.ge [sflag:s7], $0x400  }
0x43: {  	[sflag:s7] =	ssyncset.done $0x0  }
0x44: {  	[sflag:s7] =	ssyncadd.s32 $0xFFFFFC00  }
0x45: {  	[tilespmem:s9], [sflag:$0x1] =	stream.indirect.gather [hbm4b:s3+s8], $0x10, s2, s8, $0xb8;
	[tilespmem:$0x4400] =	vst v63  }
0x46: {  	_ = 	snop  }
0x47: {  	[tilespmem:s10], [sflag:$0x1] =	stream.indirect.gather [hbm4b:s3+s8], $0x10, s8, s8, $0xb8;
	[tilespmem:$0x4400] =	vst v63  }
0x48: {  	_ = 	snop  }
0x49: {  	[tilespmem:s12], [sflag:$0x1] =	stream.indirect.gather [hbm4b:s3+s8], $0x10, s11, s8, $0xb8;
	[tilespmem:$0x4400] =	vst v63  }
0x4a: {  	_ = 	snop  }
0x4b: {  	[tilespmem:s14], [sflag:$0x1] =	stream.indirect.gather [hbm4b:s3+s8], $0x10, s13, s8, $0xb8;
	[tilespmem:$0x4400] =	vst v63  }
0x4c: {  	_ = 	snop  }
0x4d: {  	[tilespmem:s16], [sflag:$0x1] =	stream.indirect.gather [hbm4b:s3+s8], $0x10, s15, s8, $0xb8;
	[tilespmem:$0x4400] =	vst v63  }
0x4e: {  	_ = 	snop  }
0x4f: {  	[tilespmem:s18], [sflag:$0x1] =	stream.indirect.gather [hbm4b:s3+s8], $0x10, s17, s8, $0xb8;
	[tilespmem:$0x4400] =	vst v63  }
0x50: {  	_ = 	snop  }
0x51: {  	[tilespmem:s20], [sflag:$0x1] =	stream.indirect.gather [hbm4b:s3+s8], $0x10, s19, s8, $0xb8;
	[tilespmem:$0x4400] =	vst v63  }
0x52: {  	_ = 	snop  }
0x53: {  	[tilespmem:s22], [sflag:$0x1] =	stream.indirect.gather [hbm4b:s3+s8], $0x10, s21, s8, $0xb8;
	[tilespmem:$0x4400] =	vst v63  }
0x54: {  	_ =	swait.ge [sflag:s23], $0x800  }
0x55: {  	[sflag:s23] =	ssyncset.done $0x0  }
0x56: {  	[sflag:s23] =	ssyncadd.s32 $0xFFFFF800  }
0x57: {  	_ =	swait.ge [sflag:s23], $0x800  }
0x58: {  	[sflag:s23] =	ssyncset.done $0x0  }
0x59: {  	[sflag:s23] =	ssyncadd.s32 $0xFFFFF800  }
0x5a: {  	_ =	swait.ge [sflag:s23], $0x800  }
0x5b: {  	[sflag:s23] =	ssyncset.done $0x0  }
0x5c: {  	[sflag:s23] =	ssyncadd.s32 $0xFFFFF800  }
0x5d: {  	_ =	swait.ge [sflag:s23], $0x800  }
0x5e: {  	[sflag:s23] =	ssyncset.done $0x0  }
0x5f: {  	[sflag:s23] =	ssyncadd.s32 $0xFFFFF800  }
0x60: {  	_ =	swait.ge [sflag:s23], $0x800  }
0x61: {  	[sflag:s23] =	ssyncset.done $0x0  }
0x62: {  	[sflag:s23] =	ssyncadd.s32 $0xFFFFF800  }
0x63: {  	_ =	swait.ge [sflag:s23], $0x800  }
0x64: {  	[sflag:s23] =	ssyncset.done $0x0  }
0x65: {  	[sflag:s23] =	ssyncadd.s32 $0xFFFFF800  }
0x66: {  	_ =	swait.ge [sflag:s23], $0x800  }
0x67: {  	[sflag:s23] =	ssyncset.done $0x0  }
0x68: {  	[sflag:s23] =	ssyncadd.s32 $0xFFFFF800  }
0x69: {  	_ =	swait.ge [sflag:s23], $0x800  }
.Ltmp0:
0x6a: {  	[sflag:s23] =	ssyncset.done $0x0;
	(pc) =	sbr.rel @p0 .LBB2_2-.Ltmp0, $4  }
0x6b: {  	[sflag:s23] =	ssyncadd.s32 $0xFFFFF800  }
0x6c: {  	[hbm4b:s25+s2] =	stream.linear.scatter [tilespmem:s9], [sflag:$0x2], $0x4000, $0x38;
	[tilespmem:$0x4400] =	vst v63  }
0x6d: {  	_ =	swait.ge [sflag:s7], $0x4000  }
0x6e: {  	s29 =	smov.u32 s28;
	s25 =	sadd.s32 $0x800, s25;
	[sflag:s7] =	ssyncset.done $0x0  }
0x6f: {  	s26 =	sadd.s32 s26, s6;
	[sflag:s7] =	ssyncadd.s32 $0xFFFFC000  }
0x70: {  	[tilespmem:s2], [sflag:$0x2] =	stream.linear.gather [hbm4b:s26+s2], $0x400, $0x38;
	[tilespmem:$0x4400] =	vst v63  }
0x71: {  	_ =	swait.ge [sflag:s7], $0x400  }
0x72: {  	[sflag:s7] =	ssyncset.done $0x0  }
0x73: {  	[sflag:s7] =	ssyncadd.s32 $0xFFFFFC00  }
0x74: {  	[tilespmem:s9], [sflag:$0x1] =	stream.indirect.gather [hbm4b:s3+s8], $0x10, s2, s8, $0xb8;
	[tilespmem:$0x4400] =	vst v63  }
0x75: {  	_ = 	snop  }
0x76: {  	[tilespmem:s10], [sflag:$0x1] =	stream.indirect.gather [hbm4b:s3+s8], $0x10, s8, s8, $0xb8;
	[tilespmem:$0x4400] =	vst v63  }
0x77: {  	_ = 	snop  }
0x78: {  	[tilespmem:s12], [sflag:$0x1] =	stream.indirect.gather [hbm4b:s3+s8], $0x10, s11, s8, $0xb8;
	[tilespmem:$0x4400] =	vst v63  }
0x79: {  	_ = 	snop  }
0x7a: {  	[tilespmem:s14], [sflag:$0x1] =	stream.indirect.gather [hbm4b:s3+s8], $0x10, s13, s8, $0xb8;
	[tilespmem:$0x4400] =	vst v63  }
0x7b: {  	_ = 	snop  }
0x7c: {  	[tilespmem:s16], [sflag:$0x1] =	stream.indirect.gather [hbm4b:s3+s8], $0x10, s15, s8, $0xb8;
	[tilespmem:$0x4400] =	vst v63  }
0x7d: {  	_ = 	snop  }
0x7e: {  	[tilespmem:s18], [sflag:$0x1] =	stream.indirect.gather [hbm4b:s3+s8], $0x10, s17, s8, $0xb8;
	[tilespmem:$0x4400] =	vst v63  }
0x7f: {  	_ = 	snop  }
0x80: {  	[tilespmem:s20], [sflag:$0x1] =	stream.indirect.gather [hbm4b:s3+s8], $0x10, s19, s8, $0xb8;
	[tilespmem:$0x4400] =	vst v63  }
0x81: {  	_ = 	snop  }
0x82: {  	[tilespmem:s22], [sflag:$0x1] =	stream.indirect.gather [hbm4b:s3+s8], $0x10, s21, s8, $0xb8;
	[tilespmem:$0x4400] =	vst v63  }
0x83: {  	_ =	swait.ge [sflag:s23], $0x800  }
0x84: {  	[sflag:s23] =	ssyncset.done $0x0  }
0x85: {  	[sflag:s23] =	ssyncadd.s32 $0xFFFFF800  }
0x86: {  	_ =	swait.ge [sflag:s23], $0x800  }
0x87: {  	[sflag:s23] =	ssyncset.done $0x0  }
0x88: {  	[sflag:s23] =	ssyncadd.s32 $0xFFFFF800  }
0x89: {  	_ =	swait.ge [sflag:s23], $0x800  }
0x8a: {  	[sflag:s23] =	ssyncset.done $0x0  }
0x8b: {  	[sflag:s23] =	ssyncadd.s32 $0xFFFFF800  }
0x8c: {  	_ =	swait.ge [sflag:s23], $0x800  }
0x8d: {  	[sflag:s23] =	ssyncset.done $0x0  }
0x8e: {  	[sflag:s23] =	ssyncadd.s32 $0xFFFFF800  }
0x8f: {  	_ =	swait.ge [sflag:s23], $0x800  }
0x90: {  	[sflag:s23] =	ssyncset.done $0x0  }
0x91: {  	[sflag:s23] =	ssyncadd.s32 $0xFFFFF800  }
0x92: {  	_ =	swait.ge [sflag:s23], $0x800  }
0x93: {  	[sflag:s23] =	ssyncset.done $0x0  }
0x94: {  	[sflag:s23] =	ssyncadd.s32 $0xFFFFF800  }
0x95: {  	_ =	swait.ge [sflag:s23], $0x800  }
0x96: {  	[sflag:s23] =	ssyncset.done $0x0  }
0x97: {  	[sflag:s23] =	ssyncadd.s32 $0xFFFFF800  }
0x98: {  	s24 =	sadd.s32 $0x1, s24;
	_ =	swait.ge [sflag:s23], $0x800  }
0x99: {  	p0 =	sne.s32 s24, s4;
	[sflag:s23] =	ssyncset.done $0x0  }
.Ltmp1:
0x9a: {  	[sflag:s23] =	ssyncadd.s32 $0xFFFFF800;
	(pc) =	sbr.rel @p0 .LBB2_1-.Ltmp1, $4  }
0x9b: {  	[hbm4b:s25+s2] =	stream.linear.scatter [tilespmem:s9], [sflag:$0x2], $0x4000, $0x38;
	[tilespmem:$0x4400] =	vst v63  }
0x9c: {  	_ =	swait.ge [sflag:s7], $0x4000  }
0x9d: {  	[sflag:s7] =	ssyncset.done $0x0  }
0x9e: {  	[sflag:s7] =	ssyncadd.s32 $0xFFFFC000  }
0x9f: {  	_ =	sfence.sel $0x180000  }
0xa0: {  	[bflag:$0x0] =	sbarrier.arrive $0xFFFF  }
0xa1: {  	p0 =	sne.s32 s1, $0x0;
	_ =	strace $0x9000004D  }
0xa2: {  	s0 =	sadd.s32 @!p0 $0x100000, s0;
	[bflag:$0x2] =	sbarrier.arrive $0xFFFF  }
0xa3: {  	[sflag:s0] =	ssyncadd.tile.s32 @!p0 $0x1;
	_ =	shalt  }
.Lfunc_end2:
_tile_overlayer_lowered:
.L_overlay_start_2:
0xa4: {  	(tag) =	ssettag $0x2  }
0xa5: {  	s0 =	rddreg [dreg:$0x0];
	s2 =	stileid.u32  }
0xa6: {  	s1 =	rddreg [dreg:$0x1];
	p0 =	sne.s32 s2, $0x0  }
0xa7: {  	s3 =	rddreg [dreg:$0x2];
	[bflag:$0x3] =	sbarrier.arrive $0xFFFF;
	s2 =	simm.s32 @!p0 $0x1C02  }
0xa8: {  	[timem:s3], [sflag:s2] =	dma.local @!p0 [hbm:s0], s1  }
0xa9: {  	s0 =	simm.s32 @!p0 $0x2  }
0xaa: {  	_ =	swait.ge @!p0 [sflag:s0], s1  }
0xab: {  	s1 =	ssub.s32 @!p0 $0x0, s1;
	[sflag:s0] =	ssyncset.done @!p0 $0x0  }
0xac: {  	[sflag:s0] =	ssyncadd.s32 @!p0 s1  }
0xad: {  	[bflag:$0x3] =	sbarrier.arrive $0xFFFF  }
0xae: {  	_ =	shalt  }

// kernel: kernel.22.cloned.1.call-start
scs
__scs_entry_jumppad:
0x0: {  	(pc) =	sbr.rel $0x88, $3  }
0x1: {  	(tag) =	ssettag $0x0;
	lr =	simm.s32 $0x1  }
0x2: {  	[smem:$0x3F97] =	sst lr;
	_ =	strace $0xD0000000  }
0x3: {  	_ = 	snop  }
0x4: {  	_ = 	snop  }
0x5: {  	_ = 	snop  }
0x6: {  	_ = 	snop  }
0x7: {  	_ = 	snop  }
__scs_overlays_trampoline_lowered:
0x8: {  	[smem:$0x3FA6] =	sst s0  }
0x9: {  	[smem:$0x3FA7] =	sst s1  }
0xa: {  	[smem:$0x3FA8] =	sst s2  }
0xb: {  	[smem:$0x3FA9] =	sst s3  }
0xc: {  	[smem:$0x3FAA] =	sst s4  }
0xd: {  	[smem:$0x3FAB] =	sst s5  }
0xe: {  	[smem:$0x3FAC] =	sst s6  }
0xf: {  	[smem:$0x3FAD] =	sst s7  }
0x10: {  	[smem:$0x3FAE] =	sst s8  }
0x11: {  	[smem:$0x3FAF] =	sst s9;
	s0 =	simm.s32 @!p0 $0x0  }
0x12: {  	s1 =	sld [smem:$0x3F95];
	s0 =	simm.s32 @p0 $0x1  }
0x13: {  	[smem:$0x3FB0] =	sst s0;
	s0 =	simm.s32 @!p1 $0x0  }
0x14: {  	s2 =	sld [smem:$0x3F94];
	s0 =	simm.s32 @p1 $0x1  }
0x15: {  	[smem:$0x3FB1] =	sst s0;
	s0 =	simm.s32 @!p2 $0x0  }
0x16: {  	s3 =	sld [smem:$0x3FDB];
	s0 =	simm.s32 @p2 $0x1  }
0x17: {  	s4 =	simm.s32 $0x1BF5;
	[smem:$0x3FB3] =	sst s0  }
0x18: {  	s0 =	sld [smem:$0x3F96];
	_ =	swait.ge [sflag:s4], $0x0  }
0x19: {  	s7 =	sld [smem:$0x3F97]  }
0x1a: {  	s8 =	sadd.s32 $0xFFFFE003, lr  }
0x1b: {  	s9 =	sadd.s32 $0xFFFFFEF7, lr;
	s5 =	simm.s32 $0xFFFFFFFF;
	p2 =	slt.u32 s8, $0xFFFFF086  }
0x1c: {  	p1 =	slt.u32 s9, $0xF7A;
	s5 =	simm.s32 @!p2 $0x0  }
0x1d: {  	s5 =	simm.s32 @p1 $0x1;
	p0 =	seq.s32 s7, s2  }
0x1e: {  	s7 =	smul.u32 @!p0 $0xF7A, s2;
	p2 =	seq.s32 @!p0 s5, $0x0  }
0x1f: {  	s9 =	smul.u32 $0xF7A, s1;
	s8 =	simm.s32 @!p0 $0x1BF5;
	p2 =	por !p2, p0  }
0x20: {  	[sflag:s8] =	ssyncset.s32 @!p0 $0xFFFFF086;
	s6 =	sadd.s32 @!p0 s3, s7;
	s7 =	simm.s32 @!p0 $0x108  }
0x21: {  	s3 =	sadd.s32 s3, s9;
	s6 =	sadd.s32 @!p0 $0x88, s6;
	s7 =	simm.s32 @p2 $0x1082  }
0x22: {  	[simem:s7], [sflag:s8] =	dma.local @!p0 [hbm:s6], $0xF7A  }
0x23: {  	s9 =	sor.u32 $0xD0000000, s2;
	s6 =	simm.s32 $0x108;
	_ =	swait.ge @!p0 [sflag:s8], $0x0  }
0x24: {  	s3 =	sadd.s32 $0x88, s3;
	s6 =	simm.s32 @!p1 $0x1082;
	[sflag:s4] =	ssyncset.s32 $0xFFFFF086  }
0x25: {  	[simem:s6], [sflag:s4] =	dma.local [hbm:s3], $0xF7A  }
0x26: {  	[smem:$0x3F97] =	sst s1;
	(tag) =	ssettag s2;
	_ =	strace s9  }
0x27: {  	s1 =	sld [smem:$0x3FA7]  }
0x28: {  	s2 =	sld [smem:$0x3FA8]  }
0x29: {  	s4 =	sld [smem:$0x3FAA]  }
0x2a: {  	p0 =	seq.s32 s5, $0x0;
	s5 =	sld [smem:$0x3FAB]  }
0x2b: {  	s6 =	sld [smem:$0x3FAC]  }
0x2c: {  	s7 =	sld [smem:$0x3FAD]  }
0x2d: {  	s3 =	simm.s32 $0x108;
	s8 =	sld [smem:$0x3FAE]  }
0x2e: {  	s3 =	simm.s32 @!p0 $0x1082;
	s9 =	sld [smem:$0x3FAF]  }
0x2f: {  	lr =	sadd.s32 s0, s3;
	s0 =	sld [smem:$0x3FA6]  }
0x30: {  	s3 =	sld [smem:$0x3FA9]  }
0x31: {  	[smem:$0x3FB2] =	sst s10  }
0x32: {  	s10 =	sld [smem:$0x3FB0];
	_ =	sdelay $0x3  }
0x33: {  	p0 =	seq.s32 s10, $0x1;
	s10 =	sld [smem:$0x3FB2];
	_ =	sdelay $0x3  }
0x34: {  	[smem:$0x3FB2] =	sst s10  }
0x35: {  	s10 =	sld [smem:$0x3FB1];
	_ =	sdelay $0x3  }
0x36: {  	p1 =	seq.s32 s10, $0x1;
	s10 =	sld [smem:$0x3FB2];
	_ =	sdelay $0x3  }
0x37: {  	[smem:$0x3FB2] =	sst s10  }
0x38: {  	s10 =	sld [smem:$0x3FB3]  }
0x39: {  	_ = 	snop;
	(pc) =	sbr.ind lr, $3  }
0x3a: {  	_ = 	snop  }
0x3b: {  	_ = 	snop  }
0x3c: {  	p2 =	seq.s32 s10, $0x1;
	s10 =	sld [smem:$0x3FB2]  }
0x3d: {  	_ =	shalt  }
0x3e: {  	_ =	shalt  }
0x3f: {  	_ =	shalt  }
0x40: {  	_ =	shalt  }
0x41: {  	_ =	shalt  }
0x42: {  	_ =	shalt  }
0x43: {  	_ =	shalt  }
0x44: {  	_ =	shalt  }
0x45: {  	_ =	shalt  }
0x46: {  	_ =	shalt  }
0x47: {  	_ =	shalt  }
0x48: {  	_ =	shalt  }
0x49: {  	_ =	shalt  }
0x4a: {  	_ =	shalt  }
0x4b: {  	_ =	shalt  }
0x4c: {  	_ =	shalt  }
0x4d: {  	_ =	shalt  }
0x4e: {  	_ =	shalt  }
0x4f: {  	_ =	shalt  }
0x50: {  	_ =	shalt  }
0x51: {  	_ =	shalt  }
0x52: {  	_ =	shalt  }
0x53: {  	_ =	shalt  }
0x54: {  	_ =	shalt  }
0x55: {  	_ =	shalt  }
0x56: {  	_ =	shalt  }
0x57: {  	_ =	shalt  }
0x58: {  	_ =	shalt  }
0x59: {  	_ =	shalt  }
0x5a: {  	_ =	shalt  }
0x5b: {  	_ =	shalt  }
0x5c: {  	_ =	shalt  }
0x5d: {  	_ =	shalt  }
0x5e: {  	_ =	shalt  }
0x5f: {  	_ =	shalt  }
0x60: {  	_ =	shalt  }
0x61: {  	_ =	shalt  }
0x62: {  	_ =	shalt  }
0x63: {  	_ =	shalt  }
0x64: {  	_ =	shalt  }
0x65: {  	_ =	shalt  }
0x66: {  	_ =	shalt  }
0x67: {  	_ =	shalt  }
0x68: {  	_ =	shalt  }
0x69: {  	_ =	shalt  }
0x6a: {  	_ =	shalt  }
0x6b: {  	_ =	shalt  }
0x6c: {  	_ =	shalt  }
0x6d: {  	_ =	shalt  }
0x6e: {  	_ =	shalt  }
0x6f: {  	_ =	shalt  }
0x70: {  	_ =	shalt  }
0x71: {  	_ =	shalt  }
0x72: {  	_ =	shalt  }
0x73: {  	_ =	shalt  }
0x74: {  	_ =	shalt  }
0x75: {  	_ =	shalt  }
0x76: {  	_ =	shalt  }
0x77: {  	_ =	shalt  }
0x78: {  	_ =	shalt  }
0x79: {  	_ =	shalt  }
0x7a: {  	_ =	shalt  }
0x7b: {  	_ =	shalt  }
0x7c: {  	_ =	shalt  }
0x7d: {  	_ =	shalt  }
0x7e: {  	_ =	shalt  }
0x7f: {  	_ =	shalt  }
0x80: {  	_ =	shalt  }
0x81: {  	_ =	shalt  }
0x82: {  	_ =	shalt  }
0x83: {  	_ =	shalt  }
0x84: {  	_ =	shalt  }
0x85: {  	_ =	shalt  }
0x86: {  	_ =	shalt  }
0x87: {  	_ =	shalt  }
.Lfunc_end0:
.L_simem_size_0:
called_computation.3_lowered:
.L_overlay_start_0:
0x88: {  	s2 =	sld [smem:$0x3FD9]  }
0x89: {  	s3 =	sld [smem:$0x3FFE];
	_ =	sdelay $0x1  }
0x8a: {  	s1 =	srdreg.scid  }
0x8b: {  	s0 =	sand.u32 $0x1, s1  }
0x8c: {  	s17 =	sshll.u32 s0, $0xA;
	s2 =	sadd.s32 s3, s2  }
0x8d: {  	s2 =	sadd.s32 s2, s17  }
0x8e: {  	[smem:$0x3FBE] =	sst s2  }
0x8f: {  	_ = 	snop  }
0x90: {  	(tm) =	ssettm $0x1  }
0x91: {  	s18 =	sld [smem:$0x3FFB];
	_ =	sdelay $0x3  }
0x92: {  	_ =	strace s18  }
0x93: {  	s2 =	sld [smem:$0x3FFC];
	_ =	sdelay $0x3  }
0x94: {  	_ =	strace s2  }
0x95: {  	s2 =	sld [smem:$0x3FFD];
	_ =	sdelay $0x3  }
0x96: {  	_ =	strace s2  }
0x97: {  	_ =	strace $0x8FFFFFFF  }
0x98: {  	s19 =	sld [smem:$0x3FDB];
	_ =	sdelay $0x1  }
0x99: {  	s20 =	simm.s32 $_scs_section_size  }
0x9a: {  	s4 =	simm.s32 $_size__tile_overlayer_lowered;
	s5 =	simm.s32 $_tile_overlayer_lowered  }
0x9b: {  	s6 =	simm.s32 $0x1BFF;
	s21 =	sshll.u32 s5, $0x1;
	s3 =	sadd.s32 s20, s19  }
0x9c: {  	s22 =	simm.s32 $0x0;
	s4 =	sshll.u32 s4, $0x1;
	s5 =	sadd.s32 s21, s3  }
0x9d: {  	[timem:s22], [sflag:s6] =	dma.local [hbm:s5], s4  }
0x9e: {  	_ =	swait.ge [sflag:s6], s4  }
0x9f: {  	s4 =	ssub.s32 $0x0, s4;
	[sflag:s6] =	ssyncset.done $0x0  }
0xa0: {  	[sflag:s6] =	ssyncadd.s32 s4;
	_ =	sdelay $0x1  }
0xa1: {  	s23 =	simm.s32 $0x1B8B  }
0xa2: {  	_ =	swait.ge [sflag:s23], $0x1  }
0xa3: {  	[sflag:s23] =	ssyncset.done $0x0  }
0xa4: {  	[sflag:s23] =	ssyncadd.s32 $0xFFFFFFFF  }
0xa5: {  	s4 =	sld [smem:$0x0]  }
0xa6: {  	s5 =	sand.u32 $0xFFFFFFFE, s1  }
0xa7: {  	p0 =	sne.s32 s1, s5  }
0xa8: {  	s5 =	sshll.u32 @p0 s5, $0xE  }
0xa9: {  	s5 =	sadd.s32 @p0 $0x11B8D, s5;
	s6 =	sshll.u32 @p0 s4, $0x11  }
0xaa: {  	s5 =	sor.u32 @p0 s6, s5  }
0xab: {  	[sflag:s5] =	ssyncadd.remote.s32 @p0 $0x1;
	_ =	sdelay $0x1  }
0xac: {  	s5 =	simm.s32 @p0 $0x1B8D  }
0xad: {  	_ =	swait.eq @p0 [sflag:s5], $0x1  }
0xae: {  	[sflag:s5] =	ssyncadd.s32 @p0 $0xFFFFFFFF  }
0xaf: {  	s6 =	sshll.u32 @!p0 s1, $0xE  }
0xb0: {  	s6 =	sor.u32 @!p0 $0x4000, s6;
	s5 =	simm.s32 @!p0 $0x1B8D  }
0xb1: {  	s4 =	sshll.u32 @!p0 s4, $0x11;
	s6 =	sadd.s32 @!p0 $0x11B8D, s6;
	_ =	swait.eq @!p0 [sflag:s5], $0x1  }
0xb2: {  	s4 =	sor.u32 @!p0 s4, s6;
	[sflag:s5] =	ssyncadd.s32 @!p0 $0xFFFFFFFF  }
0xb3: {  	s25 =	simm.s32 $0x1B8E;
	s24 =	sld [smem:$0x3FFE];
	[sflag:s4] =	ssyncadd.remote.s32 @!p0 $0x1  }
0xb4: {  	s26 =	simm.s32 $execute0_lowered;
	[smem:$0x3FD2] =	sst s25  }
0xb5: {  	s5 =	sshll.u32 s26, $0x1;
	_ =	strace $0x8000004F;
	[dreg:$0x1] =	wrdreg $0xFFFFFFFF  }
0xb6: {  	s28 =	simm.s32 $_size_execute0_lowered;
	s3 =	sadd.s32 s3, s5;
	[dreg:$0x0] =	wrdreg $0x0  }
0xb7: {  	s5 =	sshll.u32 s28, $0x1;
	[dreg:$0x2] =	wrdreg s3  }
0xb8: {  	[dreg:$0x3] =	wrdreg s5  }
0xb9: {  	[dreg:$0x4] =	wrdreg $0xC0  }
0xba: {  	_ =	task [dreg:s22], $0x5FFFF  }
0xbb: {  	[dreg:$0x1] =	wrdreg $0xFFFFFFFF  }
0xbc: {  	[dreg:$0x0] =	wrdreg $0x60  }
0xbd: {  	[dreg:$0x2] =	wrdreg s24  }
0xbe: {  	[dreg:$0x3] =	wrdreg $0xB  }
0xbf: {  	_ =	task.clear_ibuf [dreg:s22], $0x4FFFF;
	_ =	strace $0x9000004F  }
0xc0: {  	s29 =	simm.s32 $0xB;
	_ =	strace $0x80000051  }
0xc1: {  	_ =	swait.ge [sflag:s29], $0x1  }
0xc2: {  	[sflag:s29] =	ssyncadd.s32 $0xFFFFFFFF  }
0xc3: {  	_ =	strace $0x90000051  }
0xc4: {  	_ =	sfence  }
0xc5: {  	s30 =	sld [smem:$0x0];
	_ =	sdelay $0x2  }
0xc6: {  	s31 =	sshll.u32 s1, $0xD;
	s1 =	sshrl.u32 s1, $0x2  }
0xc7: {  	s4 =	sand.u32 $0x4000, s31;
	s1 =	sadd.s32 s1, s30  }
0xc8: {  	s0 =	sor.u32 s4, s0;
	s1 =	sshll.u32 s1, $0x11  }
0xc9: {  	s0 =	sor.u32 s1, s0  }
0xca: {  	s0 =	sadd.s32 $0x8F2B, s0  }
0xcb: {  	[sflag:s0] =	ssyncadd.remote.s32 $0x1  }
0xcc: {  	_ =	sfence.sel $0xFFFF  }
0xcd: {  	[dreg:$0x0] =	wrdreg $0xFFFFFFFF;
	(pc) =	sbr.abs _section_cstart, $3  }
0xce: {  	[dreg:$0x1] =	wrdreg $0xFFFFFFFF  }
0xcf: {  	_ =	task.clear_ibuf [dreg:s22], $0x2FFFF;
	_ =	strace $0x9FFFFFFF  }
0xd0: {  	(tm) =	ssettm $0x7FFFFFFF  }
0xd1: {  	_ =	shalt  }
tec
execute0_lowered:
.L_overlay_start_1:
0x0: {  	(tag) =	ssettag $0x1  }
0x1: {  	s4 =	rddreg [dreg:$0x0]  }
0x2: {  	s0 =	rddreg [dreg:$0x1]  }
0x3: {  	s1 =	stileid.u32;
	s2 =	simm.s32 $0x0;
	s3 =	srdreg.scid  }
0x4: {  	s10 =	simm.s32 $0xC00;
	s11 =	simm.s32 $0x100;
	s12 =	simm.s32 $0x1400  }
0x5: {  	s13 =	simm.s32 $0x180;
	s14 =	simm.s32 $0x1C00;
	s15 =	simm.s32 $0x200  }
0x6: {  	s16 =	simm.s32 $0x2400;
	s17 =	simm.s32 $0x280;
	s18 =	simm.s32 $0x2C00  }
0x7: {  	s19 =	simm.s32 $0x300;
	s20 =	simm.s32 $0x3400;
	s21 =	simm.s32 $0x380  }
0x8: {  	s22 =	simm.s32 $0x3C00;
	s23 =	simm.s32 $0x1;
	s5 =	smul.u32 $0xA00, s1  }
0x9: {  	s24 =	simm.s32 $0x0;
	s6 =	smul.u32 $0xA000, s1;
	s7 =	sand.u32 $0x1, s3  }
0xa: {  	[smem:$0x7FF] =	sst s2;
	s3 =	sadd.s32 $0x6600, s4;
	s8 =	smul.u32 $0x5000, s7  }
0xb: {  	_ =	strace $0x80000050;
	s9 =	ssub.s32 $0x2, s7;
	s7 =	smul.u32 $0x500, s7  }
0xc: {  	s5 =	sadd.s32 s5, s4;
	s4 =	sadd.s32 s6, s4;
	s31 =	sshrl.u32 s9, $0x1  }
0xd: {  	s6 =	ssub.s32 s9, s31;
	s8 =	sadd.s32 s8, s4;
	s7 =	sadd.s32 s7, s5  }
0xe: {  	s9 =	simm.s32 $0x400;
	s4 =	smax.u32 s6, $0x1;
	s5 =	sadd.s32 $0x356C00, s8  }
0xf: {  	s6 =	sadd.s32 $0x202C00, s7;
	s7 =	simm.s32 $0x2;
	s8 =	simm.s32 $0x80  }
.LBB2_1:
0x10: {  	s25 =	sadd.s32 $0x0, s6  }
0x11: {  	[tilespmem:s2], [sflag:$0x2] =	stream.linear.gather [hbm4b:s25+s2], $0x400, $0x38;
	[tilespmem:$0x4400] =	vst v63  }
0x12: {  	_ =	swait.ge [sflag:s7], $0x400  }
0x13: {  	[sflag:s7] =	ssyncset.done $0x0  }
0x14: {  	[sflag:s7] =	ssyncadd.s32 $0xFFFFFC00  }
0x15: {  	[tilespmem:s9], [sflag:$0x1] =	stream.indirect.gather [hbm4b:s3+s8], $0x10, s2, s8, $0xb8;
	[tilespmem:$0x4400] =	vst v63  }
0x16: {  	_ = 	snop  }
0x17: {  	[tilespmem:s10], [sflag:$0x1] =	stream.indirect.gather [hbm4b:s3+s8], $0x10, s8, s8, $0xb8;
	[tilespmem:$0x4400] =	vst v63  }
0x18: {  	_ = 	snop  }
0x19: {  	[tilespmem:s12], [sflag:$0x1] =	stream.indirect.gather [hbm4b:s3+s8], $0x10, s11, s8, $0xb8;
	[tilespmem:$0x4400] =	vst v63  }
0x1a: {  	_ = 	snop  }
0x1b: {  	[tilespmem:s14], [sflag:$0x1] =	stream.indirect.gather [hbm4b:s3+s8], $0x10, s13, s8, $0xb8;
	[tilespmem:$0x4400] =	vst v63  }
0x1c: {  	_ = 	snop  }
0x1d: {  	[tilespmem:s16], [sflag:$0x1] =	stream.indirect.gather [hbm4b:s3+s8], $0x10, s15, s8, $0xb8;
	[tilespmem:$0x4400] =	vst v63  }
0x1e: {  	_ = 	snop  }
0x1f: {  	[tilespmem:s18], [sflag:$0x1] =	stream.indirect.gather [hbm4b:s3+s8], $0x10, s17, s8, $0xb8;
	[tilespmem:$0x4400] =	vst v63  }
0x20: {  	_ = 	snop  }
0x21: {  	[tilespmem:s20], [sflag:$0x1] =	stream.indirect.gather [hbm4b:s3+s8], $0x10, s19, s8, $0xb8;
	[tilespmem:$0x4400] =	vst v63  }
0x22: {  	_ = 	snop  }
0x23: {  	[tilespmem:s22], [sflag:$0x1] =	stream.indirect.gather [hbm4b:s3+s8], $0x10, s21, s8, $0xb8;
	[tilespmem:$0x4400] =	vst v63  }
0x24: {  	_ =	swait.ge [sflag:s23], $0x800  }
0x25: {  	[sflag:s23] =	ssyncset.done $0x0  }
0x26: {  	[sflag:s23] =	ssyncadd.s32 $0xFFFFF800  }
0x27: {  	_ =	swait.ge [sflag:s23], $0x800  }
0x28: {  	[sflag:s23] =	ssyncset.done $0x0  }
0x29: {  	[sflag:s23] =	ssyncadd.s32 $0xFFFFF800  }
0x2a: {  	_ =	swait.ge [sflag:s23], $0x800  }
0x2b: {  	[sflag:s23] =	ssyncset.done $0x0  }
0x2c: {  	[sflag:s23] =	ssyncadd.s32 $0xFFFFF800  }
0x2d: {  	_ =	swait.ge [sflag:s23], $0x800  }
0x2e: {  	[sflag:s23] =	ssyncset.done $0x0  }
0x2f: {  	[sflag:s23] =	ssyncadd.s32 $0xFFFFF800  }
0x30: {  	_ =	swait.ge [sflag:s23], $0x800  }
0x31: {  	[sflag:s23] =	ssyncset.done $0x0  }
0x32: {  	[sflag:s23] =	ssyncadd.s32 $0xFFFFF800  }
0x33: {  	_ =	swait.ge [sflag:s23], $0x800  }
0x34: {  	[sflag:s23] =	ssyncset.done $0x0  }
0x35: {  	[sflag:s23] =	ssyncadd.s32 $0xFFFFF800  }
0x36: {  	_ =	swait.ge [sflag:s23], $0x800  }
0x37: {  	[sflag:s23] =	ssyncset.done $0x0  }
0x38: {  	[sflag:s23] =	ssyncadd.s32 $0xFFFFF800  }
0x39: {  	_ =	swait.ge [sflag:s23], $0x800  }
0x3a: {  	[sflag:s23] =	ssyncset.done $0x0  }
0x3b: {  	[sflag:s23] =	ssyncadd.s32 $0xFFFFF800  }
0x3c: {  	[hbm4b:s5+s2] =	stream.linear.scatter [tilespmem:s9], [sflag:$0x2], $0x4000, $0x38;
	[tilespmem:$0x4400] =	vst v63  }
0x3d: {  	s26 =	simm.s32 $0x80;
	_ =	swait.ge [sflag:s7], $0x4000  }
0x3e: {  	s29 =	simm.s32 $0x100;
	s25 =	sadd.s32 $0x800, s5;
	[sflag:s7] =	ssyncset.done $0x0  }
.LBB2_2:
0x3f: {  	s30 =	sadd.s32 s26, s6  }
0x40: {  	[sflag:s7] =	ssyncadd.s32 $0xFFFFC000;
	s26 =	smov.u32 s29;
	s28 =	sadd.s32 $0x80, s29  }
0x41: {  	[tilespmem:s2], [sflag:$0x2] =	stream.linear.gather [hbm4b:s30+s2], $0x400, $0x38;
	[tilespmem:$0x4400] =	vst v63  }
0x42: {  	p0 =	sne.s32 s29, $0x480;
	_ =	swait.ge [sflag:s7], $0x400  }
0x43: {  	[sflag:s7] =	ssyncset.done $0x0  }
0x44: {  	[sflag:s7] =	ssyncadd.s32 $0xFFFFFC00  }
0x45: {  	[tilespmem:s9], [sflag:$0x1] =	stream.indirect.gather [hbm4b:s3+s8], $0x10, s2, s8, $0xb8;
	[tilespmem:$0x4400] =	vst v63  }
0x46: {  	_ = 	snop  }
0x47: {  	[tilespmem:s10], [sflag:$0x1] =	stream.indirect.gather [hbm4b:s3+s8], $0x10, s8, s8, $0xb8;
	[tilespmem:$0x4400] =	vst v63  }
0x48: {  	_ = 	snop  }
0x49: {  	[tilespmem:s12], [sflag:$0x1] =	stream.indirect.gather [hbm4b:s3+s8], $0x10, s11, s8, $0xb8;
	[tilespmem:$0x4400] =	vst v63  }
0x4a: {  	_ = 	snop  }
0x4b: {  	[tilespmem:s14], [sflag:$0x1] =	stream.indirect.gather [hbm4b:s3+s8], $0x10, s13, s8, $0xb8;
	[tilespmem:$0x4400] =	vst v63  }
0x4c: {  	_ = 	snop  }
0x4d: {  	[tilespmem:s16], [sflag:$0x1] =	stream.indirect.gather [hbm4b:s3+s8], $0x10, s15, s8, $0xb8;
	[tilespmem:$0x4400] =	vst v63  }
0x4e: {  	_ = 	snop  }
0x4f: {  	[tilespmem:s18], [sflag:$0x1] =	stream.indirect.gather [hbm4b:s3+s8], $0x10, s17, s8, $0xb8;
	[tilespmem:$0x4400] =	vst v63  }
0x50: {  	_ = 	snop  }
0x51: {  	[tilespmem:s20], [sflag:$0x1] =	stream.indirect.gather [hbm4b:s3+s8], $0x10, s19, s8, $0xb8;
	[tilespmem:$0x4400] =	vst v63  }
0x52: {  	_ = 	snop  }
0x53: {  	[tilespmem:s22], [sflag:$0x1] =	stream.indirect.gather [hbm4b:s3+s8], $0x10, s21, s8, $0xb8;
	[tilespmem:$0x4400] =	vst v63  }
0x54: {  	_ =	swait.ge [sflag:s23], $0x800  }
0x55: {  	[sflag:s23] =	ssyncset.done $0x0  }
0x56: {  	[sflag:s23] =	ssyncadd.s32 $0xFFFFF800  }
0x57: {  	_ =	swait.ge [sflag:s23], $0x800  }
0x58: {  	[sflag:s23] =	ssyncset.done $0x0  }
0x59: {  	[sflag:s23] =	ssyncadd.s32 $0xFFFFF800  }
0x5a: {  	_ =	swait.ge [sflag:s23], $0x800  }
0x5b: {  	[sflag:s23] =	ssyncset.done $0x0  }
0x5c: {  	[sflag:s23] =	ssyncadd.s32 $0xFFFFF800  }
0x5d: {  	_ =	swait.ge [sflag:s23], $0x800  }
0x5e: {  	[sflag:s23] =	ssyncset.done $0x0  }
0x5f: {  	[sflag:s23] =	ssyncadd.s32 $0xFFFFF800  }
0x60: {  	_ =	swait.ge [sflag:s23], $0x800  }
0x61: {  	[sflag:s23] =	ssyncset.done $0x0  }
0x62: {  	[sflag:s23] =	ssyncadd.s32 $0xFFFFF800  }
0x63: {  	_ =	swait.ge [sflag:s23], $0x800  }
0x64: {  	[sflag:s23] =	ssyncset.done $0x0  }
0x65: {  	[sflag:s23] =	ssyncadd.s32 $0xFFFFF800  }
0x66: {  	_ =	swait.ge [sflag:s23], $0x800  }
0x67: {  	[sflag:s23] =	ssyncset.done $0x0  }
0x68: {  	[sflag:s23] =	ssyncadd.s32 $0xFFFFF800  }
0x69: {  	_ =	swait.ge [sflag:s23], $0x800  }
.Ltmp0:
0x6a: {  	[sflag:s23] =	ssyncset.done $0x0;
	(pc) =	sbr.rel @p0 .LBB2_2-.Ltmp0, $4  }
0x6b: {  	[sflag:s23] =	ssyncadd.s32 $0xFFFFF800  }
0x6c: {  	[hbm4b:s25+s2] =	stream.linear.scatter [tilespmem:s9], [sflag:$0x2], $0x4000, $0x38;
	[tilespmem:$0x4400] =	vst v63  }
0x6d: {  	_ =	swait.ge [sflag:s7], $0x4000  }
0x6e: {  	s29 =	smov.u32 s28;
	s25 =	sadd.s32 $0x800, s25;
	[sflag:s7] =	ssyncset.done $0x0  }
0x6f: {  	s26 =	sadd.s32 s26, s6;
	[sflag:s7] =	ssyncadd.s32 $0xFFFFC000  }
0x70: {  	[tilespmem:s2], [sflag:$0x2] =	stream.linear.gather [hbm4b:s26+s2], $0x400, $0x38;
	[tilespmem:$0x4400] =	vst v63  }
0x71: {  	_ =	swait.ge [sflag:s7], $0x400  }
0x72: {  	[sflag:s7] =	ssyncset.done $0x0  }
0x73: {  	[sflag:s7] =	ssyncadd.s32 $0xFFFFFC00  }
0x74: {  	[tilespmem:s9], [sflag:$0x1] =	stream.indirect.gather [hbm4b:s3+s8], $0x10, s2, s8, $0xb8;
	[tilespmem:$0x4400] =	vst v63  }
0x75: {  	_ = 	snop  }
0x76: {  	[tilespmem:s10], [sflag:$0x1] =	stream.indirect.gather [hbm4b:s3+s8], $0x10, s8, s8, $0xb8;
	[tilespmem:$0x4400] =	vst v63  }
0x77: {  	_ = 	snop  }
0x78: {  	[tilespmem:s12], [sflag:$0x1] =	stream.indirect.gather [hbm4b:s3+s8], $0x10, s11, s8, $0xb8;
	[tilespmem:$0x4400] =	vst v63  }
0x79: {  	_ = 	snop  }
0x7a: {  	[tilespmem:s14], [sflag:$0x1] =	stream.indirect.gather [hbm4b:s3+s8], $0x10, s13, s8, $0xb8;
	[tilespmem:$0x4400] =	vst v63  }
0x7b: {  	_ = 	snop  }
0x7c: {  	[tilespmem:s16], [sflag:$0x1] =	stream.indirect.gather [hbm4b:s3+s8], $0x10, s15, s8, $0xb8;
	[tilespmem:$0x4400] =	vst v63  }
0x7d: {  	_ = 	snop  }
0x7e: {  	[tilespmem:s18], [sflag:$0x1] =	stream.indirect.gather [hbm4b:s3+s8], $0x10, s17, s8, $0xb8;
	[tilespmem:$0x4400] =	vst v63  }
0x7f: {  	_ = 	snop  }
0x80: {  	[tilespmem:s20], [sflag:$0x1] =	stream.indirect.gather [hbm4b:s3+s8], $0x10, s19, s8, $0xb8;
	[tilespmem:$0x4400] =	vst v63  }
0x81: {  	_ = 	snop  }
0x82: {  	[tilespmem:s22], [sflag:$0x1] =	stream.indirect.gather [hbm4b:s3+s8], $0x10, s21, s8, $0xb8;
	[tilespmem:$0x4400] =	vst v63  }
0x83: {  	_ =	swait.ge [sflag:s23], $0x800  }
0x84: {  	[sflag:s23] =	ssyncset.done $0x0  }
0x85: {  	[sflag:s23] =	ssyncadd.s32 $0xFFFFF800  }
0x86: {  	_ =	swait.ge [sflag:s23], $0x800  }
0x87: {  	[sflag:s23] =	ssyncset.done $0x0  }
0x88: {  	[sflag:s23] =	ssyncadd.s32 $0xFFFFF800  }
0x89: {  	_ =	swait.ge [sflag:s23], $0x800  }
0x8a: {  	[sflag:s23] =	ssyncset.done $0x0  }
0x8b: {  	[sflag:s23] =	ssyncadd.s32 $0xFFFFF800  }
0x8c: {  	_ =	swait.ge [sflag:s23], $0x800  }
0x8d: {  	[sflag:s23] =	ssyncset.done $0x0  }
0x8e: {  	[sflag:s23] =	ssyncadd.s32 $0xFFFFF800  }
0x8f: {  	_ =	swait.ge [sflag:s23], $0x800  }
0x90: {  	[sflag:s23] =	ssyncset.done $0x0  }
0x91: {  	[sflag:s23] =	ssyncadd.s32 $0xFFFFF800  }
0x92: {  	_ =	swait.ge [sflag:s23], $0x800  }
0x93: {  	[sflag:s23] =	ssyncset.done $0x0  }
0x94: {  	[sflag:s23] =	ssyncadd.s32 $0xFFFFF800  }
0x95: {  	_ =	swait.ge [sflag:s23], $0x800  }
0x96: {  	[sflag:s23] =	ssyncset.done $0x0  }
0x97: {  	[sflag:s23] =	ssyncadd.s32 $0xFFFFF800  }
0x98: {  	s24 =	sadd.s32 $0x1, s24;
	_ =	swait.ge [sflag:s23], $0x800  }
0x99: {  	p0 =	sne.s32 s24, s4;
	[sflag:s23] =	ssyncset.done $0x0  }
.Ltmp1:
0x9a: {  	[sflag:s23] =	ssyncadd.s32 $0xFFFFF800;
	(pc) =	sbr.rel @p0 .LBB2_1-.Ltmp1, $4  }
0x9b: {  	[hbm4b:s25+s2] =	stream.linear.scatter [tilespmem:s9], [sflag:$0x2], $0x4000, $0x38;
	[tilespmem:$0x4400] =	vst v63  }
0x9c: {  	_ =	swait.ge [sflag:s7], $0x4000  }
0x9d: {  	[sflag:s7] =	ssyncset.done $0x0  }
0x9e: {  	[sflag:s7] =	ssyncadd.s32 $0xFFFFC000  }
0x9f: {  	_ =	sfence.sel $0x180000  }
0xa0: {  	[bflag:$0x0] =	sbarrier.arrive $0xFFFF  }
0xa1: {  	p0 =	sne.s32 s1, $0x0;
	_ =	strace $0x90000050  }
0xa2: {  	s0 =	sadd.s32 @!p0 $0x100000, s0;
	[bflag:$0x2] =	sbarrier.arrive $0xFFFF  }
0xa3: {  	[sflag:s0] =	ssyncadd.tile.s32 @!p0 $0x1;
	_ =	shalt  }
.Lfunc_end2:
_tile_overlayer_lowered:
.L_overlay_start_2:
0xa4: {  	(tag) =	ssettag $0x2  }
0xa5: {  	s0 =	rddreg [dreg:$0x0];
	s2 =	stileid.u32  }
0xa6: {  	s1 =	rddreg [dreg:$0x1];
	p0 =	sne.s32 s2, $0x0  }
0xa7: {  	s3 =	rddreg [dreg:$0x2];
	[bflag:$0x3] =	sbarrier.arrive $0xFFFF;
	s2 =	simm.s32 @!p0 $0x1C02  }
0xa8: {  	[timem:s3], [sflag:s2] =	dma.local @!p0 [hbm:s0], s1  }
0xa9: {  	s0 =	simm.s32 @!p0 $0x2  }
0xaa: {  	_ =	swait.ge @!p0 [sflag:s0], s1  }
0xab: {  	s1 =	ssub.s32 @!p0 $0x0, s1;
	[sflag:s0] =	ssyncset.done @!p0 $0x0  }
0xac: {  	[sflag:s0] =	ssyncadd.s32 @!p0 s1  }
0xad: {  	[bflag:$0x3] =	sbarrier.arrive $0xFFFF  }
0xae: {  	_ =	shalt  }

// kernel: kernel.25.cloned.1.call-start
scs
__scs_entry_jumppad:
0x0: {  	(pc) =	sbr.rel $0x88, $3  }
0x1: {  	(tag) =	ssettag $0x0;
	lr =	simm.s32 $0x1  }
0x2: {  	[smem:$0x3F97] =	sst lr;
	_ =	strace $0xD0000000  }
0x3: {  	_ = 	snop  }
0x4: {  	_ = 	snop  }
0x5: {  	_ = 	snop  }
0x6: {  	_ = 	snop  }
0x7: {  	_ = 	snop  }
__scs_overlays_trampoline_lowered:
0x8: {  	[smem:$0x3FA6] =	sst s0  }
0x9: {  	[smem:$0x3FA7] =	sst s1  }
0xa: {  	[smem:$0x3FA8] =	sst s2  }
0xb: {  	[smem:$0x3FA9] =	sst s3  }
0xc: {  	[smem:$0x3FAA] =	sst s4  }
0xd: {  	[smem:$0x3FAB] =	sst s5  }
0xe: {  	[smem:$0x3FAC] =	sst s6  }
0xf: {  	[smem:$0x3FAD] =	sst s7  }
0x10: {  	[smem:$0x3FAE] =	sst s8  }
0x11: {  	[smem:$0x3FAF] =	sst s9;
	s0 =	simm.s32 @!p0 $0x0  }
0x12: {  	s1 =	sld [smem:$0x3F95];
	s0 =	simm.s32 @p0 $0x1  }
0x13: {  	[smem:$0x3FB0] =	sst s0;
	s0 =	simm.s32 @!p1 $0x0  }
0x14: {  	s2 =	sld [smem:$0x3F94];
	s0 =	simm.s32 @p1 $0x1  }
0x15: {  	[smem:$0x3FB1] =	sst s0;
	s0 =	simm.s32 @!p2 $0x0  }
0x16: {  	s3 =	sld [smem:$0x3FDB];
	s0 =	simm.s32 @p2 $0x1  }
0x17: {  	s4 =	simm.s32 $0x1BF5;
	[smem:$0x3FB3] =	sst s0  }
0x18: {  	s0 =	sld [smem:$0x3F96];
	_ =	swait.ge [sflag:s4], $0x0  }
0x19: {  	s7 =	sld [smem:$0x3F97]  }
0x1a: {  	s8 =	sadd.s32 $0xFFFFE003, lr  }
0x1b: {  	s9 =	sadd.s32 $0xFFFFFEF7, lr;
	s5 =	simm.s32 $0xFFFFFFFF;
	p2 =	slt.u32 s8, $0xFFFFF086  }
0x1c: {  	p1 =	slt.u32 s9, $0xF7A;
	s5 =	simm.s32 @!p2 $0x0  }
0x1d: {  	s5 =	simm.s32 @p1 $0x1;
	p0 =	seq.s32 s7, s2  }
0x1e: {  	s7 =	smul.u32 @!p0 $0xF7A, s2;
	p2 =	seq.s32 @!p0 s5, $0x0  }
0x1f: {  	s9 =	smul.u32 $0xF7A, s1;
	s8 =	simm.s32 @!p0 $0x1BF5;
	p2 =	por !p2, p0  }
0x20: {  	[sflag:s8] =	ssyncset.s32 @!p0 $0xFFFFF086;
	s6 =	sadd.s32 @!p0 s3, s7;
	s7 =	simm.s32 @!p0 $0x108  }
0x21: {  	s3 =	sadd.s32 s3, s9;
	s6 =	sadd.s32 @!p0 $0x88, s6;
	s7 =	simm.s32 @p2 $0x1082  }
0x22: {  	[simem:s7], [sflag:s8] =	dma.local @!p0 [hbm:s6], $0xF7A  }
0x23: {  	s9 =	sor.u32 $0xD0000000, s2;
	s6 =	simm.s32 $0x108;
	_ =	swait.ge @!p0 [sflag:s8], $0x0  }
0x24: {  	s3 =	sadd.s32 $0x88, s3;
	s6 =	simm.s32 @!p1 $0x1082;
	[sflag:s4] =	ssyncset.s32 $0xFFFFF086  }
0x25: {  	[simem:s6], [sflag:s4] =	dma.local [hbm:s3], $0xF7A  }
0x26: {  	[smem:$0x3F97] =	sst s1;
	(tag) =	ssettag s2;
	_ =	strace s9  }
0x27: {  	s1 =	sld [smem:$0x3FA7]  }
0x28: {  	s2 =	sld [smem:$0x3FA8]  }
0x29: {  	s4 =	sld [smem:$0x3FAA]  }
0x2a: {  	p0 =	seq.s32 s5, $0x0;
	s5 =	sld [smem:$0x3FAB]  }
0x2b: {  	s6 =	sld [smem:$0x3FAC]  }
0x2c: {  	s7 =	sld [smem:$0x3FAD]  }
0x2d: {  	s3 =	simm.s32 $0x108;
	s8 =	sld [smem:$0x3FAE]  }
0x2e: {  	s3 =	simm.s32 @!p0 $0x1082;
	s9 =	sld [smem:$0x3FAF]  }
0x2f: {  	lr =	sadd.s32 s0, s3;
	s0 =	sld [smem:$0x3FA6]  }
0x30: {  	s3 =	sld [smem:$0x3FA9]  }
0x31: {  	[smem:$0x3FB2] =	sst s10  }
0x32: {  	s10 =	sld [smem:$0x3FB0];
	_ =	sdelay $0x3  }
0x33: {  	p0 =	seq.s32 s10, $0x1;
	s10 =	sld [smem:$0x3FB2];
	_ =	sdelay $0x3  }
0x34: {  	[smem:$0x3FB2] =	sst s10  }
0x35: {  	s10 =	sld [smem:$0x3FB1];
	_ =	sdelay $0x3  }
0x36: {  	p1 =	seq.s32 s10, $0x1;
	s10 =	sld [smem:$0x3FB2];
	_ =	sdelay $0x3  }
0x37: {  	[smem:$0x3FB2] =	sst s10  }
0x38: {  	s10 =	sld [smem:$0x3FB3]  }
0x39: {  	_ = 	snop;
	(pc) =	sbr.ind lr, $3  }
0x3a: {  	_ = 	snop  }
0x3b: {  	_ = 	snop  }
0x3c: {  	p2 =	seq.s32 s10, $0x1;
	s10 =	sld [smem:$0x3FB2]  }
0x3d: {  	_ =	shalt  }
0x3e: {  	_ =	shalt  }
0x3f: {  	_ =	shalt  }
0x40: {  	_ =	shalt  }
0x41: {  	_ =	shalt  }
0x42: {  	_ =	shalt  }
0x43: {  	_ =	shalt  }
0x44: {  	_ =	shalt  }
0x45: {  	_ =	shalt  }
0x46: {  	_ =	shalt  }
0x47: {  	_ =	shalt  }
0x48: {  	_ =	shalt  }
0x49: {  	_ =	shalt  }
0x4a: {  	_ =	shalt  }
0x4b: {  	_ =	shalt  }
0x4c: {  	_ =	shalt  }
0x4d: {  	_ =	shalt  }
0x4e: {  	_ =	shalt  }
0x4f: {  	_ =	shalt  }
0x50: {  	_ =	shalt  }
0x51: {  	_ =	shalt  }
0x52: {  	_ =	shalt  }
0x53: {  	_ =	shalt  }
0x54: {  	_ =	shalt  }
0x55: {  	_ =	shalt  }
0x56: {  	_ =	shalt  }
0x57: {  	_ =	shalt  }
0x58: {  	_ =	shalt  }
0x59: {  	_ =	shalt  }
0x5a: {  	_ =	shalt  }
0x5b: {  	_ =	shalt  }
0x5c: {  	_ =	shalt  }
0x5d: {  	_ =	shalt  }
0x5e: {  	_ =	shalt  }
0x5f: {  	_ =	shalt  }
0x60: {  	_ =	shalt  }
0x61: {  	_ =	shalt  }
0x62: {  	_ =	shalt  }
0x63: {  	_ =	shalt  }
0x64: {  	_ =	shalt  }
0x65: {  	_ =	shalt  }
0x66: {  	_ =	shalt  }
0x67: {  	_ =	shalt  }
0x68: {  	_ =	shalt  }
0x69: {  	_ =	shalt  }
0x6a: {  	_ =	shalt  }
0x6b: {  	_ =	shalt  }
0x6c: {  	_ =	shalt  }
0x6d: {  	_ =	shalt  }
0x6e: {  	_ =	shalt  }
0x6f: {  	_ =	shalt  }
0x70: {  	_ =	shalt  }
0x71: {  	_ =	shalt  }
0x72: {  	_ =	shalt  }
0x73: {  	_ =	shalt  }
0x74: {  	_ =	shalt  }
0x75: {  	_ =	shalt  }
0x76: {  	_ =	shalt  }
0x77: {  	_ =	shalt  }
0x78: {  	_ =	shalt  }
0x79: {  	_ =	shalt  }
0x7a: {  	_ =	shalt  }
0x7b: {  	_ =	shalt  }
0x7c: {  	_ =	shalt  }
0x7d: {  	_ =	shalt  }
0x7e: {  	_ =	shalt  }
0x7f: {  	_ =	shalt  }
0x80: {  	_ =	shalt  }
0x81: {  	_ =	shalt  }
0x82: {  	_ =	shalt  }
0x83: {  	_ =	shalt  }
0x84: {  	_ =	shalt  }
0x85: {  	_ =	shalt  }
0x86: {  	_ =	shalt  }
0x87: {  	_ =	shalt  }
.Lfunc_end0:
.L_simem_size_0:
called_computation.4_lowered:
.L_overlay_start_0:
0x88: {  	s2 =	sld [smem:$0x3FD9]  }
0x89: {  	s3 =	sld [smem:$0x3FFE];
	_ =	sdelay $0x1  }
0x8a: {  	s1 =	srdreg.scid  }
0x8b: {  	s0 =	sand.u32 $0x1, s1  }
0x8c: {  	s17 =	sshll.u32 s0, $0xA;
	s2 =	sadd.s32 s3, s2  }
0x8d: {  	s2 =	sadd.s32 s2, s17  }
0x8e: {  	[smem:$0x3FBE] =	sst s2  }
0x8f: {  	_ = 	snop  }
0x90: {  	(tm) =	ssettm $0x1  }
0x91: {  	s18 =	sld [smem:$0x3FFB];
	_ =	sdelay $0x3  }
0x92: {  	_ =	strace s18  }
0x93: {  	s2 =	sld [smem:$0x3FFC];
	_ =	sdelay $0x3  }
0x94: {  	_ =	strace s2  }
0x95: {  	s2 =	sld [smem:$0x3FFD];
	_ =	sdelay $0x3  }
0x96: {  	_ =	strace s2  }
0x97: {  	_ =	strace $0x8FFFFFFF  }
0x98: {  	s19 =	sld [smem:$0x3FDB];
	_ =	sdelay $0x1  }
0x99: {  	s20 =	simm.s32 $_scs_section_size  }
0x9a: {  	s4 =	simm.s32 $_size__tile_overlayer_lowered;
	s5 =	simm.s32 $_tile_overlayer_lowered  }
0x9b: {  	s6 =	simm.s32 $0x1BFF;
	s21 =	sshll.u32 s5, $0x1;
	s3 =	sadd.s32 s20, s19  }
0x9c: {  	s22 =	simm.s32 $0x0;
	s4 =	sshll.u32 s4, $0x1;
	s5 =	sadd.s32 s21, s3  }
0x9d: {  	[timem:s22], [sflag:s6] =	dma.local [hbm:s5], s4  }
0x9e: {  	_ =	swait.ge [sflag:s6], s4  }
0x9f: {  	s4 =	ssub.s32 $0x0, s4;
	[sflag:s6] =	ssyncset.done $0x0  }
0xa0: {  	[sflag:s6] =	ssyncadd.s32 s4;
	_ =	sdelay $0x1  }
0xa1: {  	s23 =	simm.s32 $0x1B8B  }
0xa2: {  	_ =	swait.ge [sflag:s23], $0x1  }
0xa3: {  	[sflag:s23] =	ssyncset.done $0x0  }
0xa4: {  	[sflag:s23] =	ssyncadd.s32 $0xFFFFFFFF  }
0xa5: {  	s4 =	sld [smem:$0x0]  }
0xa6: {  	s5 =	sand.u32 $0xFFFFFFFE, s1  }
0xa7: {  	p0 =	sne.s32 s1, s5  }
0xa8: {  	s5 =	sshll.u32 @p0 s5, $0xE  }
0xa9: {  	s5 =	sadd.s32 @p0 $0x11B8D, s5;
	s6 =	sshll.u32 @p0 s4, $0x11  }
0xaa: {  	s5 =	sor.u32 @p0 s6, s5  }
0xab: {  	[sflag:s5] =	ssyncadd.remote.s32 @p0 $0x1;
	_ =	sdelay $0x1  }
0xac: {  	s5 =	simm.s32 @p0 $0x1B8D  }
0xad: {  	_ =	swait.eq @p0 [sflag:s5], $0x1  }
0xae: {  	[sflag:s5] =	ssyncadd.s32 @p0 $0xFFFFFFFF  }
0xaf: {  	s6 =	sshll.u32 @!p0 s1, $0xE  }
0xb0: {  	s6 =	sor.u32 @!p0 $0x4000, s6;
	s5 =	simm.s32 @!p0 $0x1B8D  }
0xb1: {  	s4 =	sshll.u32 @!p0 s4, $0x11;
	s6 =	sadd.s32 @!p0 $0x11B8D, s6;
	_ =	swait.eq @!p0 [sflag:s5], $0x1  }
0xb2: {  	s4 =	sor.u32 @!p0 s4, s6;
	[sflag:s5] =	ssyncadd.s32 @!p0 $0xFFFFFFFF  }
0xb3: {  	s25 =	simm.s32 $0x1B8E;
	s24 =	sld [smem:$0x3FFE];
	[sflag:s4] =	ssyncadd.remote.s32 @!p0 $0x1  }
0xb4: {  	s26 =	simm.s32 $execute0_lowered;
	[smem:$0x3FD2] =	sst s25  }
0xb5: {  	s5 =	sshll.u32 s26, $0x1;
	_ =	strace $0x80000052;
	[dreg:$0x1] =	wrdreg $0xFFFFFFFF  }
0xb6: {  	s28 =	simm.s32 $_size_execute0_lowered;
	s3 =	sadd.s32 s3, s5;
	[dreg:$0x0] =	wrdreg $0x0  }
0xb7: {  	s5 =	sshll.u32 s28, $0x1;
	[dreg:$0x2] =	wrdreg s3  }
0xb8: {  	[dreg:$0x3] =	wrdreg s5  }
0xb9: {  	[dreg:$0x4] =	wrdreg $0xC0  }
0xba: {  	_ =	task [dreg:s22], $0x5FFFF  }
0xbb: {  	[dreg:$0x1] =	wrdreg $0xFFFFFFFF  }
0xbc: {  	[dreg:$0x0] =	wrdreg $0x60  }
0xbd: {  	[dreg:$0x2] =	wrdreg s24  }
0xbe: {  	[dreg:$0x3] =	wrdreg $0xC  }
0xbf: {  	_ =	task.clear_ibuf [dreg:s22], $0x4FFFF;
	_ =	strace $0x90000052  }
0xc0: {  	s29 =	simm.s32 $0xC;
	_ =	strace $0x80000054  }
0xc1: {  	_ =	swait.ge [sflag:s29], $0x1  }
0xc2: {  	[sflag:s29] =	ssyncadd.s32 $0xFFFFFFFF  }
0xc3: {  	_ =	strace $0x90000054  }
0xc4: {  	_ =	sfence  }
0xc5: {  	s30 =	sld [smem:$0x0];
	_ =	sdelay $0x2  }
0xc6: {  	s31 =	sshll.u32 s1, $0xD;
	s1 =	sshrl.u32 s1, $0x2  }
0xc7: {  	s4 =	sand.u32 $0x4000, s31;
	s1 =	sadd.s32 s1, s30  }
0xc8: {  	s0 =	sor.u32 s4, s0;
	s1 =	sshll.u32 s1, $0x11  }
0xc9: {  	s0 =	sor.u32 s1, s0  }
0xca: {  	s0 =	sadd.s32 $0x8F2B, s0  }
0xcb: {  	[sflag:s0] =	ssyncadd.remote.s32 $0x1  }
0xcc: {  	_ =	sfence.sel $0xFFFF  }
0xcd: {  	[dreg:$0x0] =	wrdreg $0xFFFFFFFF;
	(pc) =	sbr.abs _section_cstart, $3  }
0xce: {  	[dreg:$0x1] =	wrdreg $0xFFFFFFFF  }
0xcf: {  	_ =	task.clear_ibuf [dreg:s22], $0x2FFFF;
	_ =	strace $0x9FFFFFFF  }
0xd0: {  	(tm) =	ssettm $0x7FFFFFFF  }
0xd1: {  	_ =	shalt  }
tec
execute0_lowered:
.L_overlay_start_1:
0x0: {  	(tag) =	ssettag $0x1  }
0x1: {  	s4 =	rddreg [dreg:$0x0]  }
0x2: {  	s0 =	rddreg [dreg:$0x1]  }
0x3: {  	s1 =	stileid.u32;
	s2 =	simm.s32 $0x0;
	s3 =	srdreg.scid  }
0x4: {  	s10 =	simm.s32 $0xC00;
	s11 =	simm.s32 $0x100;
	s12 =	simm.s32 $0x1400  }
0x5: {  	s13 =	simm.s32 $0x180;
	s14 =	simm.s32 $0x1C00;
	s15 =	simm.s32 $0x200  }
0x6: {  	s16 =	simm.s32 $0x2400;
	s17 =	simm.s32 $0x280;
	s18 =	simm.s32 $0x2C00  }
0x7: {  	s19 =	simm.s32 $0x300;
	s20 =	simm.s32 $0x3400;
	s21 =	simm.s32 $0x380  }
0x8: {  	s22 =	simm.s32 $0x3C00;
	s23 =	simm.s32 $0x1;
	s5 =	smul.u32 $0xA00, s1  }
0x9: {  	s24 =	simm.s32 $0x0;
	s6 =	smul.u32 $0xA000, s1;
	s7 =	sand.u32 $0x1, s3  }
0xa: {  	[smem:$0x7FF] =	sst s2;
	s3 =	sadd.s32 $0x6600, s4;
	s8 =	smul.u32 $0x5000, s7  }
0xb: {  	_ =	strace $0x80000053;
	s9 =	ssub.s32 $0x2, s7;
	s7 =	smul.u32 $0x500, s7  }
0xc: {  	s5 =	sadd.s32 s5, s4;
	s4 =	sadd.s32 s6, s4;
	s31 =	sshrl.u32 s9, $0x1  }
0xd: {  	s6 =	ssub.s32 s9, s31;
	s8 =	sadd.s32 s8, s4;
	s7 =	sadd.s32 s7, s5  }
0xe: {  	s9 =	simm.s32 $0x400;
	s4 =	smax.u32 s6, $0x1;
	s5 =	sadd.s32 $0x3F6C00, s8  }
0xf: {  	s6 =	sadd.s32 $0x20CC00, s7;
	s7 =	simm.s32 $0x2;
	s8 =	simm.s32 $0x80  }
.LBB2_1:
0x10: {  	s25 =	sadd.s32 $0x0, s6  }
0x11: {  	[tilespmem:s2], [sflag:$0x2] =	stream.linear.gather [hbm4b:s25+s2], $0x400, $0x38;
	[tilespmem:$0x4400] =	vst v63  }
0x12: {  	_ =	swait.ge [sflag:s7], $0x400  }
0x13: {  	[sflag:s7] =	ssyncset.done $0x0  }
0x14: {  	[sflag:s7] =	ssyncadd.s32 $0xFFFFFC00  }
0x15: {  	[tilespmem:s9], [sflag:$0x1] =	stream.indirect.gather [hbm4b:s3+s8], $0x10, s2, s8, $0xb8;
	[tilespmem:$0x4400] =	vst v63  }
0x16: {  	_ = 	snop  }
0x17: {  	[tilespmem:s10], [sflag:$0x1] =	stream.indirect.gather [hbm4b:s3+s8], $0x10, s8, s8, $0xb8;
	[tilespmem:$0x4400] =	vst v63  }
0x18: {  	_ = 	snop  }
0x19: {  	[tilespmem:s12], [sflag:$0x1] =	stream.indirect.gather [hbm4b:s3+s8], $0x10, s11, s8, $0xb8;
	[tilespmem:$0x4400] =	vst v63  }
0x1a: {  	_ = 	snop  }
0x1b: {  	[tilespmem:s14], [sflag:$0x1] =	stream.indirect.gather [hbm4b:s3+s8], $0x10, s13, s8, $0xb8;
	[tilespmem:$0x4400] =	vst v63  }
0x1c: {  	_ = 	snop  }
0x1d: {  	[tilespmem:s16], [sflag:$0x1] =	stream.indirect.gather [hbm4b:s3+s8], $0x10, s15, s8, $0xb8;
	[tilespmem:$0x4400] =	vst v63  }
0x1e: {  	_ = 	snop  }
0x1f: {  	[tilespmem:s18], [sflag:$0x1] =	stream.indirect.gather [hbm4b:s3+s8], $0x10, s17, s8, $0xb8;
	[tilespmem:$0x4400] =	vst v63  }
0x20: {  	_ = 	snop  }
0x21: {  	[tilespmem:s20], [sflag:$0x1] =	stream.indirect.gather [hbm4b:s3+s8], $0x10, s19, s8, $0xb8;
	[tilespmem:$0x4400] =	vst v63  }
0x22: {  	_ = 	snop  }
0x23: {  	[tilespmem:s22], [sflag:$0x1] =	stream.indirect.gather [hbm4b:s3+s8], $0x10, s21, s8, $0xb8;
	[tilespmem:$0x4400] =	vst v63  }
0x24: {  	_ =	swait.ge [sflag:s23], $0x800  }
0x25: {  	[sflag:s23] =	ssyncset.done $0x0  }
0x26: {  	[sflag:s23] =	ssyncadd.s32 $0xFFFFF800  }
0x27: {  	_ =	swait.ge [sflag:s23], $0x800  }
0x28: {  	[sflag:s23] =	ssyncset.done $0x0  }
0x29: {  	[sflag:s23] =	ssyncadd.s32 $0xFFFFF800  }
0x2a: {  	_ =	swait.ge [sflag:s23], $0x800  }
0x2b: {  	[sflag:s23] =	ssyncset.done $0x0  }
0x2c: {  	[sflag:s23] =	ssyncadd.s32 $0xFFFFF800  }
0x2d: {  	_ =	swait.ge [sflag:s23], $0x800  }
0x2e: {  	[sflag:s23] =	ssyncset.done $0x0  }
0x2f: {  	[sflag:s23] =	ssyncadd.s32 $0xFFFFF800  }
0x30: {  	_ =	swait.ge [sflag:s23], $0x800  }
0x31: {  	[sflag:s23] =	ssyncset.done $0x0  }
0x32: {  	[sflag:s23] =	ssyncadd.s32 $0xFFFFF800  }
0x33: {  	_ =	swait.ge [sflag:s23], $0x800  }
0x34: {  	[sflag:s23] =	ssyncset.done $0x0  }
0x35: {  	[sflag:s23] =	ssyncadd.s32 $0xFFFFF800  }
0x36: {  	_ =	swait.ge [sflag:s23], $0x800  }
0x37: {  	[sflag:s23] =	ssyncset.done $0x0  }
0x38: {  	[sflag:s23] =	ssyncadd.s32 $0xFFFFF800  }
0x39: {  	_ =	swait.ge [sflag:s23], $0x800  }
0x3a: {  	[sflag:s23] =	ssyncset.done $0x0  }
0x3b: {  	[sflag:s23] =	ssyncadd.s32 $0xFFFFF800  }
0x3c: {  	[hbm4b:s5+s2] =	stream.linear.scatter [tilespmem:s9], [sflag:$0x2], $0x4000, $0x38;
	[tilespmem:$0x4400] =	vst v63  }
0x3d: {  	s26 =	simm.s32 $0x80;
	_ =	swait.ge [sflag:s7], $0x4000  }
0x3e: {  	s29 =	simm.s32 $0x100;
	s25 =	sadd.s32 $0x800, s5;
	[sflag:s7] =	ssyncset.done $0x0  }
.LBB2_2:
0x3f: {  	s30 =	sadd.s32 s26, s6  }
0x40: {  	[sflag:s7] =	ssyncadd.s32 $0xFFFFC000;
	s26 =	smov.u32 s29;
	s28 =	sadd.s32 $0x80, s29  }
0x41: {  	[tilespmem:s2], [sflag:$0x2] =	stream.linear.gather [hbm4b:s30+s2], $0x400, $0x38;
	[tilespmem:$0x4400] =	vst v63  }
0x42: {  	p0 =	sne.s32 s29, $0x480;
	_ =	swait.ge [sflag:s7], $0x400  }
0x43: {  	[sflag:s7] =	ssyncset.done $0x0  }
0x44: {  	[sflag:s7] =	ssyncadd.s32 $0xFFFFFC00  }
0x45: {  	[tilespmem:s9], [sflag:$0x1] =	stream.indirect.gather [hbm4b:s3+s8], $0x10, s2, s8, $0xb8;
	[tilespmem:$0x4400] =	vst v63  }
0x46: {  	_ = 	snop  }
0x47: {  	[tilespmem:s10], [sflag:$0x1] =	stream.indirect.gather [hbm4b:s3+s8], $0x10, s8, s8, $0xb8;
	[tilespmem:$0x4400] =	vst v63  }
0x48: {  	_ = 	snop  }
0x49: {  	[tilespmem:s12], [sflag:$0x1] =	stream.indirect.gather [hbm4b:s3+s8], $0x10, s11, s8, $0xb8;
	[tilespmem:$0x4400] =	vst v63  }
0x4a: {  	_ = 	snop  }
0x4b: {  	[tilespmem:s14], [sflag:$0x1] =	stream.indirect.gather [hbm4b:s3+s8], $0x10, s13, s8, $0xb8;
	[tilespmem:$0x4400] =	vst v63  }
0x4c: {  	_ = 	snop  }
0x4d: {  	[tilespmem:s16], [sflag:$0x1] =	stream.indirect.gather [hbm4b:s3+s8], $0x10, s15, s8, $0xb8;
	[tilespmem:$0x4400] =	vst v63  }
0x4e: {  	_ = 	snop  }
0x4f: {  	[tilespmem:s18], [sflag:$0x1] =	stream.indirect.gather [hbm4b:s3+s8], $0x10, s17, s8, $0xb8;
	[tilespmem:$0x4400] =	vst v63  }
0x50: {  	_ = 	snop  }
0x51: {  	[tilespmem:s20], [sflag:$0x1] =	stream.indirect.gather [hbm4b:s3+s8], $0x10, s19, s8, $0xb8;
	[tilespmem:$0x4400] =	vst v63  }
0x52: {  	_ = 	snop  }
0x53: {  	[tilespmem:s22], [sflag:$0x1] =	stream.indirect.gather [hbm4b:s3+s8], $0x10, s21, s8, $0xb8;
	[tilespmem:$0x4400] =	vst v63  }
0x54: {  	_ =	swait.ge [sflag:s23], $0x800  }
0x55: {  	[sflag:s23] =	ssyncset.done $0x0  }
0x56: {  	[sflag:s23] =	ssyncadd.s32 $0xFFFFF800  }
0x57: {  	_ =	swait.ge [sflag:s23], $0x800  }
0x58: {  	[sflag:s23] =	ssyncset.done $0x0  }
0x59: {  	[sflag:s23] =	ssyncadd.s32 $0xFFFFF800  }
0x5a: {  	_ =	swait.ge [sflag:s23], $0x800  }
0x5b: {  	[sflag:s23] =	ssyncset.done $0x0  }
0x5c: {  	[sflag:s23] =	ssyncadd.s32 $0xFFFFF800  }
0x5d: {  	_ =	swait.ge [sflag:s23], $0x800  }
0x5e: {  	[sflag:s23] =	ssyncset.done $0x0  }
0x5f: {  	[sflag:s23] =	ssyncadd.s32 $0xFFFFF800  }
0x60: {  	_ =	swait.ge [sflag:s23], $0x800  }
0x61: {  	[sflag:s23] =	ssyncset.done $0x0  }
0x62: {  	[sflag:s23] =	ssyncadd.s32 $0xFFFFF800  }
0x63: {  	_ =	swait.ge [sflag:s23], $0x800  }
0x64: {  	[sflag:s23] =	ssyncset.done $0x0  }
0x65: {  	[sflag:s23] =	ssyncadd.s32 $0xFFFFF800  }
0x66: {  	_ =	swait.ge [sflag:s23], $0x800  }
0x67: {  	[sflag:s23] =	ssyncset.done $0x0  }
0x68: {  	[sflag:s23] =	ssyncadd.s32 $0xFFFFF800  }
0x69: {  	_ =	swait.ge [sflag:s23], $0x800  }
.Ltmp0:
0x6a: {  	[sflag:s23] =	ssyncset.done $0x0;
	(pc) =	sbr.rel @p0 .LBB2_2-.Ltmp0, $4  }
0x6b: {  	[sflag:s23] =	ssyncadd.s32 $0xFFFFF800  }
0x6c: {  	[hbm4b:s25+s2] =	stream.linear.scatter [tilespmem:s9], [sflag:$0x2], $0x4000, $0x38;
	[tilespmem:$0x4400] =	vst v63  }
0x6d: {  	_ =	swait.ge [sflag:s7], $0x4000  }
0x6e: {  	s29 =	smov.u32 s28;
	s25 =	sadd.s32 $0x800, s25;
	[sflag:s7] =	ssyncset.done $0x0  }
0x6f: {  	s26 =	sadd.s32 s26, s6;
	[sflag:s7] =	ssyncadd.s32 $0xFFFFC000  }
0x70: {  	[tilespmem:s2], [sflag:$0x2] =	stream.linear.gather [hbm4b:s26+s2], $0x400, $0x38;
	[tilespmem:$0x4400] =	vst v63  }
0x71: {  	_ =	swait.ge [sflag:s7], $0x400  }
0x72: {  	[sflag:s7] =	ssyncset.done $0x0  }
0x73: {  	[sflag:s7] =	ssyncadd.s32 $0xFFFFFC00  }
0x74: {  	[tilespmem:s9], [sflag:$0x1] =	stream.indirect.gather [hbm4b:s3+s8], $0x10, s2, s8, $0xb8;
	[tilespmem:$0x4400] =	vst v63  }
0x75: {  	_ = 	snop  }
0x76: {  	[tilespmem:s10], [sflag:$0x1] =	stream.indirect.gather [hbm4b:s3+s8], $0x10, s8, s8, $0xb8;
	[tilespmem:$0x4400] =	vst v63  }
0x77: {  	_ = 	snop  }
0x78: {  	[tilespmem:s12], [sflag:$0x1] =	stream.indirect.gather [hbm4b:s3+s8], $0x10, s11, s8, $0xb8;
	[tilespmem:$0x4400] =	vst v63  }
0x79: {  	_ = 	snop  }
0x7a: {  	[tilespmem:s14], [sflag:$0x1] =	stream.indirect.gather [hbm4b:s3+s8], $0x10, s13, s8, $0xb8;
	[tilespmem:$0x4400] =	vst v63  }
0x7b: {  	_ = 	snop  }
0x7c: {  	[tilespmem:s16], [sflag:$0x1] =	stream.indirect.gather [hbm4b:s3+s8], $0x10, s15, s8, $0xb8;
	[tilespmem:$0x4400] =	vst v63  }
0x7d: {  	_ = 	snop  }
0x7e: {  	[tilespmem:s18], [sflag:$0x1] =	stream.indirect.gather [hbm4b:s3+s8], $0x10, s17, s8, $0xb8;
	[tilespmem:$0x4400] =	vst v63  }
0x7f: {  	_ = 	snop  }
0x80: {  	[tilespmem:s20], [sflag:$0x1] =	stream.indirect.gather [hbm4b:s3+s8], $0x10, s19, s8, $0xb8;
	[tilespmem:$0x4400] =	vst v63  }
0x81: {  	_ = 	snop  }
0x82: {  	[tilespmem:s22], [sflag:$0x1] =	stream.indirect.gather [hbm4b:s3+s8], $0x10, s21, s8, $0xb8;
	[tilespmem:$0x4400] =	vst v63  }
0x83: {  	_ =	swait.ge [sflag:s23], $0x800  }
0x84: {  	[sflag:s23] =	ssyncset.done $0x0  }
0x85: {  	[sflag:s23] =	ssyncadd.s32 $0xFFFFF800  }
0x86: {  	_ =	swait.ge [sflag:s23], $0x800  }
0x87: {  	[sflag:s23] =	ssyncset.done $0x0  }
0x88: {  	[sflag:s23] =	ssyncadd.s32 $0xFFFFF800  }
0x89: {  	_ =	swait.ge [sflag:s23], $0x800  }
0x8a: {  	[sflag:s23] =	ssyncset.done $0x0  }
0x8b: {  	[sflag:s23] =	ssyncadd.s32 $0xFFFFF800  }
0x8c: {  	_ =	swait.ge [sflag:s23], $0x800  }
0x8d: {  	[sflag:s23] =	ssyncset.done $0x0  }
0x8e: {  	[sflag:s23] =	ssyncadd.s32 $0xFFFFF800  }
0x8f: {  	_ =	swait.ge [sflag:s23], $0x800  }
0x90: {  	[sflag:s23] =	ssyncset.done $0x0  }
0x91: {  	[sflag:s23] =	ssyncadd.s32 $0xFFFFF800  }
0x92: {  	_ =	swait.ge [sflag:s23], $0x800  }
0x93: {  	[sflag:s23] =	ssyncset.done $0x0  }
0x94: {  	[sflag:s23] =	ssyncadd.s32 $0xFFFFF800  }
0x95: {  	_ =	swait.ge [sflag:s23], $0x800  }
0x96: {  	[sflag:s23] =	ssyncset.done $0x0  }
0x97: {  	[sflag:s23] =	ssyncadd.s32 $0xFFFFF800  }
0x98: {  	s24 =	sadd.s32 $0x1, s24;
	_ =	swait.ge [sflag:s23], $0x800  }
0x99: {  	p0 =	sne.s32 s24, s4;
	[sflag:s23] =	ssyncset.done $0x0  }
.Ltmp1:
0x9a: {  	[sflag:s23] =	ssyncadd.s32 $0xFFFFF800;
	(pc) =	sbr.rel @p0 .LBB2_1-.Ltmp1, $4  }
0x9b: {  	[hbm4b:s25+s2] =	stream.linear.scatter [tilespmem:s9], [sflag:$0x2], $0x4000, $0x38;
	[tilespmem:$0x4400] =	vst v63  }
0x9c: {  	_ =	swait.ge [sflag:s7], $0x4000  }
0x9d: {  	[sflag:s7] =	ssyncset.done $0x0  }
0x9e: {  	[sflag:s7] =	ssyncadd.s32 $0xFFFFC000  }
0x9f: {  	_ =	sfence.sel $0x180000  }
0xa0: {  	[bflag:$0x0] =	sbarrier.arrive $0xFFFF  }
0xa1: {  	p0 =	sne.s32 s1, $0x0;
	_ =	strace $0x90000053  }
0xa2: {  	s0 =	sadd.s32 @!p0 $0x100000, s0;
	[bflag:$0x2] =	sbarrier.arrive $0xFFFF  }
0xa3: {  	[sflag:s0] =	ssyncadd.tile.s32 @!p0 $0x1;
	_ =	shalt  }
.Lfunc_end2:
_tile_overlayer_lowered:
.L_overlay_start_2:
0xa4: {  	(tag) =	ssettag $0x2  }
0xa5: {  	s0 =	rddreg [dreg:$0x0];
	s2 =	stileid.u32  }
0xa6: {  	s1 =	rddreg [dreg:$0x1];
	p0 =	sne.s32 s2, $0x0  }
0xa7: {  	s3 =	rddreg [dreg:$0x2];
	[bflag:$0x3] =	sbarrier.arrive $0xFFFF;
	s2 =	simm.s32 @!p0 $0x1C02  }
0xa8: {  	[timem:s3], [sflag:s2] =	dma.local @!p0 [hbm:s0], s1  }
0xa9: {  	s0 =	simm.s32 @!p0 $0x2  }
0xaa: {  	_ =	swait.ge @!p0 [sflag:s0], s1  }
0xab: {  	s1 =	ssub.s32 @!p0 $0x0, s1;
	[sflag:s0] =	ssyncset.done @!p0 $0x0  }
0xac: {  	[sflag:s0] =	ssyncadd.s32 @!p0 s1  }
0xad: {  	[bflag:$0x3] =	sbarrier.arrive $0xFFFF  }
0xae: {  	_ =	shalt  }

// kernel: kernel.28.cloned.1.call-start
scs
__scs_entry_jumppad:
0x0: {  	(pc) =	sbr.rel $0x88, $3  }
0x1: {  	(tag) =	ssettag $0x0;
	lr =	simm.s32 $0x1  }
0x2: {  	[smem:$0x3F97] =	sst lr;
	_ =	strace $0xD0000000  }
0x3: {  	_ = 	snop  }
0x4: {  	_ = 	snop  }
0x5: {  	_ = 	snop  }
0x6: {  	_ = 	snop  }
0x7: {  	_ = 	snop  }
__scs_overlays_trampoline_lowered:
0x8: {  	[smem:$0x3FA6] =	sst s0  }
0x9: {  	[smem:$0x3FA7] =	sst s1  }
0xa: {  	[smem:$0x3FA8] =	sst s2  }
0xb: {  	[smem:$0x3FA9] =	sst s3  }
0xc: {  	[smem:$0x3FAA] =	sst s4  }
0xd: {  	[smem:$0x3FAB] =	sst s5  }
0xe: {  	[smem:$0x3FAC] =	sst s6  }
0xf: {  	[smem:$0x3FAD] =	sst s7  }
0x10: {  	[smem:$0x3FAE] =	sst s8  }
0x11: {  	[smem:$0x3FAF] =	sst s9;
	s0 =	simm.s32 @!p0 $0x0  }
0x12: {  	s1 =	sld [smem:$0x3F95];
	s0 =	simm.s32 @p0 $0x1  }
0x13: {  	[smem:$0x3FB0] =	sst s0;
	s0 =	simm.s32 @!p1 $0x0  }
0x14: {  	s2 =	sld [smem:$0x3F94];
	s0 =	simm.s32 @p1 $0x1  }
0x15: {  	[smem:$0x3FB1] =	sst s0;
	s0 =	simm.s32 @!p2 $0x0  }
0x16: {  	s3 =	sld [smem:$0x3FDB];
	s0 =	simm.s32 @p2 $0x1  }
0x17: {  	s4 =	simm.s32 $0x1BF5;
	[smem:$0x3FB3] =	sst s0  }
0x18: {  	s0 =	sld [smem:$0x3F96];
	_ =	swait.ge [sflag:s4], $0x0  }
0x19: {  	s7 =	sld [smem:$0x3F97]  }
0x1a: {  	s8 =	sadd.s32 $0xFFFFE003, lr  }
0x1b: {  	s9 =	sadd.s32 $0xFFFFFEF7, lr;
	s5 =	simm.s32 $0xFFFFFFFF;
	p2 =	slt.u32 s8, $0xFFFFF086  }
0x1c: {  	p1 =	slt.u32 s9, $0xF7A;
	s5 =	simm.s32 @!p2 $0x0  }
0x1d: {  	s5 =	simm.s32 @p1 $0x1;
	p0 =	seq.s32 s7, s2  }
0x1e: {  	s7 =	smul.u32 @!p0 $0xF7A, s2;
	p2 =	seq.s32 @!p0 s5, $0x0  }
0x1f: {  	s9 =	smul.u32 $0xF7A, s1;
	s8 =	simm.s32 @!p0 $0x1BF5;
	p2 =	por !p2, p0  }
0x20: {  	[sflag:s8] =	ssyncset.s32 @!p0 $0xFFFFF086;
	s6 =	sadd.s32 @!p0 s3, s7;
	s7 =	simm.s32 @!p0 $0x108  }
0x21: {  	s3 =	sadd.s32 s3, s9;
	s6 =	sadd.s32 @!p0 $0x88, s6;
	s7 =	simm.s32 @p2 $0x1082  }
0x22: {  	[simem:s7], [sflag:s8] =	dma.local @!p0 [hbm:s6], $0xF7A  }
0x23: {  	s9 =	sor.u32 $0xD0000000, s2;
	s6 =	simm.s32 $0x108;
	_ =	swait.ge @!p0 [sflag:s8], $0x0  }
0x24: {  	s3 =	sadd.s32 $0x88, s3;
	s6 =	simm.s32 @!p1 $0x1082;
	[sflag:s4] =	ssyncset.s32 $0xFFFFF086  }
0x25: {  	[simem:s6], [sflag:s4] =	dma.local [hbm:s3], $0xF7A  }
0x26: {  	[smem:$0x3F97] =	sst s1;
	(tag) =	ssettag s2;
	_ =	strace s9  }
0x27: {  	s1 =	sld [smem:$0x3FA7]  }
0x28: {  	s2 =	sld [smem:$0x3FA8]  }
0x29: {  	s4 =	sld [smem:$0x3FAA]  }
0x2a: {  	p0 =	seq.s32 s5, $0x0;
	s5 =	sld [smem:$0x3FAB]  }
0x2b: {  	s6 =	sld [smem:$0x3FAC]  }
0x2c: {  	s7 =	sld [smem:$0x3FAD]  }
0x2d: {  	s3 =	simm.s32 $0x108;
	s8 =	sld [smem:$0x3FAE]  }
0x2e: {  	s3 =	simm.s32 @!p0 $0x1082;
	s9 =	sld [smem:$0x3FAF]  }
0x2f: {  	lr =	sadd.s32 s0, s3;
	s0 =	sld [smem:$0x3FA6]  }
0x30: {  	s3 =	sld [smem:$0x3FA9]  }
0x31: {  	[smem:$0x3FB2] =	sst s10  }
0x32: {  	s10 =	sld [smem:$0x3FB0];
	_ =	sdelay $0x3  }
0x33: {  	p0 =	seq.s32 s10, $0x1;
	s10 =	sld [smem:$0x3FB2];
	_ =	sdelay $0x3  }
0x34: {  	[smem:$0x3FB2] =	sst s10  }
0x35: {  	s10 =	sld [smem:$0x3FB1];
	_ =	sdelay $0x3  }
0x36: {  	p1 =	seq.s32 s10, $0x1;
	s10 =	sld [smem:$0x3FB2];
	_ =	sdelay $0x3  }
0x37: {  	[smem:$0x3FB2] =	sst s10  }
0x38: {  	s10 =	sld [smem:$0x3FB3]  }
0x39: {  	_ = 	snop;
	(pc) =	sbr.ind lr, $3  }
0x3a: {  	_ = 	snop  }
0x3b: {  	_ = 	snop  }
0x3c: {  	p2 =	seq.s32 s10, $0x1;
	s10 =	sld [smem:$0x3FB2]  }
0x3d: {  	_ =	shalt  }
0x3e: {  	_ =	shalt  }
0x3f: {  	_ =	shalt  }
0x40: {  	_ =	shalt  }
0x41: {  	_ =	shalt  }
0x42: {  	_ =	shalt  }
0x43: {  	_ =	shalt  }
0x44: {  	_ =	shalt  }
0x45: {  	_ =	shalt  }
0x46: {  	_ =	shalt  }
0x47: {  	_ =	shalt  }
0x48: {  	_ =	shalt  }
0x49: {  	_ =	shalt  }
0x4a: {  	_ =	shalt  }
0x4b: {  	_ =	shalt  }
0x4c: {  	_ =	shalt  }
0x4d: {  	_ =	shalt  }
0x4e: {  	_ =	shalt  }
0x4f: {  	_ =	shalt  }
0x50: {  	_ =	shalt  }
0x51: {  	_ =	shalt  }
0x52: {  	_ =	shalt  }
0x53: {  	_ =	shalt  }
0x54: {  	_ =	shalt  }
0x55: {  	_ =	shalt  }
0x56: {  	_ =	shalt  }
0x57: {  	_ =	shalt  }
0x58: {  	_ =	shalt  }
0x59: {  	_ =	shalt  }
0x5a: {  	_ =	shalt  }
0x5b: {  	_ =	shalt  }
0x5c: {  	_ =	shalt  }
0x5d: {  	_ =	shalt  }
0x5e: {  	_ =	shalt  }
0x5f: {  	_ =	shalt  }
0x60: {  	_ =	shalt  }
0x61: {  	_ =	shalt  }
0x62: {  	_ =	shalt  }
0x63: {  	_ =	shalt  }
0x64: {  	_ =	shalt  }
0x65: {  	_ =	shalt  }
0x66: {  	_ =	shalt  }
0x67: {  	_ =	shalt  }
0x68: {  	_ =	shalt  }
0x69: {  	_ =	shalt  }
0x6a: {  	_ =	shalt  }
0x6b: {  	_ =	shalt  }
0x6c: {  	_ =	shalt  }
0x6d: {  	_ =	shalt  }
0x6e: {  	_ =	shalt  }
0x6f: {  	_ =	shalt  }
0x70: {  	_ =	shalt  }
0x71: {  	_ =	shalt  }
0x72: {  	_ =	shalt  }
0x73: {  	_ =	shalt  }
0x74: {  	_ =	shalt  }
0x75: {  	_ =	shalt  }
0x76: {  	_ =	shalt  }
0x77: {  	_ =	shalt  }
0x78: {  	_ =	shalt  }
0x79: {  	_ =	shalt  }
0x7a: {  	_ =	shalt  }
0x7b: {  	_ =	shalt  }
0x7c: {  	_ =	shalt  }
0x7d: {  	_ =	shalt  }
0x7e: {  	_ =	shalt  }
0x7f: {  	_ =	shalt  }
0x80: {  	_ =	shalt  }
0x81: {  	_ =	shalt  }
0x82: {  	_ =	shalt  }
0x83: {  	_ =	shalt  }
0x84: {  	_ =	shalt  }
0x85: {  	_ =	shalt  }
0x86: {  	_ =	shalt  }
0x87: {  	_ =	shalt  }
.Lfunc_end0:
.L_simem_size_0:
called_computation.5_lowered:
.L_overlay_start_0:
0x88: {  	s2 =	sld [smem:$0x3FD9]  }
0x89: {  	s3 =	sld [smem:$0x3FFE];
	_ =	sdelay $0x1  }
0x8a: {  	s1 =	srdreg.scid  }
0x8b: {  	s0 =	sand.u32 $0x1, s1  }
0x8c: {  	s17 =	sshll.u32 s0, $0xA;
	s2 =	sadd.s32 s3, s2  }
0x8d: {  	s2 =	sadd.s32 s2, s17  }
0x8e: {  	[smem:$0x3FBE] =	sst s2  }
0x8f: {  	_ = 	snop  }
0x90: {  	s18 =	sld [smem:$0x3FD0];
	(tm) =	ssettm $0x1  }
0x91: {  	s19 =	sld [smem:$0x3FFB];
	_ =	sdelay $0x3  }
0x92: {  	_ =	strace s19  }
0x93: {  	s2 =	sld [smem:$0x3FFC];
	_ =	sdelay $0x3  }
0x94: {  	_ =	strace s2  }
0x95: {  	s2 =	sld [smem:$0x3FFD];
	_ =	sdelay $0x3  }
0x96: {  	_ =	strace s2  }
0x97: {  	_ =	strace $0x8FFFFFFF  }
0x98: {  	s20 =	sld [smem:$0x3FDB];
	_ =	sdelay $0x1  }
0x99: {  	s4 =	simm.s32 $_scs_section_size  }
0x9a: {  	s5 =	simm.s32 $_size__tile_overlayer_lowered;
	s6 =	simm.s32 $_tile_overlayer_lowered  }
0x9b: {  	s7 =	simm.s32 $0x1BFF;
	s21 =	sshll.u32 s6, $0x1;
	s4 =	sadd.s32 s4, s20  }
0x9c: {  	s22 =	simm.s32 $0x0;
	s5 =	sshll.u32 s5, $0x1;
	s6 =	sadd.s32 s21, s4  }
0x9d: {  	[timem:s22], [sflag:s7] =	dma.local [hbm:s6], s5  }
0x9e: {  	_ =	swait.ge [sflag:s7], s5  }
0x9f: {  	s5 =	ssub.s32 $0x0, s5;
	[sflag:s7] =	ssyncset.done $0x0  }
0xa0: {  	[sflag:s7] =	ssyncadd.s32 s5;
	_ =	sdelay $0x1  }
0xa1: {  	s23 =	simm.s32 $0x1B8B  }
0xa2: {  	_ =	swait.ge [sflag:s23], $0x1  }
0xa3: {  	[sflag:s23] =	ssyncset.done $0x0  }
0xa4: {  	[sflag:s23] =	ssyncadd.s32 $0xFFFFFFFF  }
0xa5: {  	s5 =	sld [smem:$0x0]  }
0xa6: {  	s6 =	sand.u32 $0xFFFFFFFE, s1  }
0xa7: {  	p0 =	sne.s32 s1, s6  }
0xa8: {  	s6 =	sshll.u32 @p0 s6, $0xE  }
0xa9: {  	s6 =	sadd.s32 @p0 $0x11B8D, s6;
	s7 =	sshll.u32 @p0 s5, $0x11  }
0xaa: {  	s6 =	sor.u32 @p0 s7, s6  }
0xab: {  	[sflag:s6] =	ssyncadd.remote.s32 @p0 $0x1;
	_ =	sdelay $0x1  }
0xac: {  	s6 =	simm.s32 @p0 $0x1B8D  }
0xad: {  	_ =	swait.eq @p0 [sflag:s6], $0x1  }
0xae: {  	[sflag:s6] =	ssyncadd.s32 @p0 $0xFFFFFFFF  }
0xaf: {  	s7 =	sshll.u32 @!p0 s1, $0xE  }
0xb0: {  	s7 =	sor.u32 @!p0 $0x4000, s7;
	s6 =	simm.s32 @!p0 $0x1B8D  }
0xb1: {  	s5 =	sshll.u32 @!p0 s5, $0x11;
	s7 =	sadd.s32 @!p0 $0x11B8D, s7;
	_ =	swait.eq @!p0 [sflag:s6], $0x1  }
0xb2: {  	s5 =	sor.u32 @!p0 s5, s7;
	[sflag:s6] =	ssyncadd.s32 @!p0 $0xFFFFFFFF  }
0xb3: {  	s25 =	simm.s32 $0x1B8E;
	s24 =	sld [smem:$0x3FFE];
	[sflag:s5] =	ssyncadd.remote.s32 @!p0 $0x1  }
0xb4: {  	s26 =	simm.s32 $execute0_lowered;
	[smem:$0x3FD2] =	sst s25  }
0xb5: {  	s6 =	sshll.u32 s26, $0x1;
	_ =	strace $0x80000055;
	[dreg:$0x1] =	wrdreg $0xFFFFFFFF  }
0xb6: {  	s28 =	simm.s32 $_size_execute0_lowered;
	s4 =	sadd.s32 s4, s6;
	[dreg:$0x0] =	wrdreg $0x0  }
0xb7: {  	s6 =	sshll.u32 s28, $0x1;
	[dreg:$0x2] =	wrdreg s4  }
0xb8: {  	[dreg:$0x3] =	wrdreg s6  }
0xb9: {  	[dreg:$0x4] =	wrdreg $0xC0  }
0xba: {  	_ =	task [dreg:s22], $0x5FFFF  }
0xbb: {  	[dreg:$0x1] =	wrdreg $0xFFFFFFFF  }
0xbc: {  	[dreg:$0x0] =	wrdreg $0x60  }
0xbd: {  	[dreg:$0x2] =	wrdreg s24  }
0xbe: {  	[dreg:$0x3] =	wrdreg s18  }
0xbf: {  	[dreg:$0x4] =	wrdreg $0xD  }
0xc0: {  	_ =	task.clear_ibuf [dreg:s22], $0x5FFFF;
	_ =	strace $0x90000055  }
0xc1: {  	s29 =	simm.s32 $0xD;
	_ =	strace $0x80000057  }
0xc2: {  	_ =	swait.ge [sflag:s29], $0x1  }
0xc3: {  	[sflag:s29] =	ssyncadd.s32 $0xFFFFFFFF  }
0xc4: {  	_ =	strace $0x90000057  }
0xc5: {  	_ =	sfence  }
0xc6: {  	s30 =	sld [smem:$0x0];
	_ =	sdelay $0x2  }
0xc7: {  	s31 =	sshll.u32 s1, $0xD;
	s1 =	sshrl.u32 s1, $0x2  }
0xc8: {  	s4 =	sand.u32 $0x4000, s31;
	s1 =	sadd.s32 s1, s30  }
0xc9: {  	s0 =	sor.u32 s4, s0;
	s1 =	sshll.u32 s1, $0x11  }
0xca: {  	s0 =	sor.u32 s1, s0  }
0xcb: {  	s0 =	sadd.s32 $0x8F2B, s0  }
0xcc: {  	[sflag:s0] =	ssyncadd.remote.s32 $0x1  }
0xcd: {  	_ =	sfence.sel $0xFFFF  }
0xce: {  	[dreg:$0x0] =	wrdreg $0xFFFFFFFF;
	(pc) =	sbr.abs _section_cstart, $3  }
0xcf: {  	[dreg:$0x1] =	wrdreg $0xFFFFFFFF  }
0xd0: {  	_ =	task.clear_ibuf [dreg:s22], $0x2FFFF;
	_ =	strace $0x9FFFFFFF  }
0xd1: {  	(tm) =	ssettm $0x7FFFFFFF  }
tec
execute0_lowered:
.L_overlay_start_1:
0x0: {  	(tag) =	ssettag $0x1  }
0x1: {  	s4 =	rddreg [dreg:$0x0]  }
0x2: {  	s5 =	rddreg [dreg:$0x1]  }
0x3: {  	s0 =	rddreg [dreg:$0x2];
	s2 =	simm.s32 $0x0;
	s1 =	stileid.u32  }
0x4: {  	s3 =	srdreg.scid;
	s11 =	simm.s32 $0x100;
	s12 =	simm.s32 $0x1400  }
0x5: {  	s13 =	simm.s32 $0x180;
	s14 =	simm.s32 $0x1C00;
	s15 =	simm.s32 $0x200  }
0x6: {  	s16 =	simm.s32 $0x2400;
	s17 =	simm.s32 $0x280;
	s18 =	simm.s32 $0x2C00  }
0x7: {  	s19 =	simm.s32 $0x300;
	s20 =	simm.s32 $0x3400;
	s21 =	simm.s32 $0x380  }
0x8: {  	s22 =	simm.s32 $0x3C00;
	s23 =	simm.s32 $0x1;
	s6 =	smul.u32 $0xA000, s1  }
0x9: {  	s24 =	simm.s32 $0x0;
	s7 =	sand.u32 $0x1, s3;
	s10 =	smul.u32 $0xA00, s1  }
0xa: {  	[smem:$0x7FF] =	sst s2;
	s3 =	sadd.s32 $0x6600, s4;
	s8 =	smul.u32 $0x5000, s7  }
0xb: {  	_ =	strace $0x80000056;
	s9 =	ssub.s32 $0x2, s7;
	s7 =	smul.u32 $0x500, s7  }
0xc: {  	s4 =	sadd.s32 s6, s4;
	s30 =	sshrl.u32 s9, $0x1;
	s31 =	sadd.s32 s10, s5  }
0xd: {  	s10 =	simm.s32 $0xC00;
	s6 =	ssub.s32 s9, s30;
	s8 =	sadd.s32 s8, s4  }
0xe: {  	s9 =	simm.s32 $0x400;
	s4 =	smax.u32 s6, $0x1;
	s5 =	sadd.s32 $0x496C00, s8  }
0xf: {  	s6 =	sadd.s32 s7, s31;
	s7 =	simm.s32 $0x2;
	s8 =	simm.s32 $0x80  }
.LBB2_1:
0x10: {  	s25 =	sadd.s32 $0x0, s6  }
0x11: {  	[tilespmem:s2], [sflag:$0x2] =	stream.linear.gather [hbm4b:s25+s2], $0x400, $0x38;
	[tilespmem:$0x4400] =	vst v63  }
0x12: {  	_ =	swait.ge [sflag:s7], $0x400  }
0x13: {  	[sflag:s7] =	ssyncset.done $0x0  }
0x14: {  	[sflag:s7] =	ssyncadd.s32 $0xFFFFFC00  }
0x15: {  	[tilespmem:s9], [sflag:$0x1] =	stream.indirect.gather [hbm4b:s3+s8], $0x10, s2, s8, $0xb8;
	[tilespmem:$0x4400] =	vst v63  }
0x16: {  	_ = 	snop  }
0x17: {  	[tilespmem:s10], [sflag:$0x1] =	stream.indirect.gather [hbm4b:s3+s8], $0x10, s8, s8, $0xb8;
	[tilespmem:$0x4400] =	vst v63  }
0x18: {  	_ = 	snop  }
0x19: {  	[tilespmem:s12], [sflag:$0x1] =	stream.indirect.gather [hbm4b:s3+s8], $0x10, s11, s8, $0xb8;
	[tilespmem:$0x4400] =	vst v63  }
0x1a: {  	_ = 	snop  }
0x1b: {  	[tilespmem:s14], [sflag:$0x1] =	stream.indirect.gather [hbm4b:s3+s8], $0x10, s13, s8, $0xb8;
	[tilespmem:$0x4400] =	vst v63  }
0x1c: {  	_ = 	snop  }
0x1d: {  	[tilespmem:s16], [sflag:$0x1] =	stream.indirect.gather [hbm4b:s3+s8], $0x10, s15, s8, $0xb8;
	[tilespmem:$0x4400] =	vst v63  }
0x1e: {  	_ = 	snop  }
0x1f: {  	[tilespmem:s18], [sflag:$0x1] =	stream.indirect.gather [hbm4b:s3+s8], $0x10, s17, s8, $0xb8;
	[tilespmem:$0x4400] =	vst v63  }
0x20: {  	_ = 	snop  }
0x21: {  	[tilespmem:s20], [sflag:$0x1] =	stream.indirect.gather [hbm4b:s3+s8], $0x10, s19, s8, $0xb8;
	[tilespmem:$0x4400] =	vst v63  }
0x22: {  	_ = 	snop  }
0x23: {  	[tilespmem:s22], [sflag:$0x1] =	stream.indirect.gather [hbm4b:s3+s8], $0x10, s21, s8, $0xb8;
	[tilespmem:$0x4400] =	vst v63  }
0x24: {  	_ =	swait.ge [sflag:s23], $0x800  }
0x25: {  	[sflag:s23] =	ssyncset.done $0x0  }
0x26: {  	[sflag:s23] =	ssyncadd.s32 $0xFFFFF800  }
0x27: {  	_ =	swait.ge [sflag:s23], $0x800  }
0x28: {  	[sflag:s23] =	ssyncset.done $0x0  }
0x29: {  	[sflag:s23] =	ssyncadd.s32 $0xFFFFF800  }
0x2a: {  	_ =	swait.ge [sflag:s23], $0x800  }
0x2b: {  	[sflag:s23] =	ssyncset.done $0x0  }
0x2c: {  	[sflag:s23] =	ssyncadd.s32 $0xFFFFF800  }
0x2d: {  	_ =	swait.ge [sflag:s23], $0x800  }
0x2e: {  	[sflag:s23] =	ssyncset.done $0x0  }
0x2f: {  	[sflag:s23] =	ssyncadd.s32 $0xFFFFF800  }
0x30: {  	_ =	swait.ge [sflag:s23], $0x800  }
0x31: {  	[sflag:s23] =	ssyncset.done $0x0  }
0x32: {  	[sflag:s23] =	ssyncadd.s32 $0xFFFFF800  }
0x33: {  	_ =	swait.ge [sflag:s23], $0x800  }
0x34: {  	[sflag:s23] =	ssyncset.done $0x0  }
0x35: {  	[sflag:s23] =	ssyncadd.s32 $0xFFFFF800  }
0x36: {  	_ =	swait.ge [sflag:s23], $0x800  }
0x37: {  	[sflag:s23] =	ssyncset.done $0x0  }
0x38: {  	[sflag:s23] =	ssyncadd.s32 $0xFFFFF800  }
0x39: {  	_ =	swait.ge [sflag:s23], $0x800  }
0x3a: {  	[sflag:s23] =	ssyncset.done $0x0  }
0x3b: {  	[sflag:s23] =	ssyncadd.s32 $0xFFFFF800  }
0x3c: {  	[hbm4b:s5+s2] =	stream.linear.scatter [tilespmem:s9], [sflag:$0x2], $0x4000, $0x38;
	[tilespmem:$0x4400] =	vst v63  }
0x3d: {  	s26 =	simm.s32 $0x80;
	_ =	swait.ge [sflag:s7], $0x4000  }
0x3e: {  	s29 =	simm.s32 $0x100;
	s25 =	sadd.s32 $0x800, s5;
	[sflag:s7] =	ssyncset.done $0x0  }
.LBB2_2:
0x3f: {  	s30 =	sadd.s32 s26, s6  }
0x40: {  	[sflag:s7] =	ssyncadd.s32 $0xFFFFC000;
	s26 =	smov.u32 s29;
	s28 =	sadd.s32 $0x80, s29  }
0x41: {  	[tilespmem:s2], [sflag:$0x2] =	stream.linear.gather [hbm4b:s30+s2], $0x400, $0x38;
	[tilespmem:$0x4400] =	vst v63  }
0x42: {  	p0 =	sne.s32 s29, $0x480;
	_ =	swait.ge [sflag:s7], $0x400  }
0x43: {  	[sflag:s7] =	ssyncset.done $0x0  }
0x44: {  	[sflag:s7] =	ssyncadd.s32 $0xFFFFFC00  }
0x45: {  	[tilespmem:s9], [sflag:$0x1] =	stream.indirect.gather [hbm4b:s3+s8], $0x10, s2, s8, $0xb8;
	[tilespmem:$0x4400] =	vst v63  }
0x46: {  	_ = 	snop  }
0x47: {  	[tilespmem:s10], [sflag:$0x1] =	stream.indirect.gather [hbm4b:s3+s8], $0x10, s8, s8, $0xb8;
	[tilespmem:$0x4400] =	vst v63  }
0x48: {  	_ = 	snop  }
0x49: {  	[tilespmem:s12], [sflag:$0x1] =	stream.indirect.gather [hbm4b:s3+s8], $0x10, s11, s8, $0xb8;
	[tilespmem:$0x4400] =	vst v63  }
0x4a: {  	_ = 	snop  }
0x4b: {  	[tilespmem:s14], [sflag:$0x1] =	stream.indirect.gather [hbm4b:s3+s8], $0x10, s13, s8, $0xb8;
	[tilespmem:$0x4400] =	vst v63  }
0x4c: {  	_ = 	snop  }
0x4d: {  	[tilespmem:s16], [sflag:$0x1] =	stream.indirect.gather [hbm4b:s3+s8], $0x10, s15, s8, $0xb8;
	[tilespmem:$0x4400] =	vst v63  }
0x4e: {  	_ = 	snop  }
0x4f: {  	[tilespmem:s18], [sflag:$0x1] =	stream.indirect.gather [hbm4b:s3+s8], $0x10, s17, s8, $0xb8;
	[tilespmem:$0x4400] =	vst v63  }
0x50: {  	_ = 	snop  }
0x51: {  	[tilespmem:s20], [sflag:$0x1] =	stream.indirect.gather [hbm4b:s3+s8], $0x10, s19, s8, $0xb8;
	[tilespmem:$0x4400] =	vst v63  }
0x52: {  	_ = 	snop  }
0x53: {  	[tilespmem:s22], [sflag:$0x1] =	stream.indirect.gather [hbm4b:s3+s8], $0x10, s21, s8, $0xb8;
	[tilespmem:$0x4400] =	vst v63  }
0x54: {  	_ =	swait.ge [sflag:s23], $0x800  }
0x55: {  	[sflag:s23] =	ssyncset.done $0x0  }
0x56: {  	[sflag:s23] =	ssyncadd.s32 $0xFFFFF800  }
0x57: {  	_ =	swait.ge [sflag:s23], $0x800  }
0x58: {  	[sflag:s23] =	ssyncset.done $0x0  }
0x59: {  	[sflag:s23] =	ssyncadd.s32 $0xFFFFF800  }
0x5a: {  	_ =	swait.ge [sflag:s23], $0x800  }
0x5b: {  	[sflag:s23] =	ssyncset.done $0x0  }
0x5c: {  	[sflag:s23] =	ssyncadd.s32 $0xFFFFF800  }
0x5d: {  	_ =	swait.ge [sflag:s23], $0x800  }
0x5e: {  	[sflag:s23] =	ssyncset.done $0x0  }
0x5f: {  	[sflag:s23] =	ssyncadd.s32 $0xFFFFF800  }
0x60: {  	_ =	swait.ge [sflag:s23], $0x800  }
0x61: {  	[sflag:s23] =	ssyncset.done $0x0  }
0x62: {  	[sflag:s23] =	ssyncadd.s32 $0xFFFFF800  }
0x63: {  	_ =	swait.ge [sflag:s23], $0x800  }
0x64: {  	[sflag:s23] =	ssyncset.done $0x0  }
0x65: {  	[sflag:s23] =	ssyncadd.s32 $0xFFFFF800  }
0x66: {  	_ =	swait.ge [sflag:s23], $0x800  }
0x67: {  	[sflag:s23] =	ssyncset.done $0x0  }
0x68: {  	[sflag:s23] =	ssyncadd.s32 $0xFFFFF800  }
0x69: {  	_ =	swait.ge [sflag:s23], $0x800  }
.Ltmp0:
0x6a: {  	[sflag:s23] =	ssyncset.done $0x0;
	(pc) =	sbr.rel @p0 .LBB2_2-.Ltmp0, $4  }
0x6b: {  	[sflag:s23] =	ssyncadd.s32 $0xFFFFF800  }
0x6c: {  	[hbm4b:s25+s2] =	stream.linear.scatter [tilespmem:s9], [sflag:$0x2], $0x4000, $0x38;
	[tilespmem:$0x4400] =	vst v63  }
0x6d: {  	_ =	swait.ge [sflag:s7], $0x4000  }
0x6e: {  	s29 =	smov.u32 s28;
	s25 =	sadd.s32 $0x800, s25;
	[sflag:s7] =	ssyncset.done $0x0  }
0x6f: {  	s26 =	sadd.s32 s26, s6;
	[sflag:s7] =	ssyncadd.s32 $0xFFFFC000  }
0x70: {  	[tilespmem:s2], [sflag:$0x2] =	stream.linear.gather [hbm4b:s26+s2], $0x400, $0x38;
	[tilespmem:$0x4400] =	vst v63  }
0x71: {  	_ =	swait.ge [sflag:s7], $0x400  }
0x72: {  	[sflag:s7] =	ssyncset.done $0x0  }
0x73: {  	[sflag:s7] =	ssyncadd.s32 $0xFFFFFC00  }
0x74: {  	[tilespmem:s9], [sflag:$0x1] =	stream.indirect.gather [hbm4b:s3+s8], $0x10, s2, s8, $0xb8;
	[tilespmem:$0x4400] =	vst v63  }
0x75: {  	_ = 	snop  }
0x76: {  	[tilespmem:s10], [sflag:$0x1] =	stream.indirect.gather [hbm4b:s3+s8], $0x10, s8, s8, $0xb8;
	[tilespmem:$0x4400] =	vst v63  }
0x77: {  	_ = 	snop  }
0x78: {  	[tilespmem:s12], [sflag:$0x1] =	stream.indirect.gather [hbm4b:s3+s8], $0x10, s11, s8, $0xb8;
	[tilespmem:$0x4400] =	vst v63  }
0x79: {  	_ = 	snop  }
0x7a: {  	[tilespmem:s14], [sflag:$0x1] =	stream.indirect.gather [hbm4b:s3+s8], $0x10, s13, s8, $0xb8;
	[tilespmem:$0x4400] =	vst v63  }
0x7b: {  	_ = 	snop  }
0x7c: {  	[tilespmem:s16], [sflag:$0x1] =	stream.indirect.gather [hbm4b:s3+s8], $0x10, s15, s8, $0xb8;
	[tilespmem:$0x4400] =	vst v63  }
0x7d: {  	_ = 	snop  }
0x7e: {  	[tilespmem:s18], [sflag:$0x1] =	stream.indirect.gather [hbm4b:s3+s8], $0x10, s17, s8, $0xb8;
	[tilespmem:$0x4400] =	vst v63  }
0x7f: {  	_ = 	snop  }
0x80: {  	[tilespmem:s20], [sflag:$0x1] =	stream.indirect.gather [hbm4b:s3+s8], $0x10, s19, s8, $0xb8;
	[tilespmem:$0x4400] =	vst v63  }
0x81: {  	_ = 	snop  }
0x82: {  	[tilespmem:s22], [sflag:$0x1] =	stream.indirect.gather [hbm4b:s3+s8], $0x10, s21, s8, $0xb8;
	[tilespmem:$0x4400] =	vst v63  }
0x83: {  	_ =	swait.ge [sflag:s23], $0x800  }
0x84: {  	[sflag:s23] =	ssyncset.done $0x0  }
0x85: {  	[sflag:s23] =	ssyncadd.s32 $0xFFFFF800  }
0x86: {  	_ =	swait.ge [sflag:s23], $0x800  }
0x87: {  	[sflag:s23] =	ssyncset.done $0x0  }
0x88: {  	[sflag:s23] =	ssyncadd.s32 $0xFFFFF800  }
0x89: {  	_ =	swait.ge [sflag:s23], $0x800  }
0x8a: {  	[sflag:s23] =	ssyncset.done $0x0  }
0x8b: {  	[sflag:s23] =	ssyncadd.s32 $0xFFFFF800  }
0x8c: {  	_ =	swait.ge [sflag:s23], $0x800  }
0x8d: {  	[sflag:s23] =	ssyncset.done $0x0  }
0x8e: {  	[sflag:s23] =	ssyncadd.s32 $0xFFFFF800  }
0x8f: {  	_ =	swait.ge [sflag:s23], $0x800  }
0x90: {  	[sflag:s23] =	ssyncset.done $0x0  }
0x91: {  	[sflag:s23] =	ssyncadd.s32 $0xFFFFF800  }
0x92: {  	_ =	swait.ge [sflag:s23], $0x800  }
0x93: {  	[sflag:s23] =	ssyncset.done $0x0  }
0x94: {  	[sflag:s23] =	ssyncadd.s32 $0xFFFFF800  }
0x95: {  	_ =	swait.ge [sflag:s23], $0x800  }
0x96: {  	[sflag:s23] =	ssyncset.done $0x0  }
0x97: {  	[sflag:s23] =	ssyncadd.s32 $0xFFFFF800  }
0x98: {  	s24 =	sadd.s32 $0x1, s24;
	_ =	swait.ge [sflag:s23], $0x800  }
0x99: {  	p0 =	sne.s32 s24, s4;
	[sflag:s23] =	ssyncset.done $0x0  }
.Ltmp1:
0x9a: {  	[sflag:s23] =	ssyncadd.s32 $0xFFFFF800;
	(pc) =	sbr.rel @p0 .LBB2_1-.Ltmp1, $4  }
0x9b: {  	[hbm4b:s25+s2] =	stream.linear.scatter [tilespmem:s9], [sflag:$0x2], $0x4000, $0x38;
	[tilespmem:$0x4400] =	vst v63  }
0x9c: {  	_ =	swait.ge [sflag:s7], $0x4000  }
0x9d: {  	[sflag:s7] =	ssyncset.done $0x0  }
0x9e: {  	[sflag:s7] =	ssyncadd.s32 $0xFFFFC000  }
0x9f: {  	_ =	sfence.sel $0x180000  }
0xa0: {  	[bflag:$0x0] =	sbarrier.arrive $0xFFFF  }
0xa1: {  	p0 =	sne.s32 s1, $0x0;
	_ =	strace $0x90000056  }
0xa2: {  	s0 =	sadd.s32 @!p0 $0x100000, s0;
	[bflag:$0x2] =	sbarrier.arrive $0xFFFF  }
0xa3: {  	[sflag:s0] =	ssyncadd.tile.s32 @!p0 $0x1;
	_ =	shalt  }
.Lfunc_end2:
_tile_overlayer_lowered:
.L_overlay_start_2:
0xa4: {  	(tag) =	ssettag $0x2  }
0xa5: {  	s0 =	rddreg [dreg:$0x0];
	s2 =	stileid.u32  }
0xa6: {  	s1 =	rddreg [dreg:$0x1];
	p0 =	sne.s32 s2, $0x0  }
0xa7: {  	s3 =	rddreg [dreg:$0x2];
	[bflag:$0x3] =	sbarrier.arrive $0xFFFF;
	s2 =	simm.s32 @!p0 $0x1C02  }
0xa8: {  	[timem:s3], [sflag:s2] =	dma.local @!p0 [hbm:s0], s1  }
0xa9: {  	s0 =	simm.s32 @!p0 $0x2  }
0xaa: {  	_ =	swait.ge @!p0 [sflag:s0], s1  }
0xab: {  	s1 =	ssub.s32 @!p0 $0x0, s1;
	[sflag:s0] =	ssyncset.done @!p0 $0x0  }
0xac: {  	[sflag:s0] =	ssyncadd.s32 @!p0 s1  }
0xad: {  	[bflag:$0x3] =	sbarrier.arrive $0xFFFF  }
0xae: {  	_ =	shalt  }

</sc_bundles>
